<compile_context>
chip_gen: v7x
topology: tpu7x:2x2x1
jax: 0.10.2.dev20260603
libtpu: 0.0.44.dev20260713+nightly
codegen_flags: <defaults>
</compile_context>

<pallas_src>
import jax
import jax.numpy as jnp
from jax import lax
from jax.experimental import pallas as pl
from jax.experimental.pallas import tpu as pltpu
from jax.experimental.pallas import tpu_sc as plsc

B = 4096
APP_DIM = 32
L_INSTALL = 200
L_ECC = 50
NC = 2
NS = 16
NW = NC * NS
BPW = B // NW
NACC_I = 10
NACC_E = 10

PACK_W = 65536
PACK_GRID = 16
APP_SIZE_PAD = PACK_GRID * PACK_W


def _tc_pack_body(x_ref, o_ref):
    x = x_ref[...]
    for s in range(PACK_W // 512):
        y = jnp.concatenate(
            [x[:, 128 * (4 * s + a):128 * (4 * s + a) + 128] for a in range(4)],
            axis=0)
        o_ref[pl.ds(128 * s, 128), :] = jnp.transpose(y)


def _sc_body(inst_t_hbm, ecc_t_hbm, table_hbm, out_hbm,
             slab_i, slab_e, acc_i, acc_e, out_v, *sems):
    sems_i = sems[:NACC_I]
    sems_e = sems[NACC_I:]
    wid = lax.axis_index("s") * NC + lax.axis_index("c")
    base = wid * BPW

    pltpu.sync_copy(inst_t_hbm.at[:, pl.ds(base, BPW)], slab_i)
    pltpu.sync_copy(ecc_t_hbm.at[:, pl.ds(base, BPW)], slab_e)

    HB = BPW // 2

    def fire_i(j, k, add):
        for h in range(2):
            pltpu.async_copy(table_hbm.at[slab_i.at[j, pl.ds(h * HB, HB)]],
                             acc_i.at[k, pl.ds(h * HB, HB)], sems_i[k],
                             add=add)

    def wait_i(j, k):
        for h in range(2):
            pltpu.make_async_copy(table_hbm.at[slab_i.at[j, pl.ds(h * HB, HB)]],
                                  acc_i.at[k, pl.ds(h * HB, HB)],
                                  sems_i[k]).wait()

    for k in range(NACC_I):
        fire_i(k, k, False)

    def inst_group(g, carry):
        for k in range(NACC_I):
            j = g * NACC_I + k
            wait_i(j, k)
            fire_i(j, k, True)
        return carry

    lax.fori_loop(1, L_INSTALL // NACC_I, inst_group, 0)

    def fire_e(j, k, add):
        for h in range(2):
            pltpu.async_copy(table_hbm.at[slab_e.at[j, pl.ds(h * HB, HB)]],
                             acc_e.at[k, pl.ds(h * HB, HB)], sems_e[k],
                             add=add)

    def wait_e(j, k):
        for h in range(2):
            pltpu.make_async_copy(table_hbm.at[slab_e.at[j, pl.ds(h * HB, HB)]],
                                  acc_e.at[k, pl.ds(h * HB, HB)],
                                  sems_e[k]).wait()

    for k in range(NACC_E):
        fire_e(k, k, False)
    for k in range(NACC_I):
        wait_i(k, k)

    def ecc_group(g, carry):
        for k in range(NACC_E):
            j = g * NACC_E + k
            wait_e(j, k)
            fire_e(j, k, True)
        return carry

    lax.fori_loop(1, L_ECC // NACC_E, ecc_group, 0)

    def comb_i(i, carry):
        for c in range(2):
            s = acc_i[0, i, pl.ds(16 * c, 16)]
            for k in range(1, NACC_I):
                s = s + acc_i[k, i, pl.ds(16 * c, 16)]
            out_v[i, pl.ds(16 * c, 16)] = s * (1.0 / L_INSTALL)
        return carry

    lax.fori_loop(0, BPW, comb_i, 0)

    for k in range(NACC_E):
        wait_e(k, k)

    def comb_e(i, carry):
        for c in range(2):
            s = acc_e[0, i, pl.ds(16 * c, 16)]
            for k in range(1, NACC_E):
                s = s + acc_e[k, i, pl.ds(16 * c, 16)]
            out_v[i, pl.ds(32 + 16 * c, 16)] = s * (1.0 / L_ECC)
        return carry

    lax.fori_loop(0, BPW, comb_e, 0)
    pltpu.sync_copy(out_v, out_hbm.at[pl.ds(base, BPW)])


def _permute_rows(r):
    return (r & ~jnp.int32(511)) + ((r & 127) << 2) + ((r >> 7) & 3)


@jax.jit
def kernel(install, install_ecc, app_table):
    inst_t = _permute_rows(install.astype(jnp.int32).T)
    ecc_t = _permute_rows(install_ecc.astype(jnp.int32).T)

    packed = pl.pallas_call(
        _tc_pack_body,
        grid=(PACK_GRID,),
        in_specs=[pl.BlockSpec((APP_DIM, PACK_W), lambda j: (0, j))],
        out_specs=pl.BlockSpec((4 * PACK_W // 16, 128), lambda j: (j, 0)),
        out_shape=jax.ShapeDtypeStruct((PACK_GRID * PACK_W // 4, 128),
                                       jnp.float32),
    )(app_table.T)
    tbl = packed.reshape(APP_SIZE_PAD, APP_DIM)

    mesh = plsc.VectorSubcoreMesh(core_axis_name="c", subcore_axis_name="s")
    run = pl.kernel(
        _sc_body,
        mesh=mesh,
        out_type=jax.ShapeDtypeStruct((B, 2 * APP_DIM), jnp.float32),
        scratch_types=[
            pltpu.VMEM((L_INSTALL, BPW), jnp.int32),
            pltpu.VMEM((L_ECC, BPW), jnp.int32),
            pltpu.VMEM((NACC_I, BPW, APP_DIM), jnp.float32),
            pltpu.VMEM((NACC_E, BPW, APP_DIM), jnp.float32),
            pltpu.VMEM((BPW, 2 * APP_DIM), jnp.float32),
        ] + [pltpu.SemaphoreType.DMA] * (NACC_I + NACC_E),
        compiler_params=pltpu.CompilerParams(use_tc_tiling_on_sc=False),
    )
    return run(inst_t, ecc_t, tbl)

# --- scband reference (transcript-rebuilt; emitter-appended) ---
"""Pipeline reference for scband-install-app-encoder-89361089560713 (READ-ONLY COPY).

The authoritative reference and input builder live on the scoring server;
editing this copy changes nothing except your own understanding.
"""

import jax, jax.numpy as jnp
import numpy as np

APP_SIZE = 1000000
APP_DIM = 32
B = 4096
L_INSTALL = 200
L_ECC = 50


def setup_inputs(seed: int = 0) -> dict:
    key = jax.random.key(seed)
    k1, k2, k3 = jax.random.split(key, 3)
    install = jax.random.randint(k1, (B, L_INSTALL), 0, APP_SIZE, dtype=jnp.int64 if jax.config.jax_enable_x64 else jnp.int32)
    install_ecc = jax.random.randint(k2, (B, L_ECC), 0, APP_SIZE, dtype=jnp.int64 if jax.config.jax_enable_x64 else jnp.int32)
    # Keras Embedding default initializer is uniform(-0.05, 0.05)
    app_table = jax.random.uniform(k3, (APP_SIZE, APP_DIM), dtype=jnp.float32, minval=-0.05, maxval=0.05)
    return {"install": install, "install_ecc": install_ecc, "app_table": app_table}


def reference(install, install_ecc, app_table):
    # Shared embedding lookup (gather)
    install_app_emb = jnp.take(app_table, install, axis=0)          # [B, L_INSTALL, D]
    install_ecc_app_emb = jnp.take(app_table, install_ecc, axis=0)  # [B, L_ECC, D]
    # GlobalAveragePooling1D: mean over the sequence (steps) axis
    poolinged_app = jnp.mean(install_app_emb, axis=1)               # [B, D]
    poolinged_ecc_app = jnp.mean(install_ecc_app_emb, axis=1)       # [B, D]
    # Concatenate on last axis
    app_dense = jnp.concatenate([poolinged_app, poolinged_ecc_app], axis=-1)  # [B, 2D]
    return app_dense

if __name__ == "__main__":
    import jax
    _d = setup_inputs()
    print(jax.jit(kernel)(*tuple(_d.values())))

</pallas_src>

<mosaic_0001>
#map = affine_map<(d0, d1) -> (0, 0)>
module attributes {stable_mosaic.version = 14 : i64} {
  func.func @_sc_body(%arg0: i32, %arg1: i32, %arg2: memref<200x4096xi32, #tpu.memory_space<hbm>>, %arg3: memref<50x4096xi32, #tpu.memory_space<hbm>>, %arg4: memref<1048576x32xf32, #tpu.memory_space<hbm>>, %arg5: memref<4096x64xf32, #tpu.memory_space<hbm>>, %arg6: memref<200x128xi32, #tpu.memory_space<vmem>>, %arg7: memref<50x128xi32, #tpu.memory_space<vmem>>, %arg8: memref<10x128x32xf32, #tpu.memory_space<vmem>>, %arg9: memref<10x128x32xf32, #tpu.memory_space<vmem>>, %arg10: memref<128x64xf32, #tpu.memory_space<vmem>>, %arg11: memref<!tpu.dma_semaphore, #tpu.memory_space<semaphore_mem>>, %arg12: memref<!tpu.dma_semaphore, #tpu.memory_space<semaphore_mem>>, %arg13: memref<!tpu.dma_semaphore, #tpu.memory_space<semaphore_mem>>, %arg14: memref<!tpu.dma_semaphore, #tpu.memory_space<semaphore_mem>>, %arg15: memref<!tpu.dma_semaphore, #tpu.memory_space<semaphore_mem>>, %arg16: memref<!tpu.dma_semaphore, #tpu.memory_space<semaphore_mem>>, %arg17: memref<!tpu.dma_semaphore, #tpu.memory_space<semaphore_mem>>, %arg18: memref<!tpu.dma_semaphore, #tpu.memory_space<semaphore_mem>>, %arg19: memref<!tpu.dma_semaphore, #tpu.memory_space<semaphore_mem>>, %arg20: memref<!tpu.dma_semaphore, #tpu.memory_space<semaphore_mem>>, %arg21: memref<!tpu.dma_semaphore, #tpu.memory_space<semaphore_mem>>, %arg22: memref<!tpu.dma_semaphore, #tpu.memory_space<semaphore_mem>>, %arg23: memref<!tpu.dma_semaphore, #tpu.memory_space<semaphore_mem>>, %arg24: memref<!tpu.dma_semaphore, #tpu.memory_space<semaphore_mem>>, %arg25: memref<!tpu.dma_semaphore, #tpu.memory_space<semaphore_mem>>, %arg26: memref<!tpu.dma_semaphore, #tpu.memory_space<semaphore_mem>>, %arg27: memref<!tpu.dma_semaphore, #tpu.memory_space<semaphore_mem>>, %arg28: memref<!tpu.dma_semaphore, #tpu.memory_space<semaphore_mem>>, %arg29: memref<!tpu.dma_semaphore, #tpu.memory_space<semaphore_mem>>, %arg30: memref<!tpu.dma_semaphore, #tpu.memory_space<semaphore_mem>>) attributes {dimension_semantics = [#tpu.dimension_semantics<core_parallel>, #tpu.dimension_semantics<subcore_parallel>], iteration_bounds = array<i64: 2, 16>, scalar_prefetch = 0 : i64, scratch_operands = 25 : i64, tpu.core_type = #tpu.core_type<sc_vector_subcore>, window_params = [{transform_indices = #map}, {transform_indices = #map}, {transform_indices = #map}, {transform_indices = #map}]} {
    %mul3A = arith.constant 2 : i32
    %mul3A_0 = arith.muli %arg1, %mul3A : i32
    %add3A = arith.addi %mul3A_0, %arg0 : i32
    %mul3A_1 = arith.constant 128 : i32
    %mul3A_2 = arith.muli %add3A, %mul3A_1 : i32
    "tpu.region"() ({
      %run_scoped3A = tpu.sem_alloc : memref<!tpu.dma_semaphore, #tpu.memory_space<semaphore_mem>>
      %dma_start3A_984 = arith.constant 0 : i32
      %dma_start3A_985 = tpu.memref_slice %arg2[%dma_start3A_984, %mul3A_2] : memref<200x4096xi32, #tpu.memory_space<hbm>> -> memref<200x128xi32, #tpu.memory_space<hbm>>
      %dma_start3A_986 = arith.constant 0 : i32
      %dma_start3A_987 = tpu.memref_slice %arg2[%dma_start3A_986, %mul3A_2] : memref<200x4096xi32, #tpu.memory_space<hbm>> -> memref<200x128xi32, #tpu.memory_space<hbm>>
      tpu.enqueue_dma source(%dma_start3A_987 : memref<200x128xi32, #tpu.memory_space<hbm>>) target(%arg6 : memref<200x128xi32, #tpu.memory_space<vmem>>) target_semaphore(%run_scoped3A : memref<!tpu.dma_semaphore, #tpu.memory_space<semaphore_mem>>)
      %dma_wait3A_988 = arith.constant 0 : i32
      %dma_wait3A_989 = tpu.memref_slice %arg2[%dma_wait3A_988, %mul3A_2] : memref<200x4096xi32, #tpu.memory_space<hbm>> -> memref<200x128xi32, #tpu.memory_space<hbm>>
      %dma_wait3A_990 = arith.constant 0 : i32
      %dma_wait3A_991 = tpu.memref_slice %arg2[%dma_wait3A_990, %mul3A_2] : memref<200x4096xi32, #tpu.memory_space<hbm>> -> memref<200x128xi32, #tpu.memory_space<hbm>>
      tpu.wait_dma2 semaphore(%run_scoped3A : memref<!tpu.dma_semaphore, #tpu.memory_space<semaphore_mem>>) src(%dma_wait3A_991 : memref<200x128xi32, #tpu.memory_space<hbm>>) dst(%arg6 : memref<200x128xi32, #tpu.memory_space<vmem>>)
      tpu.yield
    }) : () -> ()
    "tpu.region"() ({
      %run_scoped3A = tpu.sem_alloc : memref<!tpu.dma_semaphore, #tpu.memory_space<semaphore_mem>>
      %dma_start3A_984 = arith.constant 0 : i32
      %dma_start3A_985 = tpu.memref_slice %arg3[%dma_start3A_984, %mul3A_2] : memref<50x4096xi32, #tpu.memory_space<hbm>> -> memref<50x128xi32, #tpu.memory_space<hbm>>
      %dma_start3A_986 = arith.constant 0 : i32
      %dma_start3A_987 = tpu.memref_slice %arg3[%dma_start3A_986, %mul3A_2] : memref<50x4096xi32, #tpu.memory_space<hbm>> -> memref<50x128xi32, #tpu.memory_space<hbm>>
      tpu.enqueue_dma source(%dma_start3A_987 : memref<50x128xi32, #tpu.memory_space<hbm>>) target(%arg7 : memref<50x128xi32, #tpu.memory_space<vmem>>) target_semaphore(%run_scoped3A : memref<!tpu.dma_semaphore, #tpu.memory_space<semaphore_mem>>)
      %dma_wait3A_988 = arith.constant 0 : i32
      %dma_wait3A_989 = tpu.memref_slice %arg3[%dma_wait3A_988, %mul3A_2] : memref<50x4096xi32, #tpu.memory_space<hbm>> -> memref<50x128xi32, #tpu.memory_space<hbm>>
      %dma_wait3A_990 = arith.constant 0 : i32
      %dma_wait3A_991 = tpu.memref_slice %arg3[%dma_wait3A_990, %mul3A_2] : memref<50x4096xi32, #tpu.memory_space<hbm>> -> memref<50x128xi32, #tpu.memory_space<hbm>>
      tpu.wait_dma2 semaphore(%run_scoped3A : memref<!tpu.dma_semaphore, #tpu.memory_space<semaphore_mem>>) src(%dma_wait3A_991 : memref<50x128xi32, #tpu.memory_space<hbm>>) dst(%arg7 : memref<50x128xi32, #tpu.memory_space<vmem>>)
      tpu.yield
    }) : () -> ()
    %dma_start3A = arith.constant 0 : i32
    %dma_start3A_3 = arith.constant 0 : i32
    %dma_start3A_4 = arith.constant 0 : i32
    %dma_start3A_5 = arith.constant 0 : i32
    %dma_start3A_6 = tpu.memref_slice %arg8[%dma_start3A_3, %dma_start3A_4, %dma_start3A_5] : memref<10x128x32xf32, #tpu.memory_space<vmem>> -> memref<1x64x32xf32, #tpu.memory_space<vmem>>
    %dma_start3A_7 = tpu.memref_squeeze %dma_start3A_6 : memref<1x64x32xf32, #tpu.memory_space<vmem>> -> memref<64x32xf32, #tpu.memory_space<vmem>>
    %dma_start3A_8 = arith.constant 0 : i32
    %dma_start3A_9 = tpu.memref_slice %arg6[%dma_start3A, %dma_start3A_8] : memref<200x128xi32, #tpu.memory_space<vmem>> -> memref<1x64xi32, #tpu.memory_space<vmem>>
    %dma_start3A_10 = tpu.memref_squeeze %dma_start3A_9 : memref<1x64xi32, #tpu.memory_space<vmem>> -> memref<64xi32, #tpu.memory_space<vmem>>
    %dma_start3A_11 = arith.constant 0 : i32
    %dma_start3A_12 = arith.constant 0 : i32
    %dma_start3A_13 = tpu.memref_slice %arg4[%dma_start3A_11, %dma_start3A_12] : memref<1048576x32xf32, #tpu.memory_space<hbm>> -> memref<1048576x32xf32, #tpu.memory_space<hbm>>
    tpu.enqueue_indirect_dma source(%dma_start3A_13 : memref<1048576x32xf32, #tpu.memory_space<hbm>>) target(%dma_start3A_7 : memref<64x32xf32, #tpu.memory_space<vmem>>) offsets(%dma_start3A_10 : memref<64xi32, #tpu.memory_space<vmem>>) semaphore(%arg11 : memref<!tpu.dma_semaphore, #tpu.memory_space<semaphore_mem>>)
    %dma_start3A_14 = arith.constant 0 : i32
    %dma_start3A_15 = arith.constant 0 : i32
    %dma_start3A_16 = arith.constant 64 : i32
    %dma_start3A_17 = arith.constant 0 : i32
    %dma_start3A_18 = tpu.memref_slice %arg8[%dma_start3A_15, %dma_start3A_16, %dma_start3A_17] : memref<10x128x32xf32, #tpu.memory_space<vmem>> -> memref<1x64x32xf32, #tpu.memory_space<vmem>>
    %dma_start3A_19 = tpu.memref_squeeze %dma_start3A_18 : memref<1x64x32xf32, #tpu.memory_space<vmem>> -> memref<64x32xf32, #tpu.memory_space<vmem>>
    %dma_start3A_20 = arith.constant 64 : i32
    %dma_start3A_21 = tpu.memref_slice %arg6[%dma_start3A_14, %dma_start3A_20] : memref<200x128xi32, #tpu.memory_space<vmem>> -> memref<1x64xi32, #tpu.memory_space<vmem>>
    %dma_start3A_22 = tpu.memref_squeeze %dma_start3A_21 : memref<1x64xi32, #tpu.memory_space<vmem>> -> memref<64xi32, #tpu.memory_space<vmem>>
    %dma_start3A_23 = arith.constant 0 : i32
    %dma_start3A_24 = arith.constant 0 : i32
    %dma_start3A_25 = tpu.memref_slice %arg4[%dma_start3A_23, %dma_start3A_24] : memref<1048576x32xf32, #tpu.memory_space<hbm>> -> memref<1048576x32xf32, #tpu.memory_space<hbm>>
    tpu.enqueue_indirect_dma source(%dma_start3A_25 : memref<1048576x32xf32, #tpu.memory_space<hbm>>) target(%dma_start3A_19 : memref<64x32xf32, #tpu.memory_space<vmem>>) offsets(%dma_start3A_22 : memref<64xi32, #tpu.memory_space<vmem>>) semaphore(%arg11 : memref<!tpu.dma_semaphore, #tpu.memory_space<semaphore_mem>>)
    %dma_start3A_26 = arith.constant 1 : i32
    %dma_start3A_27 = arith.constant 1 : i32
    %dma_start3A_28 = arith.constant 0 : i32
    %dma_start3A_29 = arith.constant 0 : i32
    %dma_start3A_30 = tpu.memref_slice %arg8[%dma_start3A_27, %dma_start3A_28, %dma_start3A_29] : memref<10x128x32xf32, #tpu.memory_space<vmem>> -> memref<1x64x32xf32, #tpu.memory_space<vmem>>
    %dma_start3A_31 = tpu.memref_squeeze %dma_start3A_30 : memref<1x64x32xf32, #tpu.memory_space<vmem>> -> memref<64x32xf32, #tpu.memory_space<vmem>>
    %dma_start3A_32 = arith.constant 0 : i32
    %dma_start3A_33 = tpu.memref_slice %arg6[%dma_start3A_26, %dma_start3A_32] : memref<200x128xi32, #tpu.memory_space<vmem>> -> memref<1x64xi32, #tpu.memory_space<vmem>>
    %dma_start3A_34 = tpu.memref_squeeze %dma_start3A_33 : memref<1x64xi32, #tpu.memory_space<vmem>> -> memref<64xi32, #tpu.memory_space<vmem>>
    %dma_start3A_35 = arith.constant 0 : i32
    %dma_start3A_36 = arith.constant 0 : i32
    %dma_start3A_37 = tpu.memref_slice %arg4[%dma_start3A_35, %dma_start3A_36] : memref<1048576x32xf32, #tpu.memory_space<hbm>> -> memref<1048576x32xf32, #tpu.memory_space<hbm>>
    tpu.enqueue_indirect_dma source(%dma_start3A_37 : memref<1048576x32xf32, #tpu.memory_space<hbm>>) target(%dma_start3A_31 : memref<64x32xf32, #tpu.memory_space<vmem>>) offsets(%dma_start3A_34 : memref<64xi32, #tpu.memory_space<vmem>>) semaphore(%arg12 : memref<!tpu.dma_semaphore, #tpu.memory_space<semaphore_mem>>)
    %dma_start3A_38 = arith.constant 1 : i32
    %dma_start3A_39 = arith.constant 1 : i32
    %dma_start3A_40 = arith.constant 64 : i32
    %dma_start3A_41 = arith.constant 0 : i32
    %dma_start3A_42 = tpu.memref_slice %arg8[%dma_start3A_39, %dma_start3A_40, %dma_start3A_41] : memref<10x128x32xf32, #tpu.memory_space<vmem>> -> memref<1x64x32xf32, #tpu.memory_space<vmem>>
    %dma_start3A_43 = tpu.memref_squeeze %dma_start3A_42 : memref<1x64x32xf32, #tpu.memory_space<vmem>> -> memref<64x32xf32, #tpu.memory_space<vmem>>
    %dma_start3A_44 = arith.constant 64 : i32
    %dma_start3A_45 = tpu.memref_slice %arg6[%dma_start3A_38, %dma_start3A_44] : memref<200x128xi32, #tpu.memory_space<vmem>> -> memref<1x64xi32, #tpu.memory_space<vmem>>
    %dma_start3A_46 = tpu.memref_squeeze %dma_start3A_45 : memref<1x64xi32, #tpu.memory_space<vmem>> -> memref<64xi32, #tpu.memory_space<vmem>>
    %dma_start3A_47 = arith.constant 0 : i32
    %dma_start3A_48 = arith.constant 0 : i32
    %dma_start3A_49 = tpu.memref_slice %arg4[%dma_start3A_47, %dma_start3A_48] : memref<1048576x32xf32, #tpu.memory_space<hbm>> -> memref<1048576x32xf32, #tpu.memory_space<hbm>>
    tpu.enqueue_indirect_dma source(%dma_start3A_49 : memref<1048576x32xf32, #tpu.memory_space<hbm>>) target(%dma_start3A_43 : memref<64x32xf32, #tpu.memory_space<vmem>>) offsets(%dma_start3A_46 : memref<64xi32, #tpu.memory_space<vmem>>) semaphore(%arg12 : memref<!tpu.dma_semaphore, #tpu.memory_space<semaphore_mem>>)
    %dma_start3A_50 = arith.constant 2 : i32
    %dma_start3A_51 = arith.constant 2 : i32
    %dma_start3A_52 = arith.constant 0 : i32
    %dma_start3A_53 = arith.constant 0 : i32
    %dma_start3A_54 = tpu.memref_slice %arg8[%dma_start3A_51, %dma_start3A_52, %dma_start3A_53] : memref<10x128x32xf32, #tpu.memory_space<vmem>> -> memref<1x64x32xf32, #tpu.memory_space<vmem>>
    %dma_start3A_55 = tpu.memref_squeeze %dma_start3A_54 : memref<1x64x32xf32, #tpu.memory_space<vmem>> -> memref<64x32xf32, #tpu.memory_space<vmem>>
    %dma_start3A_56 = arith.constant 0 : i32
    %dma_start3A_57 = tpu.memref_slice %arg6[%dma_start3A_50, %dma_start3A_56] : memref<200x128xi32, #tpu.memory_space<vmem>> -> memref<1x64xi32, #tpu.memory_space<vmem>>
    %dma_start3A_58 = tpu.memref_squeeze %dma_start3A_57 : memref<1x64xi32, #tpu.memory_space<vmem>> -> memref<64xi32, #tpu.memory_space<vmem>>
    %dma_start3A_59 = arith.constant 0 : i32
    %dma_start3A_60 = arith.constant 0 : i32
    %dma_start3A_61 = tpu.memref_slice %arg4[%dma_start3A_59, %dma_start3A_60] : memref<1048576x32xf32, #tpu.memory_space<hbm>> -> memref<1048576x32xf32, #tpu.memory_space<hbm>>
    tpu.enqueue_indirect_dma source(%dma_start3A_61 : memref<1048576x32xf32, #tpu.memory_space<hbm>>) target(%dma_start3A_55 : memref<64x32xf32, #tpu.memory_space<vmem>>) offsets(%dma_start3A_58 : memref<64xi32, #tpu.memory_space<vmem>>) semaphore(%arg13 : memref<!tpu.dma_semaphore, #tpu.memory_space<semaphore_mem>>)
    %dma_start3A_62 = arith.constant 2 : i32
    %dma_start3A_63 = arith.constant 2 : i32
    %dma_start3A_64 = arith.constant 64 : i32
    %dma_start3A_65 = arith.constant 0 : i32
    %dma_start3A_66 = tpu.memref_slice %arg8[%dma_start3A_63, %dma_start3A_64, %dma_start3A_65] : memref<10x128x32xf32, #tpu.memory_space<vmem>> -> memref<1x64x32xf32, #tpu.memory_space<vmem>>
    %dma_start3A_67 = tpu.memref_squeeze %dma_start3A_66 : memref<1x64x32xf32, #tpu.memory_space<vmem>> -> memref<64x32xf32, #tpu.memory_space<vmem>>
    %dma_start3A_68 = arith.constant 64 : i32
    %dma_start3A_69 = tpu.memref_slice %arg6[%dma_start3A_62, %dma_start3A_68] : memref<200x128xi32, #tpu.memory_space<vmem>> -> memref<1x64xi32, #tpu.memory_space<vmem>>
    %dma_start3A_70 = tpu.memref_squeeze %dma_start3A_69 : memref<1x64xi32, #tpu.memory_space<vmem>> -> memref<64xi32, #tpu.memory_space<vmem>>
    %dma_start3A_71 = arith.constant 0 : i32
    %dma_start3A_72 = arith.constant 0 : i32
    %dma_start3A_73 = tpu.memref_slice %arg4[%dma_start3A_71, %dma_start3A_72] : memref<1048576x32xf32, #tpu.memory_space<hbm>> -> memref<1048576x32xf32, #tpu.memory_space<hbm>>
    tpu.enqueue_indirect_dma source(%dma_start3A_73 : memref<1048576x32xf32, #tpu.memory_space<hbm>>) target(%dma_start3A_67 : memref<64x32xf32, #tpu.memory_space<vmem>>) offsets(%dma_start3A_70 : memref<64xi32, #tpu.memory_space<vmem>>) semaphore(%arg13 : memref<!tpu.dma_semaphore, #tpu.memory_space<semaphore_mem>>)
    %dma_start3A_74 = arith.constant 3 : i32
    %dma_start3A_75 = arith.constant 3 : i32
    %dma_start3A_76 = arith.constant 0 : i32
    %dma_start3A_77 = arith.constant 0 : i32
    %dma_start3A_78 = tpu.memref_slice %arg8[%dma_start3A_75, %dma_start3A_76, %dma_start3A_77] : memref<10x128x32xf32, #tpu.memory_space<vmem>> -> memref<1x64x32xf32, #tpu.memory_space<vmem>>
    %dma_start3A_79 = tpu.memref_squeeze %dma_start3A_78 : memref<1x64x32xf32, #tpu.memory_space<vmem>> -> memref<64x32xf32, #tpu.memory_space<vmem>>
    %dma_start3A_80 = arith.constant 0 : i32
    %dma_start3A_81 = tpu.memref_slice %arg6[%dma_start3A_74, %dma_start3A_80] : memref<200x128xi32, #tpu.memory_space<vmem>> -> memref<1x64xi32, #tpu.memory_space<vmem>>
    %dma_start3A_82 = tpu.memref_squeeze %dma_start3A_81 : memref<1x64xi32, #tpu.memory_space<vmem>> -> memref<64xi32, #tpu.memory_space<vmem>>
    %dma_start3A_83 = arith.constant 0 : i32
    %dma_start3A_84 = arith.constant 0 : i32
    %dma_start3A_85 = tpu.memref_slice %arg4[%dma_start3A_83, %dma_start3A_84] : memref<1048576x32xf32, #tpu.memory_space<hbm>> -> memref<1048576x32xf32, #tpu.memory_space<hbm>>
    tpu.enqueue_indirect_dma source(%dma_start3A_85 : memref<1048576x32xf32, #tpu.memory_space<hbm>>) target(%dma_start3A_79 : memref<64x32xf32, #tpu.memory_space<vmem>>) offsets(%dma_start3A_82 : memref<64xi32, #tpu.memory_space<vmem>>) semaphore(%arg14 : memref<!tpu.dma_semaphore, #tpu.memory_space<semaphore_mem>>)
    %dma_start3A_86 = arith.constant 3 : i32
    %dma_start3A_87 = arith.constant 3 : i32
    %dma_start3A_88 = arith.constant 64 : i32
    %dma_start3A_89 = arith.constant 0 : i32
    %dma_start3A_90 = tpu.memref_slice %arg8[%dma_start3A_87, %dma_start3A_88, %dma_start3A_89] : memref<10x128x32xf32, #tpu.memory_space<vmem>> -> memref<1x64x32xf32, #tpu.memory_space<vmem>>
    %dma_start3A_91 = tpu.memref_squeeze %dma_start3A_90 : memref<1x64x32xf32, #tpu.memory_space<vmem>> -> memref<64x32xf32, #tpu.memory_space<vmem>>
    %dma_start3A_92 = arith.constant 64 : i32
    %dma_start3A_93 = tpu.memref_slice %arg6[%dma_start3A_86, %dma_start3A_92] : memref<200x128xi32, #tpu.memory_space<vmem>> -> memref<1x64xi32, #tpu.memory_space<vmem>>
    %dma_start3A_94 = tpu.memref_squeeze %dma_start3A_93 : memref<1x64xi32, #tpu.memory_space<vmem>> -> memref<64xi32, #tpu.memory_space<vmem>>
    %dma_start3A_95 = arith.constant 0 : i32
    %dma_start3A_96 = arith.constant 0 : i32
    %dma_start3A_97 = tpu.memref_slice %arg4[%dma_start3A_95, %dma_start3A_96] : memref<1048576x32xf32, #tpu.memory_space<hbm>> -> memref<1048576x32xf32, #tpu.memory_space<hbm>>
    tpu.enqueue_indirect_dma source(%dma_start3A_97 : memref<1048576x32xf32, #tpu.memory_space<hbm>>) target(%dma_start3A_91 : memref<64x32xf32, #tpu.memory_space<vmem>>) offsets(%dma_start3A_94 : memref<64xi32, #tpu.memory_space<vmem>>) semaphore(%arg14 : memref<!tpu.dma_semaphore, #tpu.memory_space<semaphore_mem>>)
    %dma_start3A_98 = arith.constant 4 : i32
    %dma_start3A_99 = arith.constant 4 : i32
    %dma_start3A_100 = arith.constant 0 : i32
    %dma_start3A_101 = arith.constant 0 : i32
    %dma_start3A_102 = tpu.memref_slice %arg8[%dma_start3A_99, %dma_start3A_100, %dma_start3A_101] : memref<10x128x32xf32, #tpu.memory_space<vmem>> -> memref<1x64x32xf32, #tpu.memory_space<vmem>>
    %dma_start3A_103 = tpu.memref_squeeze %dma_start3A_102 : memref<1x64x32xf32, #tpu.memory_space<vmem>> -> memref<64x32xf32, #tpu.memory_space<vmem>>
    %dma_start3A_104 = arith.constant 0 : i32
    %dma_start3A_105 = tpu.memref_slice %arg6[%dma_start3A_98, %dma_start3A_104] : memref<200x128xi32, #tpu.memory_space<vmem>> -> memref<1x64xi32, #tpu.memory_space<vmem>>
    %dma_start3A_106 = tpu.memref_squeeze %dma_start3A_105 : memref<1x64xi32, #tpu.memory_space<vmem>> -> memref<64xi32, #tpu.memory_space<vmem>>
    %dma_start3A_107 = arith.constant 0 : i32
    %dma_start3A_108 = arith.constant 0 : i32
    %dma_start3A_109 = tpu.memref_slice %arg4[%dma_start3A_107, %dma_start3A_108] : memref<1048576x32xf32, #tpu.memory_space<hbm>> -> memref<1048576x32xf32, #tpu.memory_space<hbm>>
    tpu.enqueue_indirect_dma source(%dma_start3A_109 : memref<1048576x32xf32, #tpu.memory_space<hbm>>) target(%dma_start3A_103 : memref<64x32xf32, #tpu.memory_space<vmem>>) offsets(%dma_start3A_106 : memref<64xi32, #tpu.memory_space<vmem>>) semaphore(%arg15 : memref<!tpu.dma_semaphore, #tpu.memory_space<semaphore_mem>>)
    %dma_start3A_110 = arith.constant 4 : i32
    %dma_start3A_111 = arith.constant 4 : i32
    %dma_start3A_112 = arith.constant 64 : i32
    %dma_start3A_113 = arith.constant 0 : i32
    %dma_start3A_114 = tpu.memref_slice %arg8[%dma_start3A_111, %dma_start3A_112, %dma_start3A_113] : memref<10x128x32xf32, #tpu.memory_space<vmem>> -> memref<1x64x32xf32, #tpu.memory_space<vmem>>
    %dma_start3A_115 = tpu.memref_squeeze %dma_start3A_114 : memref<1x64x32xf32, #tpu.memory_space<vmem>> -> memref<64x32xf32, #tpu.memory_space<vmem>>
    %dma_start3A_116 = arith.constant 64 : i32
    %dma_start3A_117 = tpu.memref_slice %arg6[%dma_start3A_110, %dma_start3A_116] : memref<200x128xi32, #tpu.memory_space<vmem>> -> memref<1x64xi32, #tpu.memory_space<vmem>>
    %dma_start3A_118 = tpu.memref_squeeze %dma_start3A_117 : memref<1x64xi32, #tpu.memory_space<vmem>> -> memref<64xi32, #tpu.memory_space<vmem>>
    %dma_start3A_119 = arith.constant 0 : i32
    %dma_start3A_120 = arith.constant 0 : i32
    %dma_start3A_121 = tpu.memref_slice %arg4[%dma_start3A_119, %dma_start3A_120] : memref<1048576x32xf32, #tpu.memory_space<hbm>> -> memref<1048576x32xf32, #tpu.memory_space<hbm>>
    tpu.enqueue_indirect_dma source(%dma_start3A_121 : memref<1048576x32xf32, #tpu.memory_space<hbm>>) target(%dma_start3A_115 : memref<64x32xf32, #tpu.memory_space<vmem>>) offsets(%dma_start3A_118 : memref<64xi32, #tpu.memory_space<vmem>>) semaphore(%arg15 : memref<!tpu.dma_semaphore, #tpu.memory_space<semaphore_mem>>)
    %dma_start3A_122 = arith.constant 5 : i32
    %dma_start3A_123 = arith.constant 5 : i32
    %dma_start3A_124 = arith.constant 0 : i32
    %dma_start3A_125 = arith.constant 0 : i32
    %dma_start3A_126 = tpu.memref_slice %arg8[%dma_start3A_123, %dma_start3A_124, %dma_start3A_125] : memref<10x128x32xf32, #tpu.memory_space<vmem>> -> memref<1x64x32xf32, #tpu.memory_space<vmem>>
    %dma_start3A_127 = tpu.memref_squeeze %dma_start3A_126 : memref<1x64x32xf32, #tpu.memory_space<vmem>> -> memref<64x32xf32, #tpu.memory_space<vmem>>
    %dma_start3A_128 = arith.constant 0 : i32
    %dma_start3A_129 = tpu.memref_slice %arg6[%dma_start3A_122, %dma_start3A_128] : memref<200x128xi32, #tpu.memory_space<vmem>> -> memref<1x64xi32, #tpu.memory_space<vmem>>
    %dma_start3A_130 = tpu.memref_squeeze %dma_start3A_129 : memref<1x64xi32, #tpu.memory_space<vmem>> -> memref<64xi32, #tpu.memory_space<vmem>>
    %dma_start3A_131 = arith.constant 0 : i32
    %dma_start3A_132 = arith.constant 0 : i32
    %dma_start3A_133 = tpu.memref_slice %arg4[%dma_start3A_131, %dma_start3A_132] : memref<1048576x32xf32, #tpu.memory_space<hbm>> -> memref<1048576x32xf32, #tpu.memory_space<hbm>>
    tpu.enqueue_indirect_dma source(%dma_start3A_133 : memref<1048576x32xf32, #tpu.memory_space<hbm>>) target(%dma_start3A_127 : memref<64x32xf32, #tpu.memory_space<vmem>>) offsets(%dma_start3A_130 : memref<64xi32, #tpu.memory_space<vmem>>) semaphore(%arg16 : memref<!tpu.dma_semaphore, #tpu.memory_space<semaphore_mem>>)
    %dma_start3A_134 = arith.constant 5 : i32
    %dma_start3A_135 = arith.constant 5 : i32
    %dma_start3A_136 = arith.constant 64 : i32
    %dma_start3A_137 = arith.constant 0 : i32
    %dma_start3A_138 = tpu.memref_slice %arg8[%dma_start3A_135, %dma_start3A_136, %dma_start3A_137] : memref<10x128x32xf32, #tpu.memory_space<vmem>> -> memref<1x64x32xf32, #tpu.memory_space<vmem>>
    %dma_start3A_139 = tpu.memref_squeeze %dma_start3A_138 : memref<1x64x32xf32, #tpu.memory_space<vmem>> -> memref<64x32xf32, #tpu.memory_space<vmem>>
    %dma_start3A_140 = arith.constant 64 : i32
    %dma_start3A_141 = tpu.memref_slice %arg6[%dma_start3A_134, %dma_start3A_140] : memref<200x128xi32, #tpu.memory_space<vmem>> -> memref<1x64xi32, #tpu.memory_space<vmem>>
    %dma_start3A_142 = tpu.memref_squeeze %dma_start3A_141 : memref<1x64xi32, #tpu.memory_space<vmem>> -> memref<64xi32, #tpu.memory_space<vmem>>
    %dma_start3A_143 = arith.constant 0 : i32
    %dma_start3A_144 = arith.constant 0 : i32
    %dma_start3A_145 = tpu.memref_slice %arg4[%dma_start3A_143, %dma_start3A_144] : memref<1048576x32xf32, #tpu.memory_space<hbm>> -> memref<1048576x32xf32, #tpu.memory_space<hbm>>
    tpu.enqueue_indirect_dma source(%dma_start3A_145 : memref<1048576x32xf32, #tpu.memory_space<hbm>>) target(%dma_start3A_139 : memref<64x32xf32, #tpu.memory_space<vmem>>) offsets(%dma_start3A_142 : memref<64xi32, #tpu.memory_space<vmem>>) semaphore(%arg16 : memref<!tpu.dma_semaphore, #tpu.memory_space<semaphore_mem>>)
    %dma_start3A_146 = arith.constant 6 : i32
    %dma_start3A_147 = arith.constant 6 : i32
    %dma_start3A_148 = arith.constant 0 : i32
    %dma_start3A_149 = arith.constant 0 : i32
    %dma_start3A_150 = tpu.memref_slice %arg8[%dma_start3A_147, %dma_start3A_148, %dma_start3A_149] : memref<10x128x32xf32, #tpu.memory_space<vmem>> -> memref<1x64x32xf32, #tpu.memory_space<vmem>>
    %dma_start3A_151 = tpu.memref_squeeze %dma_start3A_150 : memref<1x64x32xf32, #tpu.memory_space<vmem>> -> memref<64x32xf32, #tpu.memory_space<vmem>>
    %dma_start3A_152 = arith.constant 0 : i32
    %dma_start3A_153 = tpu.memref_slice %arg6[%dma_start3A_146, %dma_start3A_152] : memref<200x128xi32, #tpu.memory_space<vmem>> -> memref<1x64xi32, #tpu.memory_space<vmem>>
    %dma_start3A_154 = tpu.memref_squeeze %dma_start3A_153 : memref<1x64xi32, #tpu.memory_space<vmem>> -> memref<64xi32, #tpu.memory_space<vmem>>
    %dma_start3A_155 = arith.constant 0 : i32
    %dma_start3A_156 = arith.constant 0 : i32
    %dma_start3A_157 = tpu.memref_slice %arg4[%dma_start3A_155, %dma_start3A_156] : memref<1048576x32xf32, #tpu.memory_space<hbm>> -> memref<1048576x32xf32, #tpu.memory_space<hbm>>
    tpu.enqueue_indirect_dma source(%dma_start3A_157 : memref<1048576x32xf32, #tpu.memory_space<hbm>>) target(%dma_start3A_151 : memref<64x32xf32, #tpu.memory_space<vmem>>) offsets(%dma_start3A_154 : memref<64xi32, #tpu.memory_space<vmem>>) semaphore(%arg17 : memref<!tpu.dma_semaphore, #tpu.memory_space<semaphore_mem>>)
    %dma_start3A_158 = arith.constant 6 : i32
    %dma_start3A_159 = arith.constant 6 : i32
    %dma_start3A_160 = arith.constant 64 : i32
    %dma_start3A_161 = arith.constant 0 : i32
    %dma_start3A_162 = tpu.memref_slice %arg8[%dma_start3A_159, %dma_start3A_160, %dma_start3A_161] : memref<10x128x32xf32, #tpu.memory_space<vmem>> -> memref<1x64x32xf32, #tpu.memory_space<vmem>>
    %dma_start3A_163 = tpu.memref_squeeze %dma_start3A_162 : memref<1x64x32xf32, #tpu.memory_space<vmem>> -> memref<64x32xf32, #tpu.memory_space<vmem>>
    %dma_start3A_164 = arith.constant 64 : i32
    %dma_start3A_165 = tpu.memref_slice %arg6[%dma_start3A_158, %dma_start3A_164] : memref<200x128xi32, #tpu.memory_space<vmem>> -> memref<1x64xi32, #tpu.memory_space<vmem>>
    %dma_start3A_166 = tpu.memref_squeeze %dma_start3A_165 : memref<1x64xi32, #tpu.memory_space<vmem>> -> memref<64xi32, #tpu.memory_space<vmem>>
    %dma_start3A_167 = arith.constant 0 : i32
    %dma_start3A_168 = arith.constant 0 : i32
    %dma_start3A_169 = tpu.memref_slice %arg4[%dma_start3A_167, %dma_start3A_168] : memref<1048576x32xf32, #tpu.memory_space<hbm>> -> memref<1048576x32xf32, #tpu.memory_space<hbm>>
    tpu.enqueue_indirect_dma source(%dma_start3A_169 : memref<1048576x32xf32, #tpu.memory_space<hbm>>) target(%dma_start3A_163 : memref<64x32xf32, #tpu.memory_space<vmem>>) offsets(%dma_start3A_166 : memref<64xi32, #tpu.memory_space<vmem>>) semaphore(%arg17 : memref<!tpu.dma_semaphore, #tpu.memory_space<semaphore_mem>>)
    %dma_start3A_170 = arith.constant 7 : i32
    %dma_start3A_171 = arith.constant 7 : i32
    %dma_start3A_172 = arith.constant 0 : i32
    %dma_start3A_173 = arith.constant 0 : i32
    %dma_start3A_174 = tpu.memref_slice %arg8[%dma_start3A_171, %dma_start3A_172, %dma_start3A_173] : memref<10x128x32xf32, #tpu.memory_space<vmem>> -> memref<1x64x32xf32, #tpu.memory_space<vmem>>
    %dma_start3A_175 = tpu.memref_squeeze %dma_start3A_174 : memref<1x64x32xf32, #tpu.memory_space<vmem>> -> memref<64x32xf32, #tpu.memory_space<vmem>>
    %dma_start3A_176 = arith.constant 0 : i32
    %dma_start3A_177 = tpu.memref_slice %arg6[%dma_start3A_170, %dma_start3A_176] : memref<200x128xi32, #tpu.memory_space<vmem>> -> memref<1x64xi32, #tpu.memory_space<vmem>>
    %dma_start3A_178 = tpu.memref_squeeze %dma_start3A_177 : memref<1x64xi32, #tpu.memory_space<vmem>> -> memref<64xi32, #tpu.memory_space<vmem>>
    %dma_start3A_179 = arith.constant 0 : i32
    %dma_start3A_180 = arith.constant 0 : i32
    %dma_start3A_181 = tpu.memref_slice %arg4[%dma_start3A_179, %dma_start3A_180] : memref<1048576x32xf32, #tpu.memory_space<hbm>> -> memref<1048576x32xf32, #tpu.memory_space<hbm>>
    tpu.enqueue_indirect_dma source(%dma_start3A_181 : memref<1048576x32xf32, #tpu.memory_space<hbm>>) target(%dma_start3A_175 : memref<64x32xf32, #tpu.memory_space<vmem>>) offsets(%dma_start3A_178 : memref<64xi32, #tpu.memory_space<vmem>>) semaphore(%arg18 : memref<!tpu.dma_semaphore, #tpu.memory_space<semaphore_mem>>)
    %dma_start3A_182 = arith.constant 7 : i32
    %dma_start3A_183 = arith.constant 7 : i32
    %dma_start3A_184 = arith.constant 64 : i32
    %dma_start3A_185 = arith.constant 0 : i32
    %dma_start3A_186 = tpu.memref_slice %arg8[%dma_start3A_183, %dma_start3A_184, %dma_start3A_185] : memref<10x128x32xf32, #tpu.memory_space<vmem>> -> memref<1x64x32xf32, #tpu.memory_space<vmem>>
    %dma_start3A_187 = tpu.memref_squeeze %dma_start3A_186 : memref<1x64x32xf32, #tpu.memory_space<vmem>> -> memref<64x32xf32, #tpu.memory_space<vmem>>
    %dma_start3A_188 = arith.constant 64 : i32
    %dma_start3A_189 = tpu.memref_slice %arg6[%dma_start3A_182, %dma_start3A_188] : memref<200x128xi32, #tpu.memory_space<vmem>> -> memref<1x64xi32, #tpu.memory_space<vmem>>
    %dma_start3A_190 = tpu.memref_squeeze %dma_start3A_189 : memref<1x64xi32, #tpu.memory_space<vmem>> -> memref<64xi32, #tpu.memory_space<vmem>>
    %dma_start3A_191 = arith.constant 0 : i32
    %dma_start3A_192 = arith.constant 0 : i32
    %dma_start3A_193 = tpu.memref_slice %arg4[%dma_start3A_191, %dma_start3A_192] : memref<1048576x32xf32, #tpu.memory_space<hbm>> -> memref<1048576x32xf32, #tpu.memory_space<hbm>>
    tpu.enqueue_indirect_dma source(%dma_start3A_193 : memref<1048576x32xf32, #tpu.memory_space<hbm>>) target(%dma_start3A_187 : memref<64x32xf32, #tpu.memory_space<vmem>>) offsets(%dma_start3A_190 : memref<64xi32, #tpu.memory_space<vmem>>) semaphore(%arg18 : memref<!tpu.dma_semaphore, #tpu.memory_space<semaphore_mem>>)
    %dma_start3A_194 = arith.constant 8 : i32
    %dma_start3A_195 = arith.constant 8 : i32
    %dma_start3A_196 = arith.constant 0 : i32
    %dma_start3A_197 = arith.constant 0 : i32
    %dma_start3A_198 = tpu.memref_slice %arg8[%dma_start3A_195, %dma_start3A_196, %dma_start3A_197] : memref<10x128x32xf32, #tpu.memory_space<vmem>> -> memref<1x64x32xf32, #tpu.memory_space<vmem>>
    %dma_start3A_199 = tpu.memref_squeeze %dma_start3A_198 : memref<1x64x32xf32, #tpu.memory_space<vmem>> -> memref<64x32xf32, #tpu.memory_space<vmem>>
    %dma_start3A_200 = arith.constant 0 : i32
    %dma_start3A_201 = tpu.memref_slice %arg6[%dma_start3A_194, %dma_start3A_200] : memref<200x128xi32, #tpu.memory_space<vmem>> -> memref<1x64xi32, #tpu.memory_space<vmem>>
    %dma_start3A_202 = tpu.memref_squeeze %dma_start3A_201 : memref<1x64xi32, #tpu.memory_space<vmem>> -> memref<64xi32, #tpu.memory_space<vmem>>
    %dma_start3A_203 = arith.constant 0 : i32
    %dma_start3A_204 = arith.constant 0 : i32
    %dma_start3A_205 = tpu.memref_slice %arg4[%dma_start3A_203, %dma_start3A_204] : memref<1048576x32xf32, #tpu.memory_space<hbm>> -> memref<1048576x32xf32, #tpu.memory_space<hbm>>
    tpu.enqueue_indirect_dma source(%dma_start3A_205 : memref<1048576x32xf32, #tpu.memory_space<hbm>>) target(%dma_start3A_199 : memref<64x32xf32, #tpu.memory_space<vmem>>) offsets(%dma_start3A_202 : memref<64xi32, #tpu.memory_space<vmem>>) semaphore(%arg19 : memref<!tpu.dma_semaphore, #tpu.memory_space<semaphore_mem>>)
    %dma_start3A_206 = arith.constant 8 : i32
    %dma_start3A_207 = arith.constant 8 : i32
    %dma_start3A_208 = arith.constant 64 : i32
    %dma_start3A_209 = arith.constant 0 : i32
    %dma_start3A_210 = tpu.memref_slice %arg8[%dma_start3A_207, %dma_start3A_208, %dma_start3A_209] : memref<10x128x32xf32, #tpu.memory_space<vmem>> -> memref<1x64x32xf32, #tpu.memory_space<vmem>>
    %dma_start3A_211 = tpu.memref_squeeze %dma_start3A_210 : memref<1x64x32xf32, #tpu.memory_space<vmem>> -> memref<64x32xf32, #tpu.memory_space<vmem>>
    %dma_start3A_212 = arith.constant 64 : i32
    %dma_start3A_213 = tpu.memref_slice %arg6[%dma_start3A_206, %dma_start3A_212] : memref<200x128xi32, #tpu.memory_space<vmem>> -> memref<1x64xi32, #tpu.memory_space<vmem>>
    %dma_start3A_214 = tpu.memref_squeeze %dma_start3A_213 : memref<1x64xi32, #tpu.memory_space<vmem>> -> memref<64xi32, #tpu.memory_space<vmem>>
    %dma_start3A_215 = arith.constant 0 : i32
    %dma_start3A_216 = arith.constant 0 : i32
    %dma_start3A_217 = tpu.memref_slice %arg4[%dma_start3A_215, %dma_start3A_216] : memref<1048576x32xf32, #tpu.memory_space<hbm>> -> memref<1048576x32xf32, #tpu.memory_space<hbm>>
    tpu.enqueue_indirect_dma source(%dma_start3A_217 : memref<1048576x32xf32, #tpu.memory_space<hbm>>) target(%dma_start3A_211 : memref<64x32xf32, #tpu.memory_space<vmem>>) offsets(%dma_start3A_214 : memref<64xi32, #tpu.memory_space<vmem>>) semaphore(%arg19 : memref<!tpu.dma_semaphore, #tpu.memory_space<semaphore_mem>>)
    %dma_start3A_218 = arith.constant 9 : i32
    %dma_start3A_219 = arith.constant 9 : i32
    %dma_start3A_220 = arith.constant 0 : i32
    %dma_start3A_221 = arith.constant 0 : i32
    %dma_start3A_222 = tpu.memref_slice %arg8[%dma_start3A_219, %dma_start3A_220, %dma_start3A_221] : memref<10x128x32xf32, #tpu.memory_space<vmem>> -> memref<1x64x32xf32, #tpu.memory_space<vmem>>
    %dma_start3A_223 = tpu.memref_squeeze %dma_start3A_222 : memref<1x64x32xf32, #tpu.memory_space<vmem>> -> memref<64x32xf32, #tpu.memory_space<vmem>>
    %dma_start3A_224 = arith.constant 0 : i32
    %dma_start3A_225 = tpu.memref_slice %arg6[%dma_start3A_218, %dma_start3A_224] : memref<200x128xi32, #tpu.memory_space<vmem>> -> memref<1x64xi32, #tpu.memory_space<vmem>>
    %dma_start3A_226 = tpu.memref_squeeze %dma_start3A_225 : memref<1x64xi32, #tpu.memory_space<vmem>> -> memref<64xi32, #tpu.memory_space<vmem>>
    %dma_start3A_227 = arith.constant 0 : i32
    %dma_start3A_228 = arith.constant 0 : i32
    %dma_start3A_229 = tpu.memref_slice %arg4[%dma_start3A_227, %dma_start3A_228] : memref<1048576x32xf32, #tpu.memory_space<hbm>> -> memref<1048576x32xf32, #tpu.memory_space<hbm>>
    tpu.enqueue_indirect_dma source(%dma_start3A_229 : memref<1048576x32xf32, #tpu.memory_space<hbm>>) target(%dma_start3A_223 : memref<64x32xf32, #tpu.memory_space<vmem>>) offsets(%dma_start3A_226 : memref<64xi32, #tpu.memory_space<vmem>>) semaphore(%arg20 : memref<!tpu.dma_semaphore, #tpu.memory_space<semaphore_mem>>)
    %dma_start3A_230 = arith.constant 9 : i32
    %dma_start3A_231 = arith.constant 9 : i32
    %dma_start3A_232 = arith.constant 64 : i32
    %dma_start3A_233 = arith.constant 0 : i32
    %dma_start3A_234 = tpu.memref_slice %arg8[%dma_start3A_231, %dma_start3A_232, %dma_start3A_233] : memref<10x128x32xf32, #tpu.memory_space<vmem>> -> memref<1x64x32xf32, #tpu.memory_space<vmem>>
    %dma_start3A_235 = tpu.memref_squeeze %dma_start3A_234 : memref<1x64x32xf32, #tpu.memory_space<vmem>> -> memref<64x32xf32, #tpu.memory_space<vmem>>
    %dma_start3A_236 = arith.constant 64 : i32
    %dma_start3A_237 = tpu.memref_slice %arg6[%dma_start3A_230, %dma_start3A_236] : memref<200x128xi32, #tpu.memory_space<vmem>> -> memref<1x64xi32, #tpu.memory_space<vmem>>
    %dma_start3A_238 = tpu.memref_squeeze %dma_start3A_237 : memref<1x64xi32, #tpu.memory_space<vmem>> -> memref<64xi32, #tpu.memory_space<vmem>>
    %dma_start3A_239 = arith.constant 0 : i32
    %dma_start3A_240 = arith.constant 0 : i32
    %dma_start3A_241 = tpu.memref_slice %arg4[%dma_start3A_239, %dma_start3A_240] : memref<1048576x32xf32, #tpu.memory_space<hbm>> -> memref<1048576x32xf32, #tpu.memory_space<hbm>>
    tpu.enqueue_indirect_dma source(%dma_start3A_241 : memref<1048576x32xf32, #tpu.memory_space<hbm>>) target(%dma_start3A_235 : memref<64x32xf32, #tpu.memory_space<vmem>>) offsets(%dma_start3A_238 : memref<64xi32, #tpu.memory_space<vmem>>) semaphore(%arg20 : memref<!tpu.dma_semaphore, #tpu.memory_space<semaphore_mem>>)
    %scan3A = arith.constant 0 : i32
    %scan3A_242 = arith.constant 1 : i32
    %scan3A_243 = arith.constant 19 : i32
    %scan3A_244 = arith.addi %scan3A_242, %scan3A_243 : i32
    %scan3A_245 = arith.constant 1 : i32
    scf.for %scan3A_984 = %scan3A_242 to %scan3A_244 step %scan3A_245  : i32 {
      %mul3A_985 = arith.constant 10 : i32
      %mul3A_986 = arith.muli %scan3A_984, %mul3A_985 : i32
      %add3A_987 = arith.constant 0 : i32
      %add3A_988 = arith.addi %mul3A_986, %add3A_987 : i32
      %dma_wait3A_989 = arith.constant 0 : i32
      %dma_wait3A_990 = arith.constant 0 : i32
      %dma_wait3A_991 = arith.constant 0 : i32
      %dma_wait3A_992 = tpu.memref_slice %arg8[%dma_wait3A_989, %dma_wait3A_990, %dma_wait3A_991] : memref<10x128x32xf32, #tpu.memory_space<vmem>> -> memref<1x64x32xf32, #tpu.memory_space<vmem>>
      %dma_wait3A_993 = tpu.memref_squeeze %dma_wait3A_992 : memref<1x64x32xf32, #tpu.memory_space<vmem>> -> memref<64x32xf32, #tpu.memory_space<vmem>>
      %dma_wait3A_994 = arith.constant 0 : i32
      %dma_wait3A_995 = tpu.memref_slice %arg6[%add3A_988, %dma_wait3A_994] : memref<200x128xi32, #tpu.memory_space<vmem>> -> memref<1x64xi32, #tpu.memory_space<vmem>>
      %dma_wait3A_996 = tpu.memref_squeeze %dma_wait3A_995 : memref<1x64xi32, #tpu.memory_space<vmem>> -> memref<64xi32, #tpu.memory_space<vmem>>
      %dma_wait3A_997 = arith.constant 0 : i32
      %dma_wait3A_998 = arith.constant 0 : i32
      %dma_wait3A_999 = tpu.memref_slice %arg4[%dma_wait3A_997, %dma_wait3A_998] : memref<1048576x32xf32, #tpu.memory_space<hbm>> -> memref<1048576x32xf32, #tpu.memory_space<hbm>>
      tpu.wait_indirect_dma semaphore(%arg11 : memref<!tpu.dma_semaphore, #tpu.memory_space<semaphore_mem>>) src(%dma_wait3A_999 : memref<1048576x32xf32, #tpu.memory_space<hbm>>) dst(%dma_wait3A_993 : memref<64x32xf32, #tpu.memory_space<vmem>>)
      %dma_wait3A_1000 = arith.constant 0 : i32
      %dma_wait3A_1001 = arith.constant 64 : i32
      %dma_wait3A_1002 = arith.constant 0 : i32
      %dma_wait3A_1003 = tpu.memref_slice %arg8[%dma_wait3A_1000, %dma_wait3A_1001, %dma_wait3A_1002] : memref<10x128x32xf32, #tpu.memory_space<vmem>> -> memref<1x64x32xf32, #tpu.memory_space<vmem>>
      %dma_wait3A_1004 = tpu.memref_squeeze %dma_wait3A_1003 : memref<1x64x32xf32, #tpu.memory_space<vmem>> -> memref<64x32xf32, #tpu.memory_space<vmem>>
      %dma_wait3A_1005 = arith.constant 64 : i32
      %dma_wait3A_1006 = tpu.memref_slice %arg6[%add3A_988, %dma_wait3A_1005] : memref<200x128xi32, #tpu.memory_space<vmem>> -> memref<1x64xi32, #tpu.memory_space<vmem>>
      %dma_wait3A_1007 = tpu.memref_squeeze %dma_wait3A_1006 : memref<1x64xi32, #tpu.memory_space<vmem>> -> memref<64xi32, #tpu.memory_space<vmem>>
      %dma_wait3A_1008 = arith.constant 0 : i32
      %dma_wait3A_1009 = arith.constant 0 : i32
      %dma_wait3A_1010 = tpu.memref_slice %arg4[%dma_wait3A_1008, %dma_wait3A_1009] : memref<1048576x32xf32, #tpu.memory_space<hbm>> -> memref<1048576x32xf32, #tpu.memory_space<hbm>>
      tpu.wait_indirect_dma semaphore(%arg11 : memref<!tpu.dma_semaphore, #tpu.memory_space<semaphore_mem>>) src(%dma_wait3A_1010 : memref<1048576x32xf32, #tpu.memory_space<hbm>>) dst(%dma_wait3A_1004 : memref<64x32xf32, #tpu.memory_space<vmem>>)
      %dma_start3A_1011 = arith.constant 0 : i32
      %dma_start3A_1012 = arith.constant 0 : i32
      %dma_start3A_1013 = arith.constant 0 : i32
      %dma_start3A_1014 = tpu.memref_slice %arg8[%dma_start3A_1011, %dma_start3A_1012, %dma_start3A_1013] : memref<10x128x32xf32, #tpu.memory_space<vmem>> -> memref<1x64x32xf32, #tpu.memory_space<vmem>>
      %dma_start3A_1015 = tpu.memref_squeeze %dma_start3A_1014 : memref<1x64x32xf32, #tpu.memory_space<vmem>> -> memref<64x32xf32, #tpu.memory_space<vmem>>
      %dma_start3A_1016 = arith.constant 0 : i32
      %dma_start3A_1017 = tpu.memref_slice %arg6[%add3A_988, %dma_start3A_1016] : memref<200x128xi32, #tpu.memory_space<vmem>> -> memref<1x64xi32, #tpu.memory_space<vmem>>
      %dma_start3A_1018 = tpu.memref_squeeze %dma_start3A_1017 : memref<1x64xi32, #tpu.memory_space<vmem>> -> memref<64xi32, #tpu.memory_space<vmem>>
      %dma_start3A_1019 = arith.constant 0 : i32
      %dma_start3A_1020 = arith.constant 0 : i32
      %dma_start3A_1021 = tpu.memref_slice %arg4[%dma_start3A_1019, %dma_start3A_1020] : memref<1048576x32xf32, #tpu.memory_space<hbm>> -> memref<1048576x32xf32, #tpu.memory_space<hbm>>
      tpu.enqueue_indirect_dma source(%dma_start3A_1021 : memref<1048576x32xf32, #tpu.memory_space<hbm>>) target(%dma_start3A_1015 : memref<64x32xf32, #tpu.memory_space<vmem>>) offsets(%dma_start3A_1018 : memref<64xi32, #tpu.memory_space<vmem>>) semaphore(%arg11 : memref<!tpu.dma_semaphore, #tpu.memory_space<semaphore_mem>>) {add = true}
      %dma_start3A_1022 = arith.constant 0 : i32
      %dma_start3A_1023 = arith.constant 64 : i32
      %dma_start3A_1024 = arith.constant 0 : i32
      %dma_start3A_1025 = tpu.memref_slice %arg8[%dma_start3A_1022, %dma_start3A_1023, %dma_start3A_1024] : memref<10x128x32xf32, #tpu.memory_space<vmem>> -> memref<1x64x32xf32, #tpu.memory_space<vmem>>
      %dma_start3A_1026 = tpu.memref_squeeze %dma_start3A_1025 : memref<1x64x32xf32, #tpu.memory_space<vmem>> -> memref<64x32xf32, #tpu.memory_space<vmem>>
      %dma_start3A_1027 = arith.constant 64 : i32
      %dma_start3A_1028 = tpu.memref_slice %arg6[%add3A_988, %dma_start3A_1027] : memref<200x128xi32, #tpu.memory_space<vmem>> -> memref<1x64xi32, #tpu.memory_space<vmem>>
      %dma_start3A_1029 = tpu.memref_squeeze %dma_start3A_1028 : memref<1x64xi32, #tpu.memory_space<vmem>> -> memref<64xi32, #tpu.memory_space<vmem>>
      %dma_start3A_1030 = arith.constant 0 : i32
      %dma_start3A_1031 = arith.constant 0 : i32
      %dma_start3A_1032 = tpu.memref_slice %arg4[%dma_start3A_1030, %dma_start3A_1031] : memref<1048576x32xf32, #tpu.memory_space<hbm>> -> memref<1048576x32xf32, #tpu.memory_space<hbm>>
      tpu.enqueue_indirect_dma source(%dma_start3A_1032 : memref<1048576x32xf32, #tpu.memory_space<hbm>>) target(%dma_start3A_1026 : memref<64x32xf32, #tpu.memory_space<vmem>>) offsets(%dma_start3A_1029 : memref<64xi32, #tpu.memory_space<vmem>>) semaphore(%arg11 : memref<!tpu.dma_semaphore, #tpu.memory_space<semaphore_mem>>) {add = true}
      %mul3A_1033 = arith.constant 10 : i32
      %mul3A_1034 = arith.muli %scan3A_984, %mul3A_1033 : i32
      %add3A_1035 = arith.constant 1 : i32
      %add3A_1036 = arith.addi %mul3A_1034, %add3A_1035 : i32
      %dma_wait3A_1037 = arith.constant 1 : i32
      %dma_wait3A_1038 = arith.constant 0 : i32
      %dma_wait3A_1039 = arith.constant 0 : i32
      %dma_wait3A_1040 = tpu.memref_slice %arg8[%dma_wait3A_1037, %dma_wait3A_1038, %dma_wait3A_1039] : memref<10x128x32xf32, #tpu.memory_space<vmem>> -> memref<1x64x32xf32, #tpu.memory_space<vmem>>
      %dma_wait3A_1041 = tpu.memref_squeeze %dma_wait3A_1040 : memref<1x64x32xf32, #tpu.memory_space<vmem>> -> memref<64x32xf32, #tpu.memory_space<vmem>>
      %dma_wait3A_1042 = arith.constant 0 : i32
      %dma_wait3A_1043 = tpu.memref_slice %arg6[%add3A_1036, %dma_wait3A_1042] : memref<200x128xi32, #tpu.memory_space<vmem>> -> memref<1x64xi32, #tpu.memory_space<vmem>>
      %dma_wait3A_1044 = tpu.memref_squeeze %dma_wait3A_1043 : memref<1x64xi32, #tpu.memory_space<vmem>> -> memref<64xi32, #tpu.memory_space<vmem>>
      %dma_wait3A_1045 = arith.constant 0 : i32
      %dma_wait3A_1046 = arith.constant 0 : i32
      %dma_wait3A_1047 = tpu.memref_slice %arg4[%dma_wait3A_1045, %dma_wait3A_1046] : memref<1048576x32xf32, #tpu.memory_space<hbm>> -> memref<1048576x32xf32, #tpu.memory_space<hbm>>
      tpu.wait_indirect_dma semaphore(%arg12 : memref<!tpu.dma_semaphore, #tpu.memory_space<semaphore_mem>>) src(%dma_wait3A_1047 : memref<1048576x32xf32, #tpu.memory_space<hbm>>) dst(%dma_wait3A_1041 : memref<64x32xf32, #tpu.memory_space<vmem>>)
      %dma_wait3A_1048 = arith.constant 1 : i32
      %dma_wait3A_1049 = arith.constant 64 : i32
      %dma_wait3A_1050 = arith.constant 0 : i32
      %dma_wait3A_1051 = tpu.memref_slice %arg8[%dma_wait3A_1048, %dma_wait3A_1049, %dma_wait3A_1050] : memref<10x128x32xf32, #tpu.memory_space<vmem>> -> memref<1x64x32xf32, #tpu.memory_space<vmem>>
      %dma_wait3A_1052 = tpu.memref_squeeze %dma_wait3A_1051 : memref<1x64x32xf32, #tpu.memory_space<vmem>> -> memref<64x32xf32, #tpu.memory_space<vmem>>
      %dma_wait3A_1053 = arith.constant 64 : i32
      %dma_wait3A_1054 = tpu.memref_slice %arg6[%add3A_1036, %dma_wait3A_1053] : memref<200x128xi32, #tpu.memory_space<vmem>> -> memref<1x64xi32, #tpu.memory_space<vmem>>
      %dma_wait3A_1055 = tpu.memref_squeeze %dma_wait3A_1054 : memref<1x64xi32, #tpu.memory_space<vmem>> -> memref<64xi32, #tpu.memory_space<vmem>>
      %dma_wait3A_1056 = arith.constant 0 : i32
      %dma_wait3A_1057 = arith.constant 0 : i32
      %dma_wait3A_1058 = tpu.memref_slice %arg4[%dma_wait3A_1056, %dma_wait3A_1057] : memref<1048576x32xf32, #tpu.memory_space<hbm>> -> memref<1048576x32xf32, #tpu.memory_space<hbm>>
      tpu.wait_indirect_dma semaphore(%arg12 : memref<!tpu.dma_semaphore, #tpu.memory_space<semaphore_mem>>) src(%dma_wait3A_1058 : memref<1048576x32xf32, #tpu.memory_space<hbm>>) dst(%dma_wait3A_1052 : memref<64x32xf32, #tpu.memory_space<vmem>>)
      %dma_start3A_1059 = arith.constant 1 : i32
      %dma_start3A_1060 = arith.constant 0 : i32
      %dma_start3A_1061 = arith.constant 0 : i32
      %dma_start3A_1062 = tpu.memref_slice %arg8[%dma_start3A_1059, %dma_start3A_1060, %dma_start3A_1061] : memref<10x128x32xf32, #tpu.memory_space<vmem>> -> memref<1x64x32xf32, #tpu.memory_space<vmem>>
      %dma_start3A_1063 = tpu.memref_squeeze %dma_start3A_1062 : memref<1x64x32xf32, #tpu.memory_space<vmem>> -> memref<64x32xf32, #tpu.memory_space<vmem>>
      %dma_start3A_1064 = arith.constant 0 : i32
      %dma_start3A_1065 = tpu.memref_slice %arg6[%add3A_1036, %dma_start3A_1064] : memref<200x128xi32, #tpu.memory_space<vmem>> -> memref<1x64xi32, #tpu.memory_space<vmem>>
      %dma_start3A_1066 = tpu.memref_squeeze %dma_start3A_1065 : memref<1x64xi32, #tpu.memory_space<vmem>> -> memref<64xi32, #tpu.memory_space<vmem>>
      %dma_start3A_1067 = arith.constant 0 : i32
      %dma_start3A_1068 = arith.constant 0 : i32
      %dma_start3A_1069 = tpu.memref_slice %arg4[%dma_start3A_1067, %dma_start3A_1068] : memref<1048576x32xf32, #tpu.memory_space<hbm>> -> memref<1048576x32xf32, #tpu.memory_space<hbm>>
      tpu.enqueue_indirect_dma source(%dma_start3A_1069 : memref<1048576x32xf32, #tpu.memory_space<hbm>>) target(%dma_start3A_1063 : memref<64x32xf32, #tpu.memory_space<vmem>>) offsets(%dma_start3A_1066 : memref<64xi32, #tpu.memory_space<vmem>>) semaphore(%arg12 : memref<!tpu.dma_semaphore, #tpu.memory_space<semaphore_mem>>) {add = true}
      %dma_start3A_1070 = arith.constant 1 : i32
      %dma_start3A_1071 = arith.constant 64 : i32
      %dma_start3A_1072 = arith.constant 0 : i32
      %dma_start3A_1073 = tpu.memref_slice %arg8[%dma_start3A_1070, %dma_start3A_1071, %dma_start3A_1072] : memref<10x128x32xf32, #tpu.memory_space<vmem>> -> memref<1x64x32xf32, #tpu.memory_space<vmem>>
      %dma_start3A_1074 = tpu.memref_squeeze %dma_start3A_1073 : memref<1x64x32xf32, #tpu.memory_space<vmem>> -> memref<64x32xf32, #tpu.memory_space<vmem>>
      %dma_start3A_1075 = arith.constant 64 : i32
      %dma_start3A_1076 = tpu.memref_slice %arg6[%add3A_1036, %dma_start3A_1075] : memref<200x128xi32, #tpu.memory_space<vmem>> -> memref<1x64xi32, #tpu.memory_space<vmem>>
      %dma_start3A_1077 = tpu.memref_squeeze %dma_start3A_1076 : memref<1x64xi32, #tpu.memory_space<vmem>> -> memref<64xi32, #tpu.memory_space<vmem>>
      %dma_start3A_1078 = arith.constant 0 : i32
      %dma_start3A_1079 = arith.constant 0 : i32
      %dma_start3A_1080 = tpu.memref_slice %arg4[%dma_start3A_1078, %dma_start3A_1079] : memref<1048576x32xf32, #tpu.memory_space<hbm>> -> memref<1048576x32xf32, #tpu.memory_space<hbm>>
      tpu.enqueue_indirect_dma source(%dma_start3A_1080 : memref<1048576x32xf32, #tpu.memory_space<hbm>>) target(%dma_start3A_1074 : memref<64x32xf32, #tpu.memory_space<vmem>>) offsets(%dma_start3A_1077 : memref<64xi32, #tpu.memory_space<vmem>>) semaphore(%arg12 : memref<!tpu.dma_semaphore, #tpu.memory_space<semaphore_mem>>) {add = true}
      %mul3A_1081 = arith.constant 10 : i32
      %mul3A_1082 = arith.muli %scan3A_984, %mul3A_1081 : i32
      %add3A_1083 = arith.constant 2 : i32
      %add3A_1084 = arith.addi %mul3A_1082, %add3A_1083 : i32
      %dma_wait3A_1085 = arith.constant 2 : i32
      %dma_wait3A_1086 = arith.constant 0 : i32
      %dma_wait3A_1087 = arith.constant 0 : i32
      %dma_wait3A_1088 = tpu.memref_slice %arg8[%dma_wait3A_1085, %dma_wait3A_1086, %dma_wait3A_1087] : memref<10x128x32xf32, #tpu.memory_space<vmem>> -> memref<1x64x32xf32, #tpu.memory_space<vmem>>
      %dma_wait3A_1089 = tpu.memref_squeeze %dma_wait3A_1088 : memref<1x64x32xf32, #tpu.memory_space<vmem>> -> memref<64x32xf32, #tpu.memory_space<vmem>>
      %dma_wait3A_1090 = arith.constant 0 : i32
      %dma_wait3A_1091 = tpu.memref_slice %arg6[%add3A_1084, %dma_wait3A_1090] : memref<200x128xi32, #tpu.memory_space<vmem>> -> memref<1x64xi32, #tpu.memory_space<vmem>>
      %dma_wait3A_1092 = tpu.memref_squeeze %dma_wait3A_1091 : memref<1x64xi32, #tpu.memory_space<vmem>> -> memref<64xi32, #tpu.memory_space<vmem>>
      %dma_wait3A_1093 = arith.constant 0 : i32
      %dma_wait3A_1094 = arith.constant 0 : i32
      %dma_wait3A_1095 = tpu.memref_slice %arg4[%dma_wait3A_1093, %dma_wait3A_1094] : memref<1048576x32xf32, #tpu.memory_space<hbm>> -> memref<1048576x32xf32, #tpu.memory_space<hbm>>
      tpu.wait_indirect_dma semaphore(%arg13 : memref<!tpu.dma_semaphore, #tpu.memory_space<semaphore_mem>>) src(%dma_wait3A_1095 : memref<1048576x32xf32, #tpu.memory_space<hbm>>) dst(%dma_wait3A_1089 : memref<64x32xf32, #tpu.memory_space<vmem>>)
      %dma_wait3A_1096 = arith.constant 2 : i32
      %dma_wait3A_1097 = arith.constant 64 : i32
      %dma_wait3A_1098 = arith.constant 0 : i32
      %dma_wait3A_1099 = tpu.memref_slice %arg8[%dma_wait3A_1096, %dma_wait3A_1097, %dma_wait3A_1098] : memref<10x128x32xf32, #tpu.memory_space<vmem>> -> memref<1x64x32xf32, #tpu.memory_space<vmem>>
      %dma_wait3A_1100 = tpu.memref_squeeze %dma_wait3A_1099 : memref<1x64x32xf32, #tpu.memory_space<vmem>> -> memref<64x32xf32, #tpu.memory_space<vmem>>
      %dma_wait3A_1101 = arith.constant 64 : i32
      %dma_wait3A_1102 = tpu.memref_slice %arg6[%add3A_1084, %dma_wait3A_1101] : memref<200x128xi32, #tpu.memory_space<vmem>> -> memref<1x64xi32, #tpu.memory_space<vmem>>
      %dma_wait3A_1103 = tpu.memref_squeeze %dma_wait3A_1102 : memref<1x64xi32, #tpu.memory_space<vmem>> -> memref<64xi32, #tpu.memory_space<vmem>>
      %dma_wait3A_1104 = arith.constant 0 : i32
      %dma_wait3A_1105 = arith.constant 0 : i32
      %dma_wait3A_1106 = tpu.memref_slice %arg4[%dma_wait3A_1104, %dma_wait3A_1105] : memref<1048576x32xf32, #tpu.memory_space<hbm>> -> memref<1048576x32xf32, #tpu.memory_space<hbm>>
      tpu.wait_indirect_dma semaphore(%arg13 : memref<!tpu.dma_semaphore, #tpu.memory_space<semaphore_mem>>) src(%dma_wait3A_1106 : memref<1048576x32xf32, #tpu.memory_space<hbm>>) dst(%dma_wait3A_1100 : memref<64x32xf32, #tpu.memory_space<vmem>>)
      %dma_start3A_1107 = arith.constant 2 : i32
      %dma_start3A_1108 = arith.constant 0 : i32
      %dma_start3A_1109 = arith.constant 0 : i32
      %dma_start3A_1110 = tpu.memref_slice %arg8[%dma_start3A_1107, %dma_start3A_1108, %dma_start3A_1109] : memref<10x128x32xf32, #tpu.memory_space<vmem>> -> memref<1x64x32xf32, #tpu.memory_space<vmem>>
      %dma_start3A_1111 = tpu.memref_squeeze %dma_start3A_1110 : memref<1x64x32xf32, #tpu.memory_space<vmem>> -> memref<64x32xf32, #tpu.memory_space<vmem>>
      %dma_start3A_1112 = arith.constant 0 : i32
      %dma_start3A_1113 = tpu.memref_slice %arg6[%add3A_1084, %dma_start3A_1112] : memref<200x128xi32, #tpu.memory_space<vmem>> -> memref<1x64xi32, #tpu.memory_space<vmem>>
      %dma_start3A_1114 = tpu.memref_squeeze %dma_start3A_1113 : memref<1x64xi32, #tpu.memory_space<vmem>> -> memref<64xi32, #tpu.memory_space<vmem>>
      %dma_start3A_1115 = arith.constant 0 : i32
      %dma_start3A_1116 = arith.constant 0 : i32
      %dma_start3A_1117 = tpu.memref_slice %arg4[%dma_start3A_1115, %dma_start3A_1116] : memref<1048576x32xf32, #tpu.memory_space<hbm>> -> memref<1048576x32xf32, #tpu.memory_space<hbm>>
      tpu.enqueue_indirect_dma source(%dma_start3A_1117 : memref<1048576x32xf32, #tpu.memory_space<hbm>>) target(%dma_start3A_1111 : memref<64x32xf32, #tpu.memory_space<vmem>>) offsets(%dma_start3A_1114 : memref<64xi32, #tpu.memory_space<vmem>>) semaphore(%arg13 : memref<!tpu.dma_semaphore, #tpu.memory_space<semaphore_mem>>) {add = true}
      %dma_start3A_1118 = arith.constant 2 : i32
      %dma_start3A_1119 = arith.constant 64 : i32
      %dma_start3A_1120 = arith.constant 0 : i32
      %dma_start3A_1121 = tpu.memref_slice %arg8[%dma_start3A_1118, %dma_start3A_1119, %dma_start3A_1120] : memref<10x128x32xf32, #tpu.memory_space<vmem>> -> memref<1x64x32xf32, #tpu.memory_space<vmem>>
      %dma_start3A_1122 = tpu.memref_squeeze %dma_start3A_1121 : memref<1x64x32xf32, #tpu.memory_space<vmem>> -> memref<64x32xf32, #tpu.memory_space<vmem>>
      %dma_start3A_1123 = arith.constant 64 : i32
      %dma_start3A_1124 = tpu.memref_slice %arg6[%add3A_1084, %dma_start3A_1123] : memref<200x128xi32, #tpu.memory_space<vmem>> -> memref<1x64xi32, #tpu.memory_space<vmem>>
      %dma_start3A_1125 = tpu.memref_squeeze %dma_start3A_1124 : memref<1x64xi32, #tpu.memory_space<vmem>> -> memref<64xi32, #tpu.memory_space<vmem>>
      %dma_start3A_1126 = arith.constant 0 : i32
      %dma_start3A_1127 = arith.constant 0 : i32
      %dma_start3A_1128 = tpu.memref_slice %arg4[%dma_start3A_1126, %dma_start3A_1127] : memref<1048576x32xf32, #tpu.memory_space<hbm>> -> memref<1048576x32xf32, #tpu.memory_space<hbm>>
      tpu.enqueue_indirect_dma source(%dma_start3A_1128 : memref<1048576x32xf32, #tpu.memory_space<hbm>>) target(%dma_start3A_1122 : memref<64x32xf32, #tpu.memory_space<vmem>>) offsets(%dma_start3A_1125 : memref<64xi32, #tpu.memory_space<vmem>>) semaphore(%arg13 : memref<!tpu.dma_semaphore, #tpu.memory_space<semaphore_mem>>) {add = true}
      %mul3A_1129 = arith.constant 10 : i32
      %mul3A_1130 = arith.muli %scan3A_984, %mul3A_1129 : i32
      %add3A_1131 = arith.constant 3 : i32
      %add3A_1132 = arith.addi %mul3A_1130, %add3A_1131 : i32
      %dma_wait3A_1133 = arith.constant 3 : i32
      %dma_wait3A_1134 = arith.constant 0 : i32
      %dma_wait3A_1135 = arith.constant 0 : i32
      %dma_wait3A_1136 = tpu.memref_slice %arg8[%dma_wait3A_1133, %dma_wait3A_1134, %dma_wait3A_1135] : memref<10x128x32xf32, #tpu.memory_space<vmem>> -> memref<1x64x32xf32, #tpu.memory_space<vmem>>
      %dma_wait3A_1137 = tpu.memref_squeeze %dma_wait3A_1136 : memref<1x64x32xf32, #tpu.memory_space<vmem>> -> memref<64x32xf32, #tpu.memory_space<vmem>>
      %dma_wait3A_1138 = arith.constant 0 : i32
      %dma_wait3A_1139 = tpu.memref_slice %arg6[%add3A_1132, %dma_wait3A_1138] : memref<200x128xi32, #tpu.memory_space<vmem>> -> memref<1x64xi32, #tpu.memory_space<vmem>>
      %dma_wait3A_1140 = tpu.memref_squeeze %dma_wait3A_1139 : memref<1x64xi32, #tpu.memory_space<vmem>> -> memref<64xi32, #tpu.memory_space<vmem>>
      %dma_wait3A_1141 = arith.constant 0 : i32
      %dma_wait3A_1142 = arith.constant 0 : i32
      %dma_wait3A_1143 = tpu.memref_slice %arg4[%dma_wait3A_1141, %dma_wait3A_1142] : memref<1048576x32xf32, #tpu.memory_space<hbm>> -> memref<1048576x32xf32, #tpu.memory_space<hbm>>
      tpu.wait_indirect_dma semaphore(%arg14 : memref<!tpu.dma_semaphore, #tpu.memory_space<semaphore_mem>>) src(%dma_wait3A_1143 : memref<1048576x32xf32, #tpu.memory_space<hbm>>) dst(%dma_wait3A_1137 : memref<64x32xf32, #tpu.memory_space<vmem>>)
      %dma_wait3A_1144 = arith.constant 3 : i32
      %dma_wait3A_1145 = arith.constant 64 : i32
      %dma_wait3A_1146 = arith.constant 0 : i32
      %dma_wait3A_1147 = tpu.memref_slice %arg8[%dma_wait3A_1144, %dma_wait3A_1145, %dma_wait3A_1146] : memref<10x128x32xf32, #tpu.memory_space<vmem>> -> memref<1x64x32xf32, #tpu.memory_space<vmem>>
      %dma_wait3A_1148 = tpu.memref_squeeze %dma_wait3A_1147 : memref<1x64x32xf32, #tpu.memory_space<vmem>> -> memref<64x32xf32, #tpu.memory_space<vmem>>
      %dma_wait3A_1149 = arith.constant 64 : i32
      %dma_wait3A_1150 = tpu.memref_slice %arg6[%add3A_1132, %dma_wait3A_1149] : memref<200x128xi32, #tpu.memory_space<vmem>> -> memref<1x64xi32, #tpu.memory_space<vmem>>
      %dma_wait3A_1151 = tpu.memref_squeeze %dma_wait3A_1150 : memref<1x64xi32, #tpu.memory_space<vmem>> -> memref<64xi32, #tpu.memory_space<vmem>>
      %dma_wait3A_1152 = arith.constant 0 : i32
      %dma_wait3A_1153 = arith.constant 0 : i32
      %dma_wait3A_1154 = tpu.memref_slice %arg4[%dma_wait3A_1152, %dma_wait3A_1153] : memref<1048576x32xf32, #tpu.memory_space<hbm>> -> memref<1048576x32xf32, #tpu.memory_space<hbm>>
      tpu.wait_indirect_dma semaphore(%arg14 : memref<!tpu.dma_semaphore, #tpu.memory_space<semaphore_mem>>) src(%dma_wait3A_1154 : memref<1048576x32xf32, #tpu.memory_space<hbm>>) dst(%dma_wait3A_1148 : memref<64x32xf32, #tpu.memory_space<vmem>>)
      %dma_start3A_1155 = arith.constant 3 : i32
      %dma_start3A_1156 = arith.constant 0 : i32
      %dma_start3A_1157 = arith.constant 0 : i32
      %dma_start3A_1158 = tpu.memref_slice %arg8[%dma_start3A_1155, %dma_start3A_1156, %dma_start3A_1157] : memref<10x128x32xf32, #tpu.memory_space<vmem>> -> memref<1x64x32xf32, #tpu.memory_space<vmem>>
      %dma_start3A_1159 = tpu.memref_squeeze %dma_start3A_1158 : memref<1x64x32xf32, #tpu.memory_space<vmem>> -> memref<64x32xf32, #tpu.memory_space<vmem>>
      %dma_start3A_1160 = arith.constant 0 : i32
      %dma_start3A_1161 = tpu.memref_slice %arg6[%add3A_1132, %dma_start3A_1160] : memref<200x128xi32, #tpu.memory_space<vmem>> -> memref<1x64xi32, #tpu.memory_space<vmem>>
      %dma_start3A_1162 = tpu.memref_squeeze %dma_start3A_1161 : memref<1x64xi32, #tpu.memory_space<vmem>> -> memref<64xi32, #tpu.memory_space<vmem>>
      %dma_start3A_1163 = arith.constant 0 : i32
      %dma_start3A_1164 = arith.constant 0 : i32
      %dma_start3A_1165 = tpu.memref_slice %arg4[%dma_start3A_1163, %dma_start3A_1164] : memref<1048576x32xf32, #tpu.memory_space<hbm>> -> memref<1048576x32xf32, #tpu.memory_space<hbm>>
      tpu.enqueue_indirect_dma source(%dma_start3A_1165 : memref<1048576x32xf32, #tpu.memory_space<hbm>>) target(%dma_start3A_1159 : memref<64x32xf32, #tpu.memory_space<vmem>>) offsets(%dma_start3A_1162 : memref<64xi32, #tpu.memory_space<vmem>>) semaphore(%arg14 : memref<!tpu.dma_semaphore, #tpu.memory_space<semaphore_mem>>) {add = true}
      %dma_start3A_1166 = arith.constant 3 : i32
      %dma_start3A_1167 = arith.constant 64 : i32
      %dma_start3A_1168 = arith.constant 0 : i32
      %dma_start3A_1169 = tpu.memref_slice %arg8[%dma_start3A_1166, %dma_start3A_1167, %dma_start3A_1168] : memref<10x128x32xf32, #tpu.memory_space<vmem>> -> memref<1x64x32xf32, #tpu.memory_space<vmem>>
      %dma_start3A_1170 = tpu.memref_squeeze %dma_start3A_1169 : memref<1x64x32xf32, #tpu.memory_space<vmem>> -> memref<64x32xf32, #tpu.memory_space<vmem>>
      %dma_start3A_1171 = arith.constant 64 : i32
      %dma_start3A_1172 = tpu.memref_slice %arg6[%add3A_1132, %dma_start3A_1171] : memref<200x128xi32, #tpu.memory_space<vmem>> -> memref<1x64xi32, #tpu.memory_space<vmem>>
      %dma_start3A_1173 = tpu.memref_squeeze %dma_start3A_1172 : memref<1x64xi32, #tpu.memory_space<vmem>> -> memref<64xi32, #tpu.memory_space<vmem>>
      %dma_start3A_1174 = arith.constant 0 : i32
      %dma_start3A_1175 = arith.constant 0 : i32
      %dma_start3A_1176 = tpu.memref_slice %arg4[%dma_start3A_1174, %dma_start3A_1175] : memref<1048576x32xf32, #tpu.memory_space<hbm>> -> memref<1048576x32xf32, #tpu.memory_space<hbm>>
      tpu.enqueue_indirect_dma source(%dma_start3A_1176 : memref<1048576x32xf32, #tpu.memory_space<hbm>>) target(%dma_start3A_1170 : memref<64x32xf32, #tpu.memory_space<vmem>>) offsets(%dma_start3A_1173 : memref<64xi32, #tpu.memory_space<vmem>>) semaphore(%arg14 : memref<!tpu.dma_semaphore, #tpu.memory_space<semaphore_mem>>) {add = true}
      %mul3A_1177 = arith.constant 10 : i32
      %mul3A_1178 = arith.muli %scan3A_984, %mul3A_1177 : i32
      %add3A_1179 = arith.constant 4 : i32
      %add3A_1180 = arith.addi %mul3A_1178, %add3A_1179 : i32
      %dma_wait3A_1181 = arith.constant 4 : i32
      %dma_wait3A_1182 = arith.constant 0 : i32
      %dma_wait3A_1183 = arith.constant 0 : i32
      %dma_wait3A_1184 = tpu.memref_slice %arg8[%dma_wait3A_1181, %dma_wait3A_1182, %dma_wait3A_1183] : memref<10x128x32xf32, #tpu.memory_space<vmem>> -> memref<1x64x32xf32, #tpu.memory_space<vmem>>
      %dma_wait3A_1185 = tpu.memref_squeeze %dma_wait3A_1184 : memref<1x64x32xf32, #tpu.memory_space<vmem>> -> memref<64x32xf32, #tpu.memory_space<vmem>>
      %dma_wait3A_1186 = arith.constant 0 : i32
      %dma_wait3A_1187 = tpu.memref_slice %arg6[%add3A_1180, %dma_wait3A_1186] : memref<200x128xi32, #tpu.memory_space<vmem>> -> memref<1x64xi32, #tpu.memory_space<vmem>>
      %dma_wait3A_1188 = tpu.memref_squeeze %dma_wait3A_1187 : memref<1x64xi32, #tpu.memory_space<vmem>> -> memref<64xi32, #tpu.memory_space<vmem>>
      %dma_wait3A_1189 = arith.constant 0 : i32
      %dma_wait3A_1190 = arith.constant 0 : i32
      %dma_wait3A_1191 = tpu.memref_slice %arg4[%dma_wait3A_1189, %dma_wait3A_1190] : memref<1048576x32xf32, #tpu.memory_space<hbm>> -> memref<1048576x32xf32, #tpu.memory_space<hbm>>
      tpu.wait_indirect_dma semaphore(%arg15 : memref<!tpu.dma_semaphore, #tpu.memory_space<semaphore_mem>>) src(%dma_wait3A_1191 : memref<1048576x32xf32, #tpu.memory_space<hbm>>) dst(%dma_wait3A_1185 : memref<64x32xf32, #tpu.memory_space<vmem>>)
      %dma_wait3A_1192 = arith.constant 4 : i32
      %dma_wait3A_1193 = arith.constant 64 : i32
      %dma_wait3A_1194 = arith.constant 0 : i32
      %dma_wait3A_1195 = tpu.memref_slice %arg8[%dma_wait3A_1192, %dma_wait3A_1193, %dma_wait3A_1194] : memref<10x128x32xf32, #tpu.memory_space<vmem>> -> memref<1x64x32xf32, #tpu.memory_space<vmem>>
      %dma_wait3A_1196 = tpu.memref_squeeze %dma_wait3A_1195 : memref<1x64x32xf32, #tpu.memory_space<vmem>> -> memref<64x32xf32, #tpu.memory_space<vmem>>
      %dma_wait3A_1197 = arith.constant 64 : i32
      %dma_wait3A_1198 = tpu.memref_slice %arg6[%add3A_1180, %dma_wait3A_1197] : memref<200x128xi32, #tpu.memory_space<vmem>> -> memref<1x64xi32, #tpu.memory_space<vmem>>
      %dma_wait3A_1199 = tpu.memref_squeeze %dma_wait3A_1198 : memref<1x64xi32, #tpu.memory_space<vmem>> -> memref<64xi32, #tpu.memory_space<vmem>>
      %dma_wait3A_1200 = arith.constant 0 : i32
      %dma_wait3A_1201 = arith.constant 0 : i32
      %dma_wait3A_1202 = tpu.memref_slice %arg4[%dma_wait3A_1200, %dma_wait3A_1201] : memref<1048576x32xf32, #tpu.memory_space<hbm>> -> memref<1048576x32xf32, #tpu.memory_space<hbm>>
      tpu.wait_indirect_dma semaphore(%arg15 : memref<!tpu.dma_semaphore, #tpu.memory_space<semaphore_mem>>) src(%dma_wait3A_1202 : memref<1048576x32xf32, #tpu.memory_space<hbm>>) dst(%dma_wait3A_1196 : memref<64x32xf32, #tpu.memory_space<vmem>>)
      %dma_start3A_1203 = arith.constant 4 : i32
      %dma_start3A_1204 = arith.constant 0 : i32
      %dma_start3A_1205 = arith.constant 0 : i32
      %dma_start3A_1206 = tpu.memref_slice %arg8[%dma_start3A_1203, %dma_start3A_1204, %dma_start3A_1205] : memref<10x128x32xf32, #tpu.memory_space<vmem>> -> memref<1x64x32xf32, #tpu.memory_space<vmem>>
      %dma_start3A_1207 = tpu.memref_squeeze %dma_start3A_1206 : memref<1x64x32xf32, #tpu.memory_space<vmem>> -> memref<64x32xf32, #tpu.memory_space<vmem>>
      %dma_start3A_1208 = arith.constant 0 : i32
      %dma_start3A_1209 = tpu.memref_slice %arg6[%add3A_1180, %dma_start3A_1208] : memref<200x128xi32, #tpu.memory_space<vmem>> -> memref<1x64xi32, #tpu.memory_space<vmem>>
      %dma_start3A_1210 = tpu.memref_squeeze %dma_start3A_1209 : memref<1x64xi32, #tpu.memory_space<vmem>> -> memref<64xi32, #tpu.memory_space<vmem>>
      %dma_start3A_1211 = arith.constant 0 : i32
      %dma_start3A_1212 = arith.constant 0 : i32
      %dma_start3A_1213 = tpu.memref_slice %arg4[%dma_start3A_1211, %dma_start3A_1212] : memref<1048576x32xf32, #tpu.memory_space<hbm>> -> memref<1048576x32xf32, #tpu.memory_space<hbm>>
      tpu.enqueue_indirect_dma source(%dma_start3A_1213 : memref<1048576x32xf32, #tpu.memory_space<hbm>>) target(%dma_start3A_1207 : memref<64x32xf32, #tpu.memory_space<vmem>>) offsets(%dma_start3A_1210 : memref<64xi32, #tpu.memory_space<vmem>>) semaphore(%arg15 : memref<!tpu.dma_semaphore, #tpu.memory_space<semaphore_mem>>) {add = true}
      %dma_start3A_1214 = arith.constant 4 : i32
      %dma_start3A_1215 = arith.constant 64 : i32
      %dma_start3A_1216 = arith.constant 0 : i32
      %dma_start3A_1217 = tpu.memref_slice %arg8[%dma_start3A_1214, %dma_start3A_1215, %dma_start3A_1216] : memref<10x128x32xf32, #tpu.memory_space<vmem>> -> memref<1x64x32xf32, #tpu.memory_space<vmem>>
      %dma_start3A_1218 = tpu.memref_squeeze %dma_start3A_1217 : memref<1x64x32xf32, #tpu.memory_space<vmem>> -> memref<64x32xf32, #tpu.memory_space<vmem>>
      %dma_start3A_1219 = arith.constant 64 : i32
      %dma_start3A_1220 = tpu.memref_slice %arg6[%add3A_1180, %dma_start3A_1219] : memref<200x128xi32, #tpu.memory_space<vmem>> -> memref<1x64xi32, #tpu.memory_space<vmem>>
      %dma_start3A_1221 = tpu.memref_squeeze %dma_start3A_1220 : memref<1x64xi32, #tpu.memory_space<vmem>> -> memref<64xi32, #tpu.memory_space<vmem>>
      %dma_start3A_1222 = arith.constant 0 : i32
      %dma_start3A_1223 = arith.constant 0 : i32
      %dma_start3A_1224 = tpu.memref_slice %arg4[%dma_start3A_1222, %dma_start3A_1223] : memref<1048576x32xf32, #tpu.memory_space<hbm>> -> memref<1048576x32xf32, #tpu.memory_space<hbm>>
      tpu.enqueue_indirect_dma source(%dma_start3A_1224 : memref<1048576x32xf32, #tpu.memory_space<hbm>>) target(%dma_start3A_1218 : memref<64x32xf32, #tpu.memory_space<vmem>>) offsets(%dma_start3A_1221 : memref<64xi32, #tpu.memory_space<vmem>>) semaphore(%arg15 : memref<!tpu.dma_semaphore, #tpu.memory_space<semaphore_mem>>) {add = true}
      %mul3A_1225 = arith.constant 10 : i32
      %mul3A_1226 = arith.muli %scan3A_984, %mul3A_1225 : i32
      %add3A_1227 = arith.constant 5 : i32
      %add3A_1228 = arith.addi %mul3A_1226, %add3A_1227 : i32
      %dma_wait3A_1229 = arith.constant 5 : i32
      %dma_wait3A_1230 = arith.constant 0 : i32
      %dma_wait3A_1231 = arith.constant 0 : i32
      %dma_wait3A_1232 = tpu.memref_slice %arg8[%dma_wait3A_1229, %dma_wait3A_1230, %dma_wait3A_1231] : memref<10x128x32xf32, #tpu.memory_space<vmem>> -> memref<1x64x32xf32, #tpu.memory_space<vmem>>
      %dma_wait3A_1233 = tpu.memref_squeeze %dma_wait3A_1232 : memref<1x64x32xf32, #tpu.memory_space<vmem>> -> memref<64x32xf32, #tpu.memory_space<vmem>>
      %dma_wait3A_1234 = arith.constant 0 : i32
      %dma_wait3A_1235 = tpu.memref_slice %arg6[%add3A_1228, %dma_wait3A_1234] : memref<200x128xi32, #tpu.memory_space<vmem>> -> memref<1x64xi32, #tpu.memory_space<vmem>>
      %dma_wait3A_1236 = tpu.memref_squeeze %dma_wait3A_1235 : memref<1x64xi32, #tpu.memory_space<vmem>> -> memref<64xi32, #tpu.memory_space<vmem>>
      %dma_wait3A_1237 = arith.constant 0 : i32
      %dma_wait3A_1238 = arith.constant 0 : i32
      %dma_wait3A_1239 = tpu.memref_slice %arg4[%dma_wait3A_1237, %dma_wait3A_1238] : memref<1048576x32xf32, #tpu.memory_space<hbm>> -> memref<1048576x32xf32, #tpu.memory_space<hbm>>
      tpu.wait_indirect_dma semaphore(%arg16 : memref<!tpu.dma_semaphore, #tpu.memory_space<semaphore_mem>>) src(%dma_wait3A_1239 : memref<1048576x32xf32, #tpu.memory_space<hbm>>) dst(%dma_wait3A_1233 : memref<64x32xf32, #tpu.memory_space<vmem>>)
      %dma_wait3A_1240 = arith.constant 5 : i32
      %dma_wait3A_1241 = arith.constant 64 : i32
      %dma_wait3A_1242 = arith.constant 0 : i32
      %dma_wait3A_1243 = tpu.memref_slice %arg8[%dma_wait3A_1240, %dma_wait3A_1241, %dma_wait3A_1242] : memref<10x128x32xf32, #tpu.memory_space<vmem>> -> memref<1x64x32xf32, #tpu.memory_space<vmem>>
      %dma_wait3A_1244 = tpu.memref_squeeze %dma_wait3A_1243 : memref<1x64x32xf32, #tpu.memory_space<vmem>> -> memref<64x32xf32, #tpu.memory_space<vmem>>
      %dma_wait3A_1245 = arith.constant 64 : i32
      %dma_wait3A_1246 = tpu.memref_slice %arg6[%add3A_1228, %dma_wait3A_1245] : memref<200x128xi32, #tpu.memory_space<vmem>> -> memref<1x64xi32, #tpu.memory_space<vmem>>
      %dma_wait3A_1247 = tpu.memref_squeeze %dma_wait3A_1246 : memref<1x64xi32, #tpu.memory_space<vmem>> -> memref<64xi32, #tpu.memory_space<vmem>>
      %dma_wait3A_1248 = arith.constant 0 : i32
      %dma_wait3A_1249 = arith.constant 0 : i32
      %dma_wait3A_1250 = tpu.memref_slice %arg4[%dma_wait3A_1248, %dma_wait3A_1249] : memref<1048576x32xf32, #tpu.memory_space<hbm>> -> memref<1048576x32xf32, #tpu.memory_space<hbm>>
      tpu.wait_indirect_dma semaphore(%arg16 : memref<!tpu.dma_semaphore, #tpu.memory_space<semaphore_mem>>) src(%dma_wait3A_1250 : memref<1048576x32xf32, #tpu.memory_space<hbm>>) dst(%dma_wait3A_1244 : memref<64x32xf32, #tpu.memory_space<vmem>>)
      %dma_start3A_1251 = arith.constant 5 : i32
      %dma_start3A_1252 = arith.constant 0 : i32
      %dma_start3A_1253 = arith.constant 0 : i32
      %dma_start3A_1254 = tpu.memref_slice %arg8[%dma_start3A_1251, %dma_start3A_1252, %dma_start3A_1253] : memref<10x128x32xf32, #tpu.memory_space<vmem>> -> memref<1x64x32xf32, #tpu.memory_space<vmem>>
      %dma_start3A_1255 = tpu.memref_squeeze %dma_start3A_1254 : memref<1x64x32xf32, #tpu.memory_space<vmem>> -> memref<64x32xf32, #tpu.memory_space<vmem>>
      %dma_start3A_1256 = arith.constant 0 : i32
      %dma_start3A_1257 = tpu.memref_slice %arg6[%add3A_1228, %dma_start3A_1256] : memref<200x128xi32, #tpu.memory_space<vmem>> -> memref<1x64xi32, #tpu.memory_space<vmem>>
      %dma_start3A_1258 = tpu.memref_squeeze %dma_start3A_1257 : memref<1x64xi32, #tpu.memory_space<vmem>> -> memref<64xi32, #tpu.memory_space<vmem>>
      %dma_start3A_1259 = arith.constant 0 : i32
      %dma_start3A_1260 = arith.constant 0 : i32
      %dma_start3A_1261 = tpu.memref_slice %arg4[%dma_start3A_1259, %dma_start3A_1260] : memref<1048576x32xf32, #tpu.memory_space<hbm>> -> memref<1048576x32xf32, #tpu.memory_space<hbm>>
      tpu.enqueue_indirect_dma source(%dma_start3A_1261 : memref<1048576x32xf32, #tpu.memory_space<hbm>>) target(%dma_start3A_1255 : memref<64x32xf32, #tpu.memory_space<vmem>>) offsets(%dma_start3A_1258 : memref<64xi32, #tpu.memory_space<vmem>>) semaphore(%arg16 : memref<!tpu.dma_semaphore, #tpu.memory_space<semaphore_mem>>) {add = true}
      %dma_start3A_1262 = arith.constant 5 : i32
      %dma_start3A_1263 = arith.constant 64 : i32
      %dma_start3A_1264 = arith.constant 0 : i32
      %dma_start3A_1265 = tpu.memref_slice %arg8[%dma_start3A_1262, %dma_start3A_1263, %dma_start3A_1264] : memref<10x128x32xf32, #tpu.memory_space<vmem>> -> memref<1x64x32xf32, #tpu.memory_space<vmem>>
      %dma_start3A_1266 = tpu.memref_squeeze %dma_start3A_1265 : memref<1x64x32xf32, #tpu.memory_space<vmem>> -> memref<64x32xf32, #tpu.memory_space<vmem>>
      %dma_start3A_1267 = arith.constant 64 : i32
      %dma_start3A_1268 = tpu.memref_slice %arg6[%add3A_1228, %dma_start3A_1267] : memref<200x128xi32, #tpu.memory_space<vmem>> -> memref<1x64xi32, #tpu.memory_space<vmem>>
      %dma_start3A_1269 = tpu.memref_squeeze %dma_start3A_1268 : memref<1x64xi32, #tpu.memory_space<vmem>> -> memref<64xi32, #tpu.memory_space<vmem>>
      %dma_start3A_1270 = arith.constant 0 : i32
      %dma_start3A_1271 = arith.constant 0 : i32
      %dma_start3A_1272 = tpu.memref_slice %arg4[%dma_start3A_1270, %dma_start3A_1271] : memref<1048576x32xf32, #tpu.memory_space<hbm>> -> memref<1048576x32xf32, #tpu.memory_space<hbm>>
      tpu.enqueue_indirect_dma source(%dma_start3A_1272 : memref<1048576x32xf32, #tpu.memory_space<hbm>>) target(%dma_start3A_1266 : memref<64x32xf32, #tpu.memory_space<vmem>>) offsets(%dma_start3A_1269 : memref<64xi32, #tpu.memory_space<vmem>>) semaphore(%arg16 : memref<!tpu.dma_semaphore, #tpu.memory_space<semaphore_mem>>) {add = true}
      %mul3A_1273 = arith.constant 10 : i32
      %mul3A_1274 = arith.muli %scan3A_984, %mul3A_1273 : i32
      %add3A_1275 = arith.constant 6 : i32
      %add3A_1276 = arith.addi %mul3A_1274, %add3A_1275 : i32
      %dma_wait3A_1277 = arith.constant 6 : i32
      %dma_wait3A_1278 = arith.constant 0 : i32
      %dma_wait3A_1279 = arith.constant 0 : i32
      %dma_wait3A_1280 = tpu.memref_slice %arg8[%dma_wait3A_1277, %dma_wait3A_1278, %dma_wait3A_1279] : memref<10x128x32xf32, #tpu.memory_space<vmem>> -> memref<1x64x32xf32, #tpu.memory_space<vmem>>
      %dma_wait3A_1281 = tpu.memref_squeeze %dma_wait3A_1280 : memref<1x64x32xf32, #tpu.memory_space<vmem>> -> memref<64x32xf32, #tpu.memory_space<vmem>>
      %dma_wait3A_1282 = arith.constant 0 : i32
      %dma_wait3A_1283 = tpu.memref_slice %arg6[%add3A_1276, %dma_wait3A_1282] : memref<200x128xi32, #tpu.memory_space<vmem>> -> memref<1x64xi32, #tpu.memory_space<vmem>>
      %dma_wait3A_1284 = tpu.memref_squeeze %dma_wait3A_1283 : memref<1x64xi32, #tpu.memory_space<vmem>> -> memref<64xi32, #tpu.memory_space<vmem>>
      %dma_wait3A_1285 = arith.constant 0 : i32
      %dma_wait3A_1286 = arith.constant 0 : i32
      %dma_wait3A_1287 = tpu.memref_slice %arg4[%dma_wait3A_1285, %dma_wait3A_1286] : memref<1048576x32xf32, #tpu.memory_space<hbm>> -> memref<1048576x32xf32, #tpu.memory_space<hbm>>
      tpu.wait_indirect_dma semaphore(%arg17 : memref<!tpu.dma_semaphore, #tpu.memory_space<semaphore_mem>>) src(%dma_wait3A_1287 : memref<1048576x32xf32, #tpu.memory_space<hbm>>) dst(%dma_wait3A_1281 : memref<64x32xf32, #tpu.memory_space<vmem>>)
      %dma_wait3A_1288 = arith.constant 6 : i32
      %dma_wait3A_1289 = arith.constant 64 : i32
      %dma_wait3A_1290 = arith.constant 0 : i32
      %dma_wait3A_1291 = tpu.memref_slice %arg8[%dma_wait3A_1288, %dma_wait3A_1289, %dma_wait3A_1290] : memref<10x128x32xf32, #tpu.memory_space<vmem>> -> memref<1x64x32xf32, #tpu.memory_space<vmem>>
      %dma_wait3A_1292 = tpu.memref_squeeze %dma_wait3A_1291 : memref<1x64x32xf32, #tpu.memory_space<vmem>> -> memref<64x32xf32, #tpu.memory_space<vmem>>
      %dma_wait3A_1293 = arith.constant 64 : i32
      %dma_wait3A_1294 = tpu.memref_slice %arg6[%add3A_1276, %dma_wait3A_1293] : memref<200x128xi32, #tpu.memory_space<vmem>> -> memref<1x64xi32, #tpu.memory_space<vmem>>
      %dma_wait3A_1295 = tpu.memref_squeeze %dma_wait3A_1294 : memref<1x64xi32, #tpu.memory_space<vmem>> -> memref<64xi32, #tpu.memory_space<vmem>>
      %dma_wait3A_1296 = arith.constant 0 : i32
      %dma_wait3A_1297 = arith.constant 0 : i32
      %dma_wait3A_1298 = tpu.memref_slice %arg4[%dma_wait3A_1296, %dma_wait3A_1297] : memref<1048576x32xf32, #tpu.memory_space<hbm>> -> memref<1048576x32xf32, #tpu.memory_space<hbm>>
      tpu.wait_indirect_dma semaphore(%arg17 : memref<!tpu.dma_semaphore, #tpu.memory_space<semaphore_mem>>) src(%dma_wait3A_1298 : memref<1048576x32xf32, #tpu.memory_space<hbm>>) dst(%dma_wait3A_1292 : memref<64x32xf32, #tpu.memory_space<vmem>>)
      %dma_start3A_1299 = arith.constant 6 : i32
      %dma_start3A_1300 = arith.constant 0 : i32
      %dma_start3A_1301 = arith.constant 0 : i32
      %dma_start3A_1302 = tpu.memref_slice %arg8[%dma_start3A_1299, %dma_start3A_1300, %dma_start3A_1301] : memref<10x128x32xf32, #tpu.memory_space<vmem>> -> memref<1x64x32xf32, #tpu.memory_space<vmem>>
      %dma_start3A_1303 = tpu.memref_squeeze %dma_start3A_1302 : memref<1x64x32xf32, #tpu.memory_space<vmem>> -> memref<64x32xf32, #tpu.memory_space<vmem>>
      %dma_start3A_1304 = arith.constant 0 : i32
      %dma_start3A_1305 = tpu.memref_slice %arg6[%add3A_1276, %dma_start3A_1304] : memref<200x128xi32, #tpu.memory_space<vmem>> -> memref<1x64xi32, #tpu.memory_space<vmem>>
      %dma_start3A_1306 = tpu.memref_squeeze %dma_start3A_1305 : memref<1x64xi32, #tpu.memory_space<vmem>> -> memref<64xi32, #tpu.memory_space<vmem>>
      %dma_start3A_1307 = arith.constant 0 : i32
      %dma_start3A_1308 = arith.constant 0 : i32
      %dma_start3A_1309 = tpu.memref_slice %arg4[%dma_start3A_1307, %dma_start3A_1308] : memref<1048576x32xf32, #tpu.memory_space<hbm>> -> memref<1048576x32xf32, #tpu.memory_space<hbm>>
      tpu.enqueue_indirect_dma source(%dma_start3A_1309 : memref<1048576x32xf32, #tpu.memory_space<hbm>>) target(%dma_start3A_1303 : memref<64x32xf32, #tpu.memory_space<vmem>>) offsets(%dma_start3A_1306 : memref<64xi32, #tpu.memory_space<vmem>>) semaphore(%arg17 : memref<!tpu.dma_semaphore, #tpu.memory_space<semaphore_mem>>) {add = true}
      %dma_start3A_1310 = arith.constant 6 : i32
      %dma_start3A_1311 = arith.constant 64 : i32
      %dma_start3A_1312 = arith.constant 0 : i32
      %dma_start3A_1313 = tpu.memref_slice %arg8[%dma_start3A_1310, %dma_start3A_1311, %dma_start3A_1312] : memref<10x128x32xf32, #tpu.memory_space<vmem>> -> memref<1x64x32xf32, #tpu.memory_space<vmem>>
      %dma_start3A_1314 = tpu.memref_squeeze %dma_start3A_1313 : memref<1x64x32xf32, #tpu.memory_space<vmem>> -> memref<64x32xf32, #tpu.memory_space<vmem>>
      %dma_start3A_1315 = arith.constant 64 : i32
      %dma_start3A_1316 = tpu.memref_slice %arg6[%add3A_1276, %dma_start3A_1315] : memref<200x128xi32, #tpu.memory_space<vmem>> -> memref<1x64xi32, #tpu.memory_space<vmem>>
      %dma_start3A_1317 = tpu.memref_squeeze %dma_start3A_1316 : memref<1x64xi32, #tpu.memory_space<vmem>> -> memref<64xi32, #tpu.memory_space<vmem>>
      %dma_start3A_1318 = arith.constant 0 : i32
      %dma_start3A_1319 = arith.constant 0 : i32
      %dma_start3A_1320 = tpu.memref_slice %arg4[%dma_start3A_1318, %dma_start3A_1319] : memref<1048576x32xf32, #tpu.memory_space<hbm>> -> memref<1048576x32xf32, #tpu.memory_space<hbm>>
      tpu.enqueue_indirect_dma source(%dma_start3A_1320 : memref<1048576x32xf32, #tpu.memory_space<hbm>>) target(%dma_start3A_1314 : memref<64x32xf32, #tpu.memory_space<vmem>>) offsets(%dma_start3A_1317 : memref<64xi32, #tpu.memory_space<vmem>>) semaphore(%arg17 : memref<!tpu.dma_semaphore, #tpu.memory_space<semaphore_mem>>) {add = true}
      %mul3A_1321 = arith.constant 10 : i32
      %mul3A_1322 = arith.muli %scan3A_984, %mul3A_1321 : i32
      %add3A_1323 = arith.constant 7 : i32
      %add3A_1324 = arith.addi %mul3A_1322, %add3A_1323 : i32
      %dma_wait3A_1325 = arith.constant 7 : i32
      %dma_wait3A_1326 = arith.constant 0 : i32
      %dma_wait3A_1327 = arith.constant 0 : i32
      %dma_wait3A_1328 = tpu.memref_slice %arg8[%dma_wait3A_1325, %dma_wait3A_1326, %dma_wait3A_1327] : memref<10x128x32xf32, #tpu.memory_space<vmem>> -> memref<1x64x32xf32, #tpu.memory_space<vmem>>
      %dma_wait3A_1329 = tpu.memref_squeeze %dma_wait3A_1328 : memref<1x64x32xf32, #tpu.memory_space<vmem>> -> memref<64x32xf32, #tpu.memory_space<vmem>>
      %dma_wait3A_1330 = arith.constant 0 : i32
      %dma_wait3A_1331 = tpu.memref_slice %arg6[%add3A_1324, %dma_wait3A_1330] : memref<200x128xi32, #tpu.memory_space<vmem>> -> memref<1x64xi32, #tpu.memory_space<vmem>>
      %dma_wait3A_1332 = tpu.memref_squeeze %dma_wait3A_1331 : memref<1x64xi32, #tpu.memory_space<vmem>> -> memref<64xi32, #tpu.memory_space<vmem>>
      %dma_wait3A_1333 = arith.constant 0 : i32
      %dma_wait3A_1334 = arith.constant 0 : i32
      %dma_wait3A_1335 = tpu.memref_slice %arg4[%dma_wait3A_1333, %dma_wait3A_1334] : memref<1048576x32xf32, #tpu.memory_space<hbm>> -> memref<1048576x32xf32, #tpu.memory_space<hbm>>
      tpu.wait_indirect_dma semaphore(%arg18 : memref<!tpu.dma_semaphore, #tpu.memory_space<semaphore_mem>>) src(%dma_wait3A_1335 : memref<1048576x32xf32, #tpu.memory_space<hbm>>) dst(%dma_wait3A_1329 : memref<64x32xf32, #tpu.memory_space<vmem>>)
      %dma_wait3A_1336 = arith.constant 7 : i32
      %dma_wait3A_1337 = arith.constant 64 : i32
      %dma_wait3A_1338 = arith.constant 0 : i32
      %dma_wait3A_1339 = tpu.memref_slice %arg8[%dma_wait3A_1336, %dma_wait3A_1337, %dma_wait3A_1338] : memref<10x128x32xf32, #tpu.memory_space<vmem>> -> memref<1x64x32xf32, #tpu.memory_space<vmem>>
      %dma_wait3A_1340 = tpu.memref_squeeze %dma_wait3A_1339 : memref<1x64x32xf32, #tpu.memory_space<vmem>> -> memref<64x32xf32, #tpu.memory_space<vmem>>
      %dma_wait3A_1341 = arith.constant 64 : i32
      %dma_wait3A_1342 = tpu.memref_slice %arg6[%add3A_1324, %dma_wait3A_1341] : memref<200x128xi32, #tpu.memory_space<vmem>> -> memref<1x64xi32, #tpu.memory_space<vmem>>
      %dma_wait3A_1343 = tpu.memref_squeeze %dma_wait3A_1342 : memref<1x64xi32, #tpu.memory_space<vmem>> -> memref<64xi32, #tpu.memory_space<vmem>>
      %dma_wait3A_1344 = arith.constant 0 : i32
      %dma_wait3A_1345 = arith.constant 0 : i32
      %dma_wait3A_1346 = tpu.memref_slice %arg4[%dma_wait3A_1344, %dma_wait3A_1345] : memref<1048576x32xf32, #tpu.memory_space<hbm>> -> memref<1048576x32xf32, #tpu.memory_space<hbm>>
      tpu.wait_indirect_dma semaphore(%arg18 : memref<!tpu.dma_semaphore, #tpu.memory_space<semaphore_mem>>) src(%dma_wait3A_1346 : memref<1048576x32xf32, #tpu.memory_space<hbm>>) dst(%dma_wait3A_1340 : memref<64x32xf32, #tpu.memory_space<vmem>>)
      %dma_start3A_1347 = arith.constant 7 : i32
      %dma_start3A_1348 = arith.constant 0 : i32
      %dma_start3A_1349 = arith.constant 0 : i32
      %dma_start3A_1350 = tpu.memref_slice %arg8[%dma_start3A_1347, %dma_start3A_1348, %dma_start3A_1349] : memref<10x128x32xf32, #tpu.memory_space<vmem>> -> memref<1x64x32xf32, #tpu.memory_space<vmem>>
      %dma_start3A_1351 = tpu.memref_squeeze %dma_start3A_1350 : memref<1x64x32xf32, #tpu.memory_space<vmem>> -> memref<64x32xf32, #tpu.memory_space<vmem>>
      %dma_start3A_1352 = arith.constant 0 : i32
      %dma_start3A_1353 = tpu.memref_slice %arg6[%add3A_1324, %dma_start3A_1352] : memref<200x128xi32, #tpu.memory_space<vmem>> -> memref<1x64xi32, #tpu.memory_space<vmem>>
      %dma_start3A_1354 = tpu.memref_squeeze %dma_start3A_1353 : memref<1x64xi32, #tpu.memory_space<vmem>> -> memref<64xi32, #tpu.memory_space<vmem>>
      %dma_start3A_1355 = arith.constant 0 : i32
      %dma_start3A_1356 = arith.constant 0 : i32
      %dma_start3A_1357 = tpu.memref_slice %arg4[%dma_start3A_1355, %dma_start3A_1356] : memref<1048576x32xf32, #tpu.memory_space<hbm>> -> memref<1048576x32xf32, #tpu.memory_space<hbm>>
      tpu.enqueue_indirect_dma source(%dma_start3A_1357 : memref<1048576x32xf32, #tpu.memory_space<hbm>>) target(%dma_start3A_1351 : memref<64x32xf32, #tpu.memory_space<vmem>>) offsets(%dma_start3A_1354 : memref<64xi32, #tpu.memory_space<vmem>>) semaphore(%arg18 : memref<!tpu.dma_semaphore, #tpu.memory_space<semaphore_mem>>) {add = true}
      %dma_start3A_1358 = arith.constant 7 : i32
      %dma_start3A_1359 = arith.constant 64 : i32
      %dma_start3A_1360 = arith.constant 0 : i32
      %dma_start3A_1361 = tpu.memref_slice %arg8[%dma_start3A_1358, %dma_start3A_1359, %dma_start3A_1360] : memref<10x128x32xf32, #tpu.memory_space<vmem>> -> memref<1x64x32xf32, #tpu.memory_space<vmem>>
      %dma_start3A_1362 = tpu.memref_squeeze %dma_start3A_1361 : memref<1x64x32xf32, #tpu.memory_space<vmem>> -> memref<64x32xf32, #tpu.memory_space<vmem>>
      %dma_start3A_1363 = arith.constant 64 : i32
      %dma_start3A_1364 = tpu.memref_slice %arg6[%add3A_1324, %dma_start3A_1363] : memref<200x128xi32, #tpu.memory_space<vmem>> -> memref<1x64xi32, #tpu.memory_space<vmem>>
      %dma_start3A_1365 = tpu.memref_squeeze %dma_start3A_1364 : memref<1x64xi32, #tpu.memory_space<vmem>> -> memref<64xi32, #tpu.memory_space<vmem>>
      %dma_start3A_1366 = arith.constant 0 : i32
      %dma_start3A_1367 = arith.constant 0 : i32
      %dma_start3A_1368 = tpu.memref_slice %arg4[%dma_start3A_1366, %dma_start3A_1367] : memref<1048576x32xf32, #tpu.memory_space<hbm>> -> memref<1048576x32xf32, #tpu.memory_space<hbm>>
      tpu.enqueue_indirect_dma source(%dma_start3A_1368 : memref<1048576x32xf32, #tpu.memory_space<hbm>>) target(%dma_start3A_1362 : memref<64x32xf32, #tpu.memory_space<vmem>>) offsets(%dma_start3A_1365 : memref<64xi32, #tpu.memory_space<vmem>>) semaphore(%arg18 : memref<!tpu.dma_semaphore, #tpu.memory_space<semaphore_mem>>) {add = true}
      %mul3A_1369 = arith.constant 10 : i32
      %mul3A_1370 = arith.muli %scan3A_984, %mul3A_1369 : i32
      %add3A_1371 = arith.constant 8 : i32
      %add3A_1372 = arith.addi %mul3A_1370, %add3A_1371 : i32
      %dma_wait3A_1373 = arith.constant 8 : i32
      %dma_wait3A_1374 = arith.constant 0 : i32
      %dma_wait3A_1375 = arith.constant 0 : i32
      %dma_wait3A_1376 = tpu.memref_slice %arg8[%dma_wait3A_1373, %dma_wait3A_1374, %dma_wait3A_1375] : memref<10x128x32xf32, #tpu.memory_space<vmem>> -> memref<1x64x32xf32, #tpu.memory_space<vmem>>
      %dma_wait3A_1377 = tpu.memref_squeeze %dma_wait3A_1376 : memref<1x64x32xf32, #tpu.memory_space<vmem>> -> memref<64x32xf32, #tpu.memory_space<vmem>>
      %dma_wait3A_1378 = arith.constant 0 : i32
      %dma_wait3A_1379 = tpu.memref_slice %arg6[%add3A_1372, %dma_wait3A_1378] : memref<200x128xi32, #tpu.memory_space<vmem>> -> memref<1x64xi32, #tpu.memory_space<vmem>>
      %dma_wait3A_1380 = tpu.memref_squeeze %dma_wait3A_1379 : memref<1x64xi32, #tpu.memory_space<vmem>> -> memref<64xi32, #tpu.memory_space<vmem>>
      %dma_wait3A_1381 = arith.constant 0 : i32
      %dma_wait3A_1382 = arith.constant 0 : i32
      %dma_wait3A_1383 = tpu.memref_slice %arg4[%dma_wait3A_1381, %dma_wait3A_1382] : memref<1048576x32xf32, #tpu.memory_space<hbm>> -> memref<1048576x32xf32, #tpu.memory_space<hbm>>
      tpu.wait_indirect_dma semaphore(%arg19 : memref<!tpu.dma_semaphore, #tpu.memory_space<semaphore_mem>>) src(%dma_wait3A_1383 : memref<1048576x32xf32, #tpu.memory_space<hbm>>) dst(%dma_wait3A_1377 : memref<64x32xf32, #tpu.memory_space<vmem>>)
      %dma_wait3A_1384 = arith.constant 8 : i32
      %dma_wait3A_1385 = arith.constant 64 : i32
      %dma_wait3A_1386 = arith.constant 0 : i32
      %dma_wait3A_1387 = tpu.memref_slice %arg8[%dma_wait3A_1384, %dma_wait3A_1385, %dma_wait3A_1386] : memref<10x128x32xf32, #tpu.memory_space<vmem>> -> memref<1x64x32xf32, #tpu.memory_space<vmem>>
      %dma_wait3A_1388 = tpu.memref_squeeze %dma_wait3A_1387 : memref<1x64x32xf32, #tpu.memory_space<vmem>> -> memref<64x32xf32, #tpu.memory_space<vmem>>
      %dma_wait3A_1389 = arith.constant 64 : i32
      %dma_wait3A_1390 = tpu.memref_slice %arg6[%add3A_1372, %dma_wait3A_1389] : memref<200x128xi32, #tpu.memory_space<vmem>> -> memref<1x64xi32, #tpu.memory_space<vmem>>
      %dma_wait3A_1391 = tpu.memref_squeeze %dma_wait3A_1390 : memref<1x64xi32, #tpu.memory_space<vmem>> -> memref<64xi32, #tpu.memory_space<vmem>>
      %dma_wait3A_1392 = arith.constant 0 : i32
      %dma_wait3A_1393 = arith.constant 0 : i32
      %dma_wait3A_1394 = tpu.memref_slice %arg4[%dma_wait3A_1392, %dma_wait3A_1393] : memref<1048576x32xf32, #tpu.memory_space<hbm>> -> memref<1048576x32xf32, #tpu.memory_space<hbm>>
      tpu.wait_indirect_dma semaphore(%arg19 : memref<!tpu.dma_semaphore, #tpu.memory_space<semaphore_mem>>) src(%dma_wait3A_1394 : memref<1048576x32xf32, #tpu.memory_space<hbm>>) dst(%dma_wait3A_1388 : memref<64x32xf32, #tpu.memory_space<vmem>>)
      %dma_start3A_1395 = arith.constant 8 : i32
      %dma_start3A_1396 = arith.constant 0 : i32
      %dma_start3A_1397 = arith.constant 0 : i32
      %dma_start3A_1398 = tpu.memref_slice %arg8[%dma_start3A_1395, %dma_start3A_1396, %dma_start3A_1397] : memref<10x128x32xf32, #tpu.memory_space<vmem>> -> memref<1x64x32xf32, #tpu.memory_space<vmem>>
      %dma_start3A_1399 = tpu.memref_squeeze %dma_start3A_1398 : memref<1x64x32xf32, #tpu.memory_space<vmem>> -> memref<64x32xf32, #tpu.memory_space<vmem>>
      %dma_start3A_1400 = arith.constant 0 : i32
      %dma_start3A_1401 = tpu.memref_slice %arg6[%add3A_1372, %dma_start3A_1400] : memref<200x128xi32, #tpu.memory_space<vmem>> -> memref<1x64xi32, #tpu.memory_space<vmem>>
      %dma_start3A_1402 = tpu.memref_squeeze %dma_start3A_1401 : memref<1x64xi32, #tpu.memory_space<vmem>> -> memref<64xi32, #tpu.memory_space<vmem>>
      %dma_start3A_1403 = arith.constant 0 : i32
      %dma_start3A_1404 = arith.constant 0 : i32
      %dma_start3A_1405 = tpu.memref_slice %arg4[%dma_start3A_1403, %dma_start3A_1404] : memref<1048576x32xf32, #tpu.memory_space<hbm>> -> memref<1048576x32xf32, #tpu.memory_space<hbm>>
      tpu.enqueue_indirect_dma source(%dma_start3A_1405 : memref<1048576x32xf32, #tpu.memory_space<hbm>>) target(%dma_start3A_1399 : memref<64x32xf32, #tpu.memory_space<vmem>>) offsets(%dma_start3A_1402 : memref<64xi32, #tpu.memory_space<vmem>>) semaphore(%arg19 : memref<!tpu.dma_semaphore, #tpu.memory_space<semaphore_mem>>) {add = true}
      %dma_start3A_1406 = arith.constant 8 : i32
      %dma_start3A_1407 = arith.constant 64 : i32
      %dma_start3A_1408 = arith.constant 0 : i32
      %dma_start3A_1409 = tpu.memref_slice %arg8[%dma_start3A_1406, %dma_start3A_1407, %dma_start3A_1408] : memref<10x128x32xf32, #tpu.memory_space<vmem>> -> memref<1x64x32xf32, #tpu.memory_space<vmem>>
      %dma_start3A_1410 = tpu.memref_squeeze %dma_start3A_1409 : memref<1x64x32xf32, #tpu.memory_space<vmem>> -> memref<64x32xf32, #tpu.memory_space<vmem>>
      %dma_start3A_1411 = arith.constant 64 : i32
      %dma_start3A_1412 = tpu.memref_slice %arg6[%add3A_1372, %dma_start3A_1411] : memref<200x128xi32, #tpu.memory_space<vmem>> -> memref<1x64xi32, #tpu.memory_space<vmem>>
      %dma_start3A_1413 = tpu.memref_squeeze %dma_start3A_1412 : memref<1x64xi32, #tpu.memory_space<vmem>> -> memref<64xi32, #tpu.memory_space<vmem>>
      %dma_start3A_1414 = arith.constant 0 : i32
      %dma_start3A_1415 = arith.constant 0 : i32
      %dma_start3A_1416 = tpu.memref_slice %arg4[%dma_start3A_1414, %dma_start3A_1415] : memref<1048576x32xf32, #tpu.memory_space<hbm>> -> memref<1048576x32xf32, #tpu.memory_space<hbm>>
      tpu.enqueue_indirect_dma source(%dma_start3A_1416 : memref<1048576x32xf32, #tpu.memory_space<hbm>>) target(%dma_start3A_1410 : memref<64x32xf32, #tpu.memory_space<vmem>>) offsets(%dma_start3A_1413 : memref<64xi32, #tpu.memory_space<vmem>>) semaphore(%arg19 : memref<!tpu.dma_semaphore, #tpu.memory_space<semaphore_mem>>) {add = true}
      %mul3A_1417 = arith.constant 10 : i32
      %mul3A_1418 = arith.muli %scan3A_984, %mul3A_1417 : i32
      %add3A_1419 = arith.constant 9 : i32
      %add3A_1420 = arith.addi %mul3A_1418, %add3A_1419 : i32
      %dma_wait3A_1421 = arith.constant 9 : i32
      %dma_wait3A_1422 = arith.constant 0 : i32
      %dma_wait3A_1423 = arith.constant 0 : i32
      %dma_wait3A_1424 = tpu.memref_slice %arg8[%dma_wait3A_1421, %dma_wait3A_1422, %dma_wait3A_1423] : memref<10x128x32xf32, #tpu.memory_space<vmem>> -> memref<1x64x32xf32, #tpu.memory_space<vmem>>
      %dma_wait3A_1425 = tpu.memref_squeeze %dma_wait3A_1424 : memref<1x64x32xf32, #tpu.memory_space<vmem>> -> memref<64x32xf32, #tpu.memory_space<vmem>>
      %dma_wait3A_1426 = arith.constant 0 : i32
      %dma_wait3A_1427 = tpu.memref_slice %arg6[%add3A_1420, %dma_wait3A_1426] : memref<200x128xi32, #tpu.memory_space<vmem>> -> memref<1x64xi32, #tpu.memory_space<vmem>>
      %dma_wait3A_1428 = tpu.memref_squeeze %dma_wait3A_1427 : memref<1x64xi32, #tpu.memory_space<vmem>> -> memref<64xi32, #tpu.memory_space<vmem>>
      %dma_wait3A_1429 = arith.constant 0 : i32
      %dma_wait3A_1430 = arith.constant 0 : i32
      %dma_wait3A_1431 = tpu.memref_slice %arg4[%dma_wait3A_1429, %dma_wait3A_1430] : memref<1048576x32xf32, #tpu.memory_space<hbm>> -> memref<1048576x32xf32, #tpu.memory_space<hbm>>
      tpu.wait_indirect_dma semaphore(%arg20 : memref<!tpu.dma_semaphore, #tpu.memory_space<semaphore_mem>>) src(%dma_wait3A_1431 : memref<1048576x32xf32, #tpu.memory_space<hbm>>) dst(%dma_wait3A_1425 : memref<64x32xf32, #tpu.memory_space<vmem>>)
      %dma_wait3A_1432 = arith.constant 9 : i32
      %dma_wait3A_1433 = arith.constant 64 : i32
      %dma_wait3A_1434 = arith.constant 0 : i32
      %dma_wait3A_1435 = tpu.memref_slice %arg8[%dma_wait3A_1432, %dma_wait3A_1433, %dma_wait3A_1434] : memref<10x128x32xf32, #tpu.memory_space<vmem>> -> memref<1x64x32xf32, #tpu.memory_space<vmem>>
      %dma_wait3A_1436 = tpu.memref_squeeze %dma_wait3A_1435 : memref<1x64x32xf32, #tpu.memory_space<vmem>> -> memref<64x32xf32, #tpu.memory_space<vmem>>
      %dma_wait3A_1437 = arith.constant 64 : i32
      %dma_wait3A_1438 = tpu.memref_slice %arg6[%add3A_1420, %dma_wait3A_1437] : memref<200x128xi32, #tpu.memory_space<vmem>> -> memref<1x64xi32, #tpu.memory_space<vmem>>
      %dma_wait3A_1439 = tpu.memref_squeeze %dma_wait3A_1438 : memref<1x64xi32, #tpu.memory_space<vmem>> -> memref<64xi32, #tpu.memory_space<vmem>>
      %dma_wait3A_1440 = arith.constant 0 : i32
      %dma_wait3A_1441 = arith.constant 0 : i32
      %dma_wait3A_1442 = tpu.memref_slice %arg4[%dma_wait3A_1440, %dma_wait3A_1441] : memref<1048576x32xf32, #tpu.memory_space<hbm>> -> memref<1048576x32xf32, #tpu.memory_space<hbm>>
      tpu.wait_indirect_dma semaphore(%arg20 : memref<!tpu.dma_semaphore, #tpu.memory_space<semaphore_mem>>) src(%dma_wait3A_1442 : memref<1048576x32xf32, #tpu.memory_space<hbm>>) dst(%dma_wait3A_1436 : memref<64x32xf32, #tpu.memory_space<vmem>>)
      %dma_start3A_1443 = arith.constant 9 : i32
      %dma_start3A_1444 = arith.constant 0 : i32
      %dma_start3A_1445 = arith.constant 0 : i32
      %dma_start3A_1446 = tpu.memref_slice %arg8[%dma_start3A_1443, %dma_start3A_1444, %dma_start3A_1445] : memref<10x128x32xf32, #tpu.memory_space<vmem>> -> memref<1x64x32xf32, #tpu.memory_space<vmem>>
      %dma_start3A_1447 = tpu.memref_squeeze %dma_start3A_1446 : memref<1x64x32xf32, #tpu.memory_space<vmem>> -> memref<64x32xf32, #tpu.memory_space<vmem>>
      %dma_start3A_1448 = arith.constant 0 : i32
      %dma_start3A_1449 = tpu.memref_slice %arg6[%add3A_1420, %dma_start3A_1448] : memref<200x128xi32, #tpu.memory_space<vmem>> -> memref<1x64xi32, #tpu.memory_space<vmem>>
      %dma_start3A_1450 = tpu.memref_squeeze %dma_start3A_1449 : memref<1x64xi32, #tpu.memory_space<vmem>> -> memref<64xi32, #tpu.memory_space<vmem>>
      %dma_start3A_1451 = arith.constant 0 : i32
      %dma_start3A_1452 = arith.constant 0 : i32
      %dma_start3A_1453 = tpu.memref_slice %arg4[%dma_start3A_1451, %dma_start3A_1452] : memref<1048576x32xf32, #tpu.memory_space<hbm>> -> memref<1048576x32xf32, #tpu.memory_space<hbm>>
      tpu.enqueue_indirect_dma source(%dma_start3A_1453 : memref<1048576x32xf32, #tpu.memory_space<hbm>>) target(%dma_start3A_1447 : memref<64x32xf32, #tpu.memory_space<vmem>>) offsets(%dma_start3A_1450 : memref<64xi32, #tpu.memory_space<vmem>>) semaphore(%arg20 : memref<!tpu.dma_semaphore, #tpu.memory_space<semaphore_mem>>) {add = true}
      %dma_start3A_1454 = arith.constant 9 : i32
      %dma_start3A_1455 = arith.constant 64 : i32
      %dma_start3A_1456 = arith.constant 0 : i32
      %dma_start3A_1457 = tpu.memref_slice %arg8[%dma_start3A_1454, %dma_start3A_1455, %dma_start3A_1456] : memref<10x128x32xf32, #tpu.memory_space<vmem>> -> memref<1x64x32xf32, #tpu.memory_space<vmem>>
      %dma_start3A_1458 = tpu.memref_squeeze %dma_start3A_1457 : memref<1x64x32xf32, #tpu.memory_space<vmem>> -> memref<64x32xf32, #tpu.memory_space<vmem>>
      %dma_start3A_1459 = arith.constant 64 : i32
      %dma_start3A_1460 = tpu.memref_slice %arg6[%add3A_1420, %dma_start3A_1459] : memref<200x128xi32, #tpu.memory_space<vmem>> -> memref<1x64xi32, #tpu.memory_space<vmem>>
      %dma_start3A_1461 = tpu.memref_squeeze %dma_start3A_1460 : memref<1x64xi32, #tpu.memory_space<vmem>> -> memref<64xi32, #tpu.memory_space<vmem>>
      %dma_start3A_1462 = arith.constant 0 : i32
      %dma_start3A_1463 = arith.constant 0 : i32
      %dma_start3A_1464 = tpu.memref_slice %arg4[%dma_start3A_1462, %dma_start3A_1463] : memref<1048576x32xf32, #tpu.memory_space<hbm>> -> memref<1048576x32xf32, #tpu.memory_space<hbm>>
      tpu.enqueue_indirect_dma source(%dma_start3A_1464 : memref<1048576x32xf32, #tpu.memory_space<hbm>>) target(%dma_start3A_1458 : memref<64x32xf32, #tpu.memory_space<vmem>>) offsets(%dma_start3A_1461 : memref<64xi32, #tpu.memory_space<vmem>>) semaphore(%arg20 : memref<!tpu.dma_semaphore, #tpu.memory_space<semaphore_mem>>) {add = true}
    }
    %scan3A_246 = arith.constant 19 : i32
    %dma_start3A_247 = arith.constant 0 : i32
    %dma_start3A_248 = arith.constant 0 : i32
    %dma_start3A_249 = arith.constant 0 : i32
    %dma_start3A_250 = arith.constant 0 : i32
    %dma_start3A_251 = tpu.memref_slice %arg9[%dma_start3A_248, %dma_start3A_249, %dma_start3A_250] : memref<10x128x32xf32, #tpu.memory_space<vmem>> -> memref<1x64x32xf32, #tpu.memory_space<vmem>>
    %dma_start3A_252 = tpu.memref_squeeze %dma_start3A_251 : memref<1x64x32xf32, #tpu.memory_space<vmem>> -> memref<64x32xf32, #tpu.memory_space<vmem>>
    %dma_start3A_253 = arith.constant 0 : i32
    %dma_start3A_254 = tpu.memref_slice %arg7[%dma_start3A_247, %dma_start3A_253] : memref<50x128xi32, #tpu.memory_space<vmem>> -> memref<1x64xi32, #tpu.memory_space<vmem>>
    %dma_start3A_255 = tpu.memref_squeeze %dma_start3A_254 : memref<1x64xi32, #tpu.memory_space<vmem>> -> memref<64xi32, #tpu.memory_space<vmem>>
    %dma_start3A_256 = arith.constant 0 : i32
    %dma_start3A_257 = arith.constant 0 : i32
    %dma_start3A_258 = tpu.memref_slice %arg4[%dma_start3A_256, %dma_start3A_257] : memref<1048576x32xf32, #tpu.memory_space<hbm>> -> memref<1048576x32xf32, #tpu.memory_space<hbm>>
    tpu.enqueue_indirect_dma source(%dma_start3A_258 : memref<1048576x32xf32, #tpu.memory_space<hbm>>) target(%dma_start3A_252 : memref<64x32xf32, #tpu.memory_space<vmem>>) offsets(%dma_start3A_255 : memref<64xi32, #tpu.memory_space<vmem>>) semaphore(%arg21 : memref<!tpu.dma_semaphore, #tpu.memory_space<semaphore_mem>>)
    %dma_start3A_259 = arith.constant 0 : i32
    %dma_start3A_260 = arith.constant 0 : i32
    %dma_start3A_261 = arith.constant 64 : i32
    %dma_start3A_262 = arith.constant 0 : i32
    %dma_start3A_263 = tpu.memref_slice %arg9[%dma_start3A_260, %dma_start3A_261, %dma_start3A_262] : memref<10x128x32xf32, #tpu.memory_space<vmem>> -> memref<1x64x32xf32, #tpu.memory_space<vmem>>
    %dma_start3A_264 = tpu.memref_squeeze %dma_start3A_263 : memref<1x64x32xf32, #tpu.memory_space<vmem>> -> memref<64x32xf32, #tpu.memory_space<vmem>>
    %dma_start3A_265 = arith.constant 64 : i32
    %dma_start3A_266 = tpu.memref_slice %arg7[%dma_start3A_259, %dma_start3A_265] : memref<50x128xi32, #tpu.memory_space<vmem>> -> memref<1x64xi32, #tpu.memory_space<vmem>>
    %dma_start3A_267 = tpu.memref_squeeze %dma_start3A_266 : memref<1x64xi32, #tpu.memory_space<vmem>> -> memref<64xi32, #tpu.memory_space<vmem>>
    %dma_start3A_268 = arith.constant 0 : i32
    %dma_start3A_269 = arith.constant 0 : i32
    %dma_start3A_270 = tpu.memref_slice %arg4[%dma_start3A_268, %dma_start3A_269] : memref<1048576x32xf32, #tpu.memory_space<hbm>> -> memref<1048576x32xf32, #tpu.memory_space<hbm>>
    tpu.enqueue_indirect_dma source(%dma_start3A_270 : memref<1048576x32xf32, #tpu.memory_space<hbm>>) target(%dma_start3A_264 : memref<64x32xf32, #tpu.memory_space<vmem>>) offsets(%dma_start3A_267 : memref<64xi32, #tpu.memory_space<vmem>>) semaphore(%arg21 : memref<!tpu.dma_semaphore, #tpu.memory_space<semaphore_mem>>)
    %dma_start3A_271 = arith.constant 1 : i32
    %dma_start3A_272 = arith.constant 1 : i32
    %dma_start3A_273 = arith.constant 0 : i32
    %dma_start3A_274 = arith.constant 0 : i32
    %dma_start3A_275 = tpu.memref_slice %arg9[%dma_start3A_272, %dma_start3A_273, %dma_start3A_274] : memref<10x128x32xf32, #tpu.memory_space<vmem>> -> memref<1x64x32xf32, #tpu.memory_space<vmem>>
    %dma_start3A_276 = tpu.memref_squeeze %dma_start3A_275 : memref<1x64x32xf32, #tpu.memory_space<vmem>> -> memref<64x32xf32, #tpu.memory_space<vmem>>
    %dma_start3A_277 = arith.constant 0 : i32
    %dma_start3A_278 = tpu.memref_slice %arg7[%dma_start3A_271, %dma_start3A_277] : memref<50x128xi32, #tpu.memory_space<vmem>> -> memref<1x64xi32, #tpu.memory_space<vmem>>
    %dma_start3A_279 = tpu.memref_squeeze %dma_start3A_278 : memref<1x64xi32, #tpu.memory_space<vmem>> -> memref<64xi32, #tpu.memory_space<vmem>>
    %dma_start3A_280 = arith.constant 0 : i32
    %dma_start3A_281 = arith.constant 0 : i32
    %dma_start3A_282 = tpu.memref_slice %arg4[%dma_start3A_280, %dma_start3A_281] : memref<1048576x32xf32, #tpu.memory_space<hbm>> -> memref<1048576x32xf32, #tpu.memory_space<hbm>>
    tpu.enqueue_indirect_dma source(%dma_start3A_282 : memref<1048576x32xf32, #tpu.memory_space<hbm>>) target(%dma_start3A_276 : memref<64x32xf32, #tpu.memory_space<vmem>>) offsets(%dma_start3A_279 : memref<64xi32, #tpu.memory_space<vmem>>) semaphore(%arg22 : memref<!tpu.dma_semaphore, #tpu.memory_space<semaphore_mem>>)
    %dma_start3A_283 = arith.constant 1 : i32
    %dma_start3A_284 = arith.constant 1 : i32
    %dma_start3A_285 = arith.constant 64 : i32
    %dma_start3A_286 = arith.constant 0 : i32
    %dma_start3A_287 = tpu.memref_slice %arg9[%dma_start3A_284, %dma_start3A_285, %dma_start3A_286] : memref<10x128x32xf32, #tpu.memory_space<vmem>> -> memref<1x64x32xf32, #tpu.memory_space<vmem>>
    %dma_start3A_288 = tpu.memref_squeeze %dma_start3A_287 : memref<1x64x32xf32, #tpu.memory_space<vmem>> -> memref<64x32xf32, #tpu.memory_space<vmem>>
    %dma_start3A_289 = arith.constant 64 : i32
    %dma_start3A_290 = tpu.memref_slice %arg7[%dma_start3A_283, %dma_start3A_289] : memref<50x128xi32, #tpu.memory_space<vmem>> -> memref<1x64xi32, #tpu.memory_space<vmem>>
    %dma_start3A_291 = tpu.memref_squeeze %dma_start3A_290 : memref<1x64xi32, #tpu.memory_space<vmem>> -> memref<64xi32, #tpu.memory_space<vmem>>
    %dma_start3A_292 = arith.constant 0 : i32
    %dma_start3A_293 = arith.constant 0 : i32
    %dma_start3A_294 = tpu.memref_slice %arg4[%dma_start3A_292, %dma_start3A_293] : memref<1048576x32xf32, #tpu.memory_space<hbm>> -> memref<1048576x32xf32, #tpu.memory_space<hbm>>
    tpu.enqueue_indirect_dma source(%dma_start3A_294 : memref<1048576x32xf32, #tpu.memory_space<hbm>>) target(%dma_start3A_288 : memref<64x32xf32, #tpu.memory_space<vmem>>) offsets(%dma_start3A_291 : memref<64xi32, #tpu.memory_space<vmem>>) semaphore(%arg22 : memref<!tpu.dma_semaphore, #tpu.memory_space<semaphore_mem>>)
    %dma_start3A_295 = arith.constant 2 : i32
    %dma_start3A_296 = arith.constant 2 : i32
    %dma_start3A_297 = arith.constant 0 : i32
    %dma_start3A_298 = arith.constant 0 : i32
    %dma_start3A_299 = tpu.memref_slice %arg9[%dma_start3A_296, %dma_start3A_297, %dma_start3A_298] : memref<10x128x32xf32, #tpu.memory_space<vmem>> -> memref<1x64x32xf32, #tpu.memory_space<vmem>>
    %dma_start3A_300 = tpu.memref_squeeze %dma_start3A_299 : memref<1x64x32xf32, #tpu.memory_space<vmem>> -> memref<64x32xf32, #tpu.memory_space<vmem>>
    %dma_start3A_301 = arith.constant 0 : i32
    %dma_start3A_302 = tpu.memref_slice %arg7[%dma_start3A_295, %dma_start3A_301] : memref<50x128xi32, #tpu.memory_space<vmem>> -> memref<1x64xi32, #tpu.memory_space<vmem>>
    %dma_start3A_303 = tpu.memref_squeeze %dma_start3A_302 : memref<1x64xi32, #tpu.memory_space<vmem>> -> memref<64xi32, #tpu.memory_space<vmem>>
    %dma_start3A_304 = arith.constant 0 : i32
    %dma_start3A_305 = arith.constant 0 : i32
    %dma_start3A_306 = tpu.memref_slice %arg4[%dma_start3A_304, %dma_start3A_305] : memref<1048576x32xf32, #tpu.memory_space<hbm>> -> memref<1048576x32xf32, #tpu.memory_space<hbm>>
    tpu.enqueue_indirect_dma source(%dma_start3A_306 : memref<1048576x32xf32, #tpu.memory_space<hbm>>) target(%dma_start3A_300 : memref<64x32xf32, #tpu.memory_space<vmem>>) offsets(%dma_start3A_303 : memref<64xi32, #tpu.memory_space<vmem>>) semaphore(%arg23 : memref<!tpu.dma_semaphore, #tpu.memory_space<semaphore_mem>>)
    %dma_start3A_307 = arith.constant 2 : i32
    %dma_start3A_308 = arith.constant 2 : i32
    %dma_start3A_309 = arith.constant 64 : i32
    %dma_start3A_310 = arith.constant 0 : i32
    %dma_start3A_311 = tpu.memref_slice %arg9[%dma_start3A_308, %dma_start3A_309, %dma_start3A_310] : memref<10x128x32xf32, #tpu.memory_space<vmem>> -> memref<1x64x32xf32, #tpu.memory_space<vmem>>
    %dma_start3A_312 = tpu.memref_squeeze %dma_start3A_311 : memref<1x64x32xf32, #tpu.memory_space<vmem>> -> memref<64x32xf32, #tpu.memory_space<vmem>>
    %dma_start3A_313 = arith.constant 64 : i32
    %dma_start3A_314 = tpu.memref_slice %arg7[%dma_start3A_307, %dma_start3A_313] : memref<50x128xi32, #tpu.memory_space<vmem>> -> memref<1x64xi32, #tpu.memory_space<vmem>>
    %dma_start3A_315 = tpu.memref_squeeze %dma_start3A_314 : memref<1x64xi32, #tpu.memory_space<vmem>> -> memref<64xi32, #tpu.memory_space<vmem>>
    %dma_start3A_316 = arith.constant 0 : i32
    %dma_start3A_317 = arith.constant 0 : i32
    %dma_start3A_318 = tpu.memref_slice %arg4[%dma_start3A_316, %dma_start3A_317] : memref<1048576x32xf32, #tpu.memory_space<hbm>> -> memref<1048576x32xf32, #tpu.memory_space<hbm>>
    tpu.enqueue_indirect_dma source(%dma_start3A_318 : memref<1048576x32xf32, #tpu.memory_space<hbm>>) target(%dma_start3A_312 : memref<64x32xf32, #tpu.memory_space<vmem>>) offsets(%dma_start3A_315 : memref<64xi32, #tpu.memory_space<vmem>>) semaphore(%arg23 : memref<!tpu.dma_semaphore, #tpu.memory_space<semaphore_mem>>)
    %dma_start3A_319 = arith.constant 3 : i32
    %dma_start3A_320 = arith.constant 3 : i32
    %dma_start3A_321 = arith.constant 0 : i32
    %dma_start3A_322 = arith.constant 0 : i32
    %dma_start3A_323 = tpu.memref_slice %arg9[%dma_start3A_320, %dma_start3A_321, %dma_start3A_322] : memref<10x128x32xf32, #tpu.memory_space<vmem>> -> memref<1x64x32xf32, #tpu.memory_space<vmem>>
    %dma_start3A_324 = tpu.memref_squeeze %dma_start3A_323 : memref<1x64x32xf32, #tpu.memory_space<vmem>> -> memref<64x32xf32, #tpu.memory_space<vmem>>
    %dma_start3A_325 = arith.constant 0 : i32
    %dma_start3A_326 = tpu.memref_slice %arg7[%dma_start3A_319, %dma_start3A_325] : memref<50x128xi32, #tpu.memory_space<vmem>> -> memref<1x64xi32, #tpu.memory_space<vmem>>
    %dma_start3A_327 = tpu.memref_squeeze %dma_start3A_326 : memref<1x64xi32, #tpu.memory_space<vmem>> -> memref<64xi32, #tpu.memory_space<vmem>>
    %dma_start3A_328 = arith.constant 0 : i32
    %dma_start3A_329 = arith.constant 0 : i32
    %dma_start3A_330 = tpu.memref_slice %arg4[%dma_start3A_328, %dma_start3A_329] : memref<1048576x32xf32, #tpu.memory_space<hbm>> -> memref<1048576x32xf32, #tpu.memory_space<hbm>>
    tpu.enqueue_indirect_dma source(%dma_start3A_330 : memref<1048576x32xf32, #tpu.memory_space<hbm>>) target(%dma_start3A_324 : memref<64x32xf32, #tpu.memory_space<vmem>>) offsets(%dma_start3A_327 : memref<64xi32, #tpu.memory_space<vmem>>) semaphore(%arg24 : memref<!tpu.dma_semaphore, #tpu.memory_space<semaphore_mem>>)
    %dma_start3A_331 = arith.constant 3 : i32
    %dma_start3A_332 = arith.constant 3 : i32
    %dma_start3A_333 = arith.constant 64 : i32
    %dma_start3A_334 = arith.constant 0 : i32
    %dma_start3A_335 = tpu.memref_slice %arg9[%dma_start3A_332, %dma_start3A_333, %dma_start3A_334] : memref<10x128x32xf32, #tpu.memory_space<vmem>> -> memref<1x64x32xf32, #tpu.memory_space<vmem>>
    %dma_start3A_336 = tpu.memref_squeeze %dma_start3A_335 : memref<1x64x32xf32, #tpu.memory_space<vmem>> -> memref<64x32xf32, #tpu.memory_space<vmem>>
    %dma_start3A_337 = arith.constant 64 : i32
    %dma_start3A_338 = tpu.memref_slice %arg7[%dma_start3A_331, %dma_start3A_337] : memref<50x128xi32, #tpu.memory_space<vmem>> -> memref<1x64xi32, #tpu.memory_space<vmem>>
    %dma_start3A_339 = tpu.memref_squeeze %dma_start3A_338 : memref<1x64xi32, #tpu.memory_space<vmem>> -> memref<64xi32, #tpu.memory_space<vmem>>
    %dma_start3A_340 = arith.constant 0 : i32
    %dma_start3A_341 = arith.constant 0 : i32
    %dma_start3A_342 = tpu.memref_slice %arg4[%dma_start3A_340, %dma_start3A_341] : memref<1048576x32xf32, #tpu.memory_space<hbm>> -> memref<1048576x32xf32, #tpu.memory_space<hbm>>
    tpu.enqueue_indirect_dma source(%dma_start3A_342 : memref<1048576x32xf32, #tpu.memory_space<hbm>>) target(%dma_start3A_336 : memref<64x32xf32, #tpu.memory_space<vmem>>) offsets(%dma_start3A_339 : memref<64xi32, #tpu.memory_space<vmem>>) semaphore(%arg24 : memref<!tpu.dma_semaphore, #tpu.memory_space<semaphore_mem>>)
    %dma_start3A_343 = arith.constant 4 : i32
    %dma_start3A_344 = arith.constant 4 : i32
    %dma_start3A_345 = arith.constant 0 : i32
    %dma_start3A_346 = arith.constant 0 : i32
    %dma_start3A_347 = tpu.memref_slice %arg9[%dma_start3A_344, %dma_start3A_345, %dma_start3A_346] : memref<10x128x32xf32, #tpu.memory_space<vmem>> -> memref<1x64x32xf32, #tpu.memory_space<vmem>>
    %dma_start3A_348 = tpu.memref_squeeze %dma_start3A_347 : memref<1x64x32xf32, #tpu.memory_space<vmem>> -> memref<64x32xf32, #tpu.memory_space<vmem>>
    %dma_start3A_349 = arith.constant 0 : i32
    %dma_start3A_350 = tpu.memref_slice %arg7[%dma_start3A_343, %dma_start3A_349] : memref<50x128xi32, #tpu.memory_space<vmem>> -> memref<1x64xi32, #tpu.memory_space<vmem>>
    %dma_start3A_351 = tpu.memref_squeeze %dma_start3A_350 : memref<1x64xi32, #tpu.memory_space<vmem>> -> memref<64xi32, #tpu.memory_space<vmem>>
    %dma_start3A_352 = arith.constant 0 : i32
    %dma_start3A_353 = arith.constant 0 : i32
    %dma_start3A_354 = tpu.memref_slice %arg4[%dma_start3A_352, %dma_start3A_353] : memref<1048576x32xf32, #tpu.memory_space<hbm>> -> memref<1048576x32xf32, #tpu.memory_space<hbm>>
    tpu.enqueue_indirect_dma source(%dma_start3A_354 : memref<1048576x32xf32, #tpu.memory_space<hbm>>) target(%dma_start3A_348 : memref<64x32xf32, #tpu.memory_space<vmem>>) offsets(%dma_start3A_351 : memref<64xi32, #tpu.memory_space<vmem>>) semaphore(%arg25 : memref<!tpu.dma_semaphore, #tpu.memory_space<semaphore_mem>>)
    %dma_start3A_355 = arith.constant 4 : i32
    %dma_start3A_356 = arith.constant 4 : i32
    %dma_start3A_357 = arith.constant 64 : i32
    %dma_start3A_358 = arith.constant 0 : i32
    %dma_start3A_359 = tpu.memref_slice %arg9[%dma_start3A_356, %dma_start3A_357, %dma_start3A_358] : memref<10x128x32xf32, #tpu.memory_space<vmem>> -> memref<1x64x32xf32, #tpu.memory_space<vmem>>
    %dma_start3A_360 = tpu.memref_squeeze %dma_start3A_359 : memref<1x64x32xf32, #tpu.memory_space<vmem>> -> memref<64x32xf32, #tpu.memory_space<vmem>>
    %dma_start3A_361 = arith.constant 64 : i32
    %dma_start3A_362 = tpu.memref_slice %arg7[%dma_start3A_355, %dma_start3A_361] : memref<50x128xi32, #tpu.memory_space<vmem>> -> memref<1x64xi32, #tpu.memory_space<vmem>>
    %dma_start3A_363 = tpu.memref_squeeze %dma_start3A_362 : memref<1x64xi32, #tpu.memory_space<vmem>> -> memref<64xi32, #tpu.memory_space<vmem>>
    %dma_start3A_364 = arith.constant 0 : i32
    %dma_start3A_365 = arith.constant 0 : i32
    %dma_start3A_366 = tpu.memref_slice %arg4[%dma_start3A_364, %dma_start3A_365] : memref<1048576x32xf32, #tpu.memory_space<hbm>> -> memref<1048576x32xf32, #tpu.memory_space<hbm>>
    tpu.enqueue_indirect_dma source(%dma_start3A_366 : memref<1048576x32xf32, #tpu.memory_space<hbm>>) target(%dma_start3A_360 : memref<64x32xf32, #tpu.memory_space<vmem>>) offsets(%dma_start3A_363 : memref<64xi32, #tpu.memory_space<vmem>>) semaphore(%arg25 : memref<!tpu.dma_semaphore, #tpu.memory_space<semaphore_mem>>)
    %dma_start3A_367 = arith.constant 5 : i32
    %dma_start3A_368 = arith.constant 5 : i32
    %dma_start3A_369 = arith.constant 0 : i32
    %dma_start3A_370 = arith.constant 0 : i32
    %dma_start3A_371 = tpu.memref_slice %arg9[%dma_start3A_368, %dma_start3A_369, %dma_start3A_370] : memref<10x128x32xf32, #tpu.memory_space<vmem>> -> memref<1x64x32xf32, #tpu.memory_space<vmem>>
    %dma_start3A_372 = tpu.memref_squeeze %dma_start3A_371 : memref<1x64x32xf32, #tpu.memory_space<vmem>> -> memref<64x32xf32, #tpu.memory_space<vmem>>
    %dma_start3A_373 = arith.constant 0 : i32
    %dma_start3A_374 = tpu.memref_slice %arg7[%dma_start3A_367, %dma_start3A_373] : memref<50x128xi32, #tpu.memory_space<vmem>> -> memref<1x64xi32, #tpu.memory_space<vmem>>
    %dma_start3A_375 = tpu.memref_squeeze %dma_start3A_374 : memref<1x64xi32, #tpu.memory_space<vmem>> -> memref<64xi32, #tpu.memory_space<vmem>>
    %dma_start3A_376 = arith.constant 0 : i32
    %dma_start3A_377 = arith.constant 0 : i32
    %dma_start3A_378 = tpu.memref_slice %arg4[%dma_start3A_376, %dma_start3A_377] : memref<1048576x32xf32, #tpu.memory_space<hbm>> -> memref<1048576x32xf32, #tpu.memory_space<hbm>>
    tpu.enqueue_indirect_dma source(%dma_start3A_378 : memref<1048576x32xf32, #tpu.memory_space<hbm>>) target(%dma_start3A_372 : memref<64x32xf32, #tpu.memory_space<vmem>>) offsets(%dma_start3A_375 : memref<64xi32, #tpu.memory_space<vmem>>) semaphore(%arg26 : memref<!tpu.dma_semaphore, #tpu.memory_space<semaphore_mem>>)
    %dma_start3A_379 = arith.constant 5 : i32
    %dma_start3A_380 = arith.constant 5 : i32
    %dma_start3A_381 = arith.constant 64 : i32
    %dma_start3A_382 = arith.constant 0 : i32
    %dma_start3A_383 = tpu.memref_slice %arg9[%dma_start3A_380, %dma_start3A_381, %dma_start3A_382] : memref<10x128x32xf32, #tpu.memory_space<vmem>> -> memref<1x64x32xf32, #tpu.memory_space<vmem>>
    %dma_start3A_384 = tpu.memref_squeeze %dma_start3A_383 : memref<1x64x32xf32, #tpu.memory_space<vmem>> -> memref<64x32xf32, #tpu.memory_space<vmem>>
    %dma_start3A_385 = arith.constant 64 : i32
    %dma_start3A_386 = tpu.memref_slice %arg7[%dma_start3A_379, %dma_start3A_385] : memref<50x128xi32, #tpu.memory_space<vmem>> -> memref<1x64xi32, #tpu.memory_space<vmem>>
    %dma_start3A_387 = tpu.memref_squeeze %dma_start3A_386 : memref<1x64xi32, #tpu.memory_space<vmem>> -> memref<64xi32, #tpu.memory_space<vmem>>
    %dma_start3A_388 = arith.constant 0 : i32
    %dma_start3A_389 = arith.constant 0 : i32
    %dma_start3A_390 = tpu.memref_slice %arg4[%dma_start3A_388, %dma_start3A_389] : memref<1048576x32xf32, #tpu.memory_space<hbm>> -> memref<1048576x32xf32, #tpu.memory_space<hbm>>
    tpu.enqueue_indirect_dma source(%dma_start3A_390 : memref<1048576x32xf32, #tpu.memory_space<hbm>>) target(%dma_start3A_384 : memref<64x32xf32, #tpu.memory_space<vmem>>) offsets(%dma_start3A_387 : memref<64xi32, #tpu.memory_space<vmem>>) semaphore(%arg26 : memref<!tpu.dma_semaphore, #tpu.memory_space<semaphore_mem>>)
    %dma_start3A_391 = arith.constant 6 : i32
    %dma_start3A_392 = arith.constant 6 : i32
    %dma_start3A_393 = arith.constant 0 : i32
    %dma_start3A_394 = arith.constant 0 : i32
    %dma_start3A_395 = tpu.memref_slice %arg9[%dma_start3A_392, %dma_start3A_393, %dma_start3A_394] : memref<10x128x32xf32, #tpu.memory_space<vmem>> -> memref<1x64x32xf32, #tpu.memory_space<vmem>>
    %dma_start3A_396 = tpu.memref_squeeze %dma_start3A_395 : memref<1x64x32xf32, #tpu.memory_space<vmem>> -> memref<64x32xf32, #tpu.memory_space<vmem>>
    %dma_start3A_397 = arith.constant 0 : i32
    %dma_start3A_398 = tpu.memref_slice %arg7[%dma_start3A_391, %dma_start3A_397] : memref<50x128xi32, #tpu.memory_space<vmem>> -> memref<1x64xi32, #tpu.memory_space<vmem>>
    %dma_start3A_399 = tpu.memref_squeeze %dma_start3A_398 : memref<1x64xi32, #tpu.memory_space<vmem>> -> memref<64xi32, #tpu.memory_space<vmem>>
    %dma_start3A_400 = arith.constant 0 : i32
    %dma_start3A_401 = arith.constant 0 : i32
    %dma_start3A_402 = tpu.memref_slice %arg4[%dma_start3A_400, %dma_start3A_401] : memref<1048576x32xf32, #tpu.memory_space<hbm>> -> memref<1048576x32xf32, #tpu.memory_space<hbm>>
    tpu.enqueue_indirect_dma source(%dma_start3A_402 : memref<1048576x32xf32, #tpu.memory_space<hbm>>) target(%dma_start3A_396 : memref<64x32xf32, #tpu.memory_space<vmem>>) offsets(%dma_start3A_399 : memref<64xi32, #tpu.memory_space<vmem>>) semaphore(%arg27 : memref<!tpu.dma_semaphore, #tpu.memory_space<semaphore_mem>>)
    %dma_start3A_403 = arith.constant 6 : i32
    %dma_start3A_404 = arith.constant 6 : i32
    %dma_start3A_405 = arith.constant 64 : i32
    %dma_start3A_406 = arith.constant 0 : i32
    %dma_start3A_407 = tpu.memref_slice %arg9[%dma_start3A_404, %dma_start3A_405, %dma_start3A_406] : memref<10x128x32xf32, #tpu.memory_space<vmem>> -> memref<1x64x32xf32, #tpu.memory_space<vmem>>
    %dma_start3A_408 = tpu.memref_squeeze %dma_start3A_407 : memref<1x64x32xf32, #tpu.memory_space<vmem>> -> memref<64x32xf32, #tpu.memory_space<vmem>>
    %dma_start3A_409 = arith.constant 64 : i32
    %dma_start3A_410 = tpu.memref_slice %arg7[%dma_start3A_403, %dma_start3A_409] : memref<50x128xi32, #tpu.memory_space<vmem>> -> memref<1x64xi32, #tpu.memory_space<vmem>>
    %dma_start3A_411 = tpu.memref_squeeze %dma_start3A_410 : memref<1x64xi32, #tpu.memory_space<vmem>> -> memref<64xi32, #tpu.memory_space<vmem>>
    %dma_start3A_412 = arith.constant 0 : i32
    %dma_start3A_413 = arith.constant 0 : i32
    %dma_start3A_414 = tpu.memref_slice %arg4[%dma_start3A_412, %dma_start3A_413] : memref<1048576x32xf32, #tpu.memory_space<hbm>> -> memref<1048576x32xf32, #tpu.memory_space<hbm>>
    tpu.enqueue_indirect_dma source(%dma_start3A_414 : memref<1048576x32xf32, #tpu.memory_space<hbm>>) target(%dma_start3A_408 : memref<64x32xf32, #tpu.memory_space<vmem>>) offsets(%dma_start3A_411 : memref<64xi32, #tpu.memory_space<vmem>>) semaphore(%arg27 : memref<!tpu.dma_semaphore, #tpu.memory_space<semaphore_mem>>)
    %dma_start3A_415 = arith.constant 7 : i32
    %dma_start3A_416 = arith.constant 7 : i32
    %dma_start3A_417 = arith.constant 0 : i32
    %dma_start3A_418 = arith.constant 0 : i32
    %dma_start3A_419 = tpu.memref_slice %arg9[%dma_start3A_416, %dma_start3A_417, %dma_start3A_418] : memref<10x128x32xf32, #tpu.memory_space<vmem>> -> memref<1x64x32xf32, #tpu.memory_space<vmem>>
    %dma_start3A_420 = tpu.memref_squeeze %dma_start3A_419 : memref<1x64x32xf32, #tpu.memory_space<vmem>> -> memref<64x32xf32, #tpu.memory_space<vmem>>
    %dma_start3A_421 = arith.constant 0 : i32
    %dma_start3A_422 = tpu.memref_slice %arg7[%dma_start3A_415, %dma_start3A_421] : memref<50x128xi32, #tpu.memory_space<vmem>> -> memref<1x64xi32, #tpu.memory_space<vmem>>
    %dma_start3A_423 = tpu.memref_squeeze %dma_start3A_422 : memref<1x64xi32, #tpu.memory_space<vmem>> -> memref<64xi32, #tpu.memory_space<vmem>>
    %dma_start3A_424 = arith.constant 0 : i32
    %dma_start3A_425 = arith.constant 0 : i32
    %dma_start3A_426 = tpu.memref_slice %arg4[%dma_start3A_424, %dma_start3A_425] : memref<1048576x32xf32, #tpu.memory_space<hbm>> -> memref<1048576x32xf32, #tpu.memory_space<hbm>>
    tpu.enqueue_indirect_dma source(%dma_start3A_426 : memref<1048576x32xf32, #tpu.memory_space<hbm>>) target(%dma_start3A_420 : memref<64x32xf32, #tpu.memory_space<vmem>>) offsets(%dma_start3A_423 : memref<64xi32, #tpu.memory_space<vmem>>) semaphore(%arg28 : memref<!tpu.dma_semaphore, #tpu.memory_space<semaphore_mem>>)
    %dma_start3A_427 = arith.constant 7 : i32
    %dma_start3A_428 = arith.constant 7 : i32
    %dma_start3A_429 = arith.constant 64 : i32
    %dma_start3A_430 = arith.constant 0 : i32
    %dma_start3A_431 = tpu.memref_slice %arg9[%dma_start3A_428, %dma_start3A_429, %dma_start3A_430] : memref<10x128x32xf32, #tpu.memory_space<vmem>> -> memref<1x64x32xf32, #tpu.memory_space<vmem>>
    %dma_start3A_432 = tpu.memref_squeeze %dma_start3A_431 : memref<1x64x32xf32, #tpu.memory_space<vmem>> -> memref<64x32xf32, #tpu.memory_space<vmem>>
    %dma_start3A_433 = arith.constant 64 : i32
    %dma_start3A_434 = tpu.memref_slice %arg7[%dma_start3A_427, %dma_start3A_433] : memref<50x128xi32, #tpu.memory_space<vmem>> -> memref<1x64xi32, #tpu.memory_space<vmem>>
    %dma_start3A_435 = tpu.memref_squeeze %dma_start3A_434 : memref<1x64xi32, #tpu.memory_space<vmem>> -> memref<64xi32, #tpu.memory_space<vmem>>
    %dma_start3A_436 = arith.constant 0 : i32
    %dma_start3A_437 = arith.constant 0 : i32
    %dma_start3A_438 = tpu.memref_slice %arg4[%dma_start3A_436, %dma_start3A_437] : memref<1048576x32xf32, #tpu.memory_space<hbm>> -> memref<1048576x32xf32, #tpu.memory_space<hbm>>
    tpu.enqueue_indirect_dma source(%dma_start3A_438 : memref<1048576x32xf32, #tpu.memory_space<hbm>>) target(%dma_start3A_432 : memref<64x32xf32, #tpu.memory_space<vmem>>) offsets(%dma_start3A_435 : memref<64xi32, #tpu.memory_space<vmem>>) semaphore(%arg28 : memref<!tpu.dma_semaphore, #tpu.memory_space<semaphore_mem>>)
    %dma_start3A_439 = arith.constant 8 : i32
    %dma_start3A_440 = arith.constant 8 : i32
    %dma_start3A_441 = arith.constant 0 : i32
    %dma_start3A_442 = arith.constant 0 : i32
    %dma_start3A_443 = tpu.memref_slice %arg9[%dma_start3A_440, %dma_start3A_441, %dma_start3A_442] : memref<10x128x32xf32, #tpu.memory_space<vmem>> -> memref<1x64x32xf32, #tpu.memory_space<vmem>>
    %dma_start3A_444 = tpu.memref_squeeze %dma_start3A_443 : memref<1x64x32xf32, #tpu.memory_space<vmem>> -> memref<64x32xf32, #tpu.memory_space<vmem>>
    %dma_start3A_445 = arith.constant 0 : i32
    %dma_start3A_446 = tpu.memref_slice %arg7[%dma_start3A_439, %dma_start3A_445] : memref<50x128xi32, #tpu.memory_space<vmem>> -> memref<1x64xi32, #tpu.memory_space<vmem>>
    %dma_start3A_447 = tpu.memref_squeeze %dma_start3A_446 : memref<1x64xi32, #tpu.memory_space<vmem>> -> memref<64xi32, #tpu.memory_space<vmem>>
    %dma_start3A_448 = arith.constant 0 : i32
    %dma_start3A_449 = arith.constant 0 : i32
    %dma_start3A_450 = tpu.memref_slice %arg4[%dma_start3A_448, %dma_start3A_449] : memref<1048576x32xf32, #tpu.memory_space<hbm>> -> memref<1048576x32xf32, #tpu.memory_space<hbm>>
    tpu.enqueue_indirect_dma source(%dma_start3A_450 : memref<1048576x32xf32, #tpu.memory_space<hbm>>) target(%dma_start3A_444 : memref<64x32xf32, #tpu.memory_space<vmem>>) offsets(%dma_start3A_447 : memref<64xi32, #tpu.memory_space<vmem>>) semaphore(%arg29 : memref<!tpu.dma_semaphore, #tpu.memory_space<semaphore_mem>>)
    %dma_start3A_451 = arith.constant 8 : i32
    %dma_start3A_452 = arith.constant 8 : i32
    %dma_start3A_453 = arith.constant 64 : i32
    %dma_start3A_454 = arith.constant 0 : i32
    %dma_start3A_455 = tpu.memref_slice %arg9[%dma_start3A_452, %dma_start3A_453, %dma_start3A_454] : memref<10x128x32xf32, #tpu.memory_space<vmem>> -> memref<1x64x32xf32, #tpu.memory_space<vmem>>
    %dma_start3A_456 = tpu.memref_squeeze %dma_start3A_455 : memref<1x64x32xf32, #tpu.memory_space<vmem>> -> memref<64x32xf32, #tpu.memory_space<vmem>>
    %dma_start3A_457 = arith.constant 64 : i32
    %dma_start3A_458 = tpu.memref_slice %arg7[%dma_start3A_451, %dma_start3A_457] : memref<50x128xi32, #tpu.memory_space<vmem>> -> memref<1x64xi32, #tpu.memory_space<vmem>>
    %dma_start3A_459 = tpu.memref_squeeze %dma_start3A_458 : memref<1x64xi32, #tpu.memory_space<vmem>> -> memref<64xi32, #tpu.memory_space<vmem>>
    %dma_start3A_460 = arith.constant 0 : i32
    %dma_start3A_461 = arith.constant 0 : i32
    %dma_start3A_462 = tpu.memref_slice %arg4[%dma_start3A_460, %dma_start3A_461] : memref<1048576x32xf32, #tpu.memory_space<hbm>> -> memref<1048576x32xf32, #tpu.memory_space<hbm>>
    tpu.enqueue_indirect_dma source(%dma_start3A_462 : memref<1048576x32xf32, #tpu.memory_space<hbm>>) target(%dma_start3A_456 : memref<64x32xf32, #tpu.memory_space<vmem>>) offsets(%dma_start3A_459 : memref<64xi32, #tpu.memory_space<vmem>>) semaphore(%arg29 : memref<!tpu.dma_semaphore, #tpu.memory_space<semaphore_mem>>)
    %dma_start3A_463 = arith.constant 9 : i32
    %dma_start3A_464 = arith.constant 9 : i32
    %dma_start3A_465 = arith.constant 0 : i32
    %dma_start3A_466 = arith.constant 0 : i32
    %dma_start3A_467 = tpu.memref_slice %arg9[%dma_start3A_464, %dma_start3A_465, %dma_start3A_466] : memref<10x128x32xf32, #tpu.memory_space<vmem>> -> memref<1x64x32xf32, #tpu.memory_space<vmem>>
    %dma_start3A_468 = tpu.memref_squeeze %dma_start3A_467 : memref<1x64x32xf32, #tpu.memory_space<vmem>> -> memref<64x32xf32, #tpu.memory_space<vmem>>
    %dma_start3A_469 = arith.constant 0 : i32
    %dma_start3A_470 = tpu.memref_slice %arg7[%dma_start3A_463, %dma_start3A_469] : memref<50x128xi32, #tpu.memory_space<vmem>> -> memref<1x64xi32, #tpu.memory_space<vmem>>
    %dma_start3A_471 = tpu.memref_squeeze %dma_start3A_470 : memref<1x64xi32, #tpu.memory_space<vmem>> -> memref<64xi32, #tpu.memory_space<vmem>>
    %dma_start3A_472 = arith.constant 0 : i32
    %dma_start3A_473 = arith.constant 0 : i32
    %dma_start3A_474 = tpu.memref_slice %arg4[%dma_start3A_472, %dma_start3A_473] : memref<1048576x32xf32, #tpu.memory_space<hbm>> -> memref<1048576x32xf32, #tpu.memory_space<hbm>>
    tpu.enqueue_indirect_dma source(%dma_start3A_474 : memref<1048576x32xf32, #tpu.memory_space<hbm>>) target(%dma_start3A_468 : memref<64x32xf32, #tpu.memory_space<vmem>>) offsets(%dma_start3A_471 : memref<64xi32, #tpu.memory_space<vmem>>) semaphore(%arg30 : memref<!tpu.dma_semaphore, #tpu.memory_space<semaphore_mem>>)
    %dma_start3A_475 = arith.constant 9 : i32
    %dma_start3A_476 = arith.constant 9 : i32
    %dma_start3A_477 = arith.constant 64 : i32
    %dma_start3A_478 = arith.constant 0 : i32
    %dma_start3A_479 = tpu.memref_slice %arg9[%dma_start3A_476, %dma_start3A_477, %dma_start3A_478] : memref<10x128x32xf32, #tpu.memory_space<vmem>> -> memref<1x64x32xf32, #tpu.memory_space<vmem>>
    %dma_start3A_480 = tpu.memref_squeeze %dma_start3A_479 : memref<1x64x32xf32, #tpu.memory_space<vmem>> -> memref<64x32xf32, #tpu.memory_space<vmem>>
    %dma_start3A_481 = arith.constant 64 : i32
    %dma_start3A_482 = tpu.memref_slice %arg7[%dma_start3A_475, %dma_start3A_481] : memref<50x128xi32, #tpu.memory_space<vmem>> -> memref<1x64xi32, #tpu.memory_space<vmem>>
    %dma_start3A_483 = tpu.memref_squeeze %dma_start3A_482 : memref<1x64xi32, #tpu.memory_space<vmem>> -> memref<64xi32, #tpu.memory_space<vmem>>
    %dma_start3A_484 = arith.constant 0 : i32
    %dma_start3A_485 = arith.constant 0 : i32
    %dma_start3A_486 = tpu.memref_slice %arg4[%dma_start3A_484, %dma_start3A_485] : memref<1048576x32xf32, #tpu.memory_space<hbm>> -> memref<1048576x32xf32, #tpu.memory_space<hbm>>
    tpu.enqueue_indirect_dma source(%dma_start3A_486 : memref<1048576x32xf32, #tpu.memory_space<hbm>>) target(%dma_start3A_480 : memref<64x32xf32, #tpu.memory_space<vmem>>) offsets(%dma_start3A_483 : memref<64xi32, #tpu.memory_space<vmem>>) semaphore(%arg30 : memref<!tpu.dma_semaphore, #tpu.memory_space<semaphore_mem>>)
    %dma_wait3A = arith.constant 0 : i32
    %dma_wait3A_487 = arith.constant 0 : i32
    %dma_wait3A_488 = arith.constant 0 : i32
    %dma_wait3A_489 = arith.constant 0 : i32
    %dma_wait3A_490 = tpu.memref_slice %arg8[%dma_wait3A_487, %dma_wait3A_488, %dma_wait3A_489] : memref<10x128x32xf32, #tpu.memory_space<vmem>> -> memref<1x64x32xf32, #tpu.memory_space<vmem>>
    %dma_wait3A_491 = tpu.memref_squeeze %dma_wait3A_490 : memref<1x64x32xf32, #tpu.memory_space<vmem>> -> memref<64x32xf32, #tpu.memory_space<vmem>>
    %dma_wait3A_492 = arith.constant 0 : i32
    %dma_wait3A_493 = tpu.memref_slice %arg6[%dma_wait3A, %dma_wait3A_492] : memref<200x128xi32, #tpu.memory_space<vmem>> -> memref<1x64xi32, #tpu.memory_space<vmem>>
    %dma_wait3A_494 = tpu.memref_squeeze %dma_wait3A_493 : memref<1x64xi32, #tpu.memory_space<vmem>> -> memref<64xi32, #tpu.memory_space<vmem>>
    %dma_wait3A_495 = arith.constant 0 : i32
    %dma_wait3A_496 = arith.constant 0 : i32
    %dma_wait3A_497 = tpu.memref_slice %arg4[%dma_wait3A_495, %dma_wait3A_496] : memref<1048576x32xf32, #tpu.memory_space<hbm>> -> memref<1048576x32xf32, #tpu.memory_space<hbm>>
    tpu.wait_indirect_dma semaphore(%arg11 : memref<!tpu.dma_semaphore, #tpu.memory_space<semaphore_mem>>) src(%dma_wait3A_497 : memref<1048576x32xf32, #tpu.memory_space<hbm>>) dst(%dma_wait3A_491 : memref<64x32xf32, #tpu.memory_space<vmem>>)
    %dma_wait3A_498 = arith.constant 0 : i32
    %dma_wait3A_499 = arith.constant 0 : i32
    %dma_wait3A_500 = arith.constant 64 : i32
    %dma_wait3A_501 = arith.constant 0 : i32
    %dma_wait3A_502 = tpu.memref_slice %arg8[%dma_wait3A_499, %dma_wait3A_500, %dma_wait3A_501] : memref<10x128x32xf32, #tpu.memory_space<vmem>> -> memref<1x64x32xf32, #tpu.memory_space<vmem>>
    %dma_wait3A_503 = tpu.memref_squeeze %dma_wait3A_502 : memref<1x64x32xf32, #tpu.memory_space<vmem>> -> memref<64x32xf32, #tpu.memory_space<vmem>>
    %dma_wait3A_504 = arith.constant 64 : i32
    %dma_wait3A_505 = tpu.memref_slice %arg6[%dma_wait3A_498, %dma_wait3A_504] : memref<200x128xi32, #tpu.memory_space<vmem>> -> memref<1x64xi32, #tpu.memory_space<vmem>>
    %dma_wait3A_506 = tpu.memref_squeeze %dma_wait3A_505 : memref<1x64xi32, #tpu.memory_space<vmem>> -> memref<64xi32, #tpu.memory_space<vmem>>
    %dma_wait3A_507 = arith.constant 0 : i32
    %dma_wait3A_508 = arith.constant 0 : i32
    %dma_wait3A_509 = tpu.memref_slice %arg4[%dma_wait3A_507, %dma_wait3A_508] : memref<1048576x32xf32, #tpu.memory_space<hbm>> -> memref<1048576x32xf32, #tpu.memory_space<hbm>>
    tpu.wait_indirect_dma semaphore(%arg11 : memref<!tpu.dma_semaphore, #tpu.memory_space<semaphore_mem>>) src(%dma_wait3A_509 : memref<1048576x32xf32, #tpu.memory_space<hbm>>) dst(%dma_wait3A_503 : memref<64x32xf32, #tpu.memory_space<vmem>>)
    %dma_wait3A_510 = arith.constant 1 : i32
    %dma_wait3A_511 = arith.constant 1 : i32
    %dma_wait3A_512 = arith.constant 0 : i32
    %dma_wait3A_513 = arith.constant 0 : i32
    %dma_wait3A_514 = tpu.memref_slice %arg8[%dma_wait3A_511, %dma_wait3A_512, %dma_wait3A_513] : memref<10x128x32xf32, #tpu.memory_space<vmem>> -> memref<1x64x32xf32, #tpu.memory_space<vmem>>
    %dma_wait3A_515 = tpu.memref_squeeze %dma_wait3A_514 : memref<1x64x32xf32, #tpu.memory_space<vmem>> -> memref<64x32xf32, #tpu.memory_space<vmem>>
    %dma_wait3A_516 = arith.constant 0 : i32
    %dma_wait3A_517 = tpu.memref_slice %arg6[%dma_wait3A_510, %dma_wait3A_516] : memref<200x128xi32, #tpu.memory_space<vmem>> -> memref<1x64xi32, #tpu.memory_space<vmem>>
    %dma_wait3A_518 = tpu.memref_squeeze %dma_wait3A_517 : memref<1x64xi32, #tpu.memory_space<vmem>> -> memref<64xi32, #tpu.memory_space<vmem>>
    %dma_wait3A_519 = arith.constant 0 : i32
    %dma_wait3A_520 = arith.constant 0 : i32
    %dma_wait3A_521 = tpu.memref_slice %arg4[%dma_wait3A_519, %dma_wait3A_520] : memref<1048576x32xf32, #tpu.memory_space<hbm>> -> memref<1048576x32xf32, #tpu.memory_space<hbm>>
    tpu.wait_indirect_dma semaphore(%arg12 : memref<!tpu.dma_semaphore, #tpu.memory_space<semaphore_mem>>) src(%dma_wait3A_521 : memref<1048576x32xf32, #tpu.memory_space<hbm>>) dst(%dma_wait3A_515 : memref<64x32xf32, #tpu.memory_space<vmem>>)
    %dma_wait3A_522 = arith.constant 1 : i32
    %dma_wait3A_523 = arith.constant 1 : i32
    %dma_wait3A_524 = arith.constant 64 : i32
    %dma_wait3A_525 = arith.constant 0 : i32
    %dma_wait3A_526 = tpu.memref_slice %arg8[%dma_wait3A_523, %dma_wait3A_524, %dma_wait3A_525] : memref<10x128x32xf32, #tpu.memory_space<vmem>> -> memref<1x64x32xf32, #tpu.memory_space<vmem>>
    %dma_wait3A_527 = tpu.memref_squeeze %dma_wait3A_526 : memref<1x64x32xf32, #tpu.memory_space<vmem>> -> memref<64x32xf32, #tpu.memory_space<vmem>>
    %dma_wait3A_528 = arith.constant 64 : i32
    %dma_wait3A_529 = tpu.memref_slice %arg6[%dma_wait3A_522, %dma_wait3A_528] : memref<200x128xi32, #tpu.memory_space<vmem>> -> memref<1x64xi32, #tpu.memory_space<vmem>>
    %dma_wait3A_530 = tpu.memref_squeeze %dma_wait3A_529 : memref<1x64xi32, #tpu.memory_space<vmem>> -> memref<64xi32, #tpu.memory_space<vmem>>
    %dma_wait3A_531 = arith.constant 0 : i32
    %dma_wait3A_532 = arith.constant 0 : i32
    %dma_wait3A_533 = tpu.memref_slice %arg4[%dma_wait3A_531, %dma_wait3A_532] : memref<1048576x32xf32, #tpu.memory_space<hbm>> -> memref<1048576x32xf32, #tpu.memory_space<hbm>>
    tpu.wait_indirect_dma semaphore(%arg12 : memref<!tpu.dma_semaphore, #tpu.memory_space<semaphore_mem>>) src(%dma_wait3A_533 : memref<1048576x32xf32, #tpu.memory_space<hbm>>) dst(%dma_wait3A_527 : memref<64x32xf32, #tpu.memory_space<vmem>>)
    %dma_wait3A_534 = arith.constant 2 : i32
    %dma_wait3A_535 = arith.constant 2 : i32
    %dma_wait3A_536 = arith.constant 0 : i32
    %dma_wait3A_537 = arith.constant 0 : i32
    %dma_wait3A_538 = tpu.memref_slice %arg8[%dma_wait3A_535, %dma_wait3A_536, %dma_wait3A_537] : memref<10x128x32xf32, #tpu.memory_space<vmem>> -> memref<1x64x32xf32, #tpu.memory_space<vmem>>
    %dma_wait3A_539 = tpu.memref_squeeze %dma_wait3A_538 : memref<1x64x32xf32, #tpu.memory_space<vmem>> -> memref<64x32xf32, #tpu.memory_space<vmem>>
    %dma_wait3A_540 = arith.constant 0 : i32
    %dma_wait3A_541 = tpu.memref_slice %arg6[%dma_wait3A_534, %dma_wait3A_540] : memref<200x128xi32, #tpu.memory_space<vmem>> -> memref<1x64xi32, #tpu.memory_space<vmem>>
    %dma_wait3A_542 = tpu.memref_squeeze %dma_wait3A_541 : memref<1x64xi32, #tpu.memory_space<vmem>> -> memref<64xi32, #tpu.memory_space<vmem>>
    %dma_wait3A_543 = arith.constant 0 : i32
    %dma_wait3A_544 = arith.constant 0 : i32
    %dma_wait3A_545 = tpu.memref_slice %arg4[%dma_wait3A_543, %dma_wait3A_544] : memref<1048576x32xf32, #tpu.memory_space<hbm>> -> memref<1048576x32xf32, #tpu.memory_space<hbm>>
    tpu.wait_indirect_dma semaphore(%arg13 : memref<!tpu.dma_semaphore, #tpu.memory_space<semaphore_mem>>) src(%dma_wait3A_545 : memref<1048576x32xf32, #tpu.memory_space<hbm>>) dst(%dma_wait3A_539 : memref<64x32xf32, #tpu.memory_space<vmem>>)
    %dma_wait3A_546 = arith.constant 2 : i32
    %dma_wait3A_547 = arith.constant 2 : i32
    %dma_wait3A_548 = arith.constant 64 : i32
    %dma_wait3A_549 = arith.constant 0 : i32
    %dma_wait3A_550 = tpu.memref_slice %arg8[%dma_wait3A_547, %dma_wait3A_548, %dma_wait3A_549] : memref<10x128x32xf32, #tpu.memory_space<vmem>> -> memref<1x64x32xf32, #tpu.memory_space<vmem>>
    %dma_wait3A_551 = tpu.memref_squeeze %dma_wait3A_550 : memref<1x64x32xf32, #tpu.memory_space<vmem>> -> memref<64x32xf32, #tpu.memory_space<vmem>>
    %dma_wait3A_552 = arith.constant 64 : i32
    %dma_wait3A_553 = tpu.memref_slice %arg6[%dma_wait3A_546, %dma_wait3A_552] : memref<200x128xi32, #tpu.memory_space<vmem>> -> memref<1x64xi32, #tpu.memory_space<vmem>>
    %dma_wait3A_554 = tpu.memref_squeeze %dma_wait3A_553 : memref<1x64xi32, #tpu.memory_space<vmem>> -> memref<64xi32, #tpu.memory_space<vmem>>
    %dma_wait3A_555 = arith.constant 0 : i32
    %dma_wait3A_556 = arith.constant 0 : i32
    %dma_wait3A_557 = tpu.memref_slice %arg4[%dma_wait3A_555, %dma_wait3A_556] : memref<1048576x32xf32, #tpu.memory_space<hbm>> -> memref<1048576x32xf32, #tpu.memory_space<hbm>>
    tpu.wait_indirect_dma semaphore(%arg13 : memref<!tpu.dma_semaphore, #tpu.memory_space<semaphore_mem>>) src(%dma_wait3A_557 : memref<1048576x32xf32, #tpu.memory_space<hbm>>) dst(%dma_wait3A_551 : memref<64x32xf32, #tpu.memory_space<vmem>>)
    %dma_wait3A_558 = arith.constant 3 : i32
    %dma_wait3A_559 = arith.constant 3 : i32
    %dma_wait3A_560 = arith.constant 0 : i32
    %dma_wait3A_561 = arith.constant 0 : i32
    %dma_wait3A_562 = tpu.memref_slice %arg8[%dma_wait3A_559, %dma_wait3A_560, %dma_wait3A_561] : memref<10x128x32xf32, #tpu.memory_space<vmem>> -> memref<1x64x32xf32, #tpu.memory_space<vmem>>
    %dma_wait3A_563 = tpu.memref_squeeze %dma_wait3A_562 : memref<1x64x32xf32, #tpu.memory_space<vmem>> -> memref<64x32xf32, #tpu.memory_space<vmem>>
    %dma_wait3A_564 = arith.constant 0 : i32
    %dma_wait3A_565 = tpu.memref_slice %arg6[%dma_wait3A_558, %dma_wait3A_564] : memref<200x128xi32, #tpu.memory_space<vmem>> -> memref<1x64xi32, #tpu.memory_space<vmem>>
    %dma_wait3A_566 = tpu.memref_squeeze %dma_wait3A_565 : memref<1x64xi32, #tpu.memory_space<vmem>> -> memref<64xi32, #tpu.memory_space<vmem>>
    %dma_wait3A_567 = arith.constant 0 : i32
    %dma_wait3A_568 = arith.constant 0 : i32
    %dma_wait3A_569 = tpu.memref_slice %arg4[%dma_wait3A_567, %dma_wait3A_568] : memref<1048576x32xf32, #tpu.memory_space<hbm>> -> memref<1048576x32xf32, #tpu.memory_space<hbm>>
    tpu.wait_indirect_dma semaphore(%arg14 : memref<!tpu.dma_semaphore, #tpu.memory_space<semaphore_mem>>) src(%dma_wait3A_569 : memref<1048576x32xf32, #tpu.memory_space<hbm>>) dst(%dma_wait3A_563 : memref<64x32xf32, #tpu.memory_space<vmem>>)
    %dma_wait3A_570 = arith.constant 3 : i32
    %dma_wait3A_571 = arith.constant 3 : i32
    %dma_wait3A_572 = arith.constant 64 : i32
    %dma_wait3A_573 = arith.constant 0 : i32
    %dma_wait3A_574 = tpu.memref_slice %arg8[%dma_wait3A_571, %dma_wait3A_572, %dma_wait3A_573] : memref<10x128x32xf32, #tpu.memory_space<vmem>> -> memref<1x64x32xf32, #tpu.memory_space<vmem>>
    %dma_wait3A_575 = tpu.memref_squeeze %dma_wait3A_574 : memref<1x64x32xf32, #tpu.memory_space<vmem>> -> memref<64x32xf32, #tpu.memory_space<vmem>>
    %dma_wait3A_576 = arith.constant 64 : i32
    %dma_wait3A_577 = tpu.memref_slice %arg6[%dma_wait3A_570, %dma_wait3A_576] : memref<200x128xi32, #tpu.memory_space<vmem>> -> memref<1x64xi32, #tpu.memory_space<vmem>>
    %dma_wait3A_578 = tpu.memref_squeeze %dma_wait3A_577 : memref<1x64xi32, #tpu.memory_space<vmem>> -> memref<64xi32, #tpu.memory_space<vmem>>
    %dma_wait3A_579 = arith.constant 0 : i32
    %dma_wait3A_580 = arith.constant 0 : i32
    %dma_wait3A_581 = tpu.memref_slice %arg4[%dma_wait3A_579, %dma_wait3A_580] : memref<1048576x32xf32, #tpu.memory_space<hbm>> -> memref<1048576x32xf32, #tpu.memory_space<hbm>>
    tpu.wait_indirect_dma semaphore(%arg14 : memref<!tpu.dma_semaphore, #tpu.memory_space<semaphore_mem>>) src(%dma_wait3A_581 : memref<1048576x32xf32, #tpu.memory_space<hbm>>) dst(%dma_wait3A_575 : memref<64x32xf32, #tpu.memory_space<vmem>>)
    %dma_wait3A_582 = arith.constant 4 : i32
    %dma_wait3A_583 = arith.constant 4 : i32
    %dma_wait3A_584 = arith.constant 0 : i32
    %dma_wait3A_585 = arith.constant 0 : i32
    %dma_wait3A_586 = tpu.memref_slice %arg8[%dma_wait3A_583, %dma_wait3A_584, %dma_wait3A_585] : memref<10x128x32xf32, #tpu.memory_space<vmem>> -> memref<1x64x32xf32, #tpu.memory_space<vmem>>
    %dma_wait3A_587 = tpu.memref_squeeze %dma_wait3A_586 : memref<1x64x32xf32, #tpu.memory_space<vmem>> -> memref<64x32xf32, #tpu.memory_space<vmem>>
    %dma_wait3A_588 = arith.constant 0 : i32
    %dma_wait3A_589 = tpu.memref_slice %arg6[%dma_wait3A_582, %dma_wait3A_588] : memref<200x128xi32, #tpu.memory_space<vmem>> -> memref<1x64xi32, #tpu.memory_space<vmem>>
    %dma_wait3A_590 = tpu.memref_squeeze %dma_wait3A_589 : memref<1x64xi32, #tpu.memory_space<vmem>> -> memref<64xi32, #tpu.memory_space<vmem>>
    %dma_wait3A_591 = arith.constant 0 : i32
    %dma_wait3A_592 = arith.constant 0 : i32
    %dma_wait3A_593 = tpu.memref_slice %arg4[%dma_wait3A_591, %dma_wait3A_592] : memref<1048576x32xf32, #tpu.memory_space<hbm>> -> memref<1048576x32xf32, #tpu.memory_space<hbm>>
    tpu.wait_indirect_dma semaphore(%arg15 : memref<!tpu.dma_semaphore, #tpu.memory_space<semaphore_mem>>) src(%dma_wait3A_593 : memref<1048576x32xf32, #tpu.memory_space<hbm>>) dst(%dma_wait3A_587 : memref<64x32xf32, #tpu.memory_space<vmem>>)
    %dma_wait3A_594 = arith.constant 4 : i32
    %dma_wait3A_595 = arith.constant 4 : i32
    %dma_wait3A_596 = arith.constant 64 : i32
    %dma_wait3A_597 = arith.constant 0 : i32
    %dma_wait3A_598 = tpu.memref_slice %arg8[%dma_wait3A_595, %dma_wait3A_596, %dma_wait3A_597] : memref<10x128x32xf32, #tpu.memory_space<vmem>> -> memref<1x64x32xf32, #tpu.memory_space<vmem>>
    %dma_wait3A_599 = tpu.memref_squeeze %dma_wait3A_598 : memref<1x64x32xf32, #tpu.memory_space<vmem>> -> memref<64x32xf32, #tpu.memory_space<vmem>>
    %dma_wait3A_600 = arith.constant 64 : i32
    %dma_wait3A_601 = tpu.memref_slice %arg6[%dma_wait3A_594, %dma_wait3A_600] : memref<200x128xi32, #tpu.memory_space<vmem>> -> memref<1x64xi32, #tpu.memory_space<vmem>>
    %dma_wait3A_602 = tpu.memref_squeeze %dma_wait3A_601 : memref<1x64xi32, #tpu.memory_space<vmem>> -> memref<64xi32, #tpu.memory_space<vmem>>
    %dma_wait3A_603 = arith.constant 0 : i32
    %dma_wait3A_604 = arith.constant 0 : i32
    %dma_wait3A_605 = tpu.memref_slice %arg4[%dma_wait3A_603, %dma_wait3A_604] : memref<1048576x32xf32, #tpu.memory_space<hbm>> -> memref<1048576x32xf32, #tpu.memory_space<hbm>>
    tpu.wait_indirect_dma semaphore(%arg15 : memref<!tpu.dma_semaphore, #tpu.memory_space<semaphore_mem>>) src(%dma_wait3A_605 : memref<1048576x32xf32, #tpu.memory_space<hbm>>) dst(%dma_wait3A_599 : memref<64x32xf32, #tpu.memory_space<vmem>>)
    %dma_wait3A_606 = arith.constant 5 : i32
    %dma_wait3A_607 = arith.constant 5 : i32
    %dma_wait3A_608 = arith.constant 0 : i32
    %dma_wait3A_609 = arith.constant 0 : i32
    %dma_wait3A_610 = tpu.memref_slice %arg8[%dma_wait3A_607, %dma_wait3A_608, %dma_wait3A_609] : memref<10x128x32xf32, #tpu.memory_space<vmem>> -> memref<1x64x32xf32, #tpu.memory_space<vmem>>
    %dma_wait3A_611 = tpu.memref_squeeze %dma_wait3A_610 : memref<1x64x32xf32, #tpu.memory_space<vmem>> -> memref<64x32xf32, #tpu.memory_space<vmem>>
    %dma_wait3A_612 = arith.constant 0 : i32
    %dma_wait3A_613 = tpu.memref_slice %arg6[%dma_wait3A_606, %dma_wait3A_612] : memref<200x128xi32, #tpu.memory_space<vmem>> -> memref<1x64xi32, #tpu.memory_space<vmem>>
    %dma_wait3A_614 = tpu.memref_squeeze %dma_wait3A_613 : memref<1x64xi32, #tpu.memory_space<vmem>> -> memref<64xi32, #tpu.memory_space<vmem>>
    %dma_wait3A_615 = arith.constant 0 : i32
    %dma_wait3A_616 = arith.constant 0 : i32
    %dma_wait3A_617 = tpu.memref_slice %arg4[%dma_wait3A_615, %dma_wait3A_616] : memref<1048576x32xf32, #tpu.memory_space<hbm>> -> memref<1048576x32xf32, #tpu.memory_space<hbm>>
    tpu.wait_indirect_dma semaphore(%arg16 : memref<!tpu.dma_semaphore, #tpu.memory_space<semaphore_mem>>) src(%dma_wait3A_617 : memref<1048576x32xf32, #tpu.memory_space<hbm>>) dst(%dma_wait3A_611 : memref<64x32xf32, #tpu.memory_space<vmem>>)
    %dma_wait3A_618 = arith.constant 5 : i32
    %dma_wait3A_619 = arith.constant 5 : i32
    %dma_wait3A_620 = arith.constant 64 : i32
    %dma_wait3A_621 = arith.constant 0 : i32
    %dma_wait3A_622 = tpu.memref_slice %arg8[%dma_wait3A_619, %dma_wait3A_620, %dma_wait3A_621] : memref<10x128x32xf32, #tpu.memory_space<vmem>> -> memref<1x64x32xf32, #tpu.memory_space<vmem>>
    %dma_wait3A_623 = tpu.memref_squeeze %dma_wait3A_622 : memref<1x64x32xf32, #tpu.memory_space<vmem>> -> memref<64x32xf32, #tpu.memory_space<vmem>>
    %dma_wait3A_624 = arith.constant 64 : i32
    %dma_wait3A_625 = tpu.memref_slice %arg6[%dma_wait3A_618, %dma_wait3A_624] : memref<200x128xi32, #tpu.memory_space<vmem>> -> memref<1x64xi32, #tpu.memory_space<vmem>>
    %dma_wait3A_626 = tpu.memref_squeeze %dma_wait3A_625 : memref<1x64xi32, #tpu.memory_space<vmem>> -> memref<64xi32, #tpu.memory_space<vmem>>
    %dma_wait3A_627 = arith.constant 0 : i32
    %dma_wait3A_628 = arith.constant 0 : i32
    %dma_wait3A_629 = tpu.memref_slice %arg4[%dma_wait3A_627, %dma_wait3A_628] : memref<1048576x32xf32, #tpu.memory_space<hbm>> -> memref<1048576x32xf32, #tpu.memory_space<hbm>>
    tpu.wait_indirect_dma semaphore(%arg16 : memref<!tpu.dma_semaphore, #tpu.memory_space<semaphore_mem>>) src(%dma_wait3A_629 : memref<1048576x32xf32, #tpu.memory_space<hbm>>) dst(%dma_wait3A_623 : memref<64x32xf32, #tpu.memory_space<vmem>>)
    %dma_wait3A_630 = arith.constant 6 : i32
    %dma_wait3A_631 = arith.constant 6 : i32
    %dma_wait3A_632 = arith.constant 0 : i32
    %dma_wait3A_633 = arith.constant 0 : i32
    %dma_wait3A_634 = tpu.memref_slice %arg8[%dma_wait3A_631, %dma_wait3A_632, %dma_wait3A_633] : memref<10x128x32xf32, #tpu.memory_space<vmem>> -> memref<1x64x32xf32, #tpu.memory_space<vmem>>
    %dma_wait3A_635 = tpu.memref_squeeze %dma_wait3A_634 : memref<1x64x32xf32, #tpu.memory_space<vmem>> -> memref<64x32xf32, #tpu.memory_space<vmem>>
    %dma_wait3A_636 = arith.constant 0 : i32
    %dma_wait3A_637 = tpu.memref_slice %arg6[%dma_wait3A_630, %dma_wait3A_636] : memref<200x128xi32, #tpu.memory_space<vmem>> -> memref<1x64xi32, #tpu.memory_space<vmem>>
    %dma_wait3A_638 = tpu.memref_squeeze %dma_wait3A_637 : memref<1x64xi32, #tpu.memory_space<vmem>> -> memref<64xi32, #tpu.memory_space<vmem>>
    %dma_wait3A_639 = arith.constant 0 : i32
    %dma_wait3A_640 = arith.constant 0 : i32
    %dma_wait3A_641 = tpu.memref_slice %arg4[%dma_wait3A_639, %dma_wait3A_640] : memref<1048576x32xf32, #tpu.memory_space<hbm>> -> memref<1048576x32xf32, #tpu.memory_space<hbm>>
    tpu.wait_indirect_dma semaphore(%arg17 : memref<!tpu.dma_semaphore, #tpu.memory_space<semaphore_mem>>) src(%dma_wait3A_641 : memref<1048576x32xf32, #tpu.memory_space<hbm>>) dst(%dma_wait3A_635 : memref<64x32xf32, #tpu.memory_space<vmem>>)
    %dma_wait3A_642 = arith.constant 6 : i32
    %dma_wait3A_643 = arith.constant 6 : i32
    %dma_wait3A_644 = arith.constant 64 : i32
    %dma_wait3A_645 = arith.constant 0 : i32
    %dma_wait3A_646 = tpu.memref_slice %arg8[%dma_wait3A_643, %dma_wait3A_644, %dma_wait3A_645] : memref<10x128x32xf32, #tpu.memory_space<vmem>> -> memref<1x64x32xf32, #tpu.memory_space<vmem>>
    %dma_wait3A_647 = tpu.memref_squeeze %dma_wait3A_646 : memref<1x64x32xf32, #tpu.memory_space<vmem>> -> memref<64x32xf32, #tpu.memory_space<vmem>>
    %dma_wait3A_648 = arith.constant 64 : i32
    %dma_wait3A_649 = tpu.memref_slice %arg6[%dma_wait3A_642, %dma_wait3A_648] : memref<200x128xi32, #tpu.memory_space<vmem>> -> memref<1x64xi32, #tpu.memory_space<vmem>>
    %dma_wait3A_650 = tpu.memref_squeeze %dma_wait3A_649 : memref<1x64xi32, #tpu.memory_space<vmem>> -> memref<64xi32, #tpu.memory_space<vmem>>
    %dma_wait3A_651 = arith.constant 0 : i32
    %dma_wait3A_652 = arith.constant 0 : i32
    %dma_wait3A_653 = tpu.memref_slice %arg4[%dma_wait3A_651, %dma_wait3A_652] : memref<1048576x32xf32, #tpu.memory_space<hbm>> -> memref<1048576x32xf32, #tpu.memory_space<hbm>>
    tpu.wait_indirect_dma semaphore(%arg17 : memref<!tpu.dma_semaphore, #tpu.memory_space<semaphore_mem>>) src(%dma_wait3A_653 : memref<1048576x32xf32, #tpu.memory_space<hbm>>) dst(%dma_wait3A_647 : memref<64x32xf32, #tpu.memory_space<vmem>>)
    %dma_wait3A_654 = arith.constant 7 : i32
    %dma_wait3A_655 = arith.constant 7 : i32
    %dma_wait3A_656 = arith.constant 0 : i32
    %dma_wait3A_657 = arith.constant 0 : i32
    %dma_wait3A_658 = tpu.memref_slice %arg8[%dma_wait3A_655, %dma_wait3A_656, %dma_wait3A_657] : memref<10x128x32xf32, #tpu.memory_space<vmem>> -> memref<1x64x32xf32, #tpu.memory_space<vmem>>
    %dma_wait3A_659 = tpu.memref_squeeze %dma_wait3A_658 : memref<1x64x32xf32, #tpu.memory_space<vmem>> -> memref<64x32xf32, #tpu.memory_space<vmem>>
    %dma_wait3A_660 = arith.constant 0 : i32
    %dma_wait3A_661 = tpu.memref_slice %arg6[%dma_wait3A_654, %dma_wait3A_660] : memref<200x128xi32, #tpu.memory_space<vmem>> -> memref<1x64xi32, #tpu.memory_space<vmem>>
    %dma_wait3A_662 = tpu.memref_squeeze %dma_wait3A_661 : memref<1x64xi32, #tpu.memory_space<vmem>> -> memref<64xi32, #tpu.memory_space<vmem>>
    %dma_wait3A_663 = arith.constant 0 : i32
    %dma_wait3A_664 = arith.constant 0 : i32
    %dma_wait3A_665 = tpu.memref_slice %arg4[%dma_wait3A_663, %dma_wait3A_664] : memref<1048576x32xf32, #tpu.memory_space<hbm>> -> memref<1048576x32xf32, #tpu.memory_space<hbm>>
    tpu.wait_indirect_dma semaphore(%arg18 : memref<!tpu.dma_semaphore, #tpu.memory_space<semaphore_mem>>) src(%dma_wait3A_665 : memref<1048576x32xf32, #tpu.memory_space<hbm>>) dst(%dma_wait3A_659 : memref<64x32xf32, #tpu.memory_space<vmem>>)
    %dma_wait3A_666 = arith.constant 7 : i32
    %dma_wait3A_667 = arith.constant 7 : i32
    %dma_wait3A_668 = arith.constant 64 : i32
    %dma_wait3A_669 = arith.constant 0 : i32
    %dma_wait3A_670 = tpu.memref_slice %arg8[%dma_wait3A_667, %dma_wait3A_668, %dma_wait3A_669] : memref<10x128x32xf32, #tpu.memory_space<vmem>> -> memref<1x64x32xf32, #tpu.memory_space<vmem>>
    %dma_wait3A_671 = tpu.memref_squeeze %dma_wait3A_670 : memref<1x64x32xf32, #tpu.memory_space<vmem>> -> memref<64x32xf32, #tpu.memory_space<vmem>>
    %dma_wait3A_672 = arith.constant 64 : i32
    %dma_wait3A_673 = tpu.memref_slice %arg6[%dma_wait3A_666, %dma_wait3A_672] : memref<200x128xi32, #tpu.memory_space<vmem>> -> memref<1x64xi32, #tpu.memory_space<vmem>>
    %dma_wait3A_674 = tpu.memref_squeeze %dma_wait3A_673 : memref<1x64xi32, #tpu.memory_space<vmem>> -> memref<64xi32, #tpu.memory_space<vmem>>
    %dma_wait3A_675 = arith.constant 0 : i32
    %dma_wait3A_676 = arith.constant 0 : i32
    %dma_wait3A_677 = tpu.memref_slice %arg4[%dma_wait3A_675, %dma_wait3A_676] : memref<1048576x32xf32, #tpu.memory_space<hbm>> -> memref<1048576x32xf32, #tpu.memory_space<hbm>>
    tpu.wait_indirect_dma semaphore(%arg18 : memref<!tpu.dma_semaphore, #tpu.memory_space<semaphore_mem>>) src(%dma_wait3A_677 : memref<1048576x32xf32, #tpu.memory_space<hbm>>) dst(%dma_wait3A_671 : memref<64x32xf32, #tpu.memory_space<vmem>>)
    %dma_wait3A_678 = arith.constant 8 : i32
    %dma_wait3A_679 = arith.constant 8 : i32
    %dma_wait3A_680 = arith.constant 0 : i32
    %dma_wait3A_681 = arith.constant 0 : i32
    %dma_wait3A_682 = tpu.memref_slice %arg8[%dma_wait3A_679, %dma_wait3A_680, %dma_wait3A_681] : memref<10x128x32xf32, #tpu.memory_space<vmem>> -> memref<1x64x32xf32, #tpu.memory_space<vmem>>
    %dma_wait3A_683 = tpu.memref_squeeze %dma_wait3A_682 : memref<1x64x32xf32, #tpu.memory_space<vmem>> -> memref<64x32xf32, #tpu.memory_space<vmem>>
    %dma_wait3A_684 = arith.constant 0 : i32
    %dma_wait3A_685 = tpu.memref_slice %arg6[%dma_wait3A_678, %dma_wait3A_684] : memref<200x128xi32, #tpu.memory_space<vmem>> -> memref<1x64xi32, #tpu.memory_space<vmem>>
    %dma_wait3A_686 = tpu.memref_squeeze %dma_wait3A_685 : memref<1x64xi32, #tpu.memory_space<vmem>> -> memref<64xi32, #tpu.memory_space<vmem>>
    %dma_wait3A_687 = arith.constant 0 : i32
    %dma_wait3A_688 = arith.constant 0 : i32
    %dma_wait3A_689 = tpu.memref_slice %arg4[%dma_wait3A_687, %dma_wait3A_688] : memref<1048576x32xf32, #tpu.memory_space<hbm>> -> memref<1048576x32xf32, #tpu.memory_space<hbm>>
    tpu.wait_indirect_dma semaphore(%arg19 : memref<!tpu.dma_semaphore, #tpu.memory_space<semaphore_mem>>) src(%dma_wait3A_689 : memref<1048576x32xf32, #tpu.memory_space<hbm>>) dst(%dma_wait3A_683 : memref<64x32xf32, #tpu.memory_space<vmem>>)
    %dma_wait3A_690 = arith.constant 8 : i32
    %dma_wait3A_691 = arith.constant 8 : i32
    %dma_wait3A_692 = arith.constant 64 : i32
    %dma_wait3A_693 = arith.constant 0 : i32
    %dma_wait3A_694 = tpu.memref_slice %arg8[%dma_wait3A_691, %dma_wait3A_692, %dma_wait3A_693] : memref<10x128x32xf32, #tpu.memory_space<vmem>> -> memref<1x64x32xf32, #tpu.memory_space<vmem>>
    %dma_wait3A_695 = tpu.memref_squeeze %dma_wait3A_694 : memref<1x64x32xf32, #tpu.memory_space<vmem>> -> memref<64x32xf32, #tpu.memory_space<vmem>>
    %dma_wait3A_696 = arith.constant 64 : i32
    %dma_wait3A_697 = tpu.memref_slice %arg6[%dma_wait3A_690, %dma_wait3A_696] : memref<200x128xi32, #tpu.memory_space<vmem>> -> memref<1x64xi32, #tpu.memory_space<vmem>>
    %dma_wait3A_698 = tpu.memref_squeeze %dma_wait3A_697 : memref<1x64xi32, #tpu.memory_space<vmem>> -> memref<64xi32, #tpu.memory_space<vmem>>
    %dma_wait3A_699 = arith.constant 0 : i32
    %dma_wait3A_700 = arith.constant 0 : i32
    %dma_wait3A_701 = tpu.memref_slice %arg4[%dma_wait3A_699, %dma_wait3A_700] : memref<1048576x32xf32, #tpu.memory_space<hbm>> -> memref<1048576x32xf32, #tpu.memory_space<hbm>>
    tpu.wait_indirect_dma semaphore(%arg19 : memref<!tpu.dma_semaphore, #tpu.memory_space<semaphore_mem>>) src(%dma_wait3A_701 : memref<1048576x32xf32, #tpu.memory_space<hbm>>) dst(%dma_wait3A_695 : memref<64x32xf32, #tpu.memory_space<vmem>>)
    %dma_wait3A_702 = arith.constant 9 : i32
    %dma_wait3A_703 = arith.constant 9 : i32
    %dma_wait3A_704 = arith.constant 0 : i32
    %dma_wait3A_705 = arith.constant 0 : i32
    %dma_wait3A_706 = tpu.memref_slice %arg8[%dma_wait3A_703, %dma_wait3A_704, %dma_wait3A_705] : memref<10x128x32xf32, #tpu.memory_space<vmem>> -> memref<1x64x32xf32, #tpu.memory_space<vmem>>
    %dma_wait3A_707 = tpu.memref_squeeze %dma_wait3A_706 : memref<1x64x32xf32, #tpu.memory_space<vmem>> -> memref<64x32xf32, #tpu.memory_space<vmem>>
    %dma_wait3A_708 = arith.constant 0 : i32
    %dma_wait3A_709 = tpu.memref_slice %arg6[%dma_wait3A_702, %dma_wait3A_708] : memref<200x128xi32, #tpu.memory_space<vmem>> -> memref<1x64xi32, #tpu.memory_space<vmem>>
    %dma_wait3A_710 = tpu.memref_squeeze %dma_wait3A_709 : memref<1x64xi32, #tpu.memory_space<vmem>> -> memref<64xi32, #tpu.memory_space<vmem>>
    %dma_wait3A_711 = arith.constant 0 : i32
    %dma_wait3A_712 = arith.constant 0 : i32
    %dma_wait3A_713 = tpu.memref_slice %arg4[%dma_wait3A_711, %dma_wait3A_712] : memref<1048576x32xf32, #tpu.memory_space<hbm>> -> memref<1048576x32xf32, #tpu.memory_space<hbm>>
    tpu.wait_indirect_dma semaphore(%arg20 : memref<!tpu.dma_semaphore, #tpu.memory_space<semaphore_mem>>) src(%dma_wait3A_713 : memref<1048576x32xf32, #tpu.memory_space<hbm>>) dst(%dma_wait3A_707 : memref<64x32xf32, #tpu.memory_space<vmem>>)
    %dma_wait3A_714 = arith.constant 9 : i32
    %dma_wait3A_715 = arith.constant 9 : i32
    %dma_wait3A_716 = arith.constant 64 : i32
    %dma_wait3A_717 = arith.constant 0 : i32
    %dma_wait3A_718 = tpu.memref_slice %arg8[%dma_wait3A_715, %dma_wait3A_716, %dma_wait3A_717] : memref<10x128x32xf32, #tpu.memory_space<vmem>> -> memref<1x64x32xf32, #tpu.memory_space<vmem>>
    %dma_wait3A_719 = tpu.memref_squeeze %dma_wait3A_718 : memref<1x64x32xf32, #tpu.memory_space<vmem>> -> memref<64x32xf32, #tpu.memory_space<vmem>>
    %dma_wait3A_720 = arith.constant 64 : i32
    %dma_wait3A_721 = tpu.memref_slice %arg6[%dma_wait3A_714, %dma_wait3A_720] : memref<200x128xi32, #tpu.memory_space<vmem>> -> memref<1x64xi32, #tpu.memory_space<vmem>>
    %dma_wait3A_722 = tpu.memref_squeeze %dma_wait3A_721 : memref<1x64xi32, #tpu.memory_space<vmem>> -> memref<64xi32, #tpu.memory_space<vmem>>
    %dma_wait3A_723 = arith.constant 0 : i32
    %dma_wait3A_724 = arith.constant 0 : i32
    %dma_wait3A_725 = tpu.memref_slice %arg4[%dma_wait3A_723, %dma_wait3A_724] : memref<1048576x32xf32, #tpu.memory_space<hbm>> -> memref<1048576x32xf32, #tpu.memory_space<hbm>>
    tpu.wait_indirect_dma semaphore(%arg20 : memref<!tpu.dma_semaphore, #tpu.memory_space<semaphore_mem>>) src(%dma_wait3A_725 : memref<1048576x32xf32, #tpu.memory_space<hbm>>) dst(%dma_wait3A_719 : memref<64x32xf32, #tpu.memory_space<vmem>>)
    %scan3A_726 = arith.constant 0 : i32
    %scan3A_727 = arith.constant 1 : i32
    %scan3A_728 = arith.constant 4 : i32
    %scan3A_729 = arith.addi %scan3A_727, %scan3A_728 : i32
    %scan3A_730 = arith.constant 1 : i32
    scf.for %scan3A_984 = %scan3A_727 to %scan3A_729 step %scan3A_730  : i32 {
      %mul3A_985 = arith.constant 10 : i32
      %mul3A_986 = arith.muli %scan3A_984, %mul3A_985 : i32
      %add3A_987 = arith.constant 0 : i32
      %add3A_988 = arith.addi %mul3A_986, %add3A_987 : i32
      %dma_wait3A_989 = arith.constant 0 : i32
      %dma_wait3A_990 = arith.constant 0 : i32
      %dma_wait3A_991 = arith.constant 0 : i32
      %dma_wait3A_992 = tpu.memref_slice %arg9[%dma_wait3A_989, %dma_wait3A_990, %dma_wait3A_991] : memref<10x128x32xf32, #tpu.memory_space<vmem>> -> memref<1x64x32xf32, #tpu.memory_space<vmem>>
      %dma_wait3A_993 = tpu.memref_squeeze %dma_wait3A_992 : memref<1x64x32xf32, #tpu.memory_space<vmem>> -> memref<64x32xf32, #tpu.memory_space<vmem>>
      %dma_wait3A_994 = arith.constant 0 : i32
      %dma_wait3A_995 = tpu.memref_slice %arg7[%add3A_988, %dma_wait3A_994] : memref<50x128xi32, #tpu.memory_space<vmem>> -> memref<1x64xi32, #tpu.memory_space<vmem>>
      %dma_wait3A_996 = tpu.memref_squeeze %dma_wait3A_995 : memref<1x64xi32, #tpu.memory_space<vmem>> -> memref<64xi32, #tpu.memory_space<vmem>>
      %dma_wait3A_997 = arith.constant 0 : i32
      %dma_wait3A_998 = arith.constant 0 : i32
      %dma_wait3A_999 = tpu.memref_slice %arg4[%dma_wait3A_997, %dma_wait3A_998] : memref<1048576x32xf32, #tpu.memory_space<hbm>> -> memref<1048576x32xf32, #tpu.memory_space<hbm>>
      tpu.wait_indirect_dma semaphore(%arg21 : memref<!tpu.dma_semaphore, #tpu.memory_space<semaphore_mem>>) src(%dma_wait3A_999 : memref<1048576x32xf32, #tpu.memory_space<hbm>>) dst(%dma_wait3A_993 : memref<64x32xf32, #tpu.memory_space<vmem>>)
      %dma_wait3A_1000 = arith.constant 0 : i32
      %dma_wait3A_1001 = arith.constant 64 : i32
      %dma_wait3A_1002 = arith.constant 0 : i32
      %dma_wait3A_1003 = tpu.memref_slice %arg9[%dma_wait3A_1000, %dma_wait3A_1001, %dma_wait3A_1002] : memref<10x128x32xf32, #tpu.memory_space<vmem>> -> memref<1x64x32xf32, #tpu.memory_space<vmem>>
      %dma_wait3A_1004 = tpu.memref_squeeze %dma_wait3A_1003 : memref<1x64x32xf32, #tpu.memory_space<vmem>> -> memref<64x32xf32, #tpu.memory_space<vmem>>
      %dma_wait3A_1005 = arith.constant 64 : i32
      %dma_wait3A_1006 = tpu.memref_slice %arg7[%add3A_988, %dma_wait3A_1005] : memref<50x128xi32, #tpu.memory_space<vmem>> -> memref<1x64xi32, #tpu.memory_space<vmem>>
      %dma_wait3A_1007 = tpu.memref_squeeze %dma_wait3A_1006 : memref<1x64xi32, #tpu.memory_space<vmem>> -> memref<64xi32, #tpu.memory_space<vmem>>
      %dma_wait3A_1008 = arith.constant 0 : i32
      %dma_wait3A_1009 = arith.constant 0 : i32
      %dma_wait3A_1010 = tpu.memref_slice %arg4[%dma_wait3A_1008, %dma_wait3A_1009] : memref<1048576x32xf32, #tpu.memory_space<hbm>> -> memref<1048576x32xf32, #tpu.memory_space<hbm>>
      tpu.wait_indirect_dma semaphore(%arg21 : memref<!tpu.dma_semaphore, #tpu.memory_space<semaphore_mem>>) src(%dma_wait3A_1010 : memref<1048576x32xf32, #tpu.memory_space<hbm>>) dst(%dma_wait3A_1004 : memref<64x32xf32, #tpu.memory_space<vmem>>)
      %dma_start3A_1011 = arith.constant 0 : i32
      %dma_start3A_1012 = arith.constant 0 : i32
      %dma_start3A_1013 = arith.constant 0 : i32
      %dma_start3A_1014 = tpu.memref_slice %arg9[%dma_start3A_1011, %dma_start3A_1012, %dma_start3A_1013] : memref<10x128x32xf32, #tpu.memory_space<vmem>> -> memref<1x64x32xf32, #tpu.memory_space<vmem>>
      %dma_start3A_1015 = tpu.memref_squeeze %dma_start3A_1014 : memref<1x64x32xf32, #tpu.memory_space<vmem>> -> memref<64x32xf32, #tpu.memory_space<vmem>>
      %dma_start3A_1016 = arith.constant 0 : i32
      %dma_start3A_1017 = tpu.memref_slice %arg7[%add3A_988, %dma_start3A_1016] : memref<50x128xi32, #tpu.memory_space<vmem>> -> memref<1x64xi32, #tpu.memory_space<vmem>>
      %dma_start3A_1018 = tpu.memref_squeeze %dma_start3A_1017 : memref<1x64xi32, #tpu.memory_space<vmem>> -> memref<64xi32, #tpu.memory_space<vmem>>
      %dma_start3A_1019 = arith.constant 0 : i32
      %dma_start3A_1020 = arith.constant 0 : i32
      %dma_start3A_1021 = tpu.memref_slice %arg4[%dma_start3A_1019, %dma_start3A_1020] : memref<1048576x32xf32, #tpu.memory_space<hbm>> -> memref<1048576x32xf32, #tpu.memory_space<hbm>>
      tpu.enqueue_indirect_dma source(%dma_start3A_1021 : memref<1048576x32xf32, #tpu.memory_space<hbm>>) target(%dma_start3A_1015 : memref<64x32xf32, #tpu.memory_space<vmem>>) offsets(%dma_start3A_1018 : memref<64xi32, #tpu.memory_space<vmem>>) semaphore(%arg21 : memref<!tpu.dma_semaphore, #tpu.memory_space<semaphore_mem>>) {add = true}
      %dma_start3A_1022 = arith.constant 0 : i32
      %dma_start3A_1023 = arith.constant 64 : i32
      %dma_start3A_1024 = arith.constant 0 : i32
      %dma_start3A_1025 = tpu.memref_slice %arg9[%dma_start3A_1022, %dma_start3A_1023, %dma_start3A_1024] : memref<10x128x32xf32, #tpu.memory_space<vmem>> -> memref<1x64x32xf32, #tpu.memory_space<vmem>>
      %dma_start3A_1026 = tpu.memref_squeeze %dma_start3A_1025 : memref<1x64x32xf32, #tpu.memory_space<vmem>> -> memref<64x32xf32, #tpu.memory_space<vmem>>
      %dma_start3A_1027 = arith.constant 64 : i32
      %dma_start3A_1028 = tpu.memref_slice %arg7[%add3A_988, %dma_start3A_1027] : memref<50x128xi32, #tpu.memory_space<vmem>> -> memref<1x64xi32, #tpu.memory_space<vmem>>
      %dma_start3A_1029 = tpu.memref_squeeze %dma_start3A_1028 : memref<1x64xi32, #tpu.memory_space<vmem>> -> memref<64xi32, #tpu.memory_space<vmem>>
      %dma_start3A_1030 = arith.constant 0 : i32
      %dma_start3A_1031 = arith.constant 0 : i32
      %dma_start3A_1032 = tpu.memref_slice %arg4[%dma_start3A_1030, %dma_start3A_1031] : memref<1048576x32xf32, #tpu.memory_space<hbm>> -> memref<1048576x32xf32, #tpu.memory_space<hbm>>
      tpu.enqueue_indirect_dma source(%dma_start3A_1032 : memref<1048576x32xf32, #tpu.memory_space<hbm>>) target(%dma_start3A_1026 : memref<64x32xf32, #tpu.memory_space<vmem>>) offsets(%dma_start3A_1029 : memref<64xi32, #tpu.memory_space<vmem>>) semaphore(%arg21 : memref<!tpu.dma_semaphore, #tpu.memory_space<semaphore_mem>>) {add = true}
      %mul3A_1033 = arith.constant 10 : i32
      %mul3A_1034 = arith.muli %scan3A_984, %mul3A_1033 : i32
      %add3A_1035 = arith.constant 1 : i32
      %add3A_1036 = arith.addi %mul3A_1034, %add3A_1035 : i32
      %dma_wait3A_1037 = arith.constant 1 : i32
      %dma_wait3A_1038 = arith.constant 0 : i32
      %dma_wait3A_1039 = arith.constant 0 : i32
      %dma_wait3A_1040 = tpu.memref_slice %arg9[%dma_wait3A_1037, %dma_wait3A_1038, %dma_wait3A_1039] : memref<10x128x32xf32, #tpu.memory_space<vmem>> -> memref<1x64x32xf32, #tpu.memory_space<vmem>>
      %dma_wait3A_1041 = tpu.memref_squeeze %dma_wait3A_1040 : memref<1x64x32xf32, #tpu.memory_space<vmem>> -> memref<64x32xf32, #tpu.memory_space<vmem>>
      %dma_wait3A_1042 = arith.constant 0 : i32
      %dma_wait3A_1043 = tpu.memref_slice %arg7[%add3A_1036, %dma_wait3A_1042] : memref<50x128xi32, #tpu.memory_space<vmem>> -> memref<1x64xi32, #tpu.memory_space<vmem>>
      %dma_wait3A_1044 = tpu.memref_squeeze %dma_wait3A_1043 : memref<1x64xi32, #tpu.memory_space<vmem>> -> memref<64xi32, #tpu.memory_space<vmem>>
      %dma_wait3A_1045 = arith.constant 0 : i32
      %dma_wait3A_1046 = arith.constant 0 : i32
      %dma_wait3A_1047 = tpu.memref_slice %arg4[%dma_wait3A_1045, %dma_wait3A_1046] : memref<1048576x32xf32, #tpu.memory_space<hbm>> -> memref<1048576x32xf32, #tpu.memory_space<hbm>>
      tpu.wait_indirect_dma semaphore(%arg22 : memref<!tpu.dma_semaphore, #tpu.memory_space<semaphore_mem>>) src(%dma_wait3A_1047 : memref<1048576x32xf32, #tpu.memory_space<hbm>>) dst(%dma_wait3A_1041 : memref<64x32xf32, #tpu.memory_space<vmem>>)
      %dma_wait3A_1048 = arith.constant 1 : i32
      %dma_wait3A_1049 = arith.constant 64 : i32
      %dma_wait3A_1050 = arith.constant 0 : i32
      %dma_wait3A_1051 = tpu.memref_slice %arg9[%dma_wait3A_1048, %dma_wait3A_1049, %dma_wait3A_1050] : memref<10x128x32xf32, #tpu.memory_space<vmem>> -> memref<1x64x32xf32, #tpu.memory_space<vmem>>
      %dma_wait3A_1052 = tpu.memref_squeeze %dma_wait3A_1051 : memref<1x64x32xf32, #tpu.memory_space<vmem>> -> memref<64x32xf32, #tpu.memory_space<vmem>>
      %dma_wait3A_1053 = arith.constant 64 : i32
      %dma_wait3A_1054 = tpu.memref_slice %arg7[%add3A_1036, %dma_wait3A_1053] : memref<50x128xi32, #tpu.memory_space<vmem>> -> memref<1x64xi32, #tpu.memory_space<vmem>>
      %dma_wait3A_1055 = tpu.memref_squeeze %dma_wait3A_1054 : memref<1x64xi32, #tpu.memory_space<vmem>> -> memref<64xi32, #tpu.memory_space<vmem>>
      %dma_wait3A_1056 = arith.constant 0 : i32
      %dma_wait3A_1057 = arith.constant 0 : i32
      %dma_wait3A_1058 = tpu.memref_slice %arg4[%dma_wait3A_1056, %dma_wait3A_1057] : memref<1048576x32xf32, #tpu.memory_space<hbm>> -> memref<1048576x32xf32, #tpu.memory_space<hbm>>
      tpu.wait_indirect_dma semaphore(%arg22 : memref<!tpu.dma_semaphore, #tpu.memory_space<semaphore_mem>>) src(%dma_wait3A_1058 : memref<1048576x32xf32, #tpu.memory_space<hbm>>) dst(%dma_wait3A_1052 : memref<64x32xf32, #tpu.memory_space<vmem>>)
      %dma_start3A_1059 = arith.constant 1 : i32
      %dma_start3A_1060 = arith.constant 0 : i32
      %dma_start3A_1061 = arith.constant 0 : i32
      %dma_start3A_1062 = tpu.memref_slice %arg9[%dma_start3A_1059, %dma_start3A_1060, %dma_start3A_1061] : memref<10x128x32xf32, #tpu.memory_space<vmem>> -> memref<1x64x32xf32, #tpu.memory_space<vmem>>
      %dma_start3A_1063 = tpu.memref_squeeze %dma_start3A_1062 : memref<1x64x32xf32, #tpu.memory_space<vmem>> -> memref<64x32xf32, #tpu.memory_space<vmem>>
      %dma_start3A_1064 = arith.constant 0 : i32
      %dma_start3A_1065 = tpu.memref_slice %arg7[%add3A_1036, %dma_start3A_1064] : memref<50x128xi32, #tpu.memory_space<vmem>> -> memref<1x64xi32, #tpu.memory_space<vmem>>
      %dma_start3A_1066 = tpu.memref_squeeze %dma_start3A_1065 : memref<1x64xi32, #tpu.memory_space<vmem>> -> memref<64xi32, #tpu.memory_space<vmem>>
      %dma_start3A_1067 = arith.constant 0 : i32
      %dma_start3A_1068 = arith.constant 0 : i32
      %dma_start3A_1069 = tpu.memref_slice %arg4[%dma_start3A_1067, %dma_start3A_1068] : memref<1048576x32xf32, #tpu.memory_space<hbm>> -> memref<1048576x32xf32, #tpu.memory_space<hbm>>
      tpu.enqueue_indirect_dma source(%dma_start3A_1069 : memref<1048576x32xf32, #tpu.memory_space<hbm>>) target(%dma_start3A_1063 : memref<64x32xf32, #tpu.memory_space<vmem>>) offsets(%dma_start3A_1066 : memref<64xi32, #tpu.memory_space<vmem>>) semaphore(%arg22 : memref<!tpu.dma_semaphore, #tpu.memory_space<semaphore_mem>>) {add = true}
      %dma_start3A_1070 = arith.constant 1 : i32
      %dma_start3A_1071 = arith.constant 64 : i32
      %dma_start3A_1072 = arith.constant 0 : i32
      %dma_start3A_1073 = tpu.memref_slice %arg9[%dma_start3A_1070, %dma_start3A_1071, %dma_start3A_1072] : memref<10x128x32xf32, #tpu.memory_space<vmem>> -> memref<1x64x32xf32, #tpu.memory_space<vmem>>
      %dma_start3A_1074 = tpu.memref_squeeze %dma_start3A_1073 : memref<1x64x32xf32, #tpu.memory_space<vmem>> -> memref<64x32xf32, #tpu.memory_space<vmem>>
      %dma_start3A_1075 = arith.constant 64 : i32
      %dma_start3A_1076 = tpu.memref_slice %arg7[%add3A_1036, %dma_start3A_1075] : memref<50x128xi32, #tpu.memory_space<vmem>> -> memref<1x64xi32, #tpu.memory_space<vmem>>
      %dma_start3A_1077 = tpu.memref_squeeze %dma_start3A_1076 : memref<1x64xi32, #tpu.memory_space<vmem>> -> memref<64xi32, #tpu.memory_space<vmem>>
      %dma_start3A_1078 = arith.constant 0 : i32
      %dma_start3A_1079 = arith.constant 0 : i32
      %dma_start3A_1080 = tpu.memref_slice %arg4[%dma_start3A_1078, %dma_start3A_1079] : memref<1048576x32xf32, #tpu.memory_space<hbm>> -> memref<1048576x32xf32, #tpu.memory_space<hbm>>
      tpu.enqueue_indirect_dma source(%dma_start3A_1080 : memref<1048576x32xf32, #tpu.memory_space<hbm>>) target(%dma_start3A_1074 : memref<64x32xf32, #tpu.memory_space<vmem>>) offsets(%dma_start3A_1077 : memref<64xi32, #tpu.memory_space<vmem>>) semaphore(%arg22 : memref<!tpu.dma_semaphore, #tpu.memory_space<semaphore_mem>>) {add = true}
      %mul3A_1081 = arith.constant 10 : i32
      %mul3A_1082 = arith.muli %scan3A_984, %mul3A_1081 : i32
      %add3A_1083 = arith.constant 2 : i32
      %add3A_1084 = arith.addi %mul3A_1082, %add3A_1083 : i32
      %dma_wait3A_1085 = arith.constant 2 : i32
      %dma_wait3A_1086 = arith.constant 0 : i32
      %dma_wait3A_1087 = arith.constant 0 : i32
      %dma_wait3A_1088 = tpu.memref_slice %arg9[%dma_wait3A_1085, %dma_wait3A_1086, %dma_wait3A_1087] : memref<10x128x32xf32, #tpu.memory_space<vmem>> -> memref<1x64x32xf32, #tpu.memory_space<vmem>>
      %dma_wait3A_1089 = tpu.memref_squeeze %dma_wait3A_1088 : memref<1x64x32xf32, #tpu.memory_space<vmem>> -> memref<64x32xf32, #tpu.memory_space<vmem>>
      %dma_wait3A_1090 = arith.constant 0 : i32
      %dma_wait3A_1091 = tpu.memref_slice %arg7[%add3A_1084, %dma_wait3A_1090] : memref<50x128xi32, #tpu.memory_space<vmem>> -> memref<1x64xi32, #tpu.memory_space<vmem>>
      %dma_wait3A_1092 = tpu.memref_squeeze %dma_wait3A_1091 : memref<1x64xi32, #tpu.memory_space<vmem>> -> memref<64xi32, #tpu.memory_space<vmem>>
      %dma_wait3A_1093 = arith.constant 0 : i32
      %dma_wait3A_1094 = arith.constant 0 : i32
      %dma_wait3A_1095 = tpu.memref_slice %arg4[%dma_wait3A_1093, %dma_wait3A_1094] : memref<1048576x32xf32, #tpu.memory_space<hbm>> -> memref<1048576x32xf32, #tpu.memory_space<hbm>>
      tpu.wait_indirect_dma semaphore(%arg23 : memref<!tpu.dma_semaphore, #tpu.memory_space<semaphore_mem>>) src(%dma_wait3A_1095 : memref<1048576x32xf32, #tpu.memory_space<hbm>>) dst(%dma_wait3A_1089 : memref<64x32xf32, #tpu.memory_space<vmem>>)
      %dma_wait3A_1096 = arith.constant 2 : i32
      %dma_wait3A_1097 = arith.constant 64 : i32
      %dma_wait3A_1098 = arith.constant 0 : i32
      %dma_wait3A_1099 = tpu.memref_slice %arg9[%dma_wait3A_1096, %dma_wait3A_1097, %dma_wait3A_1098] : memref<10x128x32xf32, #tpu.memory_space<vmem>> -> memref<1x64x32xf32, #tpu.memory_space<vmem>>
      %dma_wait3A_1100 = tpu.memref_squeeze %dma_wait3A_1099 : memref<1x64x32xf32, #tpu.memory_space<vmem>> -> memref<64x32xf32, #tpu.memory_space<vmem>>
      %dma_wait3A_1101 = arith.constant 64 : i32
      %dma_wait3A_1102 = tpu.memref_slice %arg7[%add3A_1084, %dma_wait3A_1101] : memref<50x128xi32, #tpu.memory_space<vmem>> -> memref<1x64xi32, #tpu.memory_space<vmem>>
      %dma_wait3A_1103 = tpu.memref_squeeze %dma_wait3A_1102 : memref<1x64xi32, #tpu.memory_space<vmem>> -> memref<64xi32, #tpu.memory_space<vmem>>
      %dma_wait3A_1104 = arith.constant 0 : i32
      %dma_wait3A_1105 = arith.constant 0 : i32
      %dma_wait3A_1106 = tpu.memref_slice %arg4[%dma_wait3A_1104, %dma_wait3A_1105] : memref<1048576x32xf32, #tpu.memory_space<hbm>> -> memref<1048576x32xf32, #tpu.memory_space<hbm>>
      tpu.wait_indirect_dma semaphore(%arg23 : memref<!tpu.dma_semaphore, #tpu.memory_space<semaphore_mem>>) src(%dma_wait3A_1106 : memref<1048576x32xf32, #tpu.memory_space<hbm>>) dst(%dma_wait3A_1100 : memref<64x32xf32, #tpu.memory_space<vmem>>)
      %dma_start3A_1107 = arith.constant 2 : i32
      %dma_start3A_1108 = arith.constant 0 : i32
      %dma_start3A_1109 = arith.constant 0 : i32
      %dma_start3A_1110 = tpu.memref_slice %arg9[%dma_start3A_1107, %dma_start3A_1108, %dma_start3A_1109] : memref<10x128x32xf32, #tpu.memory_space<vmem>> -> memref<1x64x32xf32, #tpu.memory_space<vmem>>
      %dma_start3A_1111 = tpu.memref_squeeze %dma_start3A_1110 : memref<1x64x32xf32, #tpu.memory_space<vmem>> -> memref<64x32xf32, #tpu.memory_space<vmem>>
      %dma_start3A_1112 = arith.constant 0 : i32
      %dma_start3A_1113 = tpu.memref_slice %arg7[%add3A_1084, %dma_start3A_1112] : memref<50x128xi32, #tpu.memory_space<vmem>> -> memref<1x64xi32, #tpu.memory_space<vmem>>
      %dma_start3A_1114 = tpu.memref_squeeze %dma_start3A_1113 : memref<1x64xi32, #tpu.memory_space<vmem>> -> memref<64xi32, #tpu.memory_space<vmem>>
      %dma_start3A_1115 = arith.constant 0 : i32
      %dma_start3A_1116 = arith.constant 0 : i32
      %dma_start3A_1117 = tpu.memref_slice %arg4[%dma_start3A_1115, %dma_start3A_1116] : memref<1048576x32xf32, #tpu.memory_space<hbm>> -> memref<1048576x32xf32, #tpu.memory_space<hbm>>
      tpu.enqueue_indirect_dma source(%dma_start3A_1117 : memref<1048576x32xf32, #tpu.memory_space<hbm>>) target(%dma_start3A_1111 : memref<64x32xf32, #tpu.memory_space<vmem>>) offsets(%dma_start3A_1114 : memref<64xi32, #tpu.memory_space<vmem>>) semaphore(%arg23 : memref<!tpu.dma_semaphore, #tpu.memory_space<semaphore_mem>>) {add = true}
      %dma_start3A_1118 = arith.constant 2 : i32
      %dma_start3A_1119 = arith.constant 64 : i32
      %dma_start3A_1120 = arith.constant 0 : i32
      %dma_start3A_1121 = tpu.memref_slice %arg9[%dma_start3A_1118, %dma_start3A_1119, %dma_start3A_1120] : memref<10x128x32xf32, #tpu.memory_space<vmem>> -> memref<1x64x32xf32, #tpu.memory_space<vmem>>
      %dma_start3A_1122 = tpu.memref_squeeze %dma_start3A_1121 : memref<1x64x32xf32, #tpu.memory_space<vmem>> -> memref<64x32xf32, #tpu.memory_space<vmem>>
      %dma_start3A_1123 = arith.constant 64 : i32
      %dma_start3A_1124 = tpu.memref_slice %arg7[%add3A_1084, %dma_start3A_1123] : memref<50x128xi32, #tpu.memory_space<vmem>> -> memref<1x64xi32, #tpu.memory_space<vmem>>
      %dma_start3A_1125 = tpu.memref_squeeze %dma_start3A_1124 : memref<1x64xi32, #tpu.memory_space<vmem>> -> memref<64xi32, #tpu.memory_space<vmem>>
      %dma_start3A_1126 = arith.constant 0 : i32
      %dma_start3A_1127 = arith.constant 0 : i32
      %dma_start3A_1128 = tpu.memref_slice %arg4[%dma_start3A_1126, %dma_start3A_1127] : memref<1048576x32xf32, #tpu.memory_space<hbm>> -> memref<1048576x32xf32, #tpu.memory_space<hbm>>
      tpu.enqueue_indirect_dma source(%dma_start3A_1128 : memref<1048576x32xf32, #tpu.memory_space<hbm>>) target(%dma_start3A_1122 : memref<64x32xf32, #tpu.memory_space<vmem>>) offsets(%dma_start3A_1125 : memref<64xi32, #tpu.memory_space<vmem>>) semaphore(%arg23 : memref<!tpu.dma_semaphore, #tpu.memory_space<semaphore_mem>>) {add = true}
      %mul3A_1129 = arith.constant 10 : i32
      %mul3A_1130 = arith.muli %scan3A_984, %mul3A_1129 : i32
      %add3A_1131 = arith.constant 3 : i32
      %add3A_1132 = arith.addi %mul3A_1130, %add3A_1131 : i32
      %dma_wait3A_1133 = arith.constant 3 : i32
      %dma_wait3A_1134 = arith.constant 0 : i32
      %dma_wait3A_1135 = arith.constant 0 : i32
      %dma_wait3A_1136 = tpu.memref_slice %arg9[%dma_wait3A_1133, %dma_wait3A_1134, %dma_wait3A_1135] : memref<10x128x32xf32, #tpu.memory_space<vmem>> -> memref<1x64x32xf32, #tpu.memory_space<vmem>>
      %dma_wait3A_1137 = tpu.memref_squeeze %dma_wait3A_1136 : memref<1x64x32xf32, #tpu.memory_space<vmem>> -> memref<64x32xf32, #tpu.memory_space<vmem>>
      %dma_wait3A_1138 = arith.constant 0 : i32
      %dma_wait3A_1139 = tpu.memref_slice %arg7[%add3A_1132, %dma_wait3A_1138] : memref<50x128xi32, #tpu.memory_space<vmem>> -> memref<1x64xi32, #tpu.memory_space<vmem>>
      %dma_wait3A_1140 = tpu.memref_squeeze %dma_wait3A_1139 : memref<1x64xi32, #tpu.memory_space<vmem>> -> memref<64xi32, #tpu.memory_space<vmem>>
      %dma_wait3A_1141 = arith.constant 0 : i32
      %dma_wait3A_1142 = arith.constant 0 : i32
      %dma_wait3A_1143 = tpu.memref_slice %arg4[%dma_wait3A_1141, %dma_wait3A_1142] : memref<1048576x32xf32, #tpu.memory_space<hbm>> -> memref<1048576x32xf32, #tpu.memory_space<hbm>>
      tpu.wait_indirect_dma semaphore(%arg24 : memref<!tpu.dma_semaphore, #tpu.memory_space<semaphore_mem>>) src(%dma_wait3A_1143 : memref<1048576x32xf32, #tpu.memory_space<hbm>>) dst(%dma_wait3A_1137 : memref<64x32xf32, #tpu.memory_space<vmem>>)
      %dma_wait3A_1144 = arith.constant 3 : i32
      %dma_wait3A_1145 = arith.constant 64 : i32
      %dma_wait3A_1146 = arith.constant 0 : i32
      %dma_wait3A_1147 = tpu.memref_slice %arg9[%dma_wait3A_1144, %dma_wait3A_1145, %dma_wait3A_1146] : memref<10x128x32xf32, #tpu.memory_space<vmem>> -> memref<1x64x32xf32, #tpu.memory_space<vmem>>
      %dma_wait3A_1148 = tpu.memref_squeeze %dma_wait3A_1147 : memref<1x64x32xf32, #tpu.memory_space<vmem>> -> memref<64x32xf32, #tpu.memory_space<vmem>>
      %dma_wait3A_1149 = arith.constant 64 : i32
      %dma_wait3A_1150 = tpu.memref_slice %arg7[%add3A_1132, %dma_wait3A_1149] : memref<50x128xi32, #tpu.memory_space<vmem>> -> memref<1x64xi32, #tpu.memory_space<vmem>>
      %dma_wait3A_1151 = tpu.memref_squeeze %dma_wait3A_1150 : memref<1x64xi32, #tpu.memory_space<vmem>> -> memref<64xi32, #tpu.memory_space<vmem>>
      %dma_wait3A_1152 = arith.constant 0 : i32
      %dma_wait3A_1153 = arith.constant 0 : i32
      %dma_wait3A_1154 = tpu.memref_slice %arg4[%dma_wait3A_1152, %dma_wait3A_1153] : memref<1048576x32xf32, #tpu.memory_space<hbm>> -> memref<1048576x32xf32, #tpu.memory_space<hbm>>
      tpu.wait_indirect_dma semaphore(%arg24 : memref<!tpu.dma_semaphore, #tpu.memory_space<semaphore_mem>>) src(%dma_wait3A_1154 : memref<1048576x32xf32, #tpu.memory_space<hbm>>) dst(%dma_wait3A_1148 : memref<64x32xf32, #tpu.memory_space<vmem>>)
      %dma_start3A_1155 = arith.constant 3 : i32
      %dma_start3A_1156 = arith.constant 0 : i32
      %dma_start3A_1157 = arith.constant 0 : i32
      %dma_start3A_1158 = tpu.memref_slice %arg9[%dma_start3A_1155, %dma_start3A_1156, %dma_start3A_1157] : memref<10x128x32xf32, #tpu.memory_space<vmem>> -> memref<1x64x32xf32, #tpu.memory_space<vmem>>
      %dma_start3A_1159 = tpu.memref_squeeze %dma_start3A_1158 : memref<1x64x32xf32, #tpu.memory_space<vmem>> -> memref<64x32xf32, #tpu.memory_space<vmem>>
      %dma_start3A_1160 = arith.constant 0 : i32
      %dma_start3A_1161 = tpu.memref_slice %arg7[%add3A_1132, %dma_start3A_1160] : memref<50x128xi32, #tpu.memory_space<vmem>> -> memref<1x64xi32, #tpu.memory_space<vmem>>
      %dma_start3A_1162 = tpu.memref_squeeze %dma_start3A_1161 : memref<1x64xi32, #tpu.memory_space<vmem>> -> memref<64xi32, #tpu.memory_space<vmem>>
      %dma_start3A_1163 = arith.constant 0 : i32
      %dma_start3A_1164 = arith.constant 0 : i32
      %dma_start3A_1165 = tpu.memref_slice %arg4[%dma_start3A_1163, %dma_start3A_1164] : memref<1048576x32xf32, #tpu.memory_space<hbm>> -> memref<1048576x32xf32, #tpu.memory_space<hbm>>
      tpu.enqueue_indirect_dma source(%dma_start3A_1165 : memref<1048576x32xf32, #tpu.memory_space<hbm>>) target(%dma_start3A_1159 : memref<64x32xf32, #tpu.memory_space<vmem>>) offsets(%dma_start3A_1162 : memref<64xi32, #tpu.memory_space<vmem>>) semaphore(%arg24 : memref<!tpu.dma_semaphore, #tpu.memory_space<semaphore_mem>>) {add = true}
      %dma_start3A_1166 = arith.constant 3 : i32
      %dma_start3A_1167 = arith.constant 64 : i32
      %dma_start3A_1168 = arith.constant 0 : i32
      %dma_start3A_1169 = tpu.memref_slice %arg9[%dma_start3A_1166, %dma_start3A_1167, %dma_start3A_1168] : memref<10x128x32xf32, #tpu.memory_space<vmem>> -> memref<1x64x32xf32, #tpu.memory_space<vmem>>
      %dma_start3A_1170 = tpu.memref_squeeze %dma_start3A_1169 : memref<1x64x32xf32, #tpu.memory_space<vmem>> -> memref<64x32xf32, #tpu.memory_space<vmem>>
      %dma_start3A_1171 = arith.constant 64 : i32
      %dma_start3A_1172 = tpu.memref_slice %arg7[%add3A_1132, %dma_start3A_1171] : memref<50x128xi32, #tpu.memory_space<vmem>> -> memref<1x64xi32, #tpu.memory_space<vmem>>
      %dma_start3A_1173 = tpu.memref_squeeze %dma_start3A_1172 : memref<1x64xi32, #tpu.memory_space<vmem>> -> memref<64xi32, #tpu.memory_space<vmem>>
      %dma_start3A_1174 = arith.constant 0 : i32
      %dma_start3A_1175 = arith.constant 0 : i32
      %dma_start3A_1176 = tpu.memref_slice %arg4[%dma_start3A_1174, %dma_start3A_1175] : memref<1048576x32xf32, #tpu.memory_space<hbm>> -> memref<1048576x32xf32, #tpu.memory_space<hbm>>
      tpu.enqueue_indirect_dma source(%dma_start3A_1176 : memref<1048576x32xf32, #tpu.memory_space<hbm>>) target(%dma_start3A_1170 : memref<64x32xf32, #tpu.memory_space<vmem>>) offsets(%dma_start3A_1173 : memref<64xi32, #tpu.memory_space<vmem>>) semaphore(%arg24 : memref<!tpu.dma_semaphore, #tpu.memory_space<semaphore_mem>>) {add = true}
      %mul3A_1177 = arith.constant 10 : i32
      %mul3A_1178 = arith.muli %scan3A_984, %mul3A_1177 : i32
      %add3A_1179 = arith.constant 4 : i32
      %add3A_1180 = arith.addi %mul3A_1178, %add3A_1179 : i32
      %dma_wait3A_1181 = arith.constant 4 : i32
      %dma_wait3A_1182 = arith.constant 0 : i32
      %dma_wait3A_1183 = arith.constant 0 : i32
      %dma_wait3A_1184 = tpu.memref_slice %arg9[%dma_wait3A_1181, %dma_wait3A_1182, %dma_wait3A_1183] : memref<10x128x32xf32, #tpu.memory_space<vmem>> -> memref<1x64x32xf32, #tpu.memory_space<vmem>>
      %dma_wait3A_1185 = tpu.memref_squeeze %dma_wait3A_1184 : memref<1x64x32xf32, #tpu.memory_space<vmem>> -> memref<64x32xf32, #tpu.memory_space<vmem>>
      %dma_wait3A_1186 = arith.constant 0 : i32
      %dma_wait3A_1187 = tpu.memref_slice %arg7[%add3A_1180, %dma_wait3A_1186] : memref<50x128xi32, #tpu.memory_space<vmem>> -> memref<1x64xi32, #tpu.memory_space<vmem>>
      %dma_wait3A_1188 = tpu.memref_squeeze %dma_wait3A_1187 : memref<1x64xi32, #tpu.memory_space<vmem>> -> memref<64xi32, #tpu.memory_space<vmem>>
      %dma_wait3A_1189 = arith.constant 0 : i32
      %dma_wait3A_1190 = arith.constant 0 : i32
      %dma_wait3A_1191 = tpu.memref_slice %arg4[%dma_wait3A_1189, %dma_wait3A_1190] : memref<1048576x32xf32, #tpu.memory_space<hbm>> -> memref<1048576x32xf32, #tpu.memory_space<hbm>>
      tpu.wait_indirect_dma semaphore(%arg25 : memref<!tpu.dma_semaphore, #tpu.memory_space<semaphore_mem>>) src(%dma_wait3A_1191 : memref<1048576x32xf32, #tpu.memory_space<hbm>>) dst(%dma_wait3A_1185 : memref<64x32xf32, #tpu.memory_space<vmem>>)
      %dma_wait3A_1192 = arith.constant 4 : i32
      %dma_wait3A_1193 = arith.constant 64 : i32
      %dma_wait3A_1194 = arith.constant 0 : i32
      %dma_wait3A_1195 = tpu.memref_slice %arg9[%dma_wait3A_1192, %dma_wait3A_1193, %dma_wait3A_1194] : memref<10x128x32xf32, #tpu.memory_space<vmem>> -> memref<1x64x32xf32, #tpu.memory_space<vmem>>
      %dma_wait3A_1196 = tpu.memref_squeeze %dma_wait3A_1195 : memref<1x64x32xf32, #tpu.memory_space<vmem>> -> memref<64x32xf32, #tpu.memory_space<vmem>>
      %dma_wait3A_1197 = arith.constant 64 : i32
      %dma_wait3A_1198 = tpu.memref_slice %arg7[%add3A_1180, %dma_wait3A_1197] : memref<50x128xi32, #tpu.memory_space<vmem>> -> memref<1x64xi32, #tpu.memory_space<vmem>>
      %dma_wait3A_1199 = tpu.memref_squeeze %dma_wait3A_1198 : memref<1x64xi32, #tpu.memory_space<vmem>> -> memref<64xi32, #tpu.memory_space<vmem>>
      %dma_wait3A_1200 = arith.constant 0 : i32
      %dma_wait3A_1201 = arith.constant 0 : i32
      %dma_wait3A_1202 = tpu.memref_slice %arg4[%dma_wait3A_1200, %dma_wait3A_1201] : memref<1048576x32xf32, #tpu.memory_space<hbm>> -> memref<1048576x32xf32, #tpu.memory_space<hbm>>
      tpu.wait_indirect_dma semaphore(%arg25 : memref<!tpu.dma_semaphore, #tpu.memory_space<semaphore_mem>>) src(%dma_wait3A_1202 : memref<1048576x32xf32, #tpu.memory_space<hbm>>) dst(%dma_wait3A_1196 : memref<64x32xf32, #tpu.memory_space<vmem>>)
      %dma_start3A_1203 = arith.constant 4 : i32
      %dma_start3A_1204 = arith.constant 0 : i32
      %dma_start3A_1205 = arith.constant 0 : i32
      %dma_start3A_1206 = tpu.memref_slice %arg9[%dma_start3A_1203, %dma_start3A_1204, %dma_start3A_1205] : memref<10x128x32xf32, #tpu.memory_space<vmem>> -> memref<1x64x32xf32, #tpu.memory_space<vmem>>
      %dma_start3A_1207 = tpu.memref_squeeze %dma_start3A_1206 : memref<1x64x32xf32, #tpu.memory_space<vmem>> -> memref<64x32xf32, #tpu.memory_space<vmem>>
      %dma_start3A_1208 = arith.constant 0 : i32
      %dma_start3A_1209 = tpu.memref_slice %arg7[%add3A_1180, %dma_start3A_1208] : memref<50x128xi32, #tpu.memory_space<vmem>> -> memref<1x64xi32, #tpu.memory_space<vmem>>
      %dma_start3A_1210 = tpu.memref_squeeze %dma_start3A_1209 : memref<1x64xi32, #tpu.memory_space<vmem>> -> memref<64xi32, #tpu.memory_space<vmem>>
      %dma_start3A_1211 = arith.constant 0 : i32
      %dma_start3A_1212 = arith.constant 0 : i32
      %dma_start3A_1213 = tpu.memref_slice %arg4[%dma_start3A_1211, %dma_start3A_1212] : memref<1048576x32xf32, #tpu.memory_space<hbm>> -> memref<1048576x32xf32, #tpu.memory_space<hbm>>
      tpu.enqueue_indirect_dma source(%dma_start3A_1213 : memref<1048576x32xf32, #tpu.memory_space<hbm>>) target(%dma_start3A_1207 : memref<64x32xf32, #tpu.memory_space<vmem>>) offsets(%dma_start3A_1210 : memref<64xi32, #tpu.memory_space<vmem>>) semaphore(%arg25 : memref<!tpu.dma_semaphore, #tpu.memory_space<semaphore_mem>>) {add = true}
      %dma_start3A_1214 = arith.constant 4 : i32
      %dma_start3A_1215 = arith.constant 64 : i32
      %dma_start3A_1216 = arith.constant 0 : i32
      %dma_start3A_1217 = tpu.memref_slice %arg9[%dma_start3A_1214, %dma_start3A_1215, %dma_start3A_1216] : memref<10x128x32xf32, #tpu.memory_space<vmem>> -> memref<1x64x32xf32, #tpu.memory_space<vmem>>
      %dma_start3A_1218 = tpu.memref_squeeze %dma_start3A_1217 : memref<1x64x32xf32, #tpu.memory_space<vmem>> -> memref<64x32xf32, #tpu.memory_space<vmem>>
      %dma_start3A_1219 = arith.constant 64 : i32
      %dma_start3A_1220 = tpu.memref_slice %arg7[%add3A_1180, %dma_start3A_1219] : memref<50x128xi32, #tpu.memory_space<vmem>> -> memref<1x64xi32, #tpu.memory_space<vmem>>
      %dma_start3A_1221 = tpu.memref_squeeze %dma_start3A_1220 : memref<1x64xi32, #tpu.memory_space<vmem>> -> memref<64xi32, #tpu.memory_space<vmem>>
      %dma_start3A_1222 = arith.constant 0 : i32
      %dma_start3A_1223 = arith.constant 0 : i32
      %dma_start3A_1224 = tpu.memref_slice %arg4[%dma_start3A_1222, %dma_start3A_1223] : memref<1048576x32xf32, #tpu.memory_space<hbm>> -> memref<1048576x32xf32, #tpu.memory_space<hbm>>
      tpu.enqueue_indirect_dma source(%dma_start3A_1224 : memref<1048576x32xf32, #tpu.memory_space<hbm>>) target(%dma_start3A_1218 : memref<64x32xf32, #tpu.memory_space<vmem>>) offsets(%dma_start3A_1221 : memref<64xi32, #tpu.memory_space<vmem>>) semaphore(%arg25 : memref<!tpu.dma_semaphore, #tpu.memory_space<semaphore_mem>>) {add = true}
      %mul3A_1225 = arith.constant 10 : i32
      %mul3A_1226 = arith.muli %scan3A_984, %mul3A_1225 : i32
      %add3A_1227 = arith.constant 5 : i32
      %add3A_1228 = arith.addi %mul3A_1226, %add3A_1227 : i32
      %dma_wait3A_1229 = arith.constant 5 : i32
      %dma_wait3A_1230 = arith.constant 0 : i32
      %dma_wait3A_1231 = arith.constant 0 : i32
      %dma_wait3A_1232 = tpu.memref_slice %arg9[%dma_wait3A_1229, %dma_wait3A_1230, %dma_wait3A_1231] : memref<10x128x32xf32, #tpu.memory_space<vmem>> -> memref<1x64x32xf32, #tpu.memory_space<vmem>>
      %dma_wait3A_1233 = tpu.memref_squeeze %dma_wait3A_1232 : memref<1x64x32xf32, #tpu.memory_space<vmem>> -> memref<64x32xf32, #tpu.memory_space<vmem>>
      %dma_wait3A_1234 = arith.constant 0 : i32
      %dma_wait3A_1235 = tpu.memref_slice %arg7[%add3A_1228, %dma_wait3A_1234] : memref<50x128xi32, #tpu.memory_space<vmem>> -> memref<1x64xi32, #tpu.memory_space<vmem>>
      %dma_wait3A_1236 = tpu.memref_squeeze %dma_wait3A_1235 : memref<1x64xi32, #tpu.memory_space<vmem>> -> memref<64xi32, #tpu.memory_space<vmem>>
      %dma_wait3A_1237 = arith.constant 0 : i32
      %dma_wait3A_1238 = arith.constant 0 : i32
      %dma_wait3A_1239 = tpu.memref_slice %arg4[%dma_wait3A_1237, %dma_wait3A_1238] : memref<1048576x32xf32, #tpu.memory_space<hbm>> -> memref<1048576x32xf32, #tpu.memory_space<hbm>>
      tpu.wait_indirect_dma semaphore(%arg26 : memref<!tpu.dma_semaphore, #tpu.memory_space<semaphore_mem>>) src(%dma_wait3A_1239 : memref<1048576x32xf32, #tpu.memory_space<hbm>>) dst(%dma_wait3A_1233 : memref<64x32xf32, #tpu.memory_space<vmem>>)
      %dma_wait3A_1240 = arith.constant 5 : i32
      %dma_wait3A_1241 = arith.constant 64 : i32
      %dma_wait3A_1242 = arith.constant 0 : i32
      %dma_wait3A_1243 = tpu.memref_slice %arg9[%dma_wait3A_1240, %dma_wait3A_1241, %dma_wait3A_1242] : memref<10x128x32xf32, #tpu.memory_space<vmem>> -> memref<1x64x32xf32, #tpu.memory_space<vmem>>
      %dma_wait3A_1244 = tpu.memref_squeeze %dma_wait3A_1243 : memref<1x64x32xf32, #tpu.memory_space<vmem>> -> memref<64x32xf32, #tpu.memory_space<vmem>>
      %dma_wait3A_1245 = arith.constant 64 : i32
      %dma_wait3A_1246 = tpu.memref_slice %arg7[%add3A_1228, %dma_wait3A_1245] : memref<50x128xi32, #tpu.memory_space<vmem>> -> memref<1x64xi32, #tpu.memory_space<vmem>>
      %dma_wait3A_1247 = tpu.memref_squeeze %dma_wait3A_1246 : memref<1x64xi32, #tpu.memory_space<vmem>> -> memref<64xi32, #tpu.memory_space<vmem>>
      %dma_wait3A_1248 = arith.constant 0 : i32
      %dma_wait3A_1249 = arith.constant 0 : i32
      %dma_wait3A_1250 = tpu.memref_slice %arg4[%dma_wait3A_1248, %dma_wait3A_1249] : memref<1048576x32xf32, #tpu.memory_space<hbm>> -> memref<1048576x32xf32, #tpu.memory_space<hbm>>
      tpu.wait_indirect_dma semaphore(%arg26 : memref<!tpu.dma_semaphore, #tpu.memory_space<semaphore_mem>>) src(%dma_wait3A_1250 : memref<1048576x32xf32, #tpu.memory_space<hbm>>) dst(%dma_wait3A_1244 : memref<64x32xf32, #tpu.memory_space<vmem>>)
      %dma_start3A_1251 = arith.constant 5 : i32
      %dma_start3A_1252 = arith.constant 0 : i32
      %dma_start3A_1253 = arith.constant 0 : i32
      %dma_start3A_1254 = tpu.memref_slice %arg9[%dma_start3A_1251, %dma_start3A_1252, %dma_start3A_1253] : memref<10x128x32xf32, #tpu.memory_space<vmem>> -> memref<1x64x32xf32, #tpu.memory_space<vmem>>
      %dma_start3A_1255 = tpu.memref_squeeze %dma_start3A_1254 : memref<1x64x32xf32, #tpu.memory_space<vmem>> -> memref<64x32xf32, #tpu.memory_space<vmem>>
      %dma_start3A_1256 = arith.constant 0 : i32
      %dma_start3A_1257 = tpu.memref_slice %arg7[%add3A_1228, %dma_start3A_1256] : memref<50x128xi32, #tpu.memory_space<vmem>> -> memref<1x64xi32, #tpu.memory_space<vmem>>
      %dma_start3A_1258 = tpu.memref_squeeze %dma_start3A_1257 : memref<1x64xi32, #tpu.memory_space<vmem>> -> memref<64xi32, #tpu.memory_space<vmem>>
      %dma_start3A_1259 = arith.constant 0 : i32
      %dma_start3A_1260 = arith.constant 0 : i32
      %dma_start3A_1261 = tpu.memref_slice %arg4[%dma_start3A_1259, %dma_start3A_1260] : memref<1048576x32xf32, #tpu.memory_space<hbm>> -> memref<1048576x32xf32, #tpu.memory_space<hbm>>
      tpu.enqueue_indirect_dma source(%dma_start3A_1261 : memref<1048576x32xf32, #tpu.memory_space<hbm>>) target(%dma_start3A_1255 : memref<64x32xf32, #tpu.memory_space<vmem>>) offsets(%dma_start3A_1258 : memref<64xi32, #tpu.memory_space<vmem>>) semaphore(%arg26 : memref<!tpu.dma_semaphore, #tpu.memory_space<semaphore_mem>>) {add = true}
      %dma_start3A_1262 = arith.constant 5 : i32
      %dma_start3A_1263 = arith.constant 64 : i32
      %dma_start3A_1264 = arith.constant 0 : i32
      %dma_start3A_1265 = tpu.memref_slice %arg9[%dma_start3A_1262, %dma_start3A_1263, %dma_start3A_1264] : memref<10x128x32xf32, #tpu.memory_space<vmem>> -> memref<1x64x32xf32, #tpu.memory_space<vmem>>
      %dma_start3A_1266 = tpu.memref_squeeze %dma_start3A_1265 : memref<1x64x32xf32, #tpu.memory_space<vmem>> -> memref<64x32xf32, #tpu.memory_space<vmem>>
      %dma_start3A_1267 = arith.constant 64 : i32
      %dma_start3A_1268 = tpu.memref_slice %arg7[%add3A_1228, %dma_start3A_1267] : memref<50x128xi32, #tpu.memory_space<vmem>> -> memref<1x64xi32, #tpu.memory_space<vmem>>
      %dma_start3A_1269 = tpu.memref_squeeze %dma_start3A_1268 : memref<1x64xi32, #tpu.memory_space<vmem>> -> memref<64xi32, #tpu.memory_space<vmem>>
      %dma_start3A_1270 = arith.constant 0 : i32
      %dma_start3A_1271 = arith.constant 0 : i32
      %dma_start3A_1272 = tpu.memref_slice %arg4[%dma_start3A_1270, %dma_start3A_1271] : memref<1048576x32xf32, #tpu.memory_space<hbm>> -> memref<1048576x32xf32, #tpu.memory_space<hbm>>
      tpu.enqueue_indirect_dma source(%dma_start3A_1272 : memref<1048576x32xf32, #tpu.memory_space<hbm>>) target(%dma_start3A_1266 : memref<64x32xf32, #tpu.memory_space<vmem>>) offsets(%dma_start3A_1269 : memref<64xi32, #tpu.memory_space<vmem>>) semaphore(%arg26 : memref<!tpu.dma_semaphore, #tpu.memory_space<semaphore_mem>>) {add = true}
      %mul3A_1273 = arith.constant 10 : i32
      %mul3A_1274 = arith.muli %scan3A_984, %mul3A_1273 : i32
      %add3A_1275 = arith.constant 6 : i32
      %add3A_1276 = arith.addi %mul3A_1274, %add3A_1275 : i32
      %dma_wait3A_1277 = arith.constant 6 : i32
      %dma_wait3A_1278 = arith.constant 0 : i32
      %dma_wait3A_1279 = arith.constant 0 : i32
      %dma_wait3A_1280 = tpu.memref_slice %arg9[%dma_wait3A_1277, %dma_wait3A_1278, %dma_wait3A_1279] : memref<10x128x32xf32, #tpu.memory_space<vmem>> -> memref<1x64x32xf32, #tpu.memory_space<vmem>>
      %dma_wait3A_1281 = tpu.memref_squeeze %dma_wait3A_1280 : memref<1x64x32xf32, #tpu.memory_space<vmem>> -> memref<64x32xf32, #tpu.memory_space<vmem>>
      %dma_wait3A_1282 = arith.constant 0 : i32
      %dma_wait3A_1283 = tpu.memref_slice %arg7[%add3A_1276, %dma_wait3A_1282] : memref<50x128xi32, #tpu.memory_space<vmem>> -> memref<1x64xi32, #tpu.memory_space<vmem>>
      %dma_wait3A_1284 = tpu.memref_squeeze %dma_wait3A_1283 : memref<1x64xi32, #tpu.memory_space<vmem>> -> memref<64xi32, #tpu.memory_space<vmem>>
      %dma_wait3A_1285 = arith.constant 0 : i32
      %dma_wait3A_1286 = arith.constant 0 : i32
      %dma_wait3A_1287 = tpu.memref_slice %arg4[%dma_wait3A_1285, %dma_wait3A_1286] : memref<1048576x32xf32, #tpu.memory_space<hbm>> -> memref<1048576x32xf32, #tpu.memory_space<hbm>>
      tpu.wait_indirect_dma semaphore(%arg27 : memref<!tpu.dma_semaphore, #tpu.memory_space<semaphore_mem>>) src(%dma_wait3A_1287 : memref<1048576x32xf32, #tpu.memory_space<hbm>>) dst(%dma_wait3A_1281 : memref<64x32xf32, #tpu.memory_space<vmem>>)
      %dma_wait3A_1288 = arith.constant 6 : i32
      %dma_wait3A_1289 = arith.constant 64 : i32
      %dma_wait3A_1290 = arith.constant 0 : i32
      %dma_wait3A_1291 = tpu.memref_slice %arg9[%dma_wait3A_1288, %dma_wait3A_1289, %dma_wait3A_1290] : memref<10x128x32xf32, #tpu.memory_space<vmem>> -> memref<1x64x32xf32, #tpu.memory_space<vmem>>
      %dma_wait3A_1292 = tpu.memref_squeeze %dma_wait3A_1291 : memref<1x64x32xf32, #tpu.memory_space<vmem>> -> memref<64x32xf32, #tpu.memory_space<vmem>>
      %dma_wait3A_1293 = arith.constant 64 : i32
      %dma_wait3A_1294 = tpu.memref_slice %arg7[%add3A_1276, %dma_wait3A_1293] : memref<50x128xi32, #tpu.memory_space<vmem>> -> memref<1x64xi32, #tpu.memory_space<vmem>>
      %dma_wait3A_1295 = tpu.memref_squeeze %dma_wait3A_1294 : memref<1x64xi32, #tpu.memory_space<vmem>> -> memref<64xi32, #tpu.memory_space<vmem>>
      %dma_wait3A_1296 = arith.constant 0 : i32
      %dma_wait3A_1297 = arith.constant 0 : i32
      %dma_wait3A_1298 = tpu.memref_slice %arg4[%dma_wait3A_1296, %dma_wait3A_1297] : memref<1048576x32xf32, #tpu.memory_space<hbm>> -> memref<1048576x32xf32, #tpu.memory_space<hbm>>
      tpu.wait_indirect_dma semaphore(%arg27 : memref<!tpu.dma_semaphore, #tpu.memory_space<semaphore_mem>>) src(%dma_wait3A_1298 : memref<1048576x32xf32, #tpu.memory_space<hbm>>) dst(%dma_wait3A_1292 : memref<64x32xf32, #tpu.memory_space<vmem>>)
      %dma_start3A_1299 = arith.constant 6 : i32
      %dma_start3A_1300 = arith.constant 0 : i32
      %dma_start3A_1301 = arith.constant 0 : i32
      %dma_start3A_1302 = tpu.memref_slice %arg9[%dma_start3A_1299, %dma_start3A_1300, %dma_start3A_1301] : memref<10x128x32xf32, #tpu.memory_space<vmem>> -> memref<1x64x32xf32, #tpu.memory_space<vmem>>
      %dma_start3A_1303 = tpu.memref_squeeze %dma_start3A_1302 : memref<1x64x32xf32, #tpu.memory_space<vmem>> -> memref<64x32xf32, #tpu.memory_space<vmem>>
      %dma_start3A_1304 = arith.constant 0 : i32
      %dma_start3A_1305 = tpu.memref_slice %arg7[%add3A_1276, %dma_start3A_1304] : memref<50x128xi32, #tpu.memory_space<vmem>> -> memref<1x64xi32, #tpu.memory_space<vmem>>
      %dma_start3A_1306 = tpu.memref_squeeze %dma_start3A_1305 : memref<1x64xi32, #tpu.memory_space<vmem>> -> memref<64xi32, #tpu.memory_space<vmem>>
      %dma_start3A_1307 = arith.constant 0 : i32
      %dma_start3A_1308 = arith.constant 0 : i32
      %dma_start3A_1309 = tpu.memref_slice %arg4[%dma_start3A_1307, %dma_start3A_1308] : memref<1048576x32xf32, #tpu.memory_space<hbm>> -> memref<1048576x32xf32, #tpu.memory_space<hbm>>
      tpu.enqueue_indirect_dma source(%dma_start3A_1309 : memref<1048576x32xf32, #tpu.memory_space<hbm>>) target(%dma_start3A_1303 : memref<64x32xf32, #tpu.memory_space<vmem>>) offsets(%dma_start3A_1306 : memref<64xi32, #tpu.memory_space<vmem>>) semaphore(%arg27 : memref<!tpu.dma_semaphore, #tpu.memory_space<semaphore_mem>>) {add = true}
      %dma_start3A_1310 = arith.constant 6 : i32
      %dma_start3A_1311 = arith.constant 64 : i32
      %dma_start3A_1312 = arith.constant 0 : i32
      %dma_start3A_1313 = tpu.memref_slice %arg9[%dma_start3A_1310, %dma_start3A_1311, %dma_start3A_1312] : memref<10x128x32xf32, #tpu.memory_space<vmem>> -> memref<1x64x32xf32, #tpu.memory_space<vmem>>
      %dma_start3A_1314 = tpu.memref_squeeze %dma_start3A_1313 : memref<1x64x32xf32, #tpu.memory_space<vmem>> -> memref<64x32xf32, #tpu.memory_space<vmem>>
      %dma_start3A_1315 = arith.constant 64 : i32
      %dma_start3A_1316 = tpu.memref_slice %arg7[%add3A_1276, %dma_start3A_1315] : memref<50x128xi32, #tpu.memory_space<vmem>> -> memref<1x64xi32, #tpu.memory_space<vmem>>
      %dma_start3A_1317 = tpu.memref_squeeze %dma_start3A_1316 : memref<1x64xi32, #tpu.memory_space<vmem>> -> memref<64xi32, #tpu.memory_space<vmem>>
      %dma_start3A_1318 = arith.constant 0 : i32
      %dma_start3A_1319 = arith.constant 0 : i32
      %dma_start3A_1320 = tpu.memref_slice %arg4[%dma_start3A_1318, %dma_start3A_1319] : memref<1048576x32xf32, #tpu.memory_space<hbm>> -> memref<1048576x32xf32, #tpu.memory_space<hbm>>
      tpu.enqueue_indirect_dma source(%dma_start3A_1320 : memref<1048576x32xf32, #tpu.memory_space<hbm>>) target(%dma_start3A_1314 : memref<64x32xf32, #tpu.memory_space<vmem>>) offsets(%dma_start3A_1317 : memref<64xi32, #tpu.memory_space<vmem>>) semaphore(%arg27 : memref<!tpu.dma_semaphore, #tpu.memory_space<semaphore_mem>>) {add = true}
      %mul3A_1321 = arith.constant 10 : i32
      %mul3A_1322 = arith.muli %scan3A_984, %mul3A_1321 : i32
      %add3A_1323 = arith.constant 7 : i32
      %add3A_1324 = arith.addi %mul3A_1322, %add3A_1323 : i32
      %dma_wait3A_1325 = arith.constant 7 : i32
      %dma_wait3A_1326 = arith.constant 0 : i32
      %dma_wait3A_1327 = arith.constant 0 : i32
      %dma_wait3A_1328 = tpu.memref_slice %arg9[%dma_wait3A_1325, %dma_wait3A_1326, %dma_wait3A_1327] : memref<10x128x32xf32, #tpu.memory_space<vmem>> -> memref<1x64x32xf32, #tpu.memory_space<vmem>>
      %dma_wait3A_1329 = tpu.memref_squeeze %dma_wait3A_1328 : memref<1x64x32xf32, #tpu.memory_space<vmem>> -> memref<64x32xf32, #tpu.memory_space<vmem>>
      %dma_wait3A_1330 = arith.constant 0 : i32
      %dma_wait3A_1331 = tpu.memref_slice %arg7[%add3A_1324, %dma_wait3A_1330] : memref<50x128xi32, #tpu.memory_space<vmem>> -> memref<1x64xi32, #tpu.memory_space<vmem>>
      %dma_wait3A_1332 = tpu.memref_squeeze %dma_wait3A_1331 : memref<1x64xi32, #tpu.memory_space<vmem>> -> memref<64xi32, #tpu.memory_space<vmem>>
      %dma_wait3A_1333 = arith.constant 0 : i32
      %dma_wait3A_1334 = arith.constant 0 : i32
      %dma_wait3A_1335 = tpu.memref_slice %arg4[%dma_wait3A_1333, %dma_wait3A_1334] : memref<1048576x32xf32, #tpu.memory_space<hbm>> -> memref<1048576x32xf32, #tpu.memory_space<hbm>>
      tpu.wait_indirect_dma semaphore(%arg28 : memref<!tpu.dma_semaphore, #tpu.memory_space<semaphore_mem>>) src(%dma_wait3A_1335 : memref<1048576x32xf32, #tpu.memory_space<hbm>>) dst(%dma_wait3A_1329 : memref<64x32xf32, #tpu.memory_space<vmem>>)
      %dma_wait3A_1336 = arith.constant 7 : i32
      %dma_wait3A_1337 = arith.constant 64 : i32
      %dma_wait3A_1338 = arith.constant 0 : i32
      %dma_wait3A_1339 = tpu.memref_slice %arg9[%dma_wait3A_1336, %dma_wait3A_1337, %dma_wait3A_1338] : memref<10x128x32xf32, #tpu.memory_space<vmem>> -> memref<1x64x32xf32, #tpu.memory_space<vmem>>
      %dma_wait3A_1340 = tpu.memref_squeeze %dma_wait3A_1339 : memref<1x64x32xf32, #tpu.memory_space<vmem>> -> memref<64x32xf32, #tpu.memory_space<vmem>>
      %dma_wait3A_1341 = arith.constant 64 : i32
      %dma_wait3A_1342 = tpu.memref_slice %arg7[%add3A_1324, %dma_wait3A_1341] : memref<50x128xi32, #tpu.memory_space<vmem>> -> memref<1x64xi32, #tpu.memory_space<vmem>>
      %dma_wait3A_1343 = tpu.memref_squeeze %dma_wait3A_1342 : memref<1x64xi32, #tpu.memory_space<vmem>> -> memref<64xi32, #tpu.memory_space<vmem>>
      %dma_wait3A_1344 = arith.constant 0 : i32
      %dma_wait3A_1345 = arith.constant 0 : i32
      %dma_wait3A_1346 = tpu.memref_slice %arg4[%dma_wait3A_1344, %dma_wait3A_1345] : memref<1048576x32xf32, #tpu.memory_space<hbm>> -> memref<1048576x32xf32, #tpu.memory_space<hbm>>
      tpu.wait_indirect_dma semaphore(%arg28 : memref<!tpu.dma_semaphore, #tpu.memory_space<semaphore_mem>>) src(%dma_wait3A_1346 : memref<1048576x32xf32, #tpu.memory_space<hbm>>) dst(%dma_wait3A_1340 : memref<64x32xf32, #tpu.memory_space<vmem>>)
      %dma_start3A_1347 = arith.constant 7 : i32
      %dma_start3A_1348 = arith.constant 0 : i32
      %dma_start3A_1349 = arith.constant 0 : i32
      %dma_start3A_1350 = tpu.memref_slice %arg9[%dma_start3A_1347, %dma_start3A_1348, %dma_start3A_1349] : memref<10x128x32xf32, #tpu.memory_space<vmem>> -> memref<1x64x32xf32, #tpu.memory_space<vmem>>
      %dma_start3A_1351 = tpu.memref_squeeze %dma_start3A_1350 : memref<1x64x32xf32, #tpu.memory_space<vmem>> -> memref<64x32xf32, #tpu.memory_space<vmem>>
      %dma_start3A_1352 = arith.constant 0 : i32
      %dma_start3A_1353 = tpu.memref_slice %arg7[%add3A_1324, %dma_start3A_1352] : memref<50x128xi32, #tpu.memory_space<vmem>> -> memref<1x64xi32, #tpu.memory_space<vmem>>
      %dma_start3A_1354 = tpu.memref_squeeze %dma_start3A_1353 : memref<1x64xi32, #tpu.memory_space<vmem>> -> memref<64xi32, #tpu.memory_space<vmem>>
      %dma_start3A_1355 = arith.constant 0 : i32
      %dma_start3A_1356 = arith.constant 0 : i32
      %dma_start3A_1357 = tpu.memref_slice %arg4[%dma_start3A_1355, %dma_start3A_1356] : memref<1048576x32xf32, #tpu.memory_space<hbm>> -> memref<1048576x32xf32, #tpu.memory_space<hbm>>
      tpu.enqueue_indirect_dma source(%dma_start3A_1357 : memref<1048576x32xf32, #tpu.memory_space<hbm>>) target(%dma_start3A_1351 : memref<64x32xf32, #tpu.memory_space<vmem>>) offsets(%dma_start3A_1354 : memref<64xi32, #tpu.memory_space<vmem>>) semaphore(%arg28 : memref<!tpu.dma_semaphore, #tpu.memory_space<semaphore_mem>>) {add = true}
      %dma_start3A_1358 = arith.constant 7 : i32
      %dma_start3A_1359 = arith.constant 64 : i32
      %dma_start3A_1360 = arith.constant 0 : i32
      %dma_start3A_1361 = tpu.memref_slice %arg9[%dma_start3A_1358, %dma_start3A_1359, %dma_start3A_1360] : memref<10x128x32xf32, #tpu.memory_space<vmem>> -> memref<1x64x32xf32, #tpu.memory_space<vmem>>
      %dma_start3A_1362 = tpu.memref_squeeze %dma_start3A_1361 : memref<1x64x32xf32, #tpu.memory_space<vmem>> -> memref<64x32xf32, #tpu.memory_space<vmem>>
      %dma_start3A_1363 = arith.constant 64 : i32
      %dma_start3A_1364 = tpu.memref_slice %arg7[%add3A_1324, %dma_start3A_1363] : memref<50x128xi32, #tpu.memory_space<vmem>> -> memref<1x64xi32, #tpu.memory_space<vmem>>
      %dma_start3A_1365 = tpu.memref_squeeze %dma_start3A_1364 : memref<1x64xi32, #tpu.memory_space<vmem>> -> memref<64xi32, #tpu.memory_space<vmem>>
      %dma_start3A_1366 = arith.constant 0 : i32
      %dma_start3A_1367 = arith.constant 0 : i32
      %dma_start3A_1368 = tpu.memref_slice %arg4[%dma_start3A_1366, %dma_start3A_1367] : memref<1048576x32xf32, #tpu.memory_space<hbm>> -> memref<1048576x32xf32, #tpu.memory_space<hbm>>
      tpu.enqueue_indirect_dma source(%dma_start3A_1368 : memref<1048576x32xf32, #tpu.memory_space<hbm>>) target(%dma_start3A_1362 : memref<64x32xf32, #tpu.memory_space<vmem>>) offsets(%dma_start3A_1365 : memref<64xi32, #tpu.memory_space<vmem>>) semaphore(%arg28 : memref<!tpu.dma_semaphore, #tpu.memory_space<semaphore_mem>>) {add = true}
      %mul3A_1369 = arith.constant 10 : i32
      %mul3A_1370 = arith.muli %scan3A_984, %mul3A_1369 : i32
      %add3A_1371 = arith.constant 8 : i32
      %add3A_1372 = arith.addi %mul3A_1370, %add3A_1371 : i32
      %dma_wait3A_1373 = arith.constant 8 : i32
      %dma_wait3A_1374 = arith.constant 0 : i32
      %dma_wait3A_1375 = arith.constant 0 : i32
      %dma_wait3A_1376 = tpu.memref_slice %arg9[%dma_wait3A_1373, %dma_wait3A_1374, %dma_wait3A_1375] : memref<10x128x32xf32, #tpu.memory_space<vmem>> -> memref<1x64x32xf32, #tpu.memory_space<vmem>>
      %dma_wait3A_1377 = tpu.memref_squeeze %dma_wait3A_1376 : memref<1x64x32xf32, #tpu.memory_space<vmem>> -> memref<64x32xf32, #tpu.memory_space<vmem>>
      %dma_wait3A_1378 = arith.constant 0 : i32
      %dma_wait3A_1379 = tpu.memref_slice %arg7[%add3A_1372, %dma_wait3A_1378] : memref<50x128xi32, #tpu.memory_space<vmem>> -> memref<1x64xi32, #tpu.memory_space<vmem>>
      %dma_wait3A_1380 = tpu.memref_squeeze %dma_wait3A_1379 : memref<1x64xi32, #tpu.memory_space<vmem>> -> memref<64xi32, #tpu.memory_space<vmem>>
      %dma_wait3A_1381 = arith.constant 0 : i32
      %dma_wait3A_1382 = arith.constant 0 : i32
      %dma_wait3A_1383 = tpu.memref_slice %arg4[%dma_wait3A_1381, %dma_wait3A_1382] : memref<1048576x32xf32, #tpu.memory_space<hbm>> -> memref<1048576x32xf32, #tpu.memory_space<hbm>>
      tpu.wait_indirect_dma semaphore(%arg29 : memref<!tpu.dma_semaphore, #tpu.memory_space<semaphore_mem>>) src(%dma_wait3A_1383 : memref<1048576x32xf32, #tpu.memory_space<hbm>>) dst(%dma_wait3A_1377 : memref<64x32xf32, #tpu.memory_space<vmem>>)
      %dma_wait3A_1384 = arith.constant 8 : i32
      %dma_wait3A_1385 = arith.constant 64 : i32
      %dma_wait3A_1386 = arith.constant 0 : i32
      %dma_wait3A_1387 = tpu.memref_slice %arg9[%dma_wait3A_1384, %dma_wait3A_1385, %dma_wait3A_1386] : memref<10x128x32xf32, #tpu.memory_space<vmem>> -> memref<1x64x32xf32, #tpu.memory_space<vmem>>
      %dma_wait3A_1388 = tpu.memref_squeeze %dma_wait3A_1387 : memref<1x64x32xf32, #tpu.memory_space<vmem>> -> memref<64x32xf32, #tpu.memory_space<vmem>>
      %dma_wait3A_1389 = arith.constant 64 : i32
      %dma_wait3A_1390 = tpu.memref_slice %arg7[%add3A_1372, %dma_wait3A_1389] : memref<50x128xi32, #tpu.memory_space<vmem>> -> memref<1x64xi32, #tpu.memory_space<vmem>>
      %dma_wait3A_1391 = tpu.memref_squeeze %dma_wait3A_1390 : memref<1x64xi32, #tpu.memory_space<vmem>> -> memref<64xi32, #tpu.memory_space<vmem>>
      %dma_wait3A_1392 = arith.constant 0 : i32
      %dma_wait3A_1393 = arith.constant 0 : i32
      %dma_wait3A_1394 = tpu.memref_slice %arg4[%dma_wait3A_1392, %dma_wait3A_1393] : memref<1048576x32xf32, #tpu.memory_space<hbm>> -> memref<1048576x32xf32, #tpu.memory_space<hbm>>
      tpu.wait_indirect_dma semaphore(%arg29 : memref<!tpu.dma_semaphore, #tpu.memory_space<semaphore_mem>>) src(%dma_wait3A_1394 : memref<1048576x32xf32, #tpu.memory_space<hbm>>) dst(%dma_wait3A_1388 : memref<64x32xf32, #tpu.memory_space<vmem>>)
      %dma_start3A_1395 = arith.constant 8 : i32
      %dma_start3A_1396 = arith.constant 0 : i32
      %dma_start3A_1397 = arith.constant 0 : i32
      %dma_start3A_1398 = tpu.memref_slice %arg9[%dma_start3A_1395, %dma_start3A_1396, %dma_start3A_1397] : memref<10x128x32xf32, #tpu.memory_space<vmem>> -> memref<1x64x32xf32, #tpu.memory_space<vmem>>
      %dma_start3A_1399 = tpu.memref_squeeze %dma_start3A_1398 : memref<1x64x32xf32, #tpu.memory_space<vmem>> -> memref<64x32xf32, #tpu.memory_space<vmem>>
      %dma_start3A_1400 = arith.constant 0 : i32
      %dma_start3A_1401 = tpu.memref_slice %arg7[%add3A_1372, %dma_start3A_1400] : memref<50x128xi32, #tpu.memory_space<vmem>> -> memref<1x64xi32, #tpu.memory_space<vmem>>
      %dma_start3A_1402 = tpu.memref_squeeze %dma_start3A_1401 : memref<1x64xi32, #tpu.memory_space<vmem>> -> memref<64xi32, #tpu.memory_space<vmem>>
      %dma_start3A_1403 = arith.constant 0 : i32
      %dma_start3A_1404 = arith.constant 0 : i32
      %dma_start3A_1405 = tpu.memref_slice %arg4[%dma_start3A_1403, %dma_start3A_1404] : memref<1048576x32xf32, #tpu.memory_space<hbm>> -> memref<1048576x32xf32, #tpu.memory_space<hbm>>
      tpu.enqueue_indirect_dma source(%dma_start3A_1405 : memref<1048576x32xf32, #tpu.memory_space<hbm>>) target(%dma_start3A_1399 : memref<64x32xf32, #tpu.memory_space<vmem>>) offsets(%dma_start3A_1402 : memref<64xi32, #tpu.memory_space<vmem>>) semaphore(%arg29 : memref<!tpu.dma_semaphore, #tpu.memory_space<semaphore_mem>>) {add = true}
      %dma_start3A_1406 = arith.constant 8 : i32
      %dma_start3A_1407 = arith.constant 64 : i32
      %dma_start3A_1408 = arith.constant 0 : i32
      %dma_start3A_1409 = tpu.memref_slice %arg9[%dma_start3A_1406, %dma_start3A_1407, %dma_start3A_1408] : memref<10x128x32xf32, #tpu.memory_space<vmem>> -> memref<1x64x32xf32, #tpu.memory_space<vmem>>
      %dma_start3A_1410 = tpu.memref_squeeze %dma_start3A_1409 : memref<1x64x32xf32, #tpu.memory_space<vmem>> -> memref<64x32xf32, #tpu.memory_space<vmem>>
      %dma_start3A_1411 = arith.constant 64 : i32
      %dma_start3A_1412 = tpu.memref_slice %arg7[%add3A_1372, %dma_start3A_1411] : memref<50x128xi32, #tpu.memory_space<vmem>> -> memref<1x64xi32, #tpu.memory_space<vmem>>
      %dma_start3A_1413 = tpu.memref_squeeze %dma_start3A_1412 : memref<1x64xi32, #tpu.memory_space<vmem>> -> memref<64xi32, #tpu.memory_space<vmem>>
      %dma_start3A_1414 = arith.constant 0 : i32
      %dma_start3A_1415 = arith.constant 0 : i32
      %dma_start3A_1416 = tpu.memref_slice %arg4[%dma_start3A_1414, %dma_start3A_1415] : memref<1048576x32xf32, #tpu.memory_space<hbm>> -> memref<1048576x32xf32, #tpu.memory_space<hbm>>
      tpu.enqueue_indirect_dma source(%dma_start3A_1416 : memref<1048576x32xf32, #tpu.memory_space<hbm>>) target(%dma_start3A_1410 : memref<64x32xf32, #tpu.memory_space<vmem>>) offsets(%dma_start3A_1413 : memref<64xi32, #tpu.memory_space<vmem>>) semaphore(%arg29 : memref<!tpu.dma_semaphore, #tpu.memory_space<semaphore_mem>>) {add = true}
      %mul3A_1417 = arith.constant 10 : i32
      %mul3A_1418 = arith.muli %scan3A_984, %mul3A_1417 : i32
      %add3A_1419 = arith.constant 9 : i32
      %add3A_1420 = arith.addi %mul3A_1418, %add3A_1419 : i32
      %dma_wait3A_1421 = arith.constant 9 : i32
      %dma_wait3A_1422 = arith.constant 0 : i32
      %dma_wait3A_1423 = arith.constant 0 : i32
      %dma_wait3A_1424 = tpu.memref_slice %arg9[%dma_wait3A_1421, %dma_wait3A_1422, %dma_wait3A_1423] : memref<10x128x32xf32, #tpu.memory_space<vmem>> -> memref<1x64x32xf32, #tpu.memory_space<vmem>>
      %dma_wait3A_1425 = tpu.memref_squeeze %dma_wait3A_1424 : memref<1x64x32xf32, #tpu.memory_space<vmem>> -> memref<64x32xf32, #tpu.memory_space<vmem>>
      %dma_wait3A_1426 = arith.constant 0 : i32
      %dma_wait3A_1427 = tpu.memref_slice %arg7[%add3A_1420, %dma_wait3A_1426] : memref<50x128xi32, #tpu.memory_space<vmem>> -> memref<1x64xi32, #tpu.memory_space<vmem>>
      %dma_wait3A_1428 = tpu.memref_squeeze %dma_wait3A_1427 : memref<1x64xi32, #tpu.memory_space<vmem>> -> memref<64xi32, #tpu.memory_space<vmem>>
      %dma_wait3A_1429 = arith.constant 0 : i32
      %dma_wait3A_1430 = arith.constant 0 : i32
      %dma_wait3A_1431 = tpu.memref_slice %arg4[%dma_wait3A_1429, %dma_wait3A_1430] : memref<1048576x32xf32, #tpu.memory_space<hbm>> -> memref<1048576x32xf32, #tpu.memory_space<hbm>>
      tpu.wait_indirect_dma semaphore(%arg30 : memref<!tpu.dma_semaphore, #tpu.memory_space<semaphore_mem>>) src(%dma_wait3A_1431 : memref<1048576x32xf32, #tpu.memory_space<hbm>>) dst(%dma_wait3A_1425 : memref<64x32xf32, #tpu.memory_space<vmem>>)
      %dma_wait3A_1432 = arith.constant 9 : i32
      %dma_wait3A_1433 = arith.constant 64 : i32
      %dma_wait3A_1434 = arith.constant 0 : i32
      %dma_wait3A_1435 = tpu.memref_slice %arg9[%dma_wait3A_1432, %dma_wait3A_1433, %dma_wait3A_1434] : memref<10x128x32xf32, #tpu.memory_space<vmem>> -> memref<1x64x32xf32, #tpu.memory_space<vmem>>
      %dma_wait3A_1436 = tpu.memref_squeeze %dma_wait3A_1435 : memref<1x64x32xf32, #tpu.memory_space<vmem>> -> memref<64x32xf32, #tpu.memory_space<vmem>>
      %dma_wait3A_1437 = arith.constant 64 : i32
      %dma_wait3A_1438 = tpu.memref_slice %arg7[%add3A_1420, %dma_wait3A_1437] : memref<50x128xi32, #tpu.memory_space<vmem>> -> memref<1x64xi32, #tpu.memory_space<vmem>>
      %dma_wait3A_1439 = tpu.memref_squeeze %dma_wait3A_1438 : memref<1x64xi32, #tpu.memory_space<vmem>> -> memref<64xi32, #tpu.memory_space<vmem>>
      %dma_wait3A_1440 = arith.constant 0 : i32
      %dma_wait3A_1441 = arith.constant 0 : i32
      %dma_wait3A_1442 = tpu.memref_slice %arg4[%dma_wait3A_1440, %dma_wait3A_1441] : memref<1048576x32xf32, #tpu.memory_space<hbm>> -> memref<1048576x32xf32, #tpu.memory_space<hbm>>
      tpu.wait_indirect_dma semaphore(%arg30 : memref<!tpu.dma_semaphore, #tpu.memory_space<semaphore_mem>>) src(%dma_wait3A_1442 : memref<1048576x32xf32, #tpu.memory_space<hbm>>) dst(%dma_wait3A_1436 : memref<64x32xf32, #tpu.memory_space<vmem>>)
      %dma_start3A_1443 = arith.constant 9 : i32
      %dma_start3A_1444 = arith.constant 0 : i32
      %dma_start3A_1445 = arith.constant 0 : i32
      %dma_start3A_1446 = tpu.memref_slice %arg9[%dma_start3A_1443, %dma_start3A_1444, %dma_start3A_1445] : memref<10x128x32xf32, #tpu.memory_space<vmem>> -> memref<1x64x32xf32, #tpu.memory_space<vmem>>
      %dma_start3A_1447 = tpu.memref_squeeze %dma_start3A_1446 : memref<1x64x32xf32, #tpu.memory_space<vmem>> -> memref<64x32xf32, #tpu.memory_space<vmem>>
      %dma_start3A_1448 = arith.constant 0 : i32
      %dma_start3A_1449 = tpu.memref_slice %arg7[%add3A_1420, %dma_start3A_1448] : memref<50x128xi32, #tpu.memory_space<vmem>> -> memref<1x64xi32, #tpu.memory_space<vmem>>
      %dma_start3A_1450 = tpu.memref_squeeze %dma_start3A_1449 : memref<1x64xi32, #tpu.memory_space<vmem>> -> memref<64xi32, #tpu.memory_space<vmem>>
      %dma_start3A_1451 = arith.constant 0 : i32
      %dma_start3A_1452 = arith.constant 0 : i32
      %dma_start3A_1453 = tpu.memref_slice %arg4[%dma_start3A_1451, %dma_start3A_1452] : memref<1048576x32xf32, #tpu.memory_space<hbm>> -> memref<1048576x32xf32, #tpu.memory_space<hbm>>
      tpu.enqueue_indirect_dma source(%dma_start3A_1453 : memref<1048576x32xf32, #tpu.memory_space<hbm>>) target(%dma_start3A_1447 : memref<64x32xf32, #tpu.memory_space<vmem>>) offsets(%dma_start3A_1450 : memref<64xi32, #tpu.memory_space<vmem>>) semaphore(%arg30 : memref<!tpu.dma_semaphore, #tpu.memory_space<semaphore_mem>>) {add = true}
      %dma_start3A_1454 = arith.constant 9 : i32
      %dma_start3A_1455 = arith.constant 64 : i32
      %dma_start3A_1456 = arith.constant 0 : i32
      %dma_start3A_1457 = tpu.memref_slice %arg9[%dma_start3A_1454, %dma_start3A_1455, %dma_start3A_1456] : memref<10x128x32xf32, #tpu.memory_space<vmem>> -> memref<1x64x32xf32, #tpu.memory_space<vmem>>
      %dma_start3A_1458 = tpu.memref_squeeze %dma_start3A_1457 : memref<1x64x32xf32, #tpu.memory_space<vmem>> -> memref<64x32xf32, #tpu.memory_space<vmem>>
      %dma_start3A_1459 = arith.constant 64 : i32
      %dma_start3A_1460 = tpu.memref_slice %arg7[%add3A_1420, %dma_start3A_1459] : memref<50x128xi32, #tpu.memory_space<vmem>> -> memref<1x64xi32, #tpu.memory_space<vmem>>
      %dma_start3A_1461 = tpu.memref_squeeze %dma_start3A_1460 : memref<1x64xi32, #tpu.memory_space<vmem>> -> memref<64xi32, #tpu.memory_space<vmem>>
      %dma_start3A_1462 = arith.constant 0 : i32
      %dma_start3A_1463 = arith.constant 0 : i32
      %dma_start3A_1464 = tpu.memref_slice %arg4[%dma_start3A_1462, %dma_start3A_1463] : memref<1048576x32xf32, #tpu.memory_space<hbm>> -> memref<1048576x32xf32, #tpu.memory_space<hbm>>
      tpu.enqueue_indirect_dma source(%dma_start3A_1464 : memref<1048576x32xf32, #tpu.memory_space<hbm>>) target(%dma_start3A_1458 : memref<64x32xf32, #tpu.memory_space<vmem>>) offsets(%dma_start3A_1461 : memref<64xi32, #tpu.memory_space<vmem>>) semaphore(%arg30 : memref<!tpu.dma_semaphore, #tpu.memory_space<semaphore_mem>>) {add = true}
    }
    %scan3A_731 = arith.constant 4 : i32
    %scan3A_732 = arith.constant 0 : i32
    %scan3A_733 = arith.constant 0 : i32
    %scan3A_734 = arith.constant 128 : i32
    %scan3A_735 = arith.addi %scan3A_733, %scan3A_734 : i32
    %scan3A_736 = arith.constant 1 : i32
    scf.for %scan3A_984 = %scan3A_733 to %scan3A_735 step %scan3A_736  : i32 {
      %get3A = arith.constant 0 : i32
      %get3A_985 = arith.index_cast %get3A : i32 to index
      %get3A_986 = arith.index_cast %scan3A_984 : i32 to index
      %get3A_987 = arith.constant 0 : index
      %get3A_988 = tpu.vector_load %arg8[%get3A_985, %get3A_986, %get3A_987] {strides = array<i32>} : memref<10x128x32xf32, #tpu.memory_space<vmem>>, vector<1x1x16xf32>,
      %get3A_989 = vector.shape_cast %get3A_988 : vector<1x1x16xf32> to vector<16xf32>
      %get3A_990 = arith.constant 1 : i32
      %get3A_991 = arith.index_cast %get3A_990 : i32 to index
      %get3A_992 = arith.index_cast %scan3A_984 : i32 to index
      %get3A_993 = arith.constant 0 : index
      %get3A_994 = tpu.vector_load %arg8[%get3A_991, %get3A_992, %get3A_993] {strides = array<i32>} : memref<10x128x32xf32, #tpu.memory_space<vmem>>, vector<1x1x16xf32>,
      %get3A_995 = vector.shape_cast %get3A_994 : vector<1x1x16xf32> to vector<16xf32>
      %add3A_996 = arith.addf %get3A_989, %get3A_995 : vector<16xf32>
      %get3A_997 = arith.constant 2 : i32
      %get3A_998 = arith.index_cast %get3A_997 : i32 to index
      %get3A_999 = arith.index_cast %scan3A_984 : i32 to index
      %get3A_1000 = arith.constant 0 : index
      %get3A_1001 = tpu.vector_load %arg8[%get3A_998, %get3A_999, %get3A_1000] {strides = array<i32>} : memref<10x128x32xf32, #tpu.memory_space<vmem>>, vector<1x1x16xf32>,
      %get3A_1002 = vector.shape_cast %get3A_1001 : vector<1x1x16xf32> to vector<16xf32>
      %add3A_1003 = arith.addf %add3A_996, %get3A_1002 : vector<16xf32>
      %get3A_1004 = arith.constant 3 : i32
      %get3A_1005 = arith.index_cast %get3A_1004 : i32 to index
      %get3A_1006 = arith.index_cast %scan3A_984 : i32 to index
      %get3A_1007 = arith.constant 0 : index
      %get3A_1008 = tpu.vector_load %arg8[%get3A_1005, %get3A_1006, %get3A_1007] {strides = array<i32>} : memref<10x128x32xf32, #tpu.memory_space<vmem>>, vector<1x1x16xf32>,
      %get3A_1009 = vector.shape_cast %get3A_1008 : vector<1x1x16xf32> to vector<16xf32>
      %add3A_1010 = arith.addf %add3A_1003, %get3A_1009 : vector<16xf32>
      %get3A_1011 = arith.constant 4 : i32
      %get3A_1012 = arith.index_cast %get3A_1011 : i32 to index
      %get3A_1013 = arith.index_cast %scan3A_984 : i32 to index
      %get3A_1014 = arith.constant 0 : index
      %get3A_1015 = tpu.vector_load %arg8[%get3A_1012, %get3A_1013, %get3A_1014] {strides = array<i32>} : memref<10x128x32xf32, #tpu.memory_space<vmem>>, vector<1x1x16xf32>,
      %get3A_1016 = vector.shape_cast %get3A_1015 : vector<1x1x16xf32> to vector<16xf32>
      %add3A_1017 = arith.addf %add3A_1010, %get3A_1016 : vector<16xf32>
      %get3A_1018 = arith.constant 5 : i32
      %get3A_1019 = arith.index_cast %get3A_1018 : i32 to index
      %get3A_1020 = arith.index_cast %scan3A_984 : i32 to index
      %get3A_1021 = arith.constant 0 : index
      %get3A_1022 = tpu.vector_load %arg8[%get3A_1019, %get3A_1020, %get3A_1021] {strides = array<i32>} : memref<10x128x32xf32, #tpu.memory_space<vmem>>, vector<1x1x16xf32>,
      %get3A_1023 = vector.shape_cast %get3A_1022 : vector<1x1x16xf32> to vector<16xf32>
      %add3A_1024 = arith.addf %add3A_1017, %get3A_1023 : vector<16xf32>
      %get3A_1025 = arith.constant 6 : i32
      %get3A_1026 = arith.index_cast %get3A_1025 : i32 to index
      %get3A_1027 = arith.index_cast %scan3A_984 : i32 to index
      %get3A_1028 = arith.constant 0 : index
      %get3A_1029 = tpu.vector_load %arg8[%get3A_1026, %get3A_1027, %get3A_1028] {strides = array<i32>} : memref<10x128x32xf32, #tpu.memory_space<vmem>>, vector<1x1x16xf32>,
      %get3A_1030 = vector.shape_cast %get3A_1029 : vector<1x1x16xf32> to vector<16xf32>
      %add3A_1031 = arith.addf %add3A_1024, %get3A_1030 : vector<16xf32>
      %get3A_1032 = arith.constant 7 : i32
      %get3A_1033 = arith.index_cast %get3A_1032 : i32 to index
      %get3A_1034 = arith.index_cast %scan3A_984 : i32 to index
      %get3A_1035 = arith.constant 0 : index
      %get3A_1036 = tpu.vector_load %arg8[%get3A_1033, %get3A_1034, %get3A_1035] {strides = array<i32>} : memref<10x128x32xf32, #tpu.memory_space<vmem>>, vector<1x1x16xf32>,
      %get3A_1037 = vector.shape_cast %get3A_1036 : vector<1x1x16xf32> to vector<16xf32>
      %add3A_1038 = arith.addf %add3A_1031, %get3A_1037 : vector<16xf32>
      %get3A_1039 = arith.constant 8 : i32
      %get3A_1040 = arith.index_cast %get3A_1039 : i32 to index
      %get3A_1041 = arith.index_cast %scan3A_984 : i32 to index
      %get3A_1042 = arith.constant 0 : index
      %get3A_1043 = tpu.vector_load %arg8[%get3A_1040, %get3A_1041, %get3A_1042] {strides = array<i32>} : memref<10x128x32xf32, #tpu.memory_space<vmem>>, vector<1x1x16xf32>,
      %get3A_1044 = vector.shape_cast %get3A_1043 : vector<1x1x16xf32> to vector<16xf32>
      %add3A_1045 = arith.addf %add3A_1038, %get3A_1044 : vector<16xf32>
      %get3A_1046 = arith.constant 9 : i32
      %get3A_1047 = arith.index_cast %get3A_1046 : i32 to index
      %get3A_1048 = arith.index_cast %scan3A_984 : i32 to index
      %get3A_1049 = arith.constant 0 : index
      %get3A_1050 = tpu.vector_load %arg8[%get3A_1047, %get3A_1048, %get3A_1049] {strides = array<i32>} : memref<10x128x32xf32, #tpu.memory_space<vmem>>, vector<1x1x16xf32>,
      %get3A_1051 = vector.shape_cast %get3A_1050 : vector<1x1x16xf32> to vector<16xf32>
      %add3A_1052 = arith.addf %add3A_1045, %get3A_1051 : vector<16xf32>
      %mul3A_1053 = arith.constant 5.000000e-03 : f32
      %mul3A_1054 = vector.broadcast %mul3A_1053 : f32 to vector<16xf32>
      %mul3A_1055 = arith.mulf %add3A_1052, %mul3A_1054 : vector<16xf32>
      %swap3A = arith.index_cast %scan3A_984 : i32 to index
      %swap3A_1056 = arith.constant 0 : index
      %swap3A_1057 = tpu.vector_load %arg10[%swap3A, %swap3A_1056] {strides = array<i32>} : memref<128x64xf32, #tpu.memory_space<vmem>>, vector<1x16xf32>,
      %swap3A_1058 = vector.shape_cast %swap3A_1057 : vector<1x16xf32> to vector<16xf32>
      %swap3A_1059 = vector.shape_cast %mul3A_1055 : vector<16xf32> to vector<1x16xf32>
      tpu.vector_store %arg10[%swap3A, %swap3A_1056], %swap3A_1059 {strides = array<i32>} : memref<128x64xf32, #tpu.memory_space<vmem>>, vector<1x16xf32>,
      %get3A_1060 = arith.constant 0 : i32
      %get3A_1061 = arith.index_cast %get3A_1060 : i32 to index
      %get3A_1062 = arith.index_cast %scan3A_984 : i32 to index
      %get3A_1063 = arith.constant 16 : index
      %get3A_1064 = tpu.vector_load %arg8[%get3A_1061, %get3A_1062, %get3A_1063] {strides = array<i32>} : memref<10x128x32xf32, #tpu.memory_space<vmem>>, vector<1x1x16xf32>,
      %get3A_1065 = vector.shape_cast %get3A_1064 : vector<1x1x16xf32> to vector<16xf32>
      %get3A_1066 = arith.constant 1 : i32
      %get3A_1067 = arith.index_cast %get3A_1066 : i32 to index
      %get3A_1068 = arith.index_cast %scan3A_984 : i32 to index
      %get3A_1069 = arith.constant 16 : index
      %get3A_1070 = tpu.vector_load %arg8[%get3A_1067, %get3A_1068, %get3A_1069] {strides = array<i32>} : memref<10x128x32xf32, #tpu.memory_space<vmem>>, vector<1x1x16xf32>,
      %get3A_1071 = vector.shape_cast %get3A_1070 : vector<1x1x16xf32> to vector<16xf32>
      %add3A_1072 = arith.addf %get3A_1065, %get3A_1071 : vector<16xf32>
      %get3A_1073 = arith.constant 2 : i32
      %get3A_1074 = arith.index_cast %get3A_1073 : i32 to index
      %get3A_1075 = arith.index_cast %scan3A_984 : i32 to index
      %get3A_1076 = arith.constant 16 : index
      %get3A_1077 = tpu.vector_load %arg8[%get3A_1074, %get3A_1075, %get3A_1076] {strides = array<i32>} : memref<10x128x32xf32, #tpu.memory_space<vmem>>, vector<1x1x16xf32>,
      %get3A_1078 = vector.shape_cast %get3A_1077 : vector<1x1x16xf32> to vector<16xf32>
      %add3A_1079 = arith.addf %add3A_1072, %get3A_1078 : vector<16xf32>
      %get3A_1080 = arith.constant 3 : i32
      %get3A_1081 = arith.index_cast %get3A_1080 : i32 to index
      %get3A_1082 = arith.index_cast %scan3A_984 : i32 to index
      %get3A_1083 = arith.constant 16 : index
      %get3A_1084 = tpu.vector_load %arg8[%get3A_1081, %get3A_1082, %get3A_1083] {strides = array<i32>} : memref<10x128x32xf32, #tpu.memory_space<vmem>>, vector<1x1x16xf32>,
      %get3A_1085 = vector.shape_cast %get3A_1084 : vector<1x1x16xf32> to vector<16xf32>
      %add3A_1086 = arith.addf %add3A_1079, %get3A_1085 : vector<16xf32>
      %get3A_1087 = arith.constant 4 : i32
      %get3A_1088 = arith.index_cast %get3A_1087 : i32 to index
      %get3A_1089 = arith.index_cast %scan3A_984 : i32 to index
      %get3A_1090 = arith.constant 16 : index
      %get3A_1091 = tpu.vector_load %arg8[%get3A_1088, %get3A_1089, %get3A_1090] {strides = array<i32>} : memref<10x128x32xf32, #tpu.memory_space<vmem>>, vector<1x1x16xf32>,
      %get3A_1092 = vector.shape_cast %get3A_1091 : vector<1x1x16xf32> to vector<16xf32>
      %add3A_1093 = arith.addf %add3A_1086, %get3A_1092 : vector<16xf32>
      %get3A_1094 = arith.constant 5 : i32
      %get3A_1095 = arith.index_cast %get3A_1094 : i32 to index
      %get3A_1096 = arith.index_cast %scan3A_984 : i32 to index
      %get3A_1097 = arith.constant 16 : index
      %get3A_1098 = tpu.vector_load %arg8[%get3A_1095, %get3A_1096, %get3A_1097] {strides = array<i32>} : memref<10x128x32xf32, #tpu.memory_space<vmem>>, vector<1x1x16xf32>,
      %get3A_1099 = vector.shape_cast %get3A_1098 : vector<1x1x16xf32> to vector<16xf32>
      %add3A_1100 = arith.addf %add3A_1093, %get3A_1099 : vector<16xf32>
      %get3A_1101 = arith.constant 6 : i32
      %get3A_1102 = arith.index_cast %get3A_1101 : i32 to index
      %get3A_1103 = arith.index_cast %scan3A_984 : i32 to index
      %get3A_1104 = arith.constant 16 : index
      %get3A_1105 = tpu.vector_load %arg8[%get3A_1102, %get3A_1103, %get3A_1104] {strides = array<i32>} : memref<10x128x32xf32, #tpu.memory_space<vmem>>, vector<1x1x16xf32>,
      %get3A_1106 = vector.shape_cast %get3A_1105 : vector<1x1x16xf32> to vector<16xf32>
      %add3A_1107 = arith.addf %add3A_1100, %get3A_1106 : vector<16xf32>
      %get3A_1108 = arith.constant 7 : i32
      %get3A_1109 = arith.index_cast %get3A_1108 : i32 to index
      %get3A_1110 = arith.index_cast %scan3A_984 : i32 to index
      %get3A_1111 = arith.constant 16 : index
      %get3A_1112 = tpu.vector_load %arg8[%get3A_1109, %get3A_1110, %get3A_1111] {strides = array<i32>} : memref<10x128x32xf32, #tpu.memory_space<vmem>>, vector<1x1x16xf32>,
      %get3A_1113 = vector.shape_cast %get3A_1112 : vector<1x1x16xf32> to vector<16xf32>
      %add3A_1114 = arith.addf %add3A_1107, %get3A_1113 : vector<16xf32>
      %get3A_1115 = arith.constant 8 : i32
      %get3A_1116 = arith.index_cast %get3A_1115 : i32 to index
      %get3A_1117 = arith.index_cast %scan3A_984 : i32 to index
      %get3A_1118 = arith.constant 16 : index
      %get3A_1119 = tpu.vector_load %arg8[%get3A_1116, %get3A_1117, %get3A_1118] {strides = array<i32>} : memref<10x128x32xf32, #tpu.memory_space<vmem>>, vector<1x1x16xf32>,
      %get3A_1120 = vector.shape_cast %get3A_1119 : vector<1x1x16xf32> to vector<16xf32>
      %add3A_1121 = arith.addf %add3A_1114, %get3A_1120 : vector<16xf32>
      %get3A_1122 = arith.constant 9 : i32
      %get3A_1123 = arith.index_cast %get3A_1122 : i32 to index
      %get3A_1124 = arith.index_cast %scan3A_984 : i32 to index
      %get3A_1125 = arith.constant 16 : index
      %get3A_1126 = tpu.vector_load %arg8[%get3A_1123, %get3A_1124, %get3A_1125] {strides = array<i32>} : memref<10x128x32xf32, #tpu.memory_space<vmem>>, vector<1x1x16xf32>,
      %get3A_1127 = vector.shape_cast %get3A_1126 : vector<1x1x16xf32> to vector<16xf32>
      %add3A_1128 = arith.addf %add3A_1121, %get3A_1127 : vector<16xf32>
      %mul3A_1129 = arith.constant 5.000000e-03 : f32
      %mul3A_1130 = vector.broadcast %mul3A_1129 : f32 to vector<16xf32>
      %mul3A_1131 = arith.mulf %add3A_1128, %mul3A_1130 : vector<16xf32>
      %swap3A_1132 = arith.index_cast %scan3A_984 : i32 to index
      %swap3A_1133 = arith.constant 16 : index
      %swap3A_1134 = tpu.vector_load %arg10[%swap3A_1132, %swap3A_1133] {strides = array<i32>} : memref<128x64xf32, #tpu.memory_space<vmem>>, vector<1x16xf32>,
      %swap3A_1135 = vector.shape_cast %swap3A_1134 : vector<1x16xf32> to vector<16xf32>
      %swap3A_1136 = vector.shape_cast %mul3A_1131 : vector<16xf32> to vector<1x16xf32>
      tpu.vector_store %arg10[%swap3A_1132, %swap3A_1133], %swap3A_1136 {strides = array<i32>} : memref<128x64xf32, #tpu.memory_space<vmem>>, vector<1x16xf32>,
    }
    %scan3A_737 = arith.constant 128 : i32
    %dma_wait3A_738 = arith.constant 0 : i32
    %dma_wait3A_739 = arith.constant 0 : i32
    %dma_wait3A_740 = arith.constant 0 : i32
    %dma_wait3A_741 = arith.constant 0 : i32
    %dma_wait3A_742 = tpu.memref_slice %arg9[%dma_wait3A_739, %dma_wait3A_740, %dma_wait3A_741] : memref<10x128x32xf32, #tpu.memory_space<vmem>> -> memref<1x64x32xf32, #tpu.memory_space<vmem>>
    %dma_wait3A_743 = tpu.memref_squeeze %dma_wait3A_742 : memref<1x64x32xf32, #tpu.memory_space<vmem>> -> memref<64x32xf32, #tpu.memory_space<vmem>>
    %dma_wait3A_744 = arith.constant 0 : i32
    %dma_wait3A_745 = tpu.memref_slice %arg7[%dma_wait3A_738, %dma_wait3A_744] : memref<50x128xi32, #tpu.memory_space<vmem>> -> memref<1x64xi32, #tpu.memory_space<vmem>>
    %dma_wait3A_746 = tpu.memref_squeeze %dma_wait3A_745 : memref<1x64xi32, #tpu.memory_space<vmem>> -> memref<64xi32, #tpu.memory_space<vmem>>
    %dma_wait3A_747 = arith.constant 0 : i32
    %dma_wait3A_748 = arith.constant 0 : i32
    %dma_wait3A_749 = tpu.memref_slice %arg4[%dma_wait3A_747, %dma_wait3A_748] : memref<1048576x32xf32, #tpu.memory_space<hbm>> -> memref<1048576x32xf32, #tpu.memory_space<hbm>>
    tpu.wait_indirect_dma semaphore(%arg21 : memref<!tpu.dma_semaphore, #tpu.memory_space<semaphore_mem>>) src(%dma_wait3A_749 : memref<1048576x32xf32, #tpu.memory_space<hbm>>) dst(%dma_wait3A_743 : memref<64x32xf32, #tpu.memory_space<vmem>>)
    %dma_wait3A_750 = arith.constant 0 : i32
    %dma_wait3A_751 = arith.constant 0 : i32
    %dma_wait3A_752 = arith.constant 64 : i32
    %dma_wait3A_753 = arith.constant 0 : i32
    %dma_wait3A_754 = tpu.memref_slice %arg9[%dma_wait3A_751, %dma_wait3A_752, %dma_wait3A_753] : memref<10x128x32xf32, #tpu.memory_space<vmem>> -> memref<1x64x32xf32, #tpu.memory_space<vmem>>
    %dma_wait3A_755 = tpu.memref_squeeze %dma_wait3A_754 : memref<1x64x32xf32, #tpu.memory_space<vmem>> -> memref<64x32xf32, #tpu.memory_space<vmem>>
    %dma_wait3A_756 = arith.constant 64 : i32
    %dma_wait3A_757 = tpu.memref_slice %arg7[%dma_wait3A_750, %dma_wait3A_756] : memref<50x128xi32, #tpu.memory_space<vmem>> -> memref<1x64xi32, #tpu.memory_space<vmem>>
    %dma_wait3A_758 = tpu.memref_squeeze %dma_wait3A_757 : memref<1x64xi32, #tpu.memory_space<vmem>> -> memref<64xi32, #tpu.memory_space<vmem>>
    %dma_wait3A_759 = arith.constant 0 : i32
    %dma_wait3A_760 = arith.constant 0 : i32
    %dma_wait3A_761 = tpu.memref_slice %arg4[%dma_wait3A_759, %dma_wait3A_760] : memref<1048576x32xf32, #tpu.memory_space<hbm>> -> memref<1048576x32xf32, #tpu.memory_space<hbm>>
    tpu.wait_indirect_dma semaphore(%arg21 : memref<!tpu.dma_semaphore, #tpu.memory_space<semaphore_mem>>) src(%dma_wait3A_761 : memref<1048576x32xf32, #tpu.memory_space<hbm>>) dst(%dma_wait3A_755 : memref<64x32xf32, #tpu.memory_space<vmem>>)
    %dma_wait3A_762 = arith.constant 1 : i32
    %dma_wait3A_763 = arith.constant 1 : i32
    %dma_wait3A_764 = arith.constant 0 : i32
    %dma_wait3A_765 = arith.constant 0 : i32
    %dma_wait3A_766 = tpu.memref_slice %arg9[%dma_wait3A_763, %dma_wait3A_764, %dma_wait3A_765] : memref<10x128x32xf32, #tpu.memory_space<vmem>> -> memref<1x64x32xf32, #tpu.memory_space<vmem>>
    %dma_wait3A_767 = tpu.memref_squeeze %dma_wait3A_766 : memref<1x64x32xf32, #tpu.memory_space<vmem>> -> memref<64x32xf32, #tpu.memory_space<vmem>>
    %dma_wait3A_768 = arith.constant 0 : i32
    %dma_wait3A_769 = tpu.memref_slice %arg7[%dma_wait3A_762, %dma_wait3A_768] : memref<50x128xi32, #tpu.memory_space<vmem>> -> memref<1x64xi32, #tpu.memory_space<vmem>>
    %dma_wait3A_770 = tpu.memref_squeeze %dma_wait3A_769 : memref<1x64xi32, #tpu.memory_space<vmem>> -> memref<64xi32, #tpu.memory_space<vmem>>
    %dma_wait3A_771 = arith.constant 0 : i32
    %dma_wait3A_772 = arith.constant 0 : i32
    %dma_wait3A_773 = tpu.memref_slice %arg4[%dma_wait3A_771, %dma_wait3A_772] : memref<1048576x32xf32, #tpu.memory_space<hbm>> -> memref<1048576x32xf32, #tpu.memory_space<hbm>>
    tpu.wait_indirect_dma semaphore(%arg22 : memref<!tpu.dma_semaphore, #tpu.memory_space<semaphore_mem>>) src(%dma_wait3A_773 : memref<1048576x32xf32, #tpu.memory_space<hbm>>) dst(%dma_wait3A_767 : memref<64x32xf32, #tpu.memory_space<vmem>>)
    %dma_wait3A_774 = arith.constant 1 : i32
    %dma_wait3A_775 = arith.constant 1 : i32
    %dma_wait3A_776 = arith.constant 64 : i32
    %dma_wait3A_777 = arith.constant 0 : i32
    %dma_wait3A_778 = tpu.memref_slice %arg9[%dma_wait3A_775, %dma_wait3A_776, %dma_wait3A_777] : memref<10x128x32xf32, #tpu.memory_space<vmem>> -> memref<1x64x32xf32, #tpu.memory_space<vmem>>
    %dma_wait3A_779 = tpu.memref_squeeze %dma_wait3A_778 : memref<1x64x32xf32, #tpu.memory_space<vmem>> -> memref<64x32xf32, #tpu.memory_space<vmem>>
    %dma_wait3A_780 = arith.constant 64 : i32
    %dma_wait3A_781 = tpu.memref_slice %arg7[%dma_wait3A_774, %dma_wait3A_780] : memref<50x128xi32, #tpu.memory_space<vmem>> -> memref<1x64xi32, #tpu.memory_space<vmem>>
    %dma_wait3A_782 = tpu.memref_squeeze %dma_wait3A_781 : memref<1x64xi32, #tpu.memory_space<vmem>> -> memref<64xi32, #tpu.memory_space<vmem>>
    %dma_wait3A_783 = arith.constant 0 : i32
    %dma_wait3A_784 = arith.constant 0 : i32
    %dma_wait3A_785 = tpu.memref_slice %arg4[%dma_wait3A_783, %dma_wait3A_784] : memref<1048576x32xf32, #tpu.memory_space<hbm>> -> memref<1048576x32xf32, #tpu.memory_space<hbm>>
    tpu.wait_indirect_dma semaphore(%arg22 : memref<!tpu.dma_semaphore, #tpu.memory_space<semaphore_mem>>) src(%dma_wait3A_785 : memref<1048576x32xf32, #tpu.memory_space<hbm>>) dst(%dma_wait3A_779 : memref<64x32xf32, #tpu.memory_space<vmem>>)
    %dma_wait3A_786 = arith.constant 2 : i32
    %dma_wait3A_787 = arith.constant 2 : i32
    %dma_wait3A_788 = arith.constant 0 : i32
    %dma_wait3A_789 = arith.constant 0 : i32
    %dma_wait3A_790 = tpu.memref_slice %arg9[%dma_wait3A_787, %dma_wait3A_788, %dma_wait3A_789] : memref<10x128x32xf32, #tpu.memory_space<vmem>> -> memref<1x64x32xf32, #tpu.memory_space<vmem>>
    %dma_wait3A_791 = tpu.memref_squeeze %dma_wait3A_790 : memref<1x64x32xf32, #tpu.memory_space<vmem>> -> memref<64x32xf32, #tpu.memory_space<vmem>>
    %dma_wait3A_792 = arith.constant 0 : i32
    %dma_wait3A_793 = tpu.memref_slice %arg7[%dma_wait3A_786, %dma_wait3A_792] : memref<50x128xi32, #tpu.memory_space<vmem>> -> memref<1x64xi32, #tpu.memory_space<vmem>>
    %dma_wait3A_794 = tpu.memref_squeeze %dma_wait3A_793 : memref<1x64xi32, #tpu.memory_space<vmem>> -> memref<64xi32, #tpu.memory_space<vmem>>
    %dma_wait3A_795 = arith.constant 0 : i32
    %dma_wait3A_796 = arith.constant 0 : i32
    %dma_wait3A_797 = tpu.memref_slice %arg4[%dma_wait3A_795, %dma_wait3A_796] : memref<1048576x32xf32, #tpu.memory_space<hbm>> -> memref<1048576x32xf32, #tpu.memory_space<hbm>>
    tpu.wait_indirect_dma semaphore(%arg23 : memref<!tpu.dma_semaphore, #tpu.memory_space<semaphore_mem>>) src(%dma_wait3A_797 : memref<1048576x32xf32, #tpu.memory_space<hbm>>) dst(%dma_wait3A_791 : memref<64x32xf32, #tpu.memory_space<vmem>>)
    %dma_wait3A_798 = arith.constant 2 : i32
    %dma_wait3A_799 = arith.constant 2 : i32
    %dma_wait3A_800 = arith.constant 64 : i32
    %dma_wait3A_801 = arith.constant 0 : i32
    %dma_wait3A_802 = tpu.memref_slice %arg9[%dma_wait3A_799, %dma_wait3A_800, %dma_wait3A_801] : memref<10x128x32xf32, #tpu.memory_space<vmem>> -> memref<1x64x32xf32, #tpu.memory_space<vmem>>
    %dma_wait3A_803 = tpu.memref_squeeze %dma_wait3A_802 : memref<1x64x32xf32, #tpu.memory_space<vmem>> -> memref<64x32xf32, #tpu.memory_space<vmem>>
    %dma_wait3A_804 = arith.constant 64 : i32
    %dma_wait3A_805 = tpu.memref_slice %arg7[%dma_wait3A_798, %dma_wait3A_804] : memref<50x128xi32, #tpu.memory_space<vmem>> -> memref<1x64xi32, #tpu.memory_space<vmem>>
    %dma_wait3A_806 = tpu.memref_squeeze %dma_wait3A_805 : memref<1x64xi32, #tpu.memory_space<vmem>> -> memref<64xi32, #tpu.memory_space<vmem>>
    %dma_wait3A_807 = arith.constant 0 : i32
    %dma_wait3A_808 = arith.constant 0 : i32
    %dma_wait3A_809 = tpu.memref_slice %arg4[%dma_wait3A_807, %dma_wait3A_808] : memref<1048576x32xf32, #tpu.memory_space<hbm>> -> memref<1048576x32xf32, #tpu.memory_space<hbm>>
    tpu.wait_indirect_dma semaphore(%arg23 : memref<!tpu.dma_semaphore, #tpu.memory_space<semaphore_mem>>) src(%dma_wait3A_809 : memref<1048576x32xf32, #tpu.memory_space<hbm>>) dst(%dma_wait3A_803 : memref<64x32xf32, #tpu.memory_space<vmem>>)
    %dma_wait3A_810 = arith.constant 3 : i32
    %dma_wait3A_811 = arith.constant 3 : i32
    %dma_wait3A_812 = arith.constant 0 : i32
    %dma_wait3A_813 = arith.constant 0 : i32
    %dma_wait3A_814 = tpu.memref_slice %arg9[%dma_wait3A_811, %dma_wait3A_812, %dma_wait3A_813] : memref<10x128x32xf32, #tpu.memory_space<vmem>> -> memref<1x64x32xf32, #tpu.memory_space<vmem>>
    %dma_wait3A_815 = tpu.memref_squeeze %dma_wait3A_814 : memref<1x64x32xf32, #tpu.memory_space<vmem>> -> memref<64x32xf32, #tpu.memory_space<vmem>>
    %dma_wait3A_816 = arith.constant 0 : i32
    %dma_wait3A_817 = tpu.memref_slice %arg7[%dma_wait3A_810, %dma_wait3A_816] : memref<50x128xi32, #tpu.memory_space<vmem>> -> memref<1x64xi32, #tpu.memory_space<vmem>>
    %dma_wait3A_818 = tpu.memref_squeeze %dma_wait3A_817 : memref<1x64xi32, #tpu.memory_space<vmem>> -> memref<64xi32, #tpu.memory_space<vmem>>
    %dma_wait3A_819 = arith.constant 0 : i32
    %dma_wait3A_820 = arith.constant 0 : i32
    %dma_wait3A_821 = tpu.memref_slice %arg4[%dma_wait3A_819, %dma_wait3A_820] : memref<1048576x32xf32, #tpu.memory_space<hbm>> -> memref<1048576x32xf32, #tpu.memory_space<hbm>>
    tpu.wait_indirect_dma semaphore(%arg24 : memref<!tpu.dma_semaphore, #tpu.memory_space<semaphore_mem>>) src(%dma_wait3A_821 : memref<1048576x32xf32, #tpu.memory_space<hbm>>) dst(%dma_wait3A_815 : memref<64x32xf32, #tpu.memory_space<vmem>>)
    %dma_wait3A_822 = arith.constant 3 : i32
    %dma_wait3A_823 = arith.constant 3 : i32
    %dma_wait3A_824 = arith.constant 64 : i32
    %dma_wait3A_825 = arith.constant 0 : i32
    %dma_wait3A_826 = tpu.memref_slice %arg9[%dma_wait3A_823, %dma_wait3A_824, %dma_wait3A_825] : memref<10x128x32xf32, #tpu.memory_space<vmem>> -> memref<1x64x32xf32, #tpu.memory_space<vmem>>
    %dma_wait3A_827 = tpu.memref_squeeze %dma_wait3A_826 : memref<1x64x32xf32, #tpu.memory_space<vmem>> -> memref<64x32xf32, #tpu.memory_space<vmem>>
    %dma_wait3A_828 = arith.constant 64 : i32
    %dma_wait3A_829 = tpu.memref_slice %arg7[%dma_wait3A_822, %dma_wait3A_828] : memref<50x128xi32, #tpu.memory_space<vmem>> -> memref<1x64xi32, #tpu.memory_space<vmem>>
    %dma_wait3A_830 = tpu.memref_squeeze %dma_wait3A_829 : memref<1x64xi32, #tpu.memory_space<vmem>> -> memref<64xi32, #tpu.memory_space<vmem>>
    %dma_wait3A_831 = arith.constant 0 : i32
    %dma_wait3A_832 = arith.constant 0 : i32
    %dma_wait3A_833 = tpu.memref_slice %arg4[%dma_wait3A_831, %dma_wait3A_832] : memref<1048576x32xf32, #tpu.memory_space<hbm>> -> memref<1048576x32xf32, #tpu.memory_space<hbm>>
    tpu.wait_indirect_dma semaphore(%arg24 : memref<!tpu.dma_semaphore, #tpu.memory_space<semaphore_mem>>) src(%dma_wait3A_833 : memref<1048576x32xf32, #tpu.memory_space<hbm>>) dst(%dma_wait3A_827 : memref<64x32xf32, #tpu.memory_space<vmem>>)
    %dma_wait3A_834 = arith.constant 4 : i32
    %dma_wait3A_835 = arith.constant 4 : i32
    %dma_wait3A_836 = arith.constant 0 : i32
    %dma_wait3A_837 = arith.constant 0 : i32
    %dma_wait3A_838 = tpu.memref_slice %arg9[%dma_wait3A_835, %dma_wait3A_836, %dma_wait3A_837] : memref<10x128x32xf32, #tpu.memory_space<vmem>> -> memref<1x64x32xf32, #tpu.memory_space<vmem>>
    %dma_wait3A_839 = tpu.memref_squeeze %dma_wait3A_838 : memref<1x64x32xf32, #tpu.memory_space<vmem>> -> memref<64x32xf32, #tpu.memory_space<vmem>>
    %dma_wait3A_840 = arith.constant 0 : i32
    %dma_wait3A_841 = tpu.memref_slice %arg7[%dma_wait3A_834, %dma_wait3A_840] : memref<50x128xi32, #tpu.memory_space<vmem>> -> memref<1x64xi32, #tpu.memory_space<vmem>>
    %dma_wait3A_842 = tpu.memref_squeeze %dma_wait3A_841 : memref<1x64xi32, #tpu.memory_space<vmem>> -> memref<64xi32, #tpu.memory_space<vmem>>
    %dma_wait3A_843 = arith.constant 0 : i32
    %dma_wait3A_844 = arith.constant 0 : i32
    %dma_wait3A_845 = tpu.memref_slice %arg4[%dma_wait3A_843, %dma_wait3A_844] : memref<1048576x32xf32, #tpu.memory_space<hbm>> -> memref<1048576x32xf32, #tpu.memory_space<hbm>>
    tpu.wait_indirect_dma semaphore(%arg25 : memref<!tpu.dma_semaphore, #tpu.memory_space<semaphore_mem>>) src(%dma_wait3A_845 : memref<1048576x32xf32, #tpu.memory_space<hbm>>) dst(%dma_wait3A_839 : memref<64x32xf32, #tpu.memory_space<vmem>>)
    %dma_wait3A_846 = arith.constant 4 : i32
    %dma_wait3A_847 = arith.constant 4 : i32
    %dma_wait3A_848 = arith.constant 64 : i32
    %dma_wait3A_849 = arith.constant 0 : i32
    %dma_wait3A_850 = tpu.memref_slice %arg9[%dma_wait3A_847, %dma_wait3A_848, %dma_wait3A_849] : memref<10x128x32xf32, #tpu.memory_space<vmem>> -> memref<1x64x32xf32, #tpu.memory_space<vmem>>
    %dma_wait3A_851 = tpu.memref_squeeze %dma_wait3A_850 : memref<1x64x32xf32, #tpu.memory_space<vmem>> -> memref<64x32xf32, #tpu.memory_space<vmem>>
    %dma_wait3A_852 = arith.constant 64 : i32
    %dma_wait3A_853 = tpu.memref_slice %arg7[%dma_wait3A_846, %dma_wait3A_852] : memref<50x128xi32, #tpu.memory_space<vmem>> -> memref<1x64xi32, #tpu.memory_space<vmem>>
    %dma_wait3A_854 = tpu.memref_squeeze %dma_wait3A_853 : memref<1x64xi32, #tpu.memory_space<vmem>> -> memref<64xi32, #tpu.memory_space<vmem>>
    %dma_wait3A_855 = arith.constant 0 : i32
    %dma_wait3A_856 = arith.constant 0 : i32
    %dma_wait3A_857 = tpu.memref_slice %arg4[%dma_wait3A_855, %dma_wait3A_856] : memref<1048576x32xf32, #tpu.memory_space<hbm>> -> memref<1048576x32xf32, #tpu.memory_space<hbm>>
    tpu.wait_indirect_dma semaphore(%arg25 : memref<!tpu.dma_semaphore, #tpu.memory_space<semaphore_mem>>) src(%dma_wait3A_857 : memref<1048576x32xf32, #tpu.memory_space<hbm>>) dst(%dma_wait3A_851 : memref<64x32xf32, #tpu.memory_space<vmem>>)
    %dma_wait3A_858 = arith.constant 5 : i32
    %dma_wait3A_859 = arith.constant 5 : i32
    %dma_wait3A_860 = arith.constant 0 : i32
    %dma_wait3A_861 = arith.constant 0 : i32
    %dma_wait3A_862 = tpu.memref_slice %arg9[%dma_wait3A_859, %dma_wait3A_860, %dma_wait3A_861] : memref<10x128x32xf32, #tpu.memory_space<vmem>> -> memref<1x64x32xf32, #tpu.memory_space<vmem>>
    %dma_wait3A_863 = tpu.memref_squeeze %dma_wait3A_862 : memref<1x64x32xf32, #tpu.memory_space<vmem>> -> memref<64x32xf32, #tpu.memory_space<vmem>>
    %dma_wait3A_864 = arith.constant 0 : i32
    %dma_wait3A_865 = tpu.memref_slice %arg7[%dma_wait3A_858, %dma_wait3A_864] : memref<50x128xi32, #tpu.memory_space<vmem>> -> memref<1x64xi32, #tpu.memory_space<vmem>>
    %dma_wait3A_866 = tpu.memref_squeeze %dma_wait3A_865 : memref<1x64xi32, #tpu.memory_space<vmem>> -> memref<64xi32, #tpu.memory_space<vmem>>
    %dma_wait3A_867 = arith.constant 0 : i32
    %dma_wait3A_868 = arith.constant 0 : i32
    %dma_wait3A_869 = tpu.memref_slice %arg4[%dma_wait3A_867, %dma_wait3A_868] : memref<1048576x32xf32, #tpu.memory_space<hbm>> -> memref<1048576x32xf32, #tpu.memory_space<hbm>>
    tpu.wait_indirect_dma semaphore(%arg26 : memref<!tpu.dma_semaphore, #tpu.memory_space<semaphore_mem>>) src(%dma_wait3A_869 : memref<1048576x32xf32, #tpu.memory_space<hbm>>) dst(%dma_wait3A_863 : memref<64x32xf32, #tpu.memory_space<vmem>>)
    %dma_wait3A_870 = arith.constant 5 : i32
    %dma_wait3A_871 = arith.constant 5 : i32
    %dma_wait3A_872 = arith.constant 64 : i32
    %dma_wait3A_873 = arith.constant 0 : i32
    %dma_wait3A_874 = tpu.memref_slice %arg9[%dma_wait3A_871, %dma_wait3A_872, %dma_wait3A_873] : memref<10x128x32xf32, #tpu.memory_space<vmem>> -> memref<1x64x32xf32, #tpu.memory_space<vmem>>
    %dma_wait3A_875 = tpu.memref_squeeze %dma_wait3A_874 : memref<1x64x32xf32, #tpu.memory_space<vmem>> -> memref<64x32xf32, #tpu.memory_space<vmem>>
    %dma_wait3A_876 = arith.constant 64 : i32
    %dma_wait3A_877 = tpu.memref_slice %arg7[%dma_wait3A_870, %dma_wait3A_876] : memref<50x128xi32, #tpu.memory_space<vmem>> -> memref<1x64xi32, #tpu.memory_space<vmem>>
    %dma_wait3A_878 = tpu.memref_squeeze %dma_wait3A_877 : memref<1x64xi32, #tpu.memory_space<vmem>> -> memref<64xi32, #tpu.memory_space<vmem>>
    %dma_wait3A_879 = arith.constant 0 : i32
    %dma_wait3A_880 = arith.constant 0 : i32
    %dma_wait3A_881 = tpu.memref_slice %arg4[%dma_wait3A_879, %dma_wait3A_880] : memref<1048576x32xf32, #tpu.memory_space<hbm>> -> memref<1048576x32xf32, #tpu.memory_space<hbm>>
    tpu.wait_indirect_dma semaphore(%arg26 : memref<!tpu.dma_semaphore, #tpu.memory_space<semaphore_mem>>) src(%dma_wait3A_881 : memref<1048576x32xf32, #tpu.memory_space<hbm>>) dst(%dma_wait3A_875 : memref<64x32xf32, #tpu.memory_space<vmem>>)
    %dma_wait3A_882 = arith.constant 6 : i32
    %dma_wait3A_883 = arith.constant 6 : i32
    %dma_wait3A_884 = arith.constant 0 : i32
    %dma_wait3A_885 = arith.constant 0 : i32
    %dma_wait3A_886 = tpu.memref_slice %arg9[%dma_wait3A_883, %dma_wait3A_884, %dma_wait3A_885] : memref<10x128x32xf32, #tpu.memory_space<vmem>> -> memref<1x64x32xf32, #tpu.memory_space<vmem>>
    %dma_wait3A_887 = tpu.memref_squeeze %dma_wait3A_886 : memref<1x64x32xf32, #tpu.memory_space<vmem>> -> memref<64x32xf32, #tpu.memory_space<vmem>>
    %dma_wait3A_888 = arith.constant 0 : i32
    %dma_wait3A_889 = tpu.memref_slice %arg7[%dma_wait3A_882, %dma_wait3A_888] : memref<50x128xi32, #tpu.memory_space<vmem>> -> memref<1x64xi32, #tpu.memory_space<vmem>>
    %dma_wait3A_890 = tpu.memref_squeeze %dma_wait3A_889 : memref<1x64xi32, #tpu.memory_space<vmem>> -> memref<64xi32, #tpu.memory_space<vmem>>
    %dma_wait3A_891 = arith.constant 0 : i32
    %dma_wait3A_892 = arith.constant 0 : i32
    %dma_wait3A_893 = tpu.memref_slice %arg4[%dma_wait3A_891, %dma_wait3A_892] : memref<1048576x32xf32, #tpu.memory_space<hbm>> -> memref<1048576x32xf32, #tpu.memory_space<hbm>>
    tpu.wait_indirect_dma semaphore(%arg27 : memref<!tpu.dma_semaphore, #tpu.memory_space<semaphore_mem>>) src(%dma_wait3A_893 : memref<1048576x32xf32, #tpu.memory_space<hbm>>) dst(%dma_wait3A_887 : memref<64x32xf32, #tpu.memory_space<vmem>>)
    %dma_wait3A_894 = arith.constant 6 : i32
    %dma_wait3A_895 = arith.constant 6 : i32
    %dma_wait3A_896 = arith.constant 64 : i32
    %dma_wait3A_897 = arith.constant 0 : i32
    %dma_wait3A_898 = tpu.memref_slice %arg9[%dma_wait3A_895, %dma_wait3A_896, %dma_wait3A_897] : memref<10x128x32xf32, #tpu.memory_space<vmem>> -> memref<1x64x32xf32, #tpu.memory_space<vmem>>
    %dma_wait3A_899 = tpu.memref_squeeze %dma_wait3A_898 : memref<1x64x32xf32, #tpu.memory_space<vmem>> -> memref<64x32xf32, #tpu.memory_space<vmem>>
    %dma_wait3A_900 = arith.constant 64 : i32
    %dma_wait3A_901 = tpu.memref_slice %arg7[%dma_wait3A_894, %dma_wait3A_900] : memref<50x128xi32, #tpu.memory_space<vmem>> -> memref<1x64xi32, #tpu.memory_space<vmem>>
    %dma_wait3A_902 = tpu.memref_squeeze %dma_wait3A_901 : memref<1x64xi32, #tpu.memory_space<vmem>> -> memref<64xi32, #tpu.memory_space<vmem>>
    %dma_wait3A_903 = arith.constant 0 : i32
    %dma_wait3A_904 = arith.constant 0 : i32
    %dma_wait3A_905 = tpu.memref_slice %arg4[%dma_wait3A_903, %dma_wait3A_904] : memref<1048576x32xf32, #tpu.memory_space<hbm>> -> memref<1048576x32xf32, #tpu.memory_space<hbm>>
    tpu.wait_indirect_dma semaphore(%arg27 : memref<!tpu.dma_semaphore, #tpu.memory_space<semaphore_mem>>) src(%dma_wait3A_905 : memref<1048576x32xf32, #tpu.memory_space<hbm>>) dst(%dma_wait3A_899 : memref<64x32xf32, #tpu.memory_space<vmem>>)
    %dma_wait3A_906 = arith.constant 7 : i32
    %dma_wait3A_907 = arith.constant 7 : i32
    %dma_wait3A_908 = arith.constant 0 : i32
    %dma_wait3A_909 = arith.constant 0 : i32
    %dma_wait3A_910 = tpu.memref_slice %arg9[%dma_wait3A_907, %dma_wait3A_908, %dma_wait3A_909] : memref<10x128x32xf32, #tpu.memory_space<vmem>> -> memref<1x64x32xf32, #tpu.memory_space<vmem>>
    %dma_wait3A_911 = tpu.memref_squeeze %dma_wait3A_910 : memref<1x64x32xf32, #tpu.memory_space<vmem>> -> memref<64x32xf32, #tpu.memory_space<vmem>>
    %dma_wait3A_912 = arith.constant 0 : i32
    %dma_wait3A_913 = tpu.memref_slice %arg7[%dma_wait3A_906, %dma_wait3A_912] : memref<50x128xi32, #tpu.memory_space<vmem>> -> memref<1x64xi32, #tpu.memory_space<vmem>>
    %dma_wait3A_914 = tpu.memref_squeeze %dma_wait3A_913 : memref<1x64xi32, #tpu.memory_space<vmem>> -> memref<64xi32, #tpu.memory_space<vmem>>
    %dma_wait3A_915 = arith.constant 0 : i32
    %dma_wait3A_916 = arith.constant 0 : i32
    %dma_wait3A_917 = tpu.memref_slice %arg4[%dma_wait3A_915, %dma_wait3A_916] : memref<1048576x32xf32, #tpu.memory_space<hbm>> -> memref<1048576x32xf32, #tpu.memory_space<hbm>>
    tpu.wait_indirect_dma semaphore(%arg28 : memref<!tpu.dma_semaphore, #tpu.memory_space<semaphore_mem>>) src(%dma_wait3A_917 : memref<1048576x32xf32, #tpu.memory_space<hbm>>) dst(%dma_wait3A_911 : memref<64x32xf32, #tpu.memory_space<vmem>>)
    %dma_wait3A_918 = arith.constant 7 : i32
    %dma_wait3A_919 = arith.constant 7 : i32
    %dma_wait3A_920 = arith.constant 64 : i32
    %dma_wait3A_921 = arith.constant 0 : i32
    %dma_wait3A_922 = tpu.memref_slice %arg9[%dma_wait3A_919, %dma_wait3A_920, %dma_wait3A_921] : memref<10x128x32xf32, #tpu.memory_space<vmem>> -> memref<1x64x32xf32, #tpu.memory_space<vmem>>
    %dma_wait3A_923 = tpu.memref_squeeze %dma_wait3A_922 : memref<1x64x32xf32, #tpu.memory_space<vmem>> -> memref<64x32xf32, #tpu.memory_space<vmem>>
    %dma_wait3A_924 = arith.constant 64 : i32
    %dma_wait3A_925 = tpu.memref_slice %arg7[%dma_wait3A_918, %dma_wait3A_924] : memref<50x128xi32, #tpu.memory_space<vmem>> -> memref<1x64xi32, #tpu.memory_space<vmem>>
    %dma_wait3A_926 = tpu.memref_squeeze %dma_wait3A_925 : memref<1x64xi32, #tpu.memory_space<vmem>> -> memref<64xi32, #tpu.memory_space<vmem>>
    %dma_wait3A_927 = arith.constant 0 : i32
    %dma_wait3A_928 = arith.constant 0 : i32
    %dma_wait3A_929 = tpu.memref_slice %arg4[%dma_wait3A_927, %dma_wait3A_928] : memref<1048576x32xf32, #tpu.memory_space<hbm>> -> memref<1048576x32xf32, #tpu.memory_space<hbm>>
    tpu.wait_indirect_dma semaphore(%arg28 : memref<!tpu.dma_semaphore, #tpu.memory_space<semaphore_mem>>) src(%dma_wait3A_929 : memref<1048576x32xf32, #tpu.memory_space<hbm>>) dst(%dma_wait3A_923 : memref<64x32xf32, #tpu.memory_space<vmem>>)
    %dma_wait3A_930 = arith.constant 8 : i32
    %dma_wait3A_931 = arith.constant 8 : i32
    %dma_wait3A_932 = arith.constant 0 : i32
    %dma_wait3A_933 = arith.constant 0 : i32
    %dma_wait3A_934 = tpu.memref_slice %arg9[%dma_wait3A_931, %dma_wait3A_932, %dma_wait3A_933] : memref<10x128x32xf32, #tpu.memory_space<vmem>> -> memref<1x64x32xf32, #tpu.memory_space<vmem>>
    %dma_wait3A_935 = tpu.memref_squeeze %dma_wait3A_934 : memref<1x64x32xf32, #tpu.memory_space<vmem>> -> memref<64x32xf32, #tpu.memory_space<vmem>>
    %dma_wait3A_936 = arith.constant 0 : i32
    %dma_wait3A_937 = tpu.memref_slice %arg7[%dma_wait3A_930, %dma_wait3A_936] : memref<50x128xi32, #tpu.memory_space<vmem>> -> memref<1x64xi32, #tpu.memory_space<vmem>>
    %dma_wait3A_938 = tpu.memref_squeeze %dma_wait3A_937 : memref<1x64xi32, #tpu.memory_space<vmem>> -> memref<64xi32, #tpu.memory_space<vmem>>
    %dma_wait3A_939 = arith.constant 0 : i32
    %dma_wait3A_940 = arith.constant 0 : i32
    %dma_wait3A_941 = tpu.memref_slice %arg4[%dma_wait3A_939, %dma_wait3A_940] : memref<1048576x32xf32, #tpu.memory_space<hbm>> -> memref<1048576x32xf32, #tpu.memory_space<hbm>>
    tpu.wait_indirect_dma semaphore(%arg29 : memref<!tpu.dma_semaphore, #tpu.memory_space<semaphore_mem>>) src(%dma_wait3A_941 : memref<1048576x32xf32, #tpu.memory_space<hbm>>) dst(%dma_wait3A_935 : memref<64x32xf32, #tpu.memory_space<vmem>>)
    %dma_wait3A_942 = arith.constant 8 : i32
    %dma_wait3A_943 = arith.constant 8 : i32
    %dma_wait3A_944 = arith.constant 64 : i32
    %dma_wait3A_945 = arith.constant 0 : i32
    %dma_wait3A_946 = tpu.memref_slice %arg9[%dma_wait3A_943, %dma_wait3A_944, %dma_wait3A_945] : memref<10x128x32xf32, #tpu.memory_space<vmem>> -> memref<1x64x32xf32, #tpu.memory_space<vmem>>
    %dma_wait3A_947 = tpu.memref_squeeze %dma_wait3A_946 : memref<1x64x32xf32, #tpu.memory_space<vmem>> -> memref<64x32xf32, #tpu.memory_space<vmem>>
    %dma_wait3A_948 = arith.constant 64 : i32
    %dma_wait3A_949 = tpu.memref_slice %arg7[%dma_wait3A_942, %dma_wait3A_948] : memref<50x128xi32, #tpu.memory_space<vmem>> -> memref<1x64xi32, #tpu.memory_space<vmem>>
    %dma_wait3A_950 = tpu.memref_squeeze %dma_wait3A_949 : memref<1x64xi32, #tpu.memory_space<vmem>> -> memref<64xi32, #tpu.memory_space<vmem>>
    %dma_wait3A_951 = arith.constant 0 : i32
    %dma_wait3A_952 = arith.constant 0 : i32
    %dma_wait3A_953 = tpu.memref_slice %arg4[%dma_wait3A_951, %dma_wait3A_952] : memref<1048576x32xf32, #tpu.memory_space<hbm>> -> memref<1048576x32xf32, #tpu.memory_space<hbm>>
    tpu.wait_indirect_dma semaphore(%arg29 : memref<!tpu.dma_semaphore, #tpu.memory_space<semaphore_mem>>) src(%dma_wait3A_953 : memref<1048576x32xf32, #tpu.memory_space<hbm>>) dst(%dma_wait3A_947 : memref<64x32xf32, #tpu.memory_space<vmem>>)
    %dma_wait3A_954 = arith.constant 9 : i32
    %dma_wait3A_955 = arith.constant 9 : i32
    %dma_wait3A_956 = arith.constant 0 : i32
    %dma_wait3A_957 = arith.constant 0 : i32
    %dma_wait3A_958 = tpu.memref_slice %arg9[%dma_wait3A_955, %dma_wait3A_956, %dma_wait3A_957] : memref<10x128x32xf32, #tpu.memory_space<vmem>> -> memref<1x64x32xf32, #tpu.memory_space<vmem>>
    %dma_wait3A_959 = tpu.memref_squeeze %dma_wait3A_958 : memref<1x64x32xf32, #tpu.memory_space<vmem>> -> memref<64x32xf32, #tpu.memory_space<vmem>>
    %dma_wait3A_960 = arith.constant 0 : i32
    %dma_wait3A_961 = tpu.memref_slice %arg7[%dma_wait3A_954, %dma_wait3A_960] : memref<50x128xi32, #tpu.memory_space<vmem>> -> memref<1x64xi32, #tpu.memory_space<vmem>>
    %dma_wait3A_962 = tpu.memref_squeeze %dma_wait3A_961 : memref<1x64xi32, #tpu.memory_space<vmem>> -> memref<64xi32, #tpu.memory_space<vmem>>
    %dma_wait3A_963 = arith.constant 0 : i32
    %dma_wait3A_964 = arith.constant 0 : i32
    %dma_wait3A_965 = tpu.memref_slice %arg4[%dma_wait3A_963, %dma_wait3A_964] : memref<1048576x32xf32, #tpu.memory_space<hbm>> -> memref<1048576x32xf32, #tpu.memory_space<hbm>>
    tpu.wait_indirect_dma semaphore(%arg30 : memref<!tpu.dma_semaphore, #tpu.memory_space<semaphore_mem>>) src(%dma_wait3A_965 : memref<1048576x32xf32, #tpu.memory_space<hbm>>) dst(%dma_wait3A_959 : memref<64x32xf32, #tpu.memory_space<vmem>>)
    %dma_wait3A_966 = arith.constant 9 : i32
    %dma_wait3A_967 = arith.constant 9 : i32
    %dma_wait3A_968 = arith.constant 64 : i32
    %dma_wait3A_969 = arith.constant 0 : i32
    %dma_wait3A_970 = tpu.memref_slice %arg9[%dma_wait3A_967, %dma_wait3A_968, %dma_wait3A_969] : memref<10x128x32xf32, #tpu.memory_space<vmem>> -> memref<1x64x32xf32, #tpu.memory_space<vmem>>
    %dma_wait3A_971 = tpu.memref_squeeze %dma_wait3A_970 : memref<1x64x32xf32, #tpu.memory_space<vmem>> -> memref<64x32xf32, #tpu.memory_space<vmem>>
    %dma_wait3A_972 = arith.constant 64 : i32
    %dma_wait3A_973 = tpu.memref_slice %arg7[%dma_wait3A_966, %dma_wait3A_972] : memref<50x128xi32, #tpu.memory_space<vmem>> -> memref<1x64xi32, #tpu.memory_space<vmem>>
    %dma_wait3A_974 = tpu.memref_squeeze %dma_wait3A_973 : memref<1x64xi32, #tpu.memory_space<vmem>> -> memref<64xi32, #tpu.memory_space<vmem>>
    %dma_wait3A_975 = arith.constant 0 : i32
    %dma_wait3A_976 = arith.constant 0 : i32
    %dma_wait3A_977 = tpu.memref_slice %arg4[%dma_wait3A_975, %dma_wait3A_976] : memref<1048576x32xf32, #tpu.memory_space<hbm>> -> memref<1048576x32xf32, #tpu.memory_space<hbm>>
    tpu.wait_indirect_dma semaphore(%arg30 : memref<!tpu.dma_semaphore, #tpu.memory_space<semaphore_mem>>) src(%dma_wait3A_977 : memref<1048576x32xf32, #tpu.memory_space<hbm>>) dst(%dma_wait3A_971 : memref<64x32xf32, #tpu.memory_space<vmem>>)
    %scan3A_978 = arith.constant 0 : i32
    %scan3A_979 = arith.constant 0 : i32
    %scan3A_980 = arith.constant 128 : i32
    %scan3A_981 = arith.addi %scan3A_979, %scan3A_980 : i32
    %scan3A_982 = arith.constant 1 : i32
    scf.for %scan3A_984 = %scan3A_979 to %scan3A_981 step %scan3A_982  : i32 {
      %get3A = arith.constant 0 : i32
      %get3A_985 = arith.index_cast %get3A : i32 to index
      %get3A_986 = arith.index_cast %scan3A_984 : i32 to index
      %get3A_987 = arith.constant 0 : index
      %get3A_988 = tpu.vector_load %arg9[%get3A_985, %get3A_986, %get3A_987] {strides = array<i32>} : memref<10x128x32xf32, #tpu.memory_space<vmem>>, vector<1x1x16xf32>,
      %get3A_989 = vector.shape_cast %get3A_988 : vector<1x1x16xf32> to vector<16xf32>
      %get3A_990 = arith.constant 1 : i32
      %get3A_991 = arith.index_cast %get3A_990 : i32 to index
      %get3A_992 = arith.index_cast %scan3A_984 : i32 to index
      %get3A_993 = arith.constant 0 : index
      %get3A_994 = tpu.vector_load %arg9[%get3A_991, %get3A_992, %get3A_993] {strides = array<i32>} : memref<10x128x32xf32, #tpu.memory_space<vmem>>, vector<1x1x16xf32>,
      %get3A_995 = vector.shape_cast %get3A_994 : vector<1x1x16xf32> to vector<16xf32>
      %add3A_996 = arith.addf %get3A_989, %get3A_995 : vector<16xf32>
      %get3A_997 = arith.constant 2 : i32
      %get3A_998 = arith.index_cast %get3A_997 : i32 to index
      %get3A_999 = arith.index_cast %scan3A_984 : i32 to index
      %get3A_1000 = arith.constant 0 : index
      %get3A_1001 = tpu.vector_load %arg9[%get3A_998, %get3A_999, %get3A_1000] {strides = array<i32>} : memref<10x128x32xf32, #tpu.memory_space<vmem>>, vector<1x1x16xf32>,
      %get3A_1002 = vector.shape_cast %get3A_1001 : vector<1x1x16xf32> to vector<16xf32>
      %add3A_1003 = arith.addf %add3A_996, %get3A_1002 : vector<16xf32>
      %get3A_1004 = arith.constant 3 : i32
      %get3A_1005 = arith.index_cast %get3A_1004 : i32 to index
      %get3A_1006 = arith.index_cast %scan3A_984 : i32 to index
      %get3A_1007 = arith.constant 0 : index
      %get3A_1008 = tpu.vector_load %arg9[%get3A_1005, %get3A_1006, %get3A_1007] {strides = array<i32>} : memref<10x128x32xf32, #tpu.memory_space<vmem>>, vector<1x1x16xf32>,
      %get3A_1009 = vector.shape_cast %get3A_1008 : vector<1x1x16xf32> to vector<16xf32>
      %add3A_1010 = arith.addf %add3A_1003, %get3A_1009 : vector<16xf32>
      %get3A_1011 = arith.constant 4 : i32
      %get3A_1012 = arith.index_cast %get3A_1011 : i32 to index
      %get3A_1013 = arith.index_cast %scan3A_984 : i32 to index
      %get3A_1014 = arith.constant 0 : index
      %get3A_1015 = tpu.vector_load %arg9[%get3A_1012, %get3A_1013, %get3A_1014] {strides = array<i32>} : memref<10x128x32xf32, #tpu.memory_space<vmem>>, vector<1x1x16xf32>,
      %get3A_1016 = vector.shape_cast %get3A_1015 : vector<1x1x16xf32> to vector<16xf32>
      %add3A_1017 = arith.addf %add3A_1010, %get3A_1016 : vector<16xf32>
      %get3A_1018 = arith.constant 5 : i32
      %get3A_1019 = arith.index_cast %get3A_1018 : i32 to index
      %get3A_1020 = arith.index_cast %scan3A_984 : i32 to index
      %get3A_1021 = arith.constant 0 : index
      %get3A_1022 = tpu.vector_load %arg9[%get3A_1019, %get3A_1020, %get3A_1021] {strides = array<i32>} : memref<10x128x32xf32, #tpu.memory_space<vmem>>, vector<1x1x16xf32>,
      %get3A_1023 = vector.shape_cast %get3A_1022 : vector<1x1x16xf32> to vector<16xf32>
      %add3A_1024 = arith.addf %add3A_1017, %get3A_1023 : vector<16xf32>
      %get3A_1025 = arith.constant 6 : i32
      %get3A_1026 = arith.index_cast %get3A_1025 : i32 to index
      %get3A_1027 = arith.index_cast %scan3A_984 : i32 to index
      %get3A_1028 = arith.constant 0 : index
      %get3A_1029 = tpu.vector_load %arg9[%get3A_1026, %get3A_1027, %get3A_1028] {strides = array<i32>} : memref<10x128x32xf32, #tpu.memory_space<vmem>>, vector<1x1x16xf32>,
      %get3A_1030 = vector.shape_cast %get3A_1029 : vector<1x1x16xf32> to vector<16xf32>
      %add3A_1031 = arith.addf %add3A_1024, %get3A_1030 : vector<16xf32>
      %get3A_1032 = arith.constant 7 : i32
      %get3A_1033 = arith.index_cast %get3A_1032 : i32 to index
      %get3A_1034 = arith.index_cast %scan3A_984 : i32 to index
      %get3A_1035 = arith.constant 0 : index
      %get3A_1036 = tpu.vector_load %arg9[%get3A_1033, %get3A_1034, %get3A_1035] {strides = array<i32>} : memref<10x128x32xf32, #tpu.memory_space<vmem>>, vector<1x1x16xf32>,
      %get3A_1037 = vector.shape_cast %get3A_1036 : vector<1x1x16xf32> to vector<16xf32>
      %add3A_1038 = arith.addf %add3A_1031, %get3A_1037 : vector<16xf32>
      %get3A_1039 = arith.constant 8 : i32
      %get3A_1040 = arith.index_cast %get3A_1039 : i32 to index
      %get3A_1041 = arith.index_cast %scan3A_984 : i32 to index
      %get3A_1042 = arith.constant 0 : index
      %get3A_1043 = tpu.vector_load %arg9[%get3A_1040, %get3A_1041, %get3A_1042] {strides = array<i32>} : memref<10x128x32xf32, #tpu.memory_space<vmem>>, vector<1x1x16xf32>,
      %get3A_1044 = vector.shape_cast %get3A_1043 : vector<1x1x16xf32> to vector<16xf32>
      %add3A_1045 = arith.addf %add3A_1038, %get3A_1044 : vector<16xf32>
      %get3A_1046 = arith.constant 9 : i32
      %get3A_1047 = arith.index_cast %get3A_1046 : i32 to index
      %get3A_1048 = arith.index_cast %scan3A_984 : i32 to index
      %get3A_1049 = arith.constant 0 : index
      %get3A_1050 = tpu.vector_load %arg9[%get3A_1047, %get3A_1048, %get3A_1049] {strides = array<i32>} : memref<10x128x32xf32, #tpu.memory_space<vmem>>, vector<1x1x16xf32>,
      %get3A_1051 = vector.shape_cast %get3A_1050 : vector<1x1x16xf32> to vector<16xf32>
      %add3A_1052 = arith.addf %add3A_1045, %get3A_1051 : vector<16xf32>
      %mul3A_1053 = arith.constant 2.000000e-02 : f32
      %mul3A_1054 = vector.broadcast %mul3A_1053 : f32 to vector<16xf32>
      %mul3A_1055 = arith.mulf %add3A_1052, %mul3A_1054 : vector<16xf32>
      %swap3A = arith.index_cast %scan3A_984 : i32 to index
      %swap3A_1056 = arith.constant 32 : index
      %swap3A_1057 = tpu.vector_load %arg10[%swap3A, %swap3A_1056] {strides = array<i32>} : memref<128x64xf32, #tpu.memory_space<vmem>>, vector<1x16xf32>,
      %swap3A_1058 = vector.shape_cast %swap3A_1057 : vector<1x16xf32> to vector<16xf32>
      %swap3A_1059 = vector.shape_cast %mul3A_1055 : vector<16xf32> to vector<1x16xf32>
      tpu.vector_store %arg10[%swap3A, %swap3A_1056], %swap3A_1059 {strides = array<i32>} : memref<128x64xf32, #tpu.memory_space<vmem>>, vector<1x16xf32>,
      %get3A_1060 = arith.constant 0 : i32
      %get3A_1061 = arith.index_cast %get3A_1060 : i32 to index
      %get3A_1062 = arith.index_cast %scan3A_984 : i32 to index
      %get3A_1063 = arith.constant 16 : index
      %get3A_1064 = tpu.vector_load %arg9[%get3A_1061, %get3A_1062, %get3A_1063] {strides = array<i32>} : memref<10x128x32xf32, #tpu.memory_space<vmem>>, vector<1x1x16xf32>,
      %get3A_1065 = vector.shape_cast %get3A_1064 : vector<1x1x16xf32> to vector<16xf32>
      %get3A_1066 = arith.constant 1 : i32
      %get3A_1067 = arith.index_cast %get3A_1066 : i32 to index
      %get3A_1068 = arith.index_cast %scan3A_984 : i32 to index
      %get3A_1069 = arith.constant 16 : index
      %get3A_1070 = tpu.vector_load %arg9[%get3A_1067, %get3A_1068, %get3A_1069] {strides = array<i32>} : memref<10x128x32xf32, #tpu.memory_space<vmem>>, vector<1x1x16xf32>,
      %get3A_1071 = vector.shape_cast %get3A_1070 : vector<1x1x16xf32> to vector<16xf32>
      %add3A_1072 = arith.addf %get3A_1065, %get3A_1071 : vector<16xf32>
      %get3A_1073 = arith.constant 2 : i32
      %get3A_1074 = arith.index_cast %get3A_1073 : i32 to index
      %get3A_1075 = arith.index_cast %scan3A_984 : i32 to index
      %get3A_1076 = arith.constant 16 : index
      %get3A_1077 = tpu.vector_load %arg9[%get3A_1074, %get3A_1075, %get3A_1076] {strides = array<i32>} : memref<10x128x32xf32, #tpu.memory_space<vmem>>, vector<1x1x16xf32>,
      %get3A_1078 = vector.shape_cast %get3A_1077 : vector<1x1x16xf32> to vector<16xf32>
      %add3A_1079 = arith.addf %add3A_1072, %get3A_1078 : vector<16xf32>
      %get3A_1080 = arith.constant 3 : i32
      %get3A_1081 = arith.index_cast %get3A_1080 : i32 to index
      %get3A_1082 = arith.index_cast %scan3A_984 : i32 to index
      %get3A_1083 = arith.constant 16 : index
      %get3A_1084 = tpu.vector_load %arg9[%get3A_1081, %get3A_1082, %get3A_1083] {strides = array<i32>} : memref<10x128x32xf32, #tpu.memory_space<vmem>>, vector<1x1x16xf32>,
      %get3A_1085 = vector.shape_cast %get3A_1084 : vector<1x1x16xf32> to vector<16xf32>
      %add3A_1086 = arith.addf %add3A_1079, %get3A_1085 : vector<16xf32>
      %get3A_1087 = arith.constant 4 : i32
      %get3A_1088 = arith.index_cast %get3A_1087 : i32 to index
      %get3A_1089 = arith.index_cast %scan3A_984 : i32 to index
      %get3A_1090 = arith.constant 16 : index
      %get3A_1091 = tpu.vector_load %arg9[%get3A_1088, %get3A_1089, %get3A_1090] {strides = array<i32>} : memref<10x128x32xf32, #tpu.memory_space<vmem>>, vector<1x1x16xf32>,
      %get3A_1092 = vector.shape_cast %get3A_1091 : vector<1x1x16xf32> to vector<16xf32>
      %add3A_1093 = arith.addf %add3A_1086, %get3A_1092 : vector<16xf32>
      %get3A_1094 = arith.constant 5 : i32
      %get3A_1095 = arith.index_cast %get3A_1094 : i32 to index
      %get3A_1096 = arith.index_cast %scan3A_984 : i32 to index
      %get3A_1097 = arith.constant 16 : index
      %get3A_1098 = tpu.vector_load %arg9[%get3A_1095, %get3A_1096, %get3A_1097] {strides = array<i32>} : memref<10x128x32xf32, #tpu.memory_space<vmem>>, vector<1x1x16xf32>,
      %get3A_1099 = vector.shape_cast %get3A_1098 : vector<1x1x16xf32> to vector<16xf32>
      %add3A_1100 = arith.addf %add3A_1093, %get3A_1099 : vector<16xf32>
      %get3A_1101 = arith.constant 6 : i32
      %get3A_1102 = arith.index_cast %get3A_1101 : i32 to index
      %get3A_1103 = arith.index_cast %scan3A_984 : i32 to index
      %get3A_1104 = arith.constant 16 : index
      %get3A_1105 = tpu.vector_load %arg9[%get3A_1102, %get3A_1103, %get3A_1104] {strides = array<i32>} : memref<10x128x32xf32, #tpu.memory_space<vmem>>, vector<1x1x16xf32>,
      %get3A_1106 = vector.shape_cast %get3A_1105 : vector<1x1x16xf32> to vector<16xf32>
      %add3A_1107 = arith.addf %add3A_1100, %get3A_1106 : vector<16xf32>
      %get3A_1108 = arith.constant 7 : i32
      %get3A_1109 = arith.index_cast %get3A_1108 : i32 to index
      %get3A_1110 = arith.index_cast %scan3A_984 : i32 to index
      %get3A_1111 = arith.constant 16 : index
      %get3A_1112 = tpu.vector_load %arg9[%get3A_1109, %get3A_1110, %get3A_1111] {strides = array<i32>} : memref<10x128x32xf32, #tpu.memory_space<vmem>>, vector<1x1x16xf32>,
      %get3A_1113 = vector.shape_cast %get3A_1112 : vector<1x1x16xf32> to vector<16xf32>
      %add3A_1114 = arith.addf %add3A_1107, %get3A_1113 : vector<16xf32>
      %get3A_1115 = arith.constant 8 : i32
      %get3A_1116 = arith.index_cast %get3A_1115 : i32 to index
      %get3A_1117 = arith.index_cast %scan3A_984 : i32 to index
      %get3A_1118 = arith.constant 16 : index
      %get3A_1119 = tpu.vector_load %arg9[%get3A_1116, %get3A_1117, %get3A_1118] {strides = array<i32>} : memref<10x128x32xf32, #tpu.memory_space<vmem>>, vector<1x1x16xf32>,
      %get3A_1120 = vector.shape_cast %get3A_1119 : vector<1x1x16xf32> to vector<16xf32>
      %add3A_1121 = arith.addf %add3A_1114, %get3A_1120 : vector<16xf32>
      %get3A_1122 = arith.constant 9 : i32
      %get3A_1123 = arith.index_cast %get3A_1122 : i32 to index
      %get3A_1124 = arith.index_cast %scan3A_984 : i32 to index
      %get3A_1125 = arith.constant 16 : index
      %get3A_1126 = tpu.vector_load %arg9[%get3A_1123, %get3A_1124, %get3A_1125] {strides = array<i32>} : memref<10x128x32xf32, #tpu.memory_space<vmem>>, vector<1x1x16xf32>,
      %get3A_1127 = vector.shape_cast %get3A_1126 : vector<1x1x16xf32> to vector<16xf32>
      %add3A_1128 = arith.addf %add3A_1121, %get3A_1127 : vector<16xf32>
      %mul3A_1129 = arith.constant 2.000000e-02 : f32
      %mul3A_1130 = vector.broadcast %mul3A_1129 : f32 to vector<16xf32>
      %mul3A_1131 = arith.mulf %add3A_1128, %mul3A_1130 : vector<16xf32>
      %swap3A_1132 = arith.index_cast %scan3A_984 : i32 to index
      %swap3A_1133 = arith.constant 48 : index
      %swap3A_1134 = tpu.vector_load %arg10[%swap3A_1132, %swap3A_1133] {strides = array<i32>} : memref<128x64xf32, #tpu.memory_space<vmem>>, vector<1x16xf32>,
      %swap3A_1135 = vector.shape_cast %swap3A_1134 : vector<1x16xf32> to vector<16xf32>
      %swap3A_1136 = vector.shape_cast %mul3A_1131 : vector<16xf32> to vector<1x16xf32>
      tpu.vector_store %arg10[%swap3A_1132, %swap3A_1133], %swap3A_1136 {strides = array<i32>} : memref<128x64xf32, #tpu.memory_space<vmem>>, vector<1x16xf32>,
    }
    %scan3A_983 = arith.constant 128 : i32
    "tpu.region"() ({
      %run_scoped3A = tpu.sem_alloc : memref<!tpu.dma_semaphore, #tpu.memory_space<semaphore_mem>>
      %dma_start3A_984 = arith.constant 0 : i32
      %dma_start3A_985 = tpu.memref_slice %arg5[%mul3A_2, %dma_start3A_984] : memref<4096x64xf32, #tpu.memory_space<hbm>> -> memref<128x64xf32, #tpu.memory_space<hbm>>
      %dma_start3A_986 = arith.constant 0 : i32
      %dma_start3A_987 = tpu.memref_slice %arg5[%mul3A_2, %dma_start3A_986] : memref<4096x64xf32, #tpu.memory_space<hbm>> -> memref<128x64xf32, #tpu.memory_space<hbm>>
      tpu.enqueue_dma source(%arg10 : memref<128x64xf32, #tpu.memory_space<vmem>>) target(%dma_start3A_987 : memref<128x64xf32, #tpu.memory_space<hbm>>) target_semaphore(%run_scoped3A : memref<!tpu.dma_semaphore, #tpu.memory_space<semaphore_mem>>)
      %dma_wait3A_988 = arith.constant 0 : i32
      %dma_wait3A_989 = tpu.memref_slice %arg5[%mul3A_2, %dma_wait3A_988] : memref<4096x64xf32, #tpu.memory_space<hbm>> -> memref<128x64xf32, #tpu.memory_space<hbm>>
      %dma_wait3A_990 = arith.constant 0 : i32
      %dma_wait3A_991 = tpu.memref_slice %arg5[%mul3A_2, %dma_wait3A_990] : memref<4096x64xf32, #tpu.memory_space<hbm>> -> memref<128x64xf32, #tpu.memory_space<hbm>>
      tpu.wait_dma2 semaphore(%run_scoped3A : memref<!tpu.dma_semaphore, #tpu.memory_space<semaphore_mem>>) src(%arg10 : memref<128x64xf32, #tpu.memory_space<vmem>>) dst(%dma_wait3A_991 : memref<128x64xf32, #tpu.memory_space<hbm>>)
      tpu.yield
    }) : () -> ()
    return
  }
}

module attributes {stable_mosaic.version = 14 : i64} {
  func.func @_tc_pack_body(%arg0: i32, %arg1: memref<32x65536xf32, #tpu.memory_space<vmem>>, %arg2: memref<16384x128xf32, #tpu.memory_space<vmem>>) attributes {dimension_semantics = [#tpu.dimension_semantics<arbitrary>], iteration_bounds = array<i64: 16>, scalar_prefetch = 0 : i64, scratch_operands = 0 : i64, tpu.core_type = #tpu.core_type<tc>, window_params = [{transform_indices = @transform_0, window_bounds = array<i64: 32, 65536>}, {transform_indices = @transform_1, window_bounds = array<i64: 16384, 128>}]} {
    %get3A = arith.constant 0 : index
    %get3A_0 = arith.constant 0 : index
    %get3A_1 = vector.load %arg1[%get3A, %get3A_0] : memref<32x65536xf32, #tpu.memory_space<vmem>>, vector<32x65536xf32>
    %slice3A = vector.extract_strided_slice %get3A_1 {offsets = [0, 0], sizes = [32, 128], strides = [1, 1]} : vector<32x65536xf32> to vector<32x128xf32>
    %slice3A_2 = vector.extract_strided_slice %get3A_1 {offsets = [0, 128], sizes = [32, 128], strides = [1, 1]} : vector<32x65536xf32> to vector<32x128xf32>
    %slice3A_3 = vector.extract_strided_slice %get3A_1 {offsets = [0, 256], sizes = [32, 128], strides = [1, 1]} : vector<32x65536xf32> to vector<32x128xf32>
    %slice3A_4 = vector.extract_strided_slice %get3A_1 {offsets = [0, 384], sizes = [32, 128], strides = [1, 1]} : vector<32x65536xf32> to vector<32x128xf32>
    %concatenate3A = tpu.concatenate %slice3A, %slice3A_2, %slice3A_3, %slice3A_4 in 0 : vector<32x128xf32>, vector<32x128xf32>, vector<32x128xf32>, vector<32x128xf32> -> vector<128x128xf32>
    %transpose3A = tpu.transpose %concatenate3A, [1, 0] : vector<128x128xf32> -> vector<128x128xf32>
    %swap3A = arith.constant 0 : index
    %swap3A_5 = arith.constant 0 : index
    %swap3A_6 = vector.load %arg2[%swap3A, %swap3A_5] : memref<16384x128xf32, #tpu.memory_space<vmem>>, vector<128x128xf32>
    tpu.vector_store %arg2[%swap3A, %swap3A_5], %transpose3A {strides = array<i32>} : memref<16384x128xf32, #tpu.memory_space<vmem>>, vector<128x128xf32>,
    %slice3A_7 = vector.extract_strided_slice %get3A_1 {offsets = [0, 512], sizes = [32, 128], strides = [1, 1]} : vector<32x65536xf32> to vector<32x128xf32>
    %slice3A_8 = vector.extract_strided_slice %get3A_1 {offsets = [0, 640], sizes = [32, 128], strides = [1, 1]} : vector<32x65536xf32> to vector<32x128xf32>
    %slice3A_9 = vector.extract_strided_slice %get3A_1 {offsets = [0, 768], sizes = [32, 128], strides = [1, 1]} : vector<32x65536xf32> to vector<32x128xf32>
    %slice3A_10 = vector.extract_strided_slice %get3A_1 {offsets = [0, 896], sizes = [32, 128], strides = [1, 1]} : vector<32x65536xf32> to vector<32x128xf32>
    %concatenate3A_11 = tpu.concatenate %slice3A_7, %slice3A_8, %slice3A_9, %slice3A_10 in 0 : vector<32x128xf32>, vector<32x128xf32>, vector<32x128xf32>, vector<32x128xf32> -> vector<128x128xf32>
    %transpose3A_12 = tpu.transpose %concatenate3A_11, [1, 0] : vector<128x128xf32> -> vector<128x128xf32>
    %swap3A_13 = arith.constant 128 : index
    %swap3A_14 = arith.constant 0 : index
    %swap3A_15 = vector.load %arg2[%swap3A_13, %swap3A_14] : memref<16384x128xf32, #tpu.memory_space<vmem>>, vector<128x128xf32>
    tpu.vector_store %arg2[%swap3A_13, %swap3A_14], %transpose3A_12 {strides = array<i32>} : memref<16384x128xf32, #tpu.memory_space<vmem>>, vector<128x128xf32>,
    %slice3A_16 = vector.extract_strided_slice %get3A_1 {offsets = [0, 1024], sizes = [32, 128], strides = [1, 1]} : vector<32x65536xf32> to vector<32x128xf32>
    %slice3A_17 = vector.extract_strided_slice %get3A_1 {offsets = [0, 1152], sizes = [32, 128], strides = [1, 1]} : vector<32x65536xf32> to vector<32x128xf32>
    %slice3A_18 = vector.extract_strided_slice %get3A_1 {offsets = [0, 1280], sizes = [32, 128], strides = [1, 1]} : vector<32x65536xf32> to vector<32x128xf32>
    %slice3A_19 = vector.extract_strided_slice %get3A_1 {offsets = [0, 1408], sizes = [32, 128], strides = [1, 1]} : vector<32x65536xf32> to vector<32x128xf32>
    %concatenate3A_20 = tpu.concatenate %slice3A_16, %slice3A_17, %slice3A_18, %slice3A_19 in 0 : vector<32x128xf32>, vector<32x128xf32>, vector<32x128xf32>, vector<32x128xf32> -> vector<128x128xf32>
    %transpose3A_21 = tpu.transpose %concatenate3A_20, [1, 0] : vector<128x128xf32> -> vector<128x128xf32>
    %swap3A_22 = arith.constant 256 : index
    %swap3A_23 = arith.constant 0 : index
    %swap3A_24 = vector.load %arg2[%swap3A_22, %swap3A_23] : memref<16384x128xf32, #tpu.memory_space<vmem>>, vector<128x128xf32>
    tpu.vector_store %arg2[%swap3A_22, %swap3A_23], %transpose3A_21 {strides = array<i32>} : memref<16384x128xf32, #tpu.memory_space<vmem>>, vector<128x128xf32>,
    %slice3A_25 = vector.extract_strided_slice %get3A_1 {offsets = [0, 1536], sizes = [32, 128], strides = [1, 1]} : vector<32x65536xf32> to vector<32x128xf32>
    %slice3A_26 = vector.extract_strided_slice %get3A_1 {offsets = [0, 1664], sizes = [32, 128], strides = [1, 1]} : vector<32x65536xf32> to vector<32x128xf32>
    %slice3A_27 = vector.extract_strided_slice %get3A_1 {offsets = [0, 1792], sizes = [32, 128], strides = [1, 1]} : vector<32x65536xf32> to vector<32x128xf32>
    %slice3A_28 = vector.extract_strided_slice %get3A_1 {offsets = [0, 1920], sizes = [32, 128], strides = [1, 1]} : vector<32x65536xf32> to vector<32x128xf32>
    %concatenate3A_29 = tpu.concatenate %slice3A_25, %slice3A_26, %slice3A_27, %slice3A_28 in 0 : vector<32x128xf32>, vector<32x128xf32>, vector<32x128xf32>, vector<32x128xf32> -> vector<128x128xf32>
    %transpose3A_30 = tpu.transpose %concatenate3A_29, [1, 0] : vector<128x128xf32> -> vector<128x128xf32>
    %swap3A_31 = arith.constant 384 : index
    %swap3A_32 = arith.constant 0 : index
    %swap3A_33 = vector.load %arg2[%swap3A_31, %swap3A_32] : memref<16384x128xf32, #tpu.memory_space<vmem>>, vector<128x128xf32>
    tpu.vector_store %arg2[%swap3A_31, %swap3A_32], %transpose3A_30 {strides = array<i32>} : memref<16384x128xf32, #tpu.memory_space<vmem>>, vector<128x128xf32>,
    %slice3A_34 = vector.extract_strided_slice %get3A_1 {offsets = [0, 2048], sizes = [32, 128], strides = [1, 1]} : vector<32x65536xf32> to vector<32x128xf32>
    %slice3A_35 = vector.extract_strided_slice %get3A_1 {offsets = [0, 2176], sizes = [32, 128], strides = [1, 1]} : vector<32x65536xf32> to vector<32x128xf32>
    %slice3A_36 = vector.extract_strided_slice %get3A_1 {offsets = [0, 2304], sizes = [32, 128], strides = [1, 1]} : vector<32x65536xf32> to vector<32x128xf32>
    %slice3A_37 = vector.extract_strided_slice %get3A_1 {offsets = [0, 2432], sizes = [32, 128], strides = [1, 1]} : vector<32x65536xf32> to vector<32x128xf32>
    %concatenate3A_38 = tpu.concatenate %slice3A_34, %slice3A_35, %slice3A_36, %slice3A_37 in 0 : vector<32x128xf32>, vector<32x128xf32>, vector<32x128xf32>, vector<32x128xf32> -> vector<128x128xf32>
    %transpose3A_39 = tpu.transpose %concatenate3A_38, [1, 0] : vector<128x128xf32> -> vector<128x128xf32>
    %swap3A_40 = arith.constant 512 : index
    %swap3A_41 = arith.constant 0 : index
    %swap3A_42 = vector.load %arg2[%swap3A_40, %swap3A_41] : memref<16384x128xf32, #tpu.memory_space<vmem>>, vector<128x128xf32>
    tpu.vector_store %arg2[%swap3A_40, %swap3A_41], %transpose3A_39 {strides = array<i32>} : memref<16384x128xf32, #tpu.memory_space<vmem>>, vector<128x128xf32>,
    %slice3A_43 = vector.extract_strided_slice %get3A_1 {offsets = [0, 2560], sizes = [32, 128], strides = [1, 1]} : vector<32x65536xf32> to vector<32x128xf32>
    %slice3A_44 = vector.extract_strided_slice %get3A_1 {offsets = [0, 2688], sizes = [32, 128], strides = [1, 1]} : vector<32x65536xf32> to vector<32x128xf32>
    %slice3A_45 = vector.extract_strided_slice %get3A_1 {offsets = [0, 2816], sizes = [32, 128], strides = [1, 1]} : vector<32x65536xf32> to vector<32x128xf32>
    %slice3A_46 = vector.extract_strided_slice %get3A_1 {offsets = [0, 2944], sizes = [32, 128], strides = [1, 1]} : vector<32x65536xf32> to vector<32x128xf32>
    %concatenate3A_47 = tpu.concatenate %slice3A_43, %slice3A_44, %slice3A_45, %slice3A_46 in 0 : vector<32x128xf32>, vector<32x128xf32>, vector<32x128xf32>, vector<32x128xf32> -> vector<128x128xf32>
    %transpose3A_48 = tpu.transpose %concatenate3A_47, [1, 0] : vector<128x128xf32> -> vector<128x128xf32>
    %swap3A_49 = arith.constant 640 : index
    %swap3A_50 = arith.constant 0 : index
    %swap3A_51 = vector.load %arg2[%swap3A_49, %swap3A_50] : memref<16384x128xf32, #tpu.memory_space<vmem>>, vector<128x128xf32>
    tpu.vector_store %arg2[%swap3A_49, %swap3A_50], %transpose3A_48 {strides = array<i32>} : memref<16384x128xf32, #tpu.memory_space<vmem>>, vector<128x128xf32>,
    %slice3A_52 = vector.extract_strided_slice %get3A_1 {offsets = [0, 3072], sizes = [32, 128], strides = [1, 1]} : vector<32x65536xf32> to vector<32x128xf32>
    %slice3A_53 = vector.extract_strided_slice %get3A_1 {offsets = [0, 3200], sizes = [32, 128], strides = [1, 1]} : vector<32x65536xf32> to vector<32x128xf32>
    %slice3A_54 = vector.extract_strided_slice %get3A_1 {offsets = [0, 3328], sizes = [32, 128], strides = [1, 1]} : vector<32x65536xf32> to vector<32x128xf32>
    %slice3A_55 = vector.extract_strided_slice %get3A_1 {offsets = [0, 3456], sizes = [32, 128], strides = [1, 1]} : vector<32x65536xf32> to vector<32x128xf32>
    %concatenate3A_56 = tpu.concatenate %slice3A_52, %slice3A_53, %slice3A_54, %slice3A_55 in 0 : vector<32x128xf32>, vector<32x128xf32>, vector<32x128xf32>, vector<32x128xf32> -> vector<128x128xf32>
    %transpose3A_57 = tpu.transpose %concatenate3A_56, [1, 0] : vector<128x128xf32> -> vector<128x128xf32>
    %swap3A_58 = arith.constant 768 : index
    %swap3A_59 = arith.constant 0 : index
    %swap3A_60 = vector.load %arg2[%swap3A_58, %swap3A_59] : memref<16384x128xf32, #tpu.memory_space<vmem>>, vector<128x128xf32>
    tpu.vector_store %arg2[%swap3A_58, %swap3A_59], %transpose3A_57 {strides = array<i32>} : memref<16384x128xf32, #tpu.memory_space<vmem>>, vector<128x128xf32>,
    %slice3A_61 = vector.extract_strided_slice %get3A_1 {offsets = [0, 3584], sizes = [32, 128], strides = [1, 1]} : vector<32x65536xf32> to vector<32x128xf32>
    %slice3A_62 = vector.extract_strided_slice %get3A_1 {offsets = [0, 3712], sizes = [32, 128], strides = [1, 1]} : vector<32x65536xf32> to vector<32x128xf32>
    %slice3A_63 = vector.extract_strided_slice %get3A_1 {offsets = [0, 3840], sizes = [32, 128], strides = [1, 1]} : vector<32x65536xf32> to vector<32x128xf32>
    %slice3A_64 = vector.extract_strided_slice %get3A_1 {offsets = [0, 3968], sizes = [32, 128], strides = [1, 1]} : vector<32x65536xf32> to vector<32x128xf32>
    %concatenate3A_65 = tpu.concatenate %slice3A_61, %slice3A_62, %slice3A_63, %slice3A_64 in 0 : vector<32x128xf32>, vector<32x128xf32>, vector<32x128xf32>, vector<32x128xf32> -> vector<128x128xf32>
    %transpose3A_66 = tpu.transpose %concatenate3A_65, [1, 0] : vector<128x128xf32> -> vector<128x128xf32>
    %swap3A_67 = arith.constant 896 : index
    %swap3A_68 = arith.constant 0 : index
    %swap3A_69 = vector.load %arg2[%swap3A_67, %swap3A_68] : memref<16384x128xf32, #tpu.memory_space<vmem>>, vector<128x128xf32>
    tpu.vector_store %arg2[%swap3A_67, %swap3A_68], %transpose3A_66 {strides = array<i32>} : memref<16384x128xf32, #tpu.memory_space<vmem>>, vector<128x128xf32>,
    %slice3A_70 = vector.extract_strided_slice %get3A_1 {offsets = [0, 4096], sizes = [32, 128], strides = [1, 1]} : vector<32x65536xf32> to vector<32x128xf32>
    %slice3A_71 = vector.extract_strided_slice %get3A_1 {offsets = [0, 4224], sizes = [32, 128], strides = [1, 1]} : vector<32x65536xf32> to vector<32x128xf32>
    %slice3A_72 = vector.extract_strided_slice %get3A_1 {offsets = [0, 4352], sizes = [32, 128], strides = [1, 1]} : vector<32x65536xf32> to vector<32x128xf32>
    %slice3A_73 = vector.extract_strided_slice %get3A_1 {offsets = [0, 4480], sizes = [32, 128], strides = [1, 1]} : vector<32x65536xf32> to vector<32x128xf32>
    %concatenate3A_74 = tpu.concatenate %slice3A_70, %slice3A_71, %slice3A_72, %slice3A_73 in 0 : vector<32x128xf32>, vector<32x128xf32>, vector<32x128xf32>, vector<32x128xf32> -> vector<128x128xf32>
    %transpose3A_75 = tpu.transpose %concatenate3A_74, [1, 0] : vector<128x128xf32> -> vector<128x128xf32>
    %swap3A_76 = arith.constant 1024 : index
    %swap3A_77 = arith.constant 0 : index
    %swap3A_78 = vector.load %arg2[%swap3A_76, %swap3A_77] : memref<16384x128xf32, #tpu.memory_space<vmem>>, vector<128x128xf32>
    tpu.vector_store %arg2[%swap3A_76, %swap3A_77], %transpose3A_75 {strides = array<i32>} : memref<16384x128xf32, #tpu.memory_space<vmem>>, vector<128x128xf32>,
    %slice3A_79 = vector.extract_strided_slice %get3A_1 {offsets = [0, 4608], sizes = [32, 128], strides = [1, 1]} : vector<32x65536xf32> to vector<32x128xf32>
    %slice3A_80 = vector.extract_strided_slice %get3A_1 {offsets = [0, 4736], sizes = [32, 128], strides = [1, 1]} : vector<32x65536xf32> to vector<32x128xf32>
    %slice3A_81 = vector.extract_strided_slice %get3A_1 {offsets = [0, 4864], sizes = [32, 128], strides = [1, 1]} : vector<32x65536xf32> to vector<32x128xf32>
    %slice3A_82 = vector.extract_strided_slice %get3A_1 {offsets = [0, 4992], sizes = [32, 128], strides = [1, 1]} : vector<32x65536xf32> to vector<32x128xf32>
    %concatenate3A_83 = tpu.concatenate %slice3A_79, %slice3A_80, %slice3A_81, %slice3A_82 in 0 : vector<32x128xf32>, vector<32x128xf32>, vector<32x128xf32>, vector<32x128xf32> -> vector<128x128xf32>
    %transpose3A_84 = tpu.transpose %concatenate3A_83, [1, 0] : vector<128x128xf32> -> vector<128x128xf32>
    %swap3A_85 = arith.constant 1152 : index
    %swap3A_86 = arith.constant 0 : index
    %swap3A_87 = vector.load %arg2[%swap3A_85, %swap3A_86] : memref<16384x128xf32, #tpu.memory_space<vmem>>, vector<128x128xf32>
    tpu.vector_store %arg2[%swap3A_85, %swap3A_86], %transpose3A_84 {strides = array<i32>} : memref<16384x128xf32, #tpu.memory_space<vmem>>, vector<128x128xf32>,
    %slice3A_88 = vector.extract_strided_slice %get3A_1 {offsets = [0, 5120], sizes = [32, 128], strides = [1, 1]} : vector<32x65536xf32> to vector<32x128xf32>
    %slice3A_89 = vector.extract_strided_slice %get3A_1 {offsets = [0, 5248], sizes = [32, 128], strides = [1, 1]} : vector<32x65536xf32> to vector<32x128xf32>
    %slice3A_90 = vector.extract_strided_slice %get3A_1 {offsets = [0, 5376], sizes = [32, 128], strides = [1, 1]} : vector<32x65536xf32> to vector<32x128xf32>
    %slice3A_91 = vector.extract_strided_slice %get3A_1 {offsets = [0, 5504], sizes = [32, 128], strides = [1, 1]} : vector<32x65536xf32> to vector<32x128xf32>
    %concatenate3A_92 = tpu.concatenate %slice3A_88, %slice3A_89, %slice3A_90, %slice3A_91 in 0 : vector<32x128xf32>, vector<32x128xf32>, vector<32x128xf32>, vector<32x128xf32> -> vector<128x128xf32>
    %transpose3A_93 = tpu.transpose %concatenate3A_92, [1, 0] : vector<128x128xf32> -> vector<128x128xf32>
    %swap3A_94 = arith.constant 1280 : index
    %swap3A_95 = arith.constant 0 : index
    %swap3A_96 = vector.load %arg2[%swap3A_94, %swap3A_95] : memref<16384x128xf32, #tpu.memory_space<vmem>>, vector<128x128xf32>
    tpu.vector_store %arg2[%swap3A_94, %swap3A_95], %transpose3A_93 {strides = array<i32>} : memref<16384x128xf32, #tpu.memory_space<vmem>>, vector<128x128xf32>,
    %slice3A_97 = vector.extract_strided_slice %get3A_1 {offsets = [0, 5632], sizes = [32, 128], strides = [1, 1]} : vector<32x65536xf32> to vector<32x128xf32>
    %slice3A_98 = vector.extract_strided_slice %get3A_1 {offsets = [0, 5760], sizes = [32, 128], strides = [1, 1]} : vector<32x65536xf32> to vector<32x128xf32>
    %slice3A_99 = vector.extract_strided_slice %get3A_1 {offsets = [0, 5888], sizes = [32, 128], strides = [1, 1]} : vector<32x65536xf32> to vector<32x128xf32>
    %slice3A_100 = vector.extract_strided_slice %get3A_1 {offsets = [0, 6016], sizes = [32, 128], strides = [1, 1]} : vector<32x65536xf32> to vector<32x128xf32>
    %concatenate3A_101 = tpu.concatenate %slice3A_97, %slice3A_98, %slice3A_99, %slice3A_100 in 0 : vector<32x128xf32>, vector<32x128xf32>, vector<32x128xf32>, vector<32x128xf32> -> vector<128x128xf32>
    %transpose3A_102 = tpu.transpose %concatenate3A_101, [1, 0] : vector<128x128xf32> -> vector<128x128xf32>
    %swap3A_103 = arith.constant 1408 : index
    %swap3A_104 = arith.constant 0 : index
    %swap3A_105 = vector.load %arg2[%swap3A_103, %swap3A_104] : memref<16384x128xf32, #tpu.memory_space<vmem>>, vector<128x128xf32>
    tpu.vector_store %arg2[%swap3A_103, %swap3A_104], %transpose3A_102 {strides = array<i32>} : memref<16384x128xf32, #tpu.memory_space<vmem>>, vector<128x128xf32>,
    %slice3A_106 = vector.extract_strided_slice %get3A_1 {offsets = [0, 6144], sizes = [32, 128], strides = [1, 1]} : vector<32x65536xf32> to vector<32x128xf32>
    %slice3A_107 = vector.extract_strided_slice %get3A_1 {offsets = [0, 6272], sizes = [32, 128], strides = [1, 1]} : vector<32x65536xf32> to vector<32x128xf32>
    %slice3A_108 = vector.extract_strided_slice %get3A_1 {offsets = [0, 6400], sizes = [32, 128], strides = [1, 1]} : vector<32x65536xf32> to vector<32x128xf32>
    %slice3A_109 = vector.extract_strided_slice %get3A_1 {offsets = [0, 6528], sizes = [32, 128], strides = [1, 1]} : vector<32x65536xf32> to vector<32x128xf32>
    %concatenate3A_110 = tpu.concatenate %slice3A_106, %slice3A_107, %slice3A_108, %slice3A_109 in 0 : vector<32x128xf32>, vector<32x128xf32>, vector<32x128xf32>, vector<32x128xf32> -> vector<128x128xf32>
    %transpose3A_111 = tpu.transpose %concatenate3A_110, [1, 0] : vector<128x128xf32> -> vector<128x128xf32>
    %swap3A_112 = arith.constant 1536 : index
    %swap3A_113 = arith.constant 0 : index
    %swap3A_114 = vector.load %arg2[%swap3A_112, %swap3A_113] : memref<16384x128xf32, #tpu.memory_space<vmem>>, vector<128x128xf32>
    tpu.vector_store %arg2[%swap3A_112, %swap3A_113], %transpose3A_111 {strides = array<i32>} : memref<16384x128xf32, #tpu.memory_space<vmem>>, vector<128x128xf32>,
    %slice3A_115 = vector.extract_strided_slice %get3A_1 {offsets = [0, 6656], sizes = [32, 128], strides = [1, 1]} : vector<32x65536xf32> to vector<32x128xf32>
    %slice3A_116 = vector.extract_strided_slice %get3A_1 {offsets = [0, 6784], sizes = [32, 128], strides = [1, 1]} : vector<32x65536xf32> to vector<32x128xf32>
    %slice3A_117 = vector.extract_strided_slice %get3A_1 {offsets = [0, 6912], sizes = [32, 128], strides = [1, 1]} : vector<32x65536xf32> to vector<32x128xf32>
    %slice3A_118 = vector.extract_strided_slice %get3A_1 {offsets = [0, 7040], sizes = [32, 128], strides = [1, 1]} : vector<32x65536xf32> to vector<32x128xf32>
    %concatenate3A_119 = tpu.concatenate %slice3A_115, %slice3A_116, %slice3A_117, %slice3A_118 in 0 : vector<32x128xf32>, vector<32x128xf32>, vector<32x128xf32>, vector<32x128xf32> -> vector<128x128xf32>
    %transpose3A_120 = tpu.transpose %concatenate3A_119, [1, 0] : vector<128x128xf32> -> vector<128x128xf32>
    %swap3A_121 = arith.constant 1664 : index
    %swap3A_122 = arith.constant 0 : index
    %swap3A_123 = vector.load %arg2[%swap3A_121, %swap3A_122] : memref<16384x128xf32, #tpu.memory_space<vmem>>, vector<128x128xf32>
    tpu.vector_store %arg2[%swap3A_121, %swap3A_122], %transpose3A_120 {strides = array<i32>} : memref<16384x128xf32, #tpu.memory_space<vmem>>, vector<128x128xf32>,
    %slice3A_124 = vector.extract_strided_slice %get3A_1 {offsets = [0, 7168], sizes = [32, 128], strides = [1, 1]} : vector<32x65536xf32> to vector<32x128xf32>
    %slice3A_125 = vector.extract_strided_slice %get3A_1 {offsets = [0, 7296], sizes = [32, 128], strides = [1, 1]} : vector<32x65536xf32> to vector<32x128xf32>
    %slice3A_126 = vector.extract_strided_slice %get3A_1 {offsets = [0, 7424], sizes = [32, 128], strides = [1, 1]} : vector<32x65536xf32> to vector<32x128xf32>
    %slice3A_127 = vector.extract_strided_slice %get3A_1 {offsets = [0, 7552], sizes = [32, 128], strides = [1, 1]} : vector<32x65536xf32> to vector<32x128xf32>
    %concatenate3A_128 = tpu.concatenate %slice3A_124, %slice3A_125, %slice3A_126, %slice3A_127 in 0 : vector<32x128xf32>, vector<32x128xf32>, vector<32x128xf32>, vector<32x128xf32> -> vector<128x128xf32>
    %transpose3A_129 = tpu.transpose %concatenate3A_128, [1, 0] : vector<128x128xf32> -> vector<128x128xf32>
    %swap3A_130 = arith.constant 1792 : index
    %swap3A_131 = arith.constant 0 : index
    %swap3A_132 = vector.load %arg2[%swap3A_130, %swap3A_131] : memref<16384x128xf32, #tpu.memory_space<vmem>>, vector<128x128xf32>
    tpu.vector_store %arg2[%swap3A_130, %swap3A_131], %transpose3A_129 {strides = array<i32>} : memref<16384x128xf32, #tpu.memory_space<vmem>>, vector<128x128xf32>,
    %slice3A_133 = vector.extract_strided_slice %get3A_1 {offsets = [0, 7680], sizes = [32, 128], strides = [1, 1]} : vector<32x65536xf32> to vector<32x128xf32>
    %slice3A_134 = vector.extract_strided_slice %get3A_1 {offsets = [0, 7808], sizes = [32, 128], strides = [1, 1]} : vector<32x65536xf32> to vector<32x128xf32>
    %slice3A_135 = vector.extract_strided_slice %get3A_1 {offsets = [0, 7936], sizes = [32, 128], strides = [1, 1]} : vector<32x65536xf32> to vector<32x128xf32>
    %slice3A_136 = vector.extract_strided_slice %get3A_1 {offsets = [0, 8064], sizes = [32, 128], strides = [1, 1]} : vector<32x65536xf32> to vector<32x128xf32>
    %concatenate3A_137 = tpu.concatenate %slice3A_133, %slice3A_134, %slice3A_135, %slice3A_136 in 0 : vector<32x128xf32>, vector<32x128xf32>, vector<32x128xf32>, vector<32x128xf32> -> vector<128x128xf32>
    %transpose3A_138 = tpu.transpose %concatenate3A_137, [1, 0] : vector<128x128xf32> -> vector<128x128xf32>
    %swap3A_139 = arith.constant 1920 : index
    %swap3A_140 = arith.constant 0 : index
    %swap3A_141 = vector.load %arg2[%swap3A_139, %swap3A_140] : memref<16384x128xf32, #tpu.memory_space<vmem>>, vector<128x128xf32>
    tpu.vector_store %arg2[%swap3A_139, %swap3A_140], %transpose3A_138 {strides = array<i32>} : memref<16384x128xf32, #tpu.memory_space<vmem>>, vector<128x128xf32>,
    %slice3A_142 = vector.extract_strided_slice %get3A_1 {offsets = [0, 8192], sizes = [32, 128], strides = [1, 1]} : vector<32x65536xf32> to vector<32x128xf32>
    %slice3A_143 = vector.extract_strided_slice %get3A_1 {offsets = [0, 8320], sizes = [32, 128], strides = [1, 1]} : vector<32x65536xf32> to vector<32x128xf32>
    %slice3A_144 = vector.extract_strided_slice %get3A_1 {offsets = [0, 8448], sizes = [32, 128], strides = [1, 1]} : vector<32x65536xf32> to vector<32x128xf32>
    %slice3A_145 = vector.extract_strided_slice %get3A_1 {offsets = [0, 8576], sizes = [32, 128], strides = [1, 1]} : vector<32x65536xf32> to vector<32x128xf32>
    %concatenate3A_146 = tpu.concatenate %slice3A_142, %slice3A_143, %slice3A_144, %slice3A_145 in 0 : vector<32x128xf32>, vector<32x128xf32>, vector<32x128xf32>, vector<32x128xf32> -> vector<128x128xf32>
    %transpose3A_147 = tpu.transpose %concatenate3A_146, [1, 0] : vector<128x128xf32> -> vector<128x128xf32>
    %swap3A_148 = arith.constant 2048 : index
    %swap3A_149 = arith.constant 0 : index
    %swap3A_150 = vector.load %arg2[%swap3A_148, %swap3A_149] : memref<16384x128xf32, #tpu.memory_space<vmem>>, vector<128x128xf32>
    tpu.vector_store %arg2[%swap3A_148, %swap3A_149], %transpose3A_147 {strides = array<i32>} : memref<16384x128xf32, #tpu.memory_space<vmem>>, vector<128x128xf32>,
    %slice3A_151 = vector.extract_strided_slice %get3A_1 {offsets = [0, 8704], sizes = [32, 128], strides = [1, 1]} : vector<32x65536xf32> to vector<32x128xf32>
    %slice3A_152 = vector.extract_strided_slice %get3A_1 {offsets = [0, 8832], sizes = [32, 128], strides = [1, 1]} : vector<32x65536xf32> to vector<32x128xf32>
    %slice3A_153 = vector.extract_strided_slice %get3A_1 {offsets = [0, 8960], sizes = [32, 128], strides = [1, 1]} : vector<32x65536xf32> to vector<32x128xf32>
    %slice3A_154 = vector.extract_strided_slice %get3A_1 {offsets = [0, 9088], sizes = [32, 128], strides = [1, 1]} : vector<32x65536xf32> to vector<32x128xf32>
    %concatenate3A_155 = tpu.concatenate %slice3A_151, %slice3A_152, %slice3A_153, %slice3A_154 in 0 : vector<32x128xf32>, vector<32x128xf32>, vector<32x128xf32>, vector<32x128xf32> -> vector<128x128xf32>
    %transpose3A_156 = tpu.transpose %concatenate3A_155, [1, 0] : vector<128x128xf32> -> vector<128x128xf32>
    %swap3A_157 = arith.constant 2176 : index
    %swap3A_158 = arith.constant 0 : index
    %swap3A_159 = vector.load %arg2[%swap3A_157, %swap3A_158] : memref<16384x128xf32, #tpu.memory_space<vmem>>, vector<128x128xf32>
    tpu.vector_store %arg2[%swap3A_157, %swap3A_158], %transpose3A_156 {strides = array<i32>} : memref<16384x128xf32, #tpu.memory_space<vmem>>, vector<128x128xf32>,
    %slice3A_160 = vector.extract_strided_slice %get3A_1 {offsets = [0, 9216], sizes = [32, 128], strides = [1, 1]} : vector<32x65536xf32> to vector<32x128xf32>
    %slice3A_161 = vector.extract_strided_slice %get3A_1 {offsets = [0, 9344], sizes = [32, 128], strides = [1, 1]} : vector<32x65536xf32> to vector<32x128xf32>
    %slice3A_162 = vector.extract_strided_slice %get3A_1 {offsets = [0, 9472], sizes = [32, 128], strides = [1, 1]} : vector<32x65536xf32> to vector<32x128xf32>
    %slice3A_163 = vector.extract_strided_slice %get3A_1 {offsets = [0, 9600], sizes = [32, 128], strides = [1, 1]} : vector<32x65536xf32> to vector<32x128xf32>
    %concatenate3A_164 = tpu.concatenate %slice3A_160, %slice3A_161, %slice3A_162, %slice3A_163 in 0 : vector<32x128xf32>, vector<32x128xf32>, vector<32x128xf32>, vector<32x128xf32> -> vector<128x128xf32>
    %transpose3A_165 = tpu.transpose %concatenate3A_164, [1, 0] : vector<128x128xf32> -> vector<128x128xf32>
    %swap3A_166 = arith.constant 2304 : index
    %swap3A_167 = arith.constant 0 : index
    %swap3A_168 = vector.load %arg2[%swap3A_166, %swap3A_167] : memref<16384x128xf32, #tpu.memory_space<vmem>>, vector<128x128xf32>
    tpu.vector_store %arg2[%swap3A_166, %swap3A_167], %transpose3A_165 {strides = array<i32>} : memref<16384x128xf32, #tpu.memory_space<vmem>>, vector<128x128xf32>,
    %slice3A_169 = vector.extract_strided_slice %get3A_1 {offsets = [0, 9728], sizes = [32, 128], strides = [1, 1]} : vector<32x65536xf32> to vector<32x128xf32>
    %slice3A_170 = vector.extract_strided_slice %get3A_1 {offsets = [0, 9856], sizes = [32, 128], strides = [1, 1]} : vector<32x65536xf32> to vector<32x128xf32>
    %slice3A_171 = vector.extract_strided_slice %get3A_1 {offsets = [0, 9984], sizes = [32, 128], strides = [1, 1]} : vector<32x65536xf32> to vector<32x128xf32>
    %slice3A_172 = vector.extract_strided_slice %get3A_1 {offsets = [0, 10112], sizes = [32, 128], strides = [1, 1]} : vector<32x65536xf32> to vector<32x128xf32>
    %concatenate3A_173 = tpu.concatenate %slice3A_169, %slice3A_170, %slice3A_171, %slice3A_172 in 0 : vector<32x128xf32>, vector<32x128xf32>, vector<32x128xf32>, vector<32x128xf32> -> vector<128x128xf32>
    %transpose3A_174 = tpu.transpose %concatenate3A_173, [1, 0] : vector<128x128xf32> -> vector<128x128xf32>
    %swap3A_175 = arith.constant 2432 : index
    %swap3A_176 = arith.constant 0 : index
    %swap3A_177 = vector.load %arg2[%swap3A_175, %swap3A_176] : memref<16384x128xf32, #tpu.memory_space<vmem>>, vector<128x128xf32>
    tpu.vector_store %arg2[%swap3A_175, %swap3A_176], %transpose3A_174 {strides = array<i32>} : memref<16384x128xf32, #tpu.memory_space<vmem>>, vector<128x128xf32>,
    %slice3A_178 = vector.extract_strided_slice %get3A_1 {offsets = [0, 10240], sizes = [32, 128], strides = [1, 1]} : vector<32x65536xf32> to vector<32x128xf32>
    %slice3A_179 = vector.extract_strided_slice %get3A_1 {offsets = [0, 10368], sizes = [32, 128], strides = [1, 1]} : vector<32x65536xf32> to vector<32x128xf32>
    %slice3A_180 = vector.extract_strided_slice %get3A_1 {offsets = [0, 10496], sizes = [32, 128], strides = [1, 1]} : vector<32x65536xf32> to vector<32x128xf32>
    %slice3A_181 = vector.extract_strided_slice %get3A_1 {offsets = [0, 10624], sizes = [32, 128], strides = [1, 1]} : vector<32x65536xf32> to vector<32x128xf32>
    %concatenate3A_182 = tpu.concatenate %slice3A_178, %slice3A_179, %slice3A_180, %slice3A_181 in 0 : vector<32x128xf32>, vector<32x128xf32>, vector<32x128xf32>, vector<32x128xf32> -> vector<128x128xf32>
    %transpose3A_183 = tpu.transpose %concatenate3A_182, [1, 0] : vector<128x128xf32> -> vector<128x128xf32>
    %swap3A_184 = arith.constant 2560 : index
    %swap3A_185 = arith.constant 0 : index
    %swap3A_186 = vector.load %arg2[%swap3A_184, %swap3A_185] : memref<16384x128xf32, #tpu.memory_space<vmem>>, vector<128x128xf32>
    tpu.vector_store %arg2[%swap3A_184, %swap3A_185], %transpose3A_183 {strides = array<i32>} : memref<16384x128xf32, #tpu.memory_space<vmem>>, vector<128x128xf32>,
    %slice3A_187 = vector.extract_strided_slice %get3A_1 {offsets = [0, 10752], sizes = [32, 128], strides = [1, 1]} : vector<32x65536xf32> to vector<32x128xf32>
    %slice3A_188 = vector.extract_strided_slice %get3A_1 {offsets = [0, 10880], sizes = [32, 128], strides = [1, 1]} : vector<32x65536xf32> to vector<32x128xf32>
    %slice3A_189 = vector.extract_strided_slice %get3A_1 {offsets = [0, 11008], sizes = [32, 128], strides = [1, 1]} : vector<32x65536xf32> to vector<32x128xf32>
    %slice3A_190 = vector.extract_strided_slice %get3A_1 {offsets = [0, 11136], sizes = [32, 128], strides = [1, 1]} : vector<32x65536xf32> to vector<32x128xf32>
    %concatenate3A_191 = tpu.concatenate %slice3A_187, %slice3A_188, %slice3A_189, %slice3A_190 in 0 : vector<32x128xf32>, vector<32x128xf32>, vector<32x128xf32>, vector<32x128xf32> -> vector<128x128xf32>
    %transpose3A_192 = tpu.transpose %concatenate3A_191, [1, 0] : vector<128x128xf32> -> vector<128x128xf32>
    %swap3A_193 = arith.constant 2688 : index
    %swap3A_194 = arith.constant 0 : index
    %swap3A_195 = vector.load %arg2[%swap3A_193, %swap3A_194] : memref<16384x128xf32, #tpu.memory_space<vmem>>, vector<128x128xf32>
    tpu.vector_store %arg2[%swap3A_193, %swap3A_194], %transpose3A_192 {strides = array<i32>} : memref<16384x128xf32, #tpu.memory_space<vmem>>, vector<128x128xf32>,
    %slice3A_196 = vector.extract_strided_slice %get3A_1 {offsets = [0, 11264], sizes = [32, 128], strides = [1, 1]} : vector<32x65536xf32> to vector<32x128xf32>
    %slice3A_197 = vector.extract_strided_slice %get3A_1 {offsets = [0, 11392], sizes = [32, 128], strides = [1, 1]} : vector<32x65536xf32> to vector<32x128xf32>
    %slice3A_198 = vector.extract_strided_slice %get3A_1 {offsets = [0, 11520], sizes = [32, 128], strides = [1, 1]} : vector<32x65536xf32> to vector<32x128xf32>
    %slice3A_199 = vector.extract_strided_slice %get3A_1 {offsets = [0, 11648], sizes = [32, 128], strides = [1, 1]} : vector<32x65536xf32> to vector<32x128xf32>
    %concatenate3A_200 = tpu.concatenate %slice3A_196, %slice3A_197, %slice3A_198, %slice3A_199 in 0 : vector<32x128xf32>, vector<32x128xf32>, vector<32x128xf32>, vector<32x128xf32> -> vector<128x128xf32>
    %transpose3A_201 = tpu.transpose %concatenate3A_200, [1, 0] : vector<128x128xf32> -> vector<128x128xf32>
    %swap3A_202 = arith.constant 2816 : index
    %swap3A_203 = arith.constant 0 : index
    %swap3A_204 = vector.load %arg2[%swap3A_202, %swap3A_203] : memref<16384x128xf32, #tpu.memory_space<vmem>>, vector<128x128xf32>
    tpu.vector_store %arg2[%swap3A_202, %swap3A_203], %transpose3A_201 {strides = array<i32>} : memref<16384x128xf32, #tpu.memory_space<vmem>>, vector<128x128xf32>,
    %slice3A_205 = vector.extract_strided_slice %get3A_1 {offsets = [0, 11776], sizes = [32, 128], strides = [1, 1]} : vector<32x65536xf32> to vector<32x128xf32>
    %slice3A_206 = vector.extract_strided_slice %get3A_1 {offsets = [0, 11904], sizes = [32, 128], strides = [1, 1]} : vector<32x65536xf32> to vector<32x128xf32>
    %slice3A_207 = vector.extract_strided_slice %get3A_1 {offsets = [0, 12032], sizes = [32, 128], strides = [1, 1]} : vector<32x65536xf32> to vector<32x128xf32>
    %slice3A_208 = vector.extract_strided_slice %get3A_1 {offsets = [0, 12160], sizes = [32, 128], strides = [1, 1]} : vector<32x65536xf32> to vector<32x128xf32>
    %concatenate3A_209 = tpu.concatenate %slice3A_205, %slice3A_206, %slice3A_207, %slice3A_208 in 0 : vector<32x128xf32>, vector<32x128xf32>, vector<32x128xf32>, vector<32x128xf32> -> vector<128x128xf32>
    %transpose3A_210 = tpu.transpose %concatenate3A_209, [1, 0] : vector<128x128xf32> -> vector<128x128xf32>
    %swap3A_211 = arith.constant 2944 : index
    %swap3A_212 = arith.constant 0 : index
    %swap3A_213 = vector.load %arg2[%swap3A_211, %swap3A_212] : memref<16384x128xf32, #tpu.memory_space<vmem>>, vector<128x128xf32>
    tpu.vector_store %arg2[%swap3A_211, %swap3A_212], %transpose3A_210 {strides = array<i32>} : memref<16384x128xf32, #tpu.memory_space<vmem>>, vector<128x128xf32>,
    %slice3A_214 = vector.extract_strided_slice %get3A_1 {offsets = [0, 12288], sizes = [32, 128], strides = [1, 1]} : vector<32x65536xf32> to vector<32x128xf32>
    %slice3A_215 = vector.extract_strided_slice %get3A_1 {offsets = [0, 12416], sizes = [32, 128], strides = [1, 1]} : vector<32x65536xf32> to vector<32x128xf32>
    %slice3A_216 = vector.extract_strided_slice %get3A_1 {offsets = [0, 12544], sizes = [32, 128], strides = [1, 1]} : vector<32x65536xf32> to vector<32x128xf32>
    %slice3A_217 = vector.extract_strided_slice %get3A_1 {offsets = [0, 12672], sizes = [32, 128], strides = [1, 1]} : vector<32x65536xf32> to vector<32x128xf32>
    %concatenate3A_218 = tpu.concatenate %slice3A_214, %slice3A_215, %slice3A_216, %slice3A_217 in 0 : vector<32x128xf32>, vector<32x128xf32>, vector<32x128xf32>, vector<32x128xf32> -> vector<128x128xf32>
    %transpose3A_219 = tpu.transpose %concatenate3A_218, [1, 0] : vector<128x128xf32> -> vector<128x128xf32>
    %swap3A_220 = arith.constant 3072 : index
    %swap3A_221 = arith.constant 0 : index
    %swap3A_222 = vector.load %arg2[%swap3A_220, %swap3A_221] : memref<16384x128xf32, #tpu.memory_space<vmem>>, vector<128x128xf32>
    tpu.vector_store %arg2[%swap3A_220, %swap3A_221], %transpose3A_219 {strides = array<i32>} : memref<16384x128xf32, #tpu.memory_space<vmem>>, vector<128x128xf32>,
    %slice3A_223 = vector.extract_strided_slice %get3A_1 {offsets = [0, 12800], sizes = [32, 128], strides = [1, 1]} : vector<32x65536xf32> to vector<32x128xf32>
    %slice3A_224 = vector.extract_strided_slice %get3A_1 {offsets = [0, 12928], sizes = [32, 128], strides = [1, 1]} : vector<32x65536xf32> to vector<32x128xf32>
    %slice3A_225 = vector.extract_strided_slice %get3A_1 {offsets = [0, 13056], sizes = [32, 128], strides = [1, 1]} : vector<32x65536xf32> to vector<32x128xf32>
    %slice3A_226 = vector.extract_strided_slice %get3A_1 {offsets = [0, 13184], sizes = [32, 128], strides = [1, 1]} : vector<32x65536xf32> to vector<32x128xf32>
    %concatenate3A_227 = tpu.concatenate %slice3A_223, %slice3A_224, %slice3A_225, %slice3A_226 in 0 : vector<32x128xf32>, vector<32x128xf32>, vector<32x128xf32>, vector<32x128xf32> -> vector<128x128xf32>
    %transpose3A_228 = tpu.transpose %concatenate3A_227, [1, 0] : vector<128x128xf32> -> vector<128x128xf32>
    %swap3A_229 = arith.constant 3200 : index
    %swap3A_230 = arith.constant 0 : index
    %swap3A_231 = vector.load %arg2[%swap3A_229, %swap3A_230] : memref<16384x128xf32, #tpu.memory_space<vmem>>, vector<128x128xf32>
    tpu.vector_store %arg2[%swap3A_229, %swap3A_230], %transpose3A_228 {strides = array<i32>} : memref<16384x128xf32, #tpu.memory_space<vmem>>, vector<128x128xf32>,
    %slice3A_232 = vector.extract_strided_slice %get3A_1 {offsets = [0, 13312], sizes = [32, 128], strides = [1, 1]} : vector<32x65536xf32> to vector<32x128xf32>
    %slice3A_233 = vector.extract_strided_slice %get3A_1 {offsets = [0, 13440], sizes = [32, 128], strides = [1, 1]} : vector<32x65536xf32> to vector<32x128xf32>
    %slice3A_234 = vector.extract_strided_slice %get3A_1 {offsets = [0, 13568], sizes = [32, 128], strides = [1, 1]} : vector<32x65536xf32> to vector<32x128xf32>
    %slice3A_235 = vector.extract_strided_slice %get3A_1 {offsets = [0, 13696], sizes = [32, 128], strides = [1, 1]} : vector<32x65536xf32> to vector<32x128xf32>
    %concatenate3A_236 = tpu.concatenate %slice3A_232, %slice3A_233, %slice3A_234, %slice3A_235 in 0 : vector<32x128xf32>, vector<32x128xf32>, vector<32x128xf32>, vector<32x128xf32> -> vector<128x128xf32>
    %transpose3A_237 = tpu.transpose %concatenate3A_236, [1, 0] : vector<128x128xf32> -> vector<128x128xf32>
    %swap3A_238 = arith.constant 3328 : index
    %swap3A_239 = arith.constant 0 : index
    %swap3A_240 = vector.load %arg2[%swap3A_238, %swap3A_239] : memref<16384x128xf32, #tpu.memory_space<vmem>>, vector<128x128xf32>
    tpu.vector_store %arg2[%swap3A_238, %swap3A_239], %transpose3A_237 {strides = array<i32>} : memref<16384x128xf32, #tpu.memory_space<vmem>>, vector<128x128xf32>,
    %slice3A_241 = vector.extract_strided_slice %get3A_1 {offsets = [0, 13824], sizes = [32, 128], strides = [1, 1]} : vector<32x65536xf32> to vector<32x128xf32>
    %slice3A_242 = vector.extract_strided_slice %get3A_1 {offsets = [0, 13952], sizes = [32, 128], strides = [1, 1]} : vector<32x65536xf32> to vector<32x128xf32>
    %slice3A_243 = vector.extract_strided_slice %get3A_1 {offsets = [0, 14080], sizes = [32, 128], strides = [1, 1]} : vector<32x65536xf32> to vector<32x128xf32>
    %slice3A_244 = vector.extract_strided_slice %get3A_1 {offsets = [0, 14208], sizes = [32, 128], strides = [1, 1]} : vector<32x65536xf32> to vector<32x128xf32>
    %concatenate3A_245 = tpu.concatenate %slice3A_241, %slice3A_242, %slice3A_243, %slice3A_244 in 0 : vector<32x128xf32>, vector<32x128xf32>, vector<32x128xf32>, vector<32x128xf32> -> vector<128x128xf32>
    %transpose3A_246 = tpu.transpose %concatenate3A_245, [1, 0] : vector<128x128xf32> -> vector<128x128xf32>
    %swap3A_247 = arith.constant 3456 : index
    %swap3A_248 = arith.constant 0 : index
    %swap3A_249 = vector.load %arg2[%swap3A_247, %swap3A_248] : memref<16384x128xf32, #tpu.memory_space<vmem>>, vector<128x128xf32>
    tpu.vector_store %arg2[%swap3A_247, %swap3A_248], %transpose3A_246 {strides = array<i32>} : memref<16384x128xf32, #tpu.memory_space<vmem>>, vector<128x128xf32>,
    %slice3A_250 = vector.extract_strided_slice %get3A_1 {offsets = [0, 14336], sizes = [32, 128], strides = [1, 1]} : vector<32x65536xf32> to vector<32x128xf32>
    %slice3A_251 = vector.extract_strided_slice %get3A_1 {offsets = [0, 14464], sizes = [32, 128], strides = [1, 1]} : vector<32x65536xf32> to vector<32x128xf32>
    %slice3A_252 = vector.extract_strided_slice %get3A_1 {offsets = [0, 14592], sizes = [32, 128], strides = [1, 1]} : vector<32x65536xf32> to vector<32x128xf32>
    %slice3A_253 = vector.extract_strided_slice %get3A_1 {offsets = [0, 14720], sizes = [32, 128], strides = [1, 1]} : vector<32x65536xf32> to vector<32x128xf32>
    %concatenate3A_254 = tpu.concatenate %slice3A_250, %slice3A_251, %slice3A_252, %slice3A_253 in 0 : vector<32x128xf32>, vector<32x128xf32>, vector<32x128xf32>, vector<32x128xf32> -> vector<128x128xf32>
    %transpose3A_255 = tpu.transpose %concatenate3A_254, [1, 0] : vector<128x128xf32> -> vector<128x128xf32>
    %swap3A_256 = arith.constant 3584 : index
    %swap3A_257 = arith.constant 0 : index
    %swap3A_258 = vector.load %arg2[%swap3A_256, %swap3A_257] : memref<16384x128xf32, #tpu.memory_space<vmem>>, vector<128x128xf32>
    tpu.vector_store %arg2[%swap3A_256, %swap3A_257], %transpose3A_255 {strides = array<i32>} : memref<16384x128xf32, #tpu.memory_space<vmem>>, vector<128x128xf32>,
    %slice3A_259 = vector.extract_strided_slice %get3A_1 {offsets = [0, 14848], sizes = [32, 128], strides = [1, 1]} : vector<32x65536xf32> to vector<32x128xf32>
    %slice3A_260 = vector.extract_strided_slice %get3A_1 {offsets = [0, 14976], sizes = [32, 128], strides = [1, 1]} : vector<32x65536xf32> to vector<32x128xf32>
    %slice3A_261 = vector.extract_strided_slice %get3A_1 {offsets = [0, 15104], sizes = [32, 128], strides = [1, 1]} : vector<32x65536xf32> to vector<32x128xf32>
    %slice3A_262 = vector.extract_strided_slice %get3A_1 {offsets = [0, 15232], sizes = [32, 128], strides = [1, 1]} : vector<32x65536xf32> to vector<32x128xf32>
    %concatenate3A_263 = tpu.concatenate %slice3A_259, %slice3A_260, %slice3A_261, %slice3A_262 in 0 : vector<32x128xf32>, vector<32x128xf32>, vector<32x128xf32>, vector<32x128xf32> -> vector<128x128xf32>
    %transpose3A_264 = tpu.transpose %concatenate3A_263, [1, 0] : vector<128x128xf32> -> vector<128x128xf32>
    %swap3A_265 = arith.constant 3712 : index
    %swap3A_266 = arith.constant 0 : index
    %swap3A_267 = vector.load %arg2[%swap3A_265, %swap3A_266] : memref<16384x128xf32, #tpu.memory_space<vmem>>, vector<128x128xf32>
    tpu.vector_store %arg2[%swap3A_265, %swap3A_266], %transpose3A_264 {strides = array<i32>} : memref<16384x128xf32, #tpu.memory_space<vmem>>, vector<128x128xf32>,
    %slice3A_268 = vector.extract_strided_slice %get3A_1 {offsets = [0, 15360], sizes = [32, 128], strides = [1, 1]} : vector<32x65536xf32> to vector<32x128xf32>
    %slice3A_269 = vector.extract_strided_slice %get3A_1 {offsets = [0, 15488], sizes = [32, 128], strides = [1, 1]} : vector<32x65536xf32> to vector<32x128xf32>
    %slice3A_270 = vector.extract_strided_slice %get3A_1 {offsets = [0, 15616], sizes = [32, 128], strides = [1, 1]} : vector<32x65536xf32> to vector<32x128xf32>
    %slice3A_271 = vector.extract_strided_slice %get3A_1 {offsets = [0, 15744], sizes = [32, 128], strides = [1, 1]} : vector<32x65536xf32> to vector<32x128xf32>
    %concatenate3A_272 = tpu.concatenate %slice3A_268, %slice3A_269, %slice3A_270, %slice3A_271 in 0 : vector<32x128xf32>, vector<32x128xf32>, vector<32x128xf32>, vector<32x128xf32> -> vector<128x128xf32>
    %transpose3A_273 = tpu.transpose %concatenate3A_272, [1, 0] : vector<128x128xf32> -> vector<128x128xf32>
    %swap3A_274 = arith.constant 3840 : index
    %swap3A_275 = arith.constant 0 : index
    %swap3A_276 = vector.load %arg2[%swap3A_274, %swap3A_275] : memref<16384x128xf32, #tpu.memory_space<vmem>>, vector<128x128xf32>
    tpu.vector_store %arg2[%swap3A_274, %swap3A_275], %transpose3A_273 {strides = array<i32>} : memref<16384x128xf32, #tpu.memory_space<vmem>>, vector<128x128xf32>,
    %slice3A_277 = vector.extract_strided_slice %get3A_1 {offsets = [0, 15872], sizes = [32, 128], strides = [1, 1]} : vector<32x65536xf32> to vector<32x128xf32>
    %slice3A_278 = vector.extract_strided_slice %get3A_1 {offsets = [0, 16000], sizes = [32, 128], strides = [1, 1]} : vector<32x65536xf32> to vector<32x128xf32>
    %slice3A_279 = vector.extract_strided_slice %get3A_1 {offsets = [0, 16128], sizes = [32, 128], strides = [1, 1]} : vector<32x65536xf32> to vector<32x128xf32>
    %slice3A_280 = vector.extract_strided_slice %get3A_1 {offsets = [0, 16256], sizes = [32, 128], strides = [1, 1]} : vector<32x65536xf32> to vector<32x128xf32>
    %concatenate3A_281 = tpu.concatenate %slice3A_277, %slice3A_278, %slice3A_279, %slice3A_280 in 0 : vector<32x128xf32>, vector<32x128xf32>, vector<32x128xf32>, vector<32x128xf32> -> vector<128x128xf32>
    %transpose3A_282 = tpu.transpose %concatenate3A_281, [1, 0] : vector<128x128xf32> -> vector<128x128xf32>
    %swap3A_283 = arith.constant 3968 : index
    %swap3A_284 = arith.constant 0 : index
    %swap3A_285 = vector.load %arg2[%swap3A_283, %swap3A_284] : memref<16384x128xf32, #tpu.memory_space<vmem>>, vector<128x128xf32>
    tpu.vector_store %arg2[%swap3A_283, %swap3A_284], %transpose3A_282 {strides = array<i32>} : memref<16384x128xf32, #tpu.memory_space<vmem>>, vector<128x128xf32>,
    %slice3A_286 = vector.extract_strided_slice %get3A_1 {offsets = [0, 16384], sizes = [32, 128], strides = [1, 1]} : vector<32x65536xf32> to vector<32x128xf32>
    %slice3A_287 = vector.extract_strided_slice %get3A_1 {offsets = [0, 16512], sizes = [32, 128], strides = [1, 1]} : vector<32x65536xf32> to vector<32x128xf32>
    %slice3A_288 = vector.extract_strided_slice %get3A_1 {offsets = [0, 16640], sizes = [32, 128], strides = [1, 1]} : vector<32x65536xf32> to vector<32x128xf32>
    %slice3A_289 = vector.extract_strided_slice %get3A_1 {offsets = [0, 16768], sizes = [32, 128], strides = [1, 1]} : vector<32x65536xf32> to vector<32x128xf32>
    %concatenate3A_290 = tpu.concatenate %slice3A_286, %slice3A_287, %slice3A_288, %slice3A_289 in 0 : vector<32x128xf32>, vector<32x128xf32>, vector<32x128xf32>, vector<32x128xf32> -> vector<128x128xf32>
    %transpose3A_291 = tpu.transpose %concatenate3A_290, [1, 0] : vector<128x128xf32> -> vector<128x128xf32>
    %swap3A_292 = arith.constant 4096 : index
    %swap3A_293 = arith.constant 0 : index
    %swap3A_294 = vector.load %arg2[%swap3A_292, %swap3A_293] : memref<16384x128xf32, #tpu.memory_space<vmem>>, vector<128x128xf32>
    tpu.vector_store %arg2[%swap3A_292, %swap3A_293], %transpose3A_291 {strides = array<i32>} : memref<16384x128xf32, #tpu.memory_space<vmem>>, vector<128x128xf32>,
    %slice3A_295 = vector.extract_strided_slice %get3A_1 {offsets = [0, 16896], sizes = [32, 128], strides = [1, 1]} : vector<32x65536xf32> to vector<32x128xf32>
    %slice3A_296 = vector.extract_strided_slice %get3A_1 {offsets = [0, 17024], sizes = [32, 128], strides = [1, 1]} : vector<32x65536xf32> to vector<32x128xf32>
    %slice3A_297 = vector.extract_strided_slice %get3A_1 {offsets = [0, 17152], sizes = [32, 128], strides = [1, 1]} : vector<32x65536xf32> to vector<32x128xf32>
    %slice3A_298 = vector.extract_strided_slice %get3A_1 {offsets = [0, 17280], sizes = [32, 128], strides = [1, 1]} : vector<32x65536xf32> to vector<32x128xf32>
    %concatenate3A_299 = tpu.concatenate %slice3A_295, %slice3A_296, %slice3A_297, %slice3A_298 in 0 : vector<32x128xf32>, vector<32x128xf32>, vector<32x128xf32>, vector<32x128xf32> -> vector<128x128xf32>
    %transpose3A_300 = tpu.transpose %concatenate3A_299, [1, 0] : vector<128x128xf32> -> vector<128x128xf32>
    %swap3A_301 = arith.constant 4224 : index
    %swap3A_302 = arith.constant 0 : index
    %swap3A_303 = vector.load %arg2[%swap3A_301, %swap3A_302] : memref<16384x128xf32, #tpu.memory_space<vmem>>, vector<128x128xf32>
    tpu.vector_store %arg2[%swap3A_301, %swap3A_302], %transpose3A_300 {strides = array<i32>} : memref<16384x128xf32, #tpu.memory_space<vmem>>, vector<128x128xf32>,
    %slice3A_304 = vector.extract_strided_slice %get3A_1 {offsets = [0, 17408], sizes = [32, 128], strides = [1, 1]} : vector<32x65536xf32> to vector<32x128xf32>
    %slice3A_305 = vector.extract_strided_slice %get3A_1 {offsets = [0, 17536], sizes = [32, 128], strides = [1, 1]} : vector<32x65536xf32> to vector<32x128xf32>
    %slice3A_306 = vector.extract_strided_slice %get3A_1 {offsets = [0, 17664], sizes = [32, 128], strides = [1, 1]} : vector<32x65536xf32> to vector<32x128xf32>
    %slice3A_307 = vector.extract_strided_slice %get3A_1 {offsets = [0, 17792], sizes = [32, 128], strides = [1, 1]} : vector<32x65536xf32> to vector<32x128xf32>
    %concatenate3A_308 = tpu.concatenate %slice3A_304, %slice3A_305, %slice3A_306, %slice3A_307 in 0 : vector<32x128xf32>, vector<32x128xf32>, vector<32x128xf32>, vector<32x128xf32> -> vector<128x128xf32>
    %transpose3A_309 = tpu.transpose %concatenate3A_308, [1, 0] : vector<128x128xf32> -> vector<128x128xf32>
    %swap3A_310 = arith.constant 4352 : index
    %swap3A_311 = arith.constant 0 : index
    %swap3A_312 = vector.load %arg2[%swap3A_310, %swap3A_311] : memref<16384x128xf32, #tpu.memory_space<vmem>>, vector<128x128xf32>
    tpu.vector_store %arg2[%swap3A_310, %swap3A_311], %transpose3A_309 {strides = array<i32>} : memref<16384x128xf32, #tpu.memory_space<vmem>>, vector<128x128xf32>,
    %slice3A_313 = vector.extract_strided_slice %get3A_1 {offsets = [0, 17920], sizes = [32, 128], strides = [1, 1]} : vector<32x65536xf32> to vector<32x128xf32>
    %slice3A_314 = vector.extract_strided_slice %get3A_1 {offsets = [0, 18048], sizes = [32, 128], strides = [1, 1]} : vector<32x65536xf32> to vector<32x128xf32>
    %slice3A_315 = vector.extract_strided_slice %get3A_1 {offsets = [0, 18176], sizes = [32, 128], strides = [1, 1]} : vector<32x65536xf32> to vector<32x128xf32>
    %slice3A_316 = vector.extract_strided_slice %get3A_1 {offsets = [0, 18304], sizes = [32, 128], strides = [1, 1]} : vector<32x65536xf32> to vector<32x128xf32>
    %concatenate3A_317 = tpu.concatenate %slice3A_313, %slice3A_314, %slice3A_315, %slice3A_316 in 0 : vector<32x128xf32>, vector<32x128xf32>, vector<32x128xf32>, vector<32x128xf32> -> vector<128x128xf32>
    %transpose3A_318 = tpu.transpose %concatenate3A_317, [1, 0] : vector<128x128xf32> -> vector<128x128xf32>
    %swap3A_319 = arith.constant 4480 : index
    %swap3A_320 = arith.constant 0 : index
    %swap3A_321 = vector.load %arg2[%swap3A_319, %swap3A_320] : memref<16384x128xf32, #tpu.memory_space<vmem>>, vector<128x128xf32>
    tpu.vector_store %arg2[%swap3A_319, %swap3A_320], %transpose3A_318 {strides = array<i32>} : memref<16384x128xf32, #tpu.memory_space<vmem>>, vector<128x128xf32>,
    %slice3A_322 = vector.extract_strided_slice %get3A_1 {offsets = [0, 18432], sizes = [32, 128], strides = [1, 1]} : vector<32x65536xf32> to vector<32x128xf32>
    %slice3A_323 = vector.extract_strided_slice %get3A_1 {offsets = [0, 18560], sizes = [32, 128], strides = [1, 1]} : vector<32x65536xf32> to vector<32x128xf32>
    %slice3A_324 = vector.extract_strided_slice %get3A_1 {offsets = [0, 18688], sizes = [32, 128], strides = [1, 1]} : vector<32x65536xf32> to vector<32x128xf32>
    %slice3A_325 = vector.extract_strided_slice %get3A_1 {offsets = [0, 18816], sizes = [32, 128], strides = [1, 1]} : vector<32x65536xf32> to vector<32x128xf32>
    %concatenate3A_326 = tpu.concatenate %slice3A_322, %slice3A_323, %slice3A_324, %slice3A_325 in 0 : vector<32x128xf32>, vector<32x128xf32>, vector<32x128xf32>, vector<32x128xf32> -> vector<128x128xf32>
    %transpose3A_327 = tpu.transpose %concatenate3A_326, [1, 0] : vector<128x128xf32> -> vector<128x128xf32>
    %swap3A_328 = arith.constant 4608 : index
    %swap3A_329 = arith.constant 0 : index
    %swap3A_330 = vector.load %arg2[%swap3A_328, %swap3A_329] : memref<16384x128xf32, #tpu.memory_space<vmem>>, vector<128x128xf32>
    tpu.vector_store %arg2[%swap3A_328, %swap3A_329], %transpose3A_327 {strides = array<i32>} : memref<16384x128xf32, #tpu.memory_space<vmem>>, vector<128x128xf32>,
    %slice3A_331 = vector.extract_strided_slice %get3A_1 {offsets = [0, 18944], sizes = [32, 128], strides = [1, 1]} : vector<32x65536xf32> to vector<32x128xf32>
    %slice3A_332 = vector.extract_strided_slice %get3A_1 {offsets = [0, 19072], sizes = [32, 128], strides = [1, 1]} : vector<32x65536xf32> to vector<32x128xf32>
    %slice3A_333 = vector.extract_strided_slice %get3A_1 {offsets = [0, 19200], sizes = [32, 128], strides = [1, 1]} : vector<32x65536xf32> to vector<32x128xf32>
    %slice3A_334 = vector.extract_strided_slice %get3A_1 {offsets = [0, 19328], sizes = [32, 128], strides = [1, 1]} : vector<32x65536xf32> to vector<32x128xf32>
    %concatenate3A_335 = tpu.concatenate %slice3A_331, %slice3A_332, %slice3A_333, %slice3A_334 in 0 : vector<32x128xf32>, vector<32x128xf32>, vector<32x128xf32>, vector<32x128xf32> -> vector<128x128xf32>
    %transpose3A_336 = tpu.transpose %concatenate3A_335, [1, 0] : vector<128x128xf32> -> vector<128x128xf32>
    %swap3A_337 = arith.constant 4736 : index
    %swap3A_338 = arith.constant 0 : index
    %swap3A_339 = vector.load %arg2[%swap3A_337, %swap3A_338] : memref<16384x128xf32, #tpu.memory_space<vmem>>, vector<128x128xf32>
    tpu.vector_store %arg2[%swap3A_337, %swap3A_338], %transpose3A_336 {strides = array<i32>} : memref<16384x128xf32, #tpu.memory_space<vmem>>, vector<128x128xf32>,
    %slice3A_340 = vector.extract_strided_slice %get3A_1 {offsets = [0, 19456], sizes = [32, 128], strides = [1, 1]} : vector<32x65536xf32> to vector<32x128xf32>
    %slice3A_341 = vector.extract_strided_slice %get3A_1 {offsets = [0, 19584], sizes = [32, 128], strides = [1, 1]} : vector<32x65536xf32> to vector<32x128xf32>
    %slice3A_342 = vector.extract_strided_slice %get3A_1 {offsets = [0, 19712], sizes = [32, 128], strides = [1, 1]} : vector<32x65536xf32> to vector<32x128xf32>
    %slice3A_343 = vector.extract_strided_slice %get3A_1 {offsets = [0, 19840], sizes = [32, 128], strides = [1, 1]} : vector<32x65536xf32> to vector<32x128xf32>
    %concatenate3A_344 = tpu.concatenate %slice3A_340, %slice3A_341, %slice3A_342, %slice3A_343 in 0 : vector<32x128xf32>, vector<32x128xf32>, vector<32x128xf32>, vector<32x128xf32> -> vector<128x128xf32>
    %transpose3A_345 = tpu.transpose %concatenate3A_344, [1, 0] : vector<128x128xf32> -> vector<128x128xf32>
    %swap3A_346 = arith.constant 4864 : index
    %swap3A_347 = arith.constant 0 : index
    %swap3A_348 = vector.load %arg2[%swap3A_346, %swap3A_347] : memref<16384x128xf32, #tpu.memory_space<vmem>>, vector<128x128xf32>
    tpu.vector_store %arg2[%swap3A_346, %swap3A_347], %transpose3A_345 {strides = array<i32>} : memref<16384x128xf32, #tpu.memory_space<vmem>>, vector<128x128xf32>,
    %slice3A_349 = vector.extract_strided_slice %get3A_1 {offsets = [0, 19968], sizes = [32, 128], strides = [1, 1]} : vector<32x65536xf32> to vector<32x128xf32>
    %slice3A_350 = vector.extract_strided_slice %get3A_1 {offsets = [0, 20096], sizes = [32, 128], strides = [1, 1]} : vector<32x65536xf32> to vector<32x128xf32>
    %slice3A_351 = vector.extract_strided_slice %get3A_1 {offsets = [0, 20224], sizes = [32, 128], strides = [1, 1]} : vector<32x65536xf32> to vector<32x128xf32>
    %slice3A_352 = vector.extract_strided_slice %get3A_1 {offsets = [0, 20352], sizes = [32, 128], strides = [1, 1]} : vector<32x65536xf32> to vector<32x128xf32>
    %concatenate3A_353 = tpu.concatenate %slice3A_349, %slice3A_350, %slice3A_351, %slice3A_352 in 0 : vector<32x128xf32>, vector<32x128xf32>, vector<32x128xf32>, vector<32x128xf32> -> vector<128x128xf32>
    %transpose3A_354 = tpu.transpose %concatenate3A_353, [1, 0] : vector<128x128xf32> -> vector<128x128xf32>
    %swap3A_355 = arith.constant 4992 : index
    %swap3A_356 = arith.constant 0 : index
    %swap3A_357 = vector.load %arg2[%swap3A_355, %swap3A_356] : memref<16384x128xf32, #tpu.memory_space<vmem>>, vector<128x128xf32>
    tpu.vector_store %arg2[%swap3A_355, %swap3A_356], %transpose3A_354 {strides = array<i32>} : memref<16384x128xf32, #tpu.memory_space<vmem>>, vector<128x128xf32>,
    %slice3A_358 = vector.extract_strided_slice %get3A_1 {offsets = [0, 20480], sizes = [32, 128], strides = [1, 1]} : vector<32x65536xf32> to vector<32x128xf32>
    %slice3A_359 = vector.extract_strided_slice %get3A_1 {offsets = [0, 20608], sizes = [32, 128], strides = [1, 1]} : vector<32x65536xf32> to vector<32x128xf32>
    %slice3A_360 = vector.extract_strided_slice %get3A_1 {offsets = [0, 20736], sizes = [32, 128], strides = [1, 1]} : vector<32x65536xf32> to vector<32x128xf32>
    %slice3A_361 = vector.extract_strided_slice %get3A_1 {offsets = [0, 20864], sizes = [32, 128], strides = [1, 1]} : vector<32x65536xf32> to vector<32x128xf32>
    %concatenate3A_362 = tpu.concatenate %slice3A_358, %slice3A_359, %slice3A_360, %slice3A_361 in 0 : vector<32x128xf32>, vector<32x128xf32>, vector<32x128xf32>, vector<32x128xf32> -> vector<128x128xf32>
    %transpose3A_363 = tpu.transpose %concatenate3A_362, [1, 0] : vector<128x128xf32> -> vector<128x128xf32>
    %swap3A_364 = arith.constant 5120 : index
    %swap3A_365 = arith.constant 0 : index
    %swap3A_366 = vector.load %arg2[%swap3A_364, %swap3A_365] : memref<16384x128xf32, #tpu.memory_space<vmem>>, vector<128x128xf32>
    tpu.vector_store %arg2[%swap3A_364, %swap3A_365], %transpose3A_363 {strides = array<i32>} : memref<16384x128xf32, #tpu.memory_space<vmem>>, vector<128x128xf32>,
    %slice3A_367 = vector.extract_strided_slice %get3A_1 {offsets = [0, 20992], sizes = [32, 128], strides = [1, 1]} : vector<32x65536xf32> to vector<32x128xf32>
    %slice3A_368 = vector.extract_strided_slice %get3A_1 {offsets = [0, 21120], sizes = [32, 128], strides = [1, 1]} : vector<32x65536xf32> to vector<32x128xf32>
    %slice3A_369 = vector.extract_strided_slice %get3A_1 {offsets = [0, 21248], sizes = [32, 128], strides = [1, 1]} : vector<32x65536xf32> to vector<32x128xf32>
    %slice3A_370 = vector.extract_strided_slice %get3A_1 {offsets = [0, 21376], sizes = [32, 128], strides = [1, 1]} : vector<32x65536xf32> to vector<32x128xf32>
    %concatenate3A_371 = tpu.concatenate %slice3A_367, %slice3A_368, %slice3A_369, %slice3A_370 in 0 : vector<32x128xf32>, vector<32x128xf32>, vector<32x128xf32>, vector<32x128xf32> -> vector<128x128xf32>
    %transpose3A_372 = tpu.transpose %concatenate3A_371, [1, 0] : vector<128x128xf32> -> vector<128x128xf32>
    %swap3A_373 = arith.constant 5248 : index
    %swap3A_374 = arith.constant 0 : index
    %swap3A_375 = vector.load %arg2[%swap3A_373, %swap3A_374] : memref<16384x128xf32, #tpu.memory_space<vmem>>, vector<128x128xf32>
    tpu.vector_store %arg2[%swap3A_373, %swap3A_374], %transpose3A_372 {strides = array<i32>} : memref<16384x128xf32, #tpu.memory_space<vmem>>, vector<128x128xf32>,
    %slice3A_376 = vector.extract_strided_slice %get3A_1 {offsets = [0, 21504], sizes = [32, 128], strides = [1, 1]} : vector<32x65536xf32> to vector<32x128xf32>
    %slice3A_377 = vector.extract_strided_slice %get3A_1 {offsets = [0, 21632], sizes = [32, 128], strides = [1, 1]} : vector<32x65536xf32> to vector<32x128xf32>
    %slice3A_378 = vector.extract_strided_slice %get3A_1 {offsets = [0, 21760], sizes = [32, 128], strides = [1, 1]} : vector<32x65536xf32> to vector<32x128xf32>
    %slice3A_379 = vector.extract_strided_slice %get3A_1 {offsets = [0, 21888], sizes = [32, 128], strides = [1, 1]} : vector<32x65536xf32> to vector<32x128xf32>
    %concatenate3A_380 = tpu.concatenate %slice3A_376, %slice3A_377, %slice3A_378, %slice3A_379 in 0 : vector<32x128xf32>, vector<32x128xf32>, vector<32x128xf32>, vector<32x128xf32> -> vector<128x128xf32>
    %transpose3A_381 = tpu.transpose %concatenate3A_380, [1, 0] : vector<128x128xf32> -> vector<128x128xf32>
    %swap3A_382 = arith.constant 5376 : index
    %swap3A_383 = arith.constant 0 : index
    %swap3A_384 = vector.load %arg2[%swap3A_382, %swap3A_383] : memref<16384x128xf32, #tpu.memory_space<vmem>>, vector<128x128xf32>
    tpu.vector_store %arg2[%swap3A_382, %swap3A_383], %transpose3A_381 {strides = array<i32>} : memref<16384x128xf32, #tpu.memory_space<vmem>>, vector<128x128xf32>,
    %slice3A_385 = vector.extract_strided_slice %get3A_1 {offsets = [0, 22016], sizes = [32, 128], strides = [1, 1]} : vector<32x65536xf32> to vector<32x128xf32>
    %slice3A_386 = vector.extract_strided_slice %get3A_1 {offsets = [0, 22144], sizes = [32, 128], strides = [1, 1]} : vector<32x65536xf32> to vector<32x128xf32>
    %slice3A_387 = vector.extract_strided_slice %get3A_1 {offsets = [0, 22272], sizes = [32, 128], strides = [1, 1]} : vector<32x65536xf32> to vector<32x128xf32>
    %slice3A_388 = vector.extract_strided_slice %get3A_1 {offsets = [0, 22400], sizes = [32, 128], strides = [1, 1]} : vector<32x65536xf32> to vector<32x128xf32>
    %concatenate3A_389 = tpu.concatenate %slice3A_385, %slice3A_386, %slice3A_387, %slice3A_388 in 0 : vector<32x128xf32>, vector<32x128xf32>, vector<32x128xf32>, vector<32x128xf32> -> vector<128x128xf32>
    %transpose3A_390 = tpu.transpose %concatenate3A_389, [1, 0] : vector<128x128xf32> -> vector<128x128xf32>
    %swap3A_391 = arith.constant 5504 : index
    %swap3A_392 = arith.constant 0 : index
    %swap3A_393 = vector.load %arg2[%swap3A_391, %swap3A_392] : memref<16384x128xf32, #tpu.memory_space<vmem>>, vector<128x128xf32>
    tpu.vector_store %arg2[%swap3A_391, %swap3A_392], %transpose3A_390 {strides = array<i32>} : memref<16384x128xf32, #tpu.memory_space<vmem>>, vector<128x128xf32>,
    %slice3A_394 = vector.extract_strided_slice %get3A_1 {offsets = [0, 22528], sizes = [32, 128], strides = [1, 1]} : vector<32x65536xf32> to vector<32x128xf32>
    %slice3A_395 = vector.extract_strided_slice %get3A_1 {offsets = [0, 22656], sizes = [32, 128], strides = [1, 1]} : vector<32x65536xf32> to vector<32x128xf32>
    %slice3A_396 = vector.extract_strided_slice %get3A_1 {offsets = [0, 22784], sizes = [32, 128], strides = [1, 1]} : vector<32x65536xf32> to vector<32x128xf32>
    %slice3A_397 = vector.extract_strided_slice %get3A_1 {offsets = [0, 22912], sizes = [32, 128], strides = [1, 1]} : vector<32x65536xf32> to vector<32x128xf32>
    %concatenate3A_398 = tpu.concatenate %slice3A_394, %slice3A_395, %slice3A_396, %slice3A_397 in 0 : vector<32x128xf32>, vector<32x128xf32>, vector<32x128xf32>, vector<32x128xf32> -> vector<128x128xf32>
    %transpose3A_399 = tpu.transpose %concatenate3A_398, [1, 0] : vector<128x128xf32> -> vector<128x128xf32>
    %swap3A_400 = arith.constant 5632 : index
    %swap3A_401 = arith.constant 0 : index
    %swap3A_402 = vector.load %arg2[%swap3A_400, %swap3A_401] : memref<16384x128xf32, #tpu.memory_space<vmem>>, vector<128x128xf32>
    tpu.vector_store %arg2[%swap3A_400, %swap3A_401], %transpose3A_399 {strides = array<i32>} : memref<16384x128xf32, #tpu.memory_space<vmem>>, vector<128x128xf32>,
    %slice3A_403 = vector.extract_strided_slice %get3A_1 {offsets = [0, 23040], sizes = [32, 128], strides = [1, 1]} : vector<32x65536xf32> to vector<32x128xf32>
    %slice3A_404 = vector.extract_strided_slice %get3A_1 {offsets = [0, 23168], sizes = [32, 128], strides = [1, 1]} : vector<32x65536xf32> to vector<32x128xf32>
    %slice3A_405 = vector.extract_strided_slice %get3A_1 {offsets = [0, 23296], sizes = [32, 128], strides = [1, 1]} : vector<32x65536xf32> to vector<32x128xf32>
    %slice3A_406 = vector.extract_strided_slice %get3A_1 {offsets = [0, 23424], sizes = [32, 128], strides = [1, 1]} : vector<32x65536xf32> to vector<32x128xf32>
    %concatenate3A_407 = tpu.concatenate %slice3A_403, %slice3A_404, %slice3A_405, %slice3A_406 in 0 : vector<32x128xf32>, vector<32x128xf32>, vector<32x128xf32>, vector<32x128xf32> -> vector<128x128xf32>
    %transpose3A_408 = tpu.transpose %concatenate3A_407, [1, 0] : vector<128x128xf32> -> vector<128x128xf32>
    %swap3A_409 = arith.constant 5760 : index
    %swap3A_410 = arith.constant 0 : index
    %swap3A_411 = vector.load %arg2[%swap3A_409, %swap3A_410] : memref<16384x128xf32, #tpu.memory_space<vmem>>, vector<128x128xf32>
    tpu.vector_store %arg2[%swap3A_409, %swap3A_410], %transpose3A_408 {strides = array<i32>} : memref<16384x128xf32, #tpu.memory_space<vmem>>, vector<128x128xf32>,
    %slice3A_412 = vector.extract_strided_slice %get3A_1 {offsets = [0, 23552], sizes = [32, 128], strides = [1, 1]} : vector<32x65536xf32> to vector<32x128xf32>
    %slice3A_413 = vector.extract_strided_slice %get3A_1 {offsets = [0, 23680], sizes = [32, 128], strides = [1, 1]} : vector<32x65536xf32> to vector<32x128xf32>
    %slice3A_414 = vector.extract_strided_slice %get3A_1 {offsets = [0, 23808], sizes = [32, 128], strides = [1, 1]} : vector<32x65536xf32> to vector<32x128xf32>
    %slice3A_415 = vector.extract_strided_slice %get3A_1 {offsets = [0, 23936], sizes = [32, 128], strides = [1, 1]} : vector<32x65536xf32> to vector<32x128xf32>
    %concatenate3A_416 = tpu.concatenate %slice3A_412, %slice3A_413, %slice3A_414, %slice3A_415 in 0 : vector<32x128xf32>, vector<32x128xf32>, vector<32x128xf32>, vector<32x128xf32> -> vector<128x128xf32>
    %transpose3A_417 = tpu.transpose %concatenate3A_416, [1, 0] : vector<128x128xf32> -> vector<128x128xf32>
    %swap3A_418 = arith.constant 5888 : index
    %swap3A_419 = arith.constant 0 : index
    %swap3A_420 = vector.load %arg2[%swap3A_418, %swap3A_419] : memref<16384x128xf32, #tpu.memory_space<vmem>>, vector<128x128xf32>
    tpu.vector_store %arg2[%swap3A_418, %swap3A_419], %transpose3A_417 {strides = array<i32>} : memref<16384x128xf32, #tpu.memory_space<vmem>>, vector<128x128xf32>,
    %slice3A_421 = vector.extract_strided_slice %get3A_1 {offsets = [0, 24064], sizes = [32, 128], strides = [1, 1]} : vector<32x65536xf32> to vector<32x128xf32>
    %slice3A_422 = vector.extract_strided_slice %get3A_1 {offsets = [0, 24192], sizes = [32, 128], strides = [1, 1]} : vector<32x65536xf32> to vector<32x128xf32>
    %slice3A_423 = vector.extract_strided_slice %get3A_1 {offsets = [0, 24320], sizes = [32, 128], strides = [1, 1]} : vector<32x65536xf32> to vector<32x128xf32>
    %slice3A_424 = vector.extract_strided_slice %get3A_1 {offsets = [0, 24448], sizes = [32, 128], strides = [1, 1]} : vector<32x65536xf32> to vector<32x128xf32>
    %concatenate3A_425 = tpu.concatenate %slice3A_421, %slice3A_422, %slice3A_423, %slice3A_424 in 0 : vector<32x128xf32>, vector<32x128xf32>, vector<32x128xf32>, vector<32x128xf32> -> vector<128x128xf32>
    %transpose3A_426 = tpu.transpose %concatenate3A_425, [1, 0] : vector<128x128xf32> -> vector<128x128xf32>
    %swap3A_427 = arith.constant 6016 : index
    %swap3A_428 = arith.constant 0 : index
    %swap3A_429 = vector.load %arg2[%swap3A_427, %swap3A_428] : memref<16384x128xf32, #tpu.memory_space<vmem>>, vector<128x128xf32>
    tpu.vector_store %arg2[%swap3A_427, %swap3A_428], %transpose3A_426 {strides = array<i32>} : memref<16384x128xf32, #tpu.memory_space<vmem>>, vector<128x128xf32>,
    %slice3A_430 = vector.extract_strided_slice %get3A_1 {offsets = [0, 24576], sizes = [32, 128], strides = [1, 1]} : vector<32x65536xf32> to vector<32x128xf32>
    %slice3A_431 = vector.extract_strided_slice %get3A_1 {offsets = [0, 24704], sizes = [32, 128], strides = [1, 1]} : vector<32x65536xf32> to vector<32x128xf32>
    %slice3A_432 = vector.extract_strided_slice %get3A_1 {offsets = [0, 24832], sizes = [32, 128], strides = [1, 1]} : vector<32x65536xf32> to vector<32x128xf32>
    %slice3A_433 = vector.extract_strided_slice %get3A_1 {offsets = [0, 24960], sizes = [32, 128], strides = [1, 1]} : vector<32x65536xf32> to vector<32x128xf32>
    %concatenate3A_434 = tpu.concatenate %slice3A_430, %slice3A_431, %slice3A_432, %slice3A_433 in 0 : vector<32x128xf32>, vector<32x128xf32>, vector<32x128xf32>, vector<32x128xf32> -> vector<128x128xf32>
    %transpose3A_435 = tpu.transpose %concatenate3A_434, [1, 0] : vector<128x128xf32> -> vector<128x128xf32>
    %swap3A_436 = arith.constant 6144 : index
    %swap3A_437 = arith.constant 0 : index
    %swap3A_438 = vector.load %arg2[%swap3A_436, %swap3A_437] : memref<16384x128xf32, #tpu.memory_space<vmem>>, vector<128x128xf32>
    tpu.vector_store %arg2[%swap3A_436, %swap3A_437], %transpose3A_435 {strides = array<i32>} : memref<16384x128xf32, #tpu.memory_space<vmem>>, vector<128x128xf32>,
    %slice3A_439 = vector.extract_strided_slice %get3A_1 {offsets = [0, 25088], sizes = [32, 128], strides = [1, 1]} : vector<32x65536xf32> to vector<32x128xf32>
    %slice3A_440 = vector.extract_strided_slice %get3A_1 {offsets = [0, 25216], sizes = [32, 128], strides = [1, 1]} : vector<32x65536xf32> to vector<32x128xf32>
    %slice3A_441 = vector.extract_strided_slice %get3A_1 {offsets = [0, 25344], sizes = [32, 128], strides = [1, 1]} : vector<32x65536xf32> to vector<32x128xf32>
    %slice3A_442 = vector.extract_strided_slice %get3A_1 {offsets = [0, 25472], sizes = [32, 128], strides = [1, 1]} : vector<32x65536xf32> to vector<32x128xf32>
    %concatenate3A_443 = tpu.concatenate %slice3A_439, %slice3A_440, %slice3A_441, %slice3A_442 in 0 : vector<32x128xf32>, vector<32x128xf32>, vector<32x128xf32>, vector<32x128xf32> -> vector<128x128xf32>
    %transpose3A_444 = tpu.transpose %concatenate3A_443, [1, 0] : vector<128x128xf32> -> vector<128x128xf32>
    %swap3A_445 = arith.constant 6272 : index
    %swap3A_446 = arith.constant 0 : index
    %swap3A_447 = vector.load %arg2[%swap3A_445, %swap3A_446] : memref<16384x128xf32, #tpu.memory_space<vmem>>, vector<128x128xf32>
    tpu.vector_store %arg2[%swap3A_445, %swap3A_446], %transpose3A_444 {strides = array<i32>} : memref<16384x128xf32, #tpu.memory_space<vmem>>, vector<128x128xf32>,
    %slice3A_448 = vector.extract_strided_slice %get3A_1 {offsets = [0, 25600], sizes = [32, 128], strides = [1, 1]} : vector<32x65536xf32> to vector<32x128xf32>
    %slice3A_449 = vector.extract_strided_slice %get3A_1 {offsets = [0, 25728], sizes = [32, 128], strides = [1, 1]} : vector<32x65536xf32> to vector<32x128xf32>
    %slice3A_450 = vector.extract_strided_slice %get3A_1 {offsets = [0, 25856], sizes = [32, 128], strides = [1, 1]} : vector<32x65536xf32> to vector<32x128xf32>
    %slice3A_451 = vector.extract_strided_slice %get3A_1 {offsets = [0, 25984], sizes = [32, 128], strides = [1, 1]} : vector<32x65536xf32> to vector<32x128xf32>
    %concatenate3A_452 = tpu.concatenate %slice3A_448, %slice3A_449, %slice3A_450, %slice3A_451 in 0 : vector<32x128xf32>, vector<32x128xf32>, vector<32x128xf32>, vector<32x128xf32> -> vector<128x128xf32>
    %transpose3A_453 = tpu.transpose %concatenate3A_452, [1, 0] : vector<128x128xf32> -> vector<128x128xf32>
    %swap3A_454 = arith.constant 6400 : index
    %swap3A_455 = arith.constant 0 : index
    %swap3A_456 = vector.load %arg2[%swap3A_454, %swap3A_455] : memref<16384x128xf32, #tpu.memory_space<vmem>>, vector<128x128xf32>
    tpu.vector_store %arg2[%swap3A_454, %swap3A_455], %transpose3A_453 {strides = array<i32>} : memref<16384x128xf32, #tpu.memory_space<vmem>>, vector<128x128xf32>,
    %slice3A_457 = vector.extract_strided_slice %get3A_1 {offsets = [0, 26112], sizes = [32, 128], strides = [1, 1]} : vector<32x65536xf32> to vector<32x128xf32>
    %slice3A_458 = vector.extract_strided_slice %get3A_1 {offsets = [0, 26240], sizes = [32, 128], strides = [1, 1]} : vector<32x65536xf32> to vector<32x128xf32>
    %slice3A_459 = vector.extract_strided_slice %get3A_1 {offsets = [0, 26368], sizes = [32, 128], strides = [1, 1]} : vector<32x65536xf32> to vector<32x128xf32>
    %slice3A_460 = vector.extract_strided_slice %get3A_1 {offsets = [0, 26496], sizes = [32, 128], strides = [1, 1]} : vector<32x65536xf32> to vector<32x128xf32>
    %concatenate3A_461 = tpu.concatenate %slice3A_457, %slice3A_458, %slice3A_459, %slice3A_460 in 0 : vector<32x128xf32>, vector<32x128xf32>, vector<32x128xf32>, vector<32x128xf32> -> vector<128x128xf32>
    %transpose3A_462 = tpu.transpose %concatenate3A_461, [1, 0] : vector<128x128xf32> -> vector<128x128xf32>
    %swap3A_463 = arith.constant 6528 : index
    %swap3A_464 = arith.constant 0 : index
    %swap3A_465 = vector.load %arg2[%swap3A_463, %swap3A_464] : memref<16384x128xf32, #tpu.memory_space<vmem>>, vector<128x128xf32>
    tpu.vector_store %arg2[%swap3A_463, %swap3A_464], %transpose3A_462 {strides = array<i32>} : memref<16384x128xf32, #tpu.memory_space<vmem>>, vector<128x128xf32>,
    %slice3A_466 = vector.extract_strided_slice %get3A_1 {offsets = [0, 26624], sizes = [32, 128], strides = [1, 1]} : vector<32x65536xf32> to vector<32x128xf32>
    %slice3A_467 = vector.extract_strided_slice %get3A_1 {offsets = [0, 26752], sizes = [32, 128], strides = [1, 1]} : vector<32x65536xf32> to vector<32x128xf32>
    %slice3A_468 = vector.extract_strided_slice %get3A_1 {offsets = [0, 26880], sizes = [32, 128], strides = [1, 1]} : vector<32x65536xf32> to vector<32x128xf32>
    %slice3A_469 = vector.extract_strided_slice %get3A_1 {offsets = [0, 27008], sizes = [32, 128], strides = [1, 1]} : vector<32x65536xf32> to vector<32x128xf32>
    %concatenate3A_470 = tpu.concatenate %slice3A_466, %slice3A_467, %slice3A_468, %slice3A_469 in 0 : vector<32x128xf32>, vector<32x128xf32>, vector<32x128xf32>, vector<32x128xf32> -> vector<128x128xf32>
    %transpose3A_471 = tpu.transpose %concatenate3A_470, [1, 0] : vector<128x128xf32> -> vector<128x128xf32>
    %swap3A_472 = arith.constant 6656 : index
    %swap3A_473 = arith.constant 0 : index
    %swap3A_474 = vector.load %arg2[%swap3A_472, %swap3A_473] : memref<16384x128xf32, #tpu.memory_space<vmem>>, vector<128x128xf32>
    tpu.vector_store %arg2[%swap3A_472, %swap3A_473], %transpose3A_471 {strides = array<i32>} : memref<16384x128xf32, #tpu.memory_space<vmem>>, vector<128x128xf32>,
    %slice3A_475 = vector.extract_strided_slice %get3A_1 {offsets = [0, 27136], sizes = [32, 128], strides = [1, 1]} : vector<32x65536xf32> to vector<32x128xf32>
    %slice3A_476 = vector.extract_strided_slice %get3A_1 {offsets = [0, 27264], sizes = [32, 128], strides = [1, 1]} : vector<32x65536xf32> to vector<32x128xf32>
    %slice3A_477 = vector.extract_strided_slice %get3A_1 {offsets = [0, 27392], sizes = [32, 128], strides = [1, 1]} : vector<32x65536xf32> to vector<32x128xf32>
    %slice3A_478 = vector.extract_strided_slice %get3A_1 {offsets = [0, 27520], sizes = [32, 128], strides = [1, 1]} : vector<32x65536xf32> to vector<32x128xf32>
    %concatenate3A_479 = tpu.concatenate %slice3A_475, %slice3A_476, %slice3A_477, %slice3A_478 in 0 : vector<32x128xf32>, vector<32x128xf32>, vector<32x128xf32>, vector<32x128xf32> -> vector<128x128xf32>
    %transpose3A_480 = tpu.transpose %concatenate3A_479, [1, 0] : vector<128x128xf32> -> vector<128x128xf32>
    %swap3A_481 = arith.constant 6784 : index
    %swap3A_482 = arith.constant 0 : index
    %swap3A_483 = vector.load %arg2[%swap3A_481, %swap3A_482] : memref<16384x128xf32, #tpu.memory_space<vmem>>, vector<128x128xf32>
    tpu.vector_store %arg2[%swap3A_481, %swap3A_482], %transpose3A_480 {strides = array<i32>} : memref<16384x128xf32, #tpu.memory_space<vmem>>, vector<128x128xf32>,
    %slice3A_484 = vector.extract_strided_slice %get3A_1 {offsets = [0, 27648], sizes = [32, 128], strides = [1, 1]} : vector<32x65536xf32> to vector<32x128xf32>
    %slice3A_485 = vector.extract_strided_slice %get3A_1 {offsets = [0, 27776], sizes = [32, 128], strides = [1, 1]} : vector<32x65536xf32> to vector<32x128xf32>
    %slice3A_486 = vector.extract_strided_slice %get3A_1 {offsets = [0, 27904], sizes = [32, 128], strides = [1, 1]} : vector<32x65536xf32> to vector<32x128xf32>
    %slice3A_487 = vector.extract_strided_slice %get3A_1 {offsets = [0, 28032], sizes = [32, 128], strides = [1, 1]} : vector<32x65536xf32> to vector<32x128xf32>
    %concatenate3A_488 = tpu.concatenate %slice3A_484, %slice3A_485, %slice3A_486, %slice3A_487 in 0 : vector<32x128xf32>, vector<32x128xf32>, vector<32x128xf32>, vector<32x128xf32> -> vector<128x128xf32>
    %transpose3A_489 = tpu.transpose %concatenate3A_488, [1, 0] : vector<128x128xf32> -> vector<128x128xf32>
    %swap3A_490 = arith.constant 6912 : index
    %swap3A_491 = arith.constant 0 : index
    %swap3A_492 = vector.load %arg2[%swap3A_490, %swap3A_491] : memref<16384x128xf32, #tpu.memory_space<vmem>>, vector<128x128xf32>
    tpu.vector_store %arg2[%swap3A_490, %swap3A_491], %transpose3A_489 {strides = array<i32>} : memref<16384x128xf32, #tpu.memory_space<vmem>>, vector<128x128xf32>,
    %slice3A_493 = vector.extract_strided_slice %get3A_1 {offsets = [0, 28160], sizes = [32, 128], strides = [1, 1]} : vector<32x65536xf32> to vector<32x128xf32>
    %slice3A_494 = vector.extract_strided_slice %get3A_1 {offsets = [0, 28288], sizes = [32, 128], strides = [1, 1]} : vector<32x65536xf32> to vector<32x128xf32>
    %slice3A_495 = vector.extract_strided_slice %get3A_1 {offsets = [0, 28416], sizes = [32, 128], strides = [1, 1]} : vector<32x65536xf32> to vector<32x128xf32>
    %slice3A_496 = vector.extract_strided_slice %get3A_1 {offsets = [0, 28544], sizes = [32, 128], strides = [1, 1]} : vector<32x65536xf32> to vector<32x128xf32>
    %concatenate3A_497 = tpu.concatenate %slice3A_493, %slice3A_494, %slice3A_495, %slice3A_496 in 0 : vector<32x128xf32>, vector<32x128xf32>, vector<32x128xf32>, vector<32x128xf32> -> vector<128x128xf32>
    %transpose3A_498 = tpu.transpose %concatenate3A_497, [1, 0] : vector<128x128xf32> -> vector<128x128xf32>
    %swap3A_499 = arith.constant 7040 : index
    %swap3A_500 = arith.constant 0 : index
    %swap3A_501 = vector.load %arg2[%swap3A_499, %swap3A_500] : memref<16384x128xf32, #tpu.memory_space<vmem>>, vector<128x128xf32>
    tpu.vector_store %arg2[%swap3A_499, %swap3A_500], %transpose3A_498 {strides = array<i32>} : memref<16384x128xf32, #tpu.memory_space<vmem>>, vector<128x128xf32>,
    %slice3A_502 = vector.extract_strided_slice %get3A_1 {offsets = [0, 28672], sizes = [32, 128], strides = [1, 1]} : vector<32x65536xf32> to vector<32x128xf32>
    %slice3A_503 = vector.extract_strided_slice %get3A_1 {offsets = [0, 28800], sizes = [32, 128], strides = [1, 1]} : vector<32x65536xf32> to vector<32x128xf32>
    %slice3A_504 = vector.extract_strided_slice %get3A_1 {offsets = [0, 28928], sizes = [32, 128], strides = [1, 1]} : vector<32x65536xf32> to vector<32x128xf32>
    %slice3A_505 = vector.extract_strided_slice %get3A_1 {offsets = [0, 29056], sizes = [32, 128], strides = [1, 1]} : vector<32x65536xf32> to vector<32x128xf32>
    %concatenate3A_506 = tpu.concatenate %slice3A_502, %slice3A_503, %slice3A_504, %slice3A_505 in 0 : vector<32x128xf32>, vector<32x128xf32>, vector<32x128xf32>, vector<32x128xf32> -> vector<128x128xf32>
    %transpose3A_507 = tpu.transpose %concatenate3A_506, [1, 0] : vector<128x128xf32> -> vector<128x128xf32>
    %swap3A_508 = arith.constant 7168 : index
    %swap3A_509 = arith.constant 0 : index
    %swap3A_510 = vector.load %arg2[%swap3A_508, %swap3A_509] : memref<16384x128xf32, #tpu.memory_space<vmem>>, vector<128x128xf32>
    tpu.vector_store %arg2[%swap3A_508, %swap3A_509], %transpose3A_507 {strides = array<i32>} : memref<16384x128xf32, #tpu.memory_space<vmem>>, vector<128x128xf32>,
    %slice3A_511 = vector.extract_strided_slice %get3A_1 {offsets = [0, 29184], sizes = [32, 128], strides = [1, 1]} : vector<32x65536xf32> to vector<32x128xf32>
    %slice3A_512 = vector.extract_strided_slice %get3A_1 {offsets = [0, 29312], sizes = [32, 128], strides = [1, 1]} : vector<32x65536xf32> to vector<32x128xf32>
    %slice3A_513 = vector.extract_strided_slice %get3A_1 {offsets = [0, 29440], sizes = [32, 128], strides = [1, 1]} : vector<32x65536xf32> to vector<32x128xf32>
    %slice3A_514 = vector.extract_strided_slice %get3A_1 {offsets = [0, 29568], sizes = [32, 128], strides = [1, 1]} : vector<32x65536xf32> to vector<32x128xf32>
    %concatenate3A_515 = tpu.concatenate %slice3A_511, %slice3A_512, %slice3A_513, %slice3A_514 in 0 : vector<32x128xf32>, vector<32x128xf32>, vector<32x128xf32>, vector<32x128xf32> -> vector<128x128xf32>
    %transpose3A_516 = tpu.transpose %concatenate3A_515, [1, 0] : vector<128x128xf32> -> vector<128x128xf32>
    %swap3A_517 = arith.constant 7296 : index
    %swap3A_518 = arith.constant 0 : index
    %swap3A_519 = vector.load %arg2[%swap3A_517, %swap3A_518] : memref<16384x128xf32, #tpu.memory_space<vmem>>, vector<128x128xf32>
    tpu.vector_store %arg2[%swap3A_517, %swap3A_518], %transpose3A_516 {strides = array<i32>} : memref<16384x128xf32, #tpu.memory_space<vmem>>, vector<128x128xf32>,
    %slice3A_520 = vector.extract_strided_slice %get3A_1 {offsets = [0, 29696], sizes = [32, 128], strides = [1, 1]} : vector<32x65536xf32> to vector<32x128xf32>
    %slice3A_521 = vector.extract_strided_slice %get3A_1 {offsets = [0, 29824], sizes = [32, 128], strides = [1, 1]} : vector<32x65536xf32> to vector<32x128xf32>
    %slice3A_522 = vector.extract_strided_slice %get3A_1 {offsets = [0, 29952], sizes = [32, 128], strides = [1, 1]} : vector<32x65536xf32> to vector<32x128xf32>
    %slice3A_523 = vector.extract_strided_slice %get3A_1 {offsets = [0, 30080], sizes = [32, 128], strides = [1, 1]} : vector<32x65536xf32> to vector<32x128xf32>
    %concatenate3A_524 = tpu.concatenate %slice3A_520, %slice3A_521, %slice3A_522, %slice3A_523 in 0 : vector<32x128xf32>, vector<32x128xf32>, vector<32x128xf32>, vector<32x128xf32> -> vector<128x128xf32>
    %transpose3A_525 = tpu.transpose %concatenate3A_524, [1, 0] : vector<128x128xf32> -> vector<128x128xf32>
    %swap3A_526 = arith.constant 7424 : index
    %swap3A_527 = arith.constant 0 : index
    %swap3A_528 = vector.load %arg2[%swap3A_526, %swap3A_527] : memref<16384x128xf32, #tpu.memory_space<vmem>>, vector<128x128xf32>
    tpu.vector_store %arg2[%swap3A_526, %swap3A_527], %transpose3A_525 {strides = array<i32>} : memref<16384x128xf32, #tpu.memory_space<vmem>>, vector<128x128xf32>,
    %slice3A_529 = vector.extract_strided_slice %get3A_1 {offsets = [0, 30208], sizes = [32, 128], strides = [1, 1]} : vector<32x65536xf32> to vector<32x128xf32>
    %slice3A_530 = vector.extract_strided_slice %get3A_1 {offsets = [0, 30336], sizes = [32, 128], strides = [1, 1]} : vector<32x65536xf32> to vector<32x128xf32>
    %slice3A_531 = vector.extract_strided_slice %get3A_1 {offsets = [0, 30464], sizes = [32, 128], strides = [1, 1]} : vector<32x65536xf32> to vector<32x128xf32>
    %slice3A_532 = vector.extract_strided_slice %get3A_1 {offsets = [0, 30592], sizes = [32, 128], strides = [1, 1]} : vector<32x65536xf32> to vector<32x128xf32>
    %concatenate3A_533 = tpu.concatenate %slice3A_529, %slice3A_530, %slice3A_531, %slice3A_532 in 0 : vector<32x128xf32>, vector<32x128xf32>, vector<32x128xf32>, vector<32x128xf32> -> vector<128x128xf32>
    %transpose3A_534 = tpu.transpose %concatenate3A_533, [1, 0] : vector<128x128xf32> -> vector<128x128xf32>
    %swap3A_535 = arith.constant 7552 : index
    %swap3A_536 = arith.constant 0 : index
    %swap3A_537 = vector.load %arg2[%swap3A_535, %swap3A_536] : memref<16384x128xf32, #tpu.memory_space<vmem>>, vector<128x128xf32>
    tpu.vector_store %arg2[%swap3A_535, %swap3A_536], %transpose3A_534 {strides = array<i32>} : memref<16384x128xf32, #tpu.memory_space<vmem>>, vector<128x128xf32>,
    %slice3A_538 = vector.extract_strided_slice %get3A_1 {offsets = [0, 30720], sizes = [32, 128], strides = [1, 1]} : vector<32x65536xf32> to vector<32x128xf32>
    %slice3A_539 = vector.extract_strided_slice %get3A_1 {offsets = [0, 30848], sizes = [32, 128], strides = [1, 1]} : vector<32x65536xf32> to vector<32x128xf32>
    %slice3A_540 = vector.extract_strided_slice %get3A_1 {offsets = [0, 30976], sizes = [32, 128], strides = [1, 1]} : vector<32x65536xf32> to vector<32x128xf32>
    %slice3A_541 = vector.extract_strided_slice %get3A_1 {offsets = [0, 31104], sizes = [32, 128], strides = [1, 1]} : vector<32x65536xf32> to vector<32x128xf32>
    %concatenate3A_542 = tpu.concatenate %slice3A_538, %slice3A_539, %slice3A_540, %slice3A_541 in 0 : vector<32x128xf32>, vector<32x128xf32>, vector<32x128xf32>, vector<32x128xf32> -> vector<128x128xf32>
    %transpose3A_543 = tpu.transpose %concatenate3A_542, [1, 0] : vector<128x128xf32> -> vector<128x128xf32>
    %swap3A_544 = arith.constant 7680 : index
    %swap3A_545 = arith.constant 0 : index
    %swap3A_546 = vector.load %arg2[%swap3A_544, %swap3A_545] : memref<16384x128xf32, #tpu.memory_space<vmem>>, vector<128x128xf32>
    tpu.vector_store %arg2[%swap3A_544, %swap3A_545], %transpose3A_543 {strides = array<i32>} : memref<16384x128xf32, #tpu.memory_space<vmem>>, vector<128x128xf32>,
    %slice3A_547 = vector.extract_strided_slice %get3A_1 {offsets = [0, 31232], sizes = [32, 128], strides = [1, 1]} : vector<32x65536xf32> to vector<32x128xf32>
    %slice3A_548 = vector.extract_strided_slice %get3A_1 {offsets = [0, 31360], sizes = [32, 128], strides = [1, 1]} : vector<32x65536xf32> to vector<32x128xf32>
    %slice3A_549 = vector.extract_strided_slice %get3A_1 {offsets = [0, 31488], sizes = [32, 128], strides = [1, 1]} : vector<32x65536xf32> to vector<32x128xf32>
    %slice3A_550 = vector.extract_strided_slice %get3A_1 {offsets = [0, 31616], sizes = [32, 128], strides = [1, 1]} : vector<32x65536xf32> to vector<32x128xf32>
    %concatenate3A_551 = tpu.concatenate %slice3A_547, %slice3A_548, %slice3A_549, %slice3A_550 in 0 : vector<32x128xf32>, vector<32x128xf32>, vector<32x128xf32>, vector<32x128xf32> -> vector<128x128xf32>
    %transpose3A_552 = tpu.transpose %concatenate3A_551, [1, 0] : vector<128x128xf32> -> vector<128x128xf32>
    %swap3A_553 = arith.constant 7808 : index
    %swap3A_554 = arith.constant 0 : index
    %swap3A_555 = vector.load %arg2[%swap3A_553, %swap3A_554] : memref<16384x128xf32, #tpu.memory_space<vmem>>, vector<128x128xf32>
    tpu.vector_store %arg2[%swap3A_553, %swap3A_554], %transpose3A_552 {strides = array<i32>} : memref<16384x128xf32, #tpu.memory_space<vmem>>, vector<128x128xf32>,
    %slice3A_556 = vector.extract_strided_slice %get3A_1 {offsets = [0, 31744], sizes = [32, 128], strides = [1, 1]} : vector<32x65536xf32> to vector<32x128xf32>
    %slice3A_557 = vector.extract_strided_slice %get3A_1 {offsets = [0, 31872], sizes = [32, 128], strides = [1, 1]} : vector<32x65536xf32> to vector<32x128xf32>
    %slice3A_558 = vector.extract_strided_slice %get3A_1 {offsets = [0, 32000], sizes = [32, 128], strides = [1, 1]} : vector<32x65536xf32> to vector<32x128xf32>
    %slice3A_559 = vector.extract_strided_slice %get3A_1 {offsets = [0, 32128], sizes = [32, 128], strides = [1, 1]} : vector<32x65536xf32> to vector<32x128xf32>
    %concatenate3A_560 = tpu.concatenate %slice3A_556, %slice3A_557, %slice3A_558, %slice3A_559 in 0 : vector<32x128xf32>, vector<32x128xf32>, vector<32x128xf32>, vector<32x128xf32> -> vector<128x128xf32>
    %transpose3A_561 = tpu.transpose %concatenate3A_560, [1, 0] : vector<128x128xf32> -> vector<128x128xf32>
    %swap3A_562 = arith.constant 7936 : index
    %swap3A_563 = arith.constant 0 : index
    %swap3A_564 = vector.load %arg2[%swap3A_562, %swap3A_563] : memref<16384x128xf32, #tpu.memory_space<vmem>>, vector<128x128xf32>
    tpu.vector_store %arg2[%swap3A_562, %swap3A_563], %transpose3A_561 {strides = array<i32>} : memref<16384x128xf32, #tpu.memory_space<vmem>>, vector<128x128xf32>,
    %slice3A_565 = vector.extract_strided_slice %get3A_1 {offsets = [0, 32256], sizes = [32, 128], strides = [1, 1]} : vector<32x65536xf32> to vector<32x128xf32>
    %slice3A_566 = vector.extract_strided_slice %get3A_1 {offsets = [0, 32384], sizes = [32, 128], strides = [1, 1]} : vector<32x65536xf32> to vector<32x128xf32>
    %slice3A_567 = vector.extract_strided_slice %get3A_1 {offsets = [0, 32512], sizes = [32, 128], strides = [1, 1]} : vector<32x65536xf32> to vector<32x128xf32>
    %slice3A_568 = vector.extract_strided_slice %get3A_1 {offsets = [0, 32640], sizes = [32, 128], strides = [1, 1]} : vector<32x65536xf32> to vector<32x128xf32>
    %concatenate3A_569 = tpu.concatenate %slice3A_565, %slice3A_566, %slice3A_567, %slice3A_568 in 0 : vector<32x128xf32>, vector<32x128xf32>, vector<32x128xf32>, vector<32x128xf32> -> vector<128x128xf32>
    %transpose3A_570 = tpu.transpose %concatenate3A_569, [1, 0] : vector<128x128xf32> -> vector<128x128xf32>
    %swap3A_571 = arith.constant 8064 : index
    %swap3A_572 = arith.constant 0 : index
    %swap3A_573 = vector.load %arg2[%swap3A_571, %swap3A_572] : memref<16384x128xf32, #tpu.memory_space<vmem>>, vector<128x128xf32>
    tpu.vector_store %arg2[%swap3A_571, %swap3A_572], %transpose3A_570 {strides = array<i32>} : memref<16384x128xf32, #tpu.memory_space<vmem>>, vector<128x128xf32>,
    %slice3A_574 = vector.extract_strided_slice %get3A_1 {offsets = [0, 32768], sizes = [32, 128], strides = [1, 1]} : vector<32x65536xf32> to vector<32x128xf32>
    %slice3A_575 = vector.extract_strided_slice %get3A_1 {offsets = [0, 32896], sizes = [32, 128], strides = [1, 1]} : vector<32x65536xf32> to vector<32x128xf32>
    %slice3A_576 = vector.extract_strided_slice %get3A_1 {offsets = [0, 33024], sizes = [32, 128], strides = [1, 1]} : vector<32x65536xf32> to vector<32x128xf32>
    %slice3A_577 = vector.extract_strided_slice %get3A_1 {offsets = [0, 33152], sizes = [32, 128], strides = [1, 1]} : vector<32x65536xf32> to vector<32x128xf32>
    %concatenate3A_578 = tpu.concatenate %slice3A_574, %slice3A_575, %slice3A_576, %slice3A_577 in 0 : vector<32x128xf32>, vector<32x128xf32>, vector<32x128xf32>, vector<32x128xf32> -> vector<128x128xf32>
    %transpose3A_579 = tpu.transpose %concatenate3A_578, [1, 0] : vector<128x128xf32> -> vector<128x128xf32>
    %swap3A_580 = arith.constant 8192 : index
    %swap3A_581 = arith.constant 0 : index
    %swap3A_582 = vector.load %arg2[%swap3A_580, %swap3A_581] : memref<16384x128xf32, #tpu.memory_space<vmem>>, vector<128x128xf32>
    tpu.vector_store %arg2[%swap3A_580, %swap3A_581], %transpose3A_579 {strides = array<i32>} : memref<16384x128xf32, #tpu.memory_space<vmem>>, vector<128x128xf32>,
    %slice3A_583 = vector.extract_strided_slice %get3A_1 {offsets = [0, 33280], sizes = [32, 128], strides = [1, 1]} : vector<32x65536xf32> to vector<32x128xf32>
    %slice3A_584 = vector.extract_strided_slice %get3A_1 {offsets = [0, 33408], sizes = [32, 128], strides = [1, 1]} : vector<32x65536xf32> to vector<32x128xf32>
    %slice3A_585 = vector.extract_strided_slice %get3A_1 {offsets = [0, 33536], sizes = [32, 128], strides = [1, 1]} : vector<32x65536xf32> to vector<32x128xf32>
    %slice3A_586 = vector.extract_strided_slice %get3A_1 {offsets = [0, 33664], sizes = [32, 128], strides = [1, 1]} : vector<32x65536xf32> to vector<32x128xf32>
    %concatenate3A_587 = tpu.concatenate %slice3A_583, %slice3A_584, %slice3A_585, %slice3A_586 in 0 : vector<32x128xf32>, vector<32x128xf32>, vector<32x128xf32>, vector<32x128xf32> -> vector<128x128xf32>
    %transpose3A_588 = tpu.transpose %concatenate3A_587, [1, 0] : vector<128x128xf32> -> vector<128x128xf32>
    %swap3A_589 = arith.constant 8320 : index
    %swap3A_590 = arith.constant 0 : index
    %swap3A_591 = vector.load %arg2[%swap3A_589, %swap3A_590] : memref<16384x128xf32, #tpu.memory_space<vmem>>, vector<128x128xf32>
    tpu.vector_store %arg2[%swap3A_589, %swap3A_590], %transpose3A_588 {strides = array<i32>} : memref<16384x128xf32, #tpu.memory_space<vmem>>, vector<128x128xf32>,
    %slice3A_592 = vector.extract_strided_slice %get3A_1 {offsets = [0, 33792], sizes = [32, 128], strides = [1, 1]} : vector<32x65536xf32> to vector<32x128xf32>
    %slice3A_593 = vector.extract_strided_slice %get3A_1 {offsets = [0, 33920], sizes = [32, 128], strides = [1, 1]} : vector<32x65536xf32> to vector<32x128xf32>
    %slice3A_594 = vector.extract_strided_slice %get3A_1 {offsets = [0, 34048], sizes = [32, 128], strides = [1, 1]} : vector<32x65536xf32> to vector<32x128xf32>
    %slice3A_595 = vector.extract_strided_slice %get3A_1 {offsets = [0, 34176], sizes = [32, 128], strides = [1, 1]} : vector<32x65536xf32> to vector<32x128xf32>
    %concatenate3A_596 = tpu.concatenate %slice3A_592, %slice3A_593, %slice3A_594, %slice3A_595 in 0 : vector<32x128xf32>, vector<32x128xf32>, vector<32x128xf32>, vector<32x128xf32> -> vector<128x128xf32>
    %transpose3A_597 = tpu.transpose %concatenate3A_596, [1, 0] : vector<128x128xf32> -> vector<128x128xf32>
    %swap3A_598 = arith.constant 8448 : index
    %swap3A_599 = arith.constant 0 : index
    %swap3A_600 = vector.load %arg2[%swap3A_598, %swap3A_599] : memref<16384x128xf32, #tpu.memory_space<vmem>>, vector<128x128xf32>
    tpu.vector_store %arg2[%swap3A_598, %swap3A_599], %transpose3A_597 {strides = array<i32>} : memref<16384x128xf32, #tpu.memory_space<vmem>>, vector<128x128xf32>,
    %slice3A_601 = vector.extract_strided_slice %get3A_1 {offsets = [0, 34304], sizes = [32, 128], strides = [1, 1]} : vector<32x65536xf32> to vector<32x128xf32>
    %slice3A_602 = vector.extract_strided_slice %get3A_1 {offsets = [0, 34432], sizes = [32, 128], strides = [1, 1]} : vector<32x65536xf32> to vector<32x128xf32>
    %slice3A_603 = vector.extract_strided_slice %get3A_1 {offsets = [0, 34560], sizes = [32, 128], strides = [1, 1]} : vector<32x65536xf32> to vector<32x128xf32>
    %slice3A_604 = vector.extract_strided_slice %get3A_1 {offsets = [0, 34688], sizes = [32, 128], strides = [1, 1]} : vector<32x65536xf32> to vector<32x128xf32>
    %concatenate3A_605 = tpu.concatenate %slice3A_601, %slice3A_602, %slice3A_603, %slice3A_604 in 0 : vector<32x128xf32>, vector<32x128xf32>, vector<32x128xf32>, vector<32x128xf32> -> vector<128x128xf32>
    %transpose3A_606 = tpu.transpose %concatenate3A_605, [1, 0] : vector<128x128xf32> -> vector<128x128xf32>
    %swap3A_607 = arith.constant 8576 : index
    %swap3A_608 = arith.constant 0 : index
    %swap3A_609 = vector.load %arg2[%swap3A_607, %swap3A_608] : memref<16384x128xf32, #tpu.memory_space<vmem>>, vector<128x128xf32>
    tpu.vector_store %arg2[%swap3A_607, %swap3A_608], %transpose3A_606 {strides = array<i32>} : memref<16384x128xf32, #tpu.memory_space<vmem>>, vector<128x128xf32>,
    %slice3A_610 = vector.extract_strided_slice %get3A_1 {offsets = [0, 34816], sizes = [32, 128], strides = [1, 1]} : vector<32x65536xf32> to vector<32x128xf32>
    %slice3A_611 = vector.extract_strided_slice %get3A_1 {offsets = [0, 34944], sizes = [32, 128], strides = [1, 1]} : vector<32x65536xf32> to vector<32x128xf32>
    %slice3A_612 = vector.extract_strided_slice %get3A_1 {offsets = [0, 35072], sizes = [32, 128], strides = [1, 1]} : vector<32x65536xf32> to vector<32x128xf32>
    %slice3A_613 = vector.extract_strided_slice %get3A_1 {offsets = [0, 35200], sizes = [32, 128], strides = [1, 1]} : vector<32x65536xf32> to vector<32x128xf32>
    %concatenate3A_614 = tpu.concatenate %slice3A_610, %slice3A_611, %slice3A_612, %slice3A_613 in 0 : vector<32x128xf32>, vector<32x128xf32>, vector<32x128xf32>, vector<32x128xf32> -> vector<128x128xf32>
    %transpose3A_615 = tpu.transpose %concatenate3A_614, [1, 0] : vector<128x128xf32> -> vector<128x128xf32>
    %swap3A_616 = arith.constant 8704 : index
    %swap3A_617 = arith.constant 0 : index
    %swap3A_618 = vector.load %arg2[%swap3A_616, %swap3A_617] : memref<16384x128xf32, #tpu.memory_space<vmem>>, vector<128x128xf32>
    tpu.vector_store %arg2[%swap3A_616, %swap3A_617], %transpose3A_615 {strides = array<i32>} : memref<16384x128xf32, #tpu.memory_space<vmem>>, vector<128x128xf32>,
    %slice3A_619 = vector.extract_strided_slice %get3A_1 {offsets = [0, 35328], sizes = [32, 128], strides = [1, 1]} : vector<32x65536xf32> to vector<32x128xf32>
    %slice3A_620 = vector.extract_strided_slice %get3A_1 {offsets = [0, 35456], sizes = [32, 128], strides = [1, 1]} : vector<32x65536xf32> to vector<32x128xf32>
    %slice3A_621 = vector.extract_strided_slice %get3A_1 {offsets = [0, 35584], sizes = [32, 128], strides = [1, 1]} : vector<32x65536xf32> to vector<32x128xf32>
    %slice3A_622 = vector.extract_strided_slice %get3A_1 {offsets = [0, 35712], sizes = [32, 128], strides = [1, 1]} : vector<32x65536xf32> to vector<32x128xf32>
    %concatenate3A_623 = tpu.concatenate %slice3A_619, %slice3A_620, %slice3A_621, %slice3A_622 in 0 : vector<32x128xf32>, vector<32x128xf32>, vector<32x128xf32>, vector<32x128xf32> -> vector<128x128xf32>
    %transpose3A_624 = tpu.transpose %concatenate3A_623, [1, 0] : vector<128x128xf32> -> vector<128x128xf32>
    %swap3A_625 = arith.constant 8832 : index
    %swap3A_626 = arith.constant 0 : index
    %swap3A_627 = vector.load %arg2[%swap3A_625, %swap3A_626] : memref<16384x128xf32, #tpu.memory_space<vmem>>, vector<128x128xf32>
    tpu.vector_store %arg2[%swap3A_625, %swap3A_626], %transpose3A_624 {strides = array<i32>} : memref<16384x128xf32, #tpu.memory_space<vmem>>, vector<128x128xf32>,
    %slice3A_628 = vector.extract_strided_slice %get3A_1 {offsets = [0, 35840], sizes = [32, 128], strides = [1, 1]} : vector<32x65536xf32> to vector<32x128xf32>
    %slice3A_629 = vector.extract_strided_slice %get3A_1 {offsets = [0, 35968], sizes = [32, 128], strides = [1, 1]} : vector<32x65536xf32> to vector<32x128xf32>
    %slice3A_630 = vector.extract_strided_slice %get3A_1 {offsets = [0, 36096], sizes = [32, 128], strides = [1, 1]} : vector<32x65536xf32> to vector<32x128xf32>
    %slice3A_631 = vector.extract_strided_slice %get3A_1 {offsets = [0, 36224], sizes = [32, 128], strides = [1, 1]} : vector<32x65536xf32> to vector<32x128xf32>
    %concatenate3A_632 = tpu.concatenate %slice3A_628, %slice3A_629, %slice3A_630, %slice3A_631 in 0 : vector<32x128xf32>, vector<32x128xf32>, vector<32x128xf32>, vector<32x128xf32> -> vector<128x128xf32>
    %transpose3A_633 = tpu.transpose %concatenate3A_632, [1, 0] : vector<128x128xf32> -> vector<128x128xf32>
    %swap3A_634 = arith.constant 8960 : index
    %swap3A_635 = arith.constant 0 : index
    %swap3A_636 = vector.load %arg2[%swap3A_634, %swap3A_635] : memref<16384x128xf32, #tpu.memory_space<vmem>>, vector<128x128xf32>
    tpu.vector_store %arg2[%swap3A_634, %swap3A_635], %transpose3A_633 {strides = array<i32>} : memref<16384x128xf32, #tpu.memory_space<vmem>>, vector<128x128xf32>,
    %slice3A_637 = vector.extract_strided_slice %get3A_1 {offsets = [0, 36352], sizes = [32, 128], strides = [1, 1]} : vector<32x65536xf32> to vector<32x128xf32>
    %slice3A_638 = vector.extract_strided_slice %get3A_1 {offsets = [0, 36480], sizes = [32, 128], strides = [1, 1]} : vector<32x65536xf32> to vector<32x128xf32>
    %slice3A_639 = vector.extract_strided_slice %get3A_1 {offsets = [0, 36608], sizes = [32, 128], strides = [1, 1]} : vector<32x65536xf32> to vector<32x128xf32>
    %slice3A_640 = vector.extract_strided_slice %get3A_1 {offsets = [0, 36736], sizes = [32, 128], strides = [1, 1]} : vector<32x65536xf32> to vector<32x128xf32>
    %concatenate3A_641 = tpu.concatenate %slice3A_637, %slice3A_638, %slice3A_639, %slice3A_640 in 0 : vector<32x128xf32>, vector<32x128xf32>, vector<32x128xf32>, vector<32x128xf32> -> vector<128x128xf32>
    %transpose3A_642 = tpu.transpose %concatenate3A_641, [1, 0] : vector<128x128xf32> -> vector<128x128xf32>
    %swap3A_643 = arith.constant 9088 : index
    %swap3A_644 = arith.constant 0 : index
    %swap3A_645 = vector.load %arg2[%swap3A_643, %swap3A_644] : memref<16384x128xf32, #tpu.memory_space<vmem>>, vector<128x128xf32>
    tpu.vector_store %arg2[%swap3A_643, %swap3A_644], %transpose3A_642 {strides = array<i32>} : memref<16384x128xf32, #tpu.memory_space<vmem>>, vector<128x128xf32>,
    %slice3A_646 = vector.extract_strided_slice %get3A_1 {offsets = [0, 36864], sizes = [32, 128], strides = [1, 1]} : vector<32x65536xf32> to vector<32x128xf32>
    %slice3A_647 = vector.extract_strided_slice %get3A_1 {offsets = [0, 36992], sizes = [32, 128], strides = [1, 1]} : vector<32x65536xf32> to vector<32x128xf32>
    %slice3A_648 = vector.extract_strided_slice %get3A_1 {offsets = [0, 37120], sizes = [32, 128], strides = [1, 1]} : vector<32x65536xf32> to vector<32x128xf32>
    %slice3A_649 = vector.extract_strided_slice %get3A_1 {offsets = [0, 37248], sizes = [32, 128], strides = [1, 1]} : vector<32x65536xf32> to vector<32x128xf32>
    %concatenate3A_650 = tpu.concatenate %slice3A_646, %slice3A_647, %slice3A_648, %slice3A_649 in 0 : vector<32x128xf32>, vector<32x128xf32>, vector<32x128xf32>, vector<32x128xf32> -> vector<128x128xf32>
    %transpose3A_651 = tpu.transpose %concatenate3A_650, [1, 0] : vector<128x128xf32> -> vector<128x128xf32>
    %swap3A_652 = arith.constant 9216 : index
    %swap3A_653 = arith.constant 0 : index
    %swap3A_654 = vector.load %arg2[%swap3A_652, %swap3A_653] : memref<16384x128xf32, #tpu.memory_space<vmem>>, vector<128x128xf32>
    tpu.vector_store %arg2[%swap3A_652, %swap3A_653], %transpose3A_651 {strides = array<i32>} : memref<16384x128xf32, #tpu.memory_space<vmem>>, vector<128x128xf32>,
    %slice3A_655 = vector.extract_strided_slice %get3A_1 {offsets = [0, 37376], sizes = [32, 128], strides = [1, 1]} : vector<32x65536xf32> to vector<32x128xf32>
    %slice3A_656 = vector.extract_strided_slice %get3A_1 {offsets = [0, 37504], sizes = [32, 128], strides = [1, 1]} : vector<32x65536xf32> to vector<32x128xf32>
    %slice3A_657 = vector.extract_strided_slice %get3A_1 {offsets = [0, 37632], sizes = [32, 128], strides = [1, 1]} : vector<32x65536xf32> to vector<32x128xf32>
    %slice3A_658 = vector.extract_strided_slice %get3A_1 {offsets = [0, 37760], sizes = [32, 128], strides = [1, 1]} : vector<32x65536xf32> to vector<32x128xf32>
    %concatenate3A_659 = tpu.concatenate %slice3A_655, %slice3A_656, %slice3A_657, %slice3A_658 in 0 : vector<32x128xf32>, vector<32x128xf32>, vector<32x128xf32>, vector<32x128xf32> -> vector<128x128xf32>
    %transpose3A_660 = tpu.transpose %concatenate3A_659, [1, 0] : vector<128x128xf32> -> vector<128x128xf32>
    %swap3A_661 = arith.constant 9344 : index
    %swap3A_662 = arith.constant 0 : index
    %swap3A_663 = vector.load %arg2[%swap3A_661, %swap3A_662] : memref<16384x128xf32, #tpu.memory_space<vmem>>, vector<128x128xf32>
    tpu.vector_store %arg2[%swap3A_661, %swap3A_662], %transpose3A_660 {strides = array<i32>} : memref<16384x128xf32, #tpu.memory_space<vmem>>, vector<128x128xf32>,
    %slice3A_664 = vector.extract_strided_slice %get3A_1 {offsets = [0, 37888], sizes = [32, 128], strides = [1, 1]} : vector<32x65536xf32> to vector<32x128xf32>
    %slice3A_665 = vector.extract_strided_slice %get3A_1 {offsets = [0, 38016], sizes = [32, 128], strides = [1, 1]} : vector<32x65536xf32> to vector<32x128xf32>
    %slice3A_666 = vector.extract_strided_slice %get3A_1 {offsets = [0, 38144], sizes = [32, 128], strides = [1, 1]} : vector<32x65536xf32> to vector<32x128xf32>
    %slice3A_667 = vector.extract_strided_slice %get3A_1 {offsets = [0, 38272], sizes = [32, 128], strides = [1, 1]} : vector<32x65536xf32> to vector<32x128xf32>
    %concatenate3A_668 = tpu.concatenate %slice3A_664, %slice3A_665, %slice3A_666, %slice3A_667 in 0 : vector<32x128xf32>, vector<32x128xf32>, vector<32x128xf32>, vector<32x128xf32> -> vector<128x128xf32>
    %transpose3A_669 = tpu.transpose %concatenate3A_668, [1, 0] : vector<128x128xf32> -> vector<128x128xf32>
    %swap3A_670 = arith.constant 9472 : index
    %swap3A_671 = arith.constant 0 : index
    %swap3A_672 = vector.load %arg2[%swap3A_670, %swap3A_671] : memref<16384x128xf32, #tpu.memory_space<vmem>>, vector<128x128xf32>
    tpu.vector_store %arg2[%swap3A_670, %swap3A_671], %transpose3A_669 {strides = array<i32>} : memref<16384x128xf32, #tpu.memory_space<vmem>>, vector<128x128xf32>,
    %slice3A_673 = vector.extract_strided_slice %get3A_1 {offsets = [0, 38400], sizes = [32, 128], strides = [1, 1]} : vector<32x65536xf32> to vector<32x128xf32>
    %slice3A_674 = vector.extract_strided_slice %get3A_1 {offsets = [0, 38528], sizes = [32, 128], strides = [1, 1]} : vector<32x65536xf32> to vector<32x128xf32>
    %slice3A_675 = vector.extract_strided_slice %get3A_1 {offsets = [0, 38656], sizes = [32, 128], strides = [1, 1]} : vector<32x65536xf32> to vector<32x128xf32>
    %slice3A_676 = vector.extract_strided_slice %get3A_1 {offsets = [0, 38784], sizes = [32, 128], strides = [1, 1]} : vector<32x65536xf32> to vector<32x128xf32>
    %concatenate3A_677 = tpu.concatenate %slice3A_673, %slice3A_674, %slice3A_675, %slice3A_676 in 0 : vector<32x128xf32>, vector<32x128xf32>, vector<32x128xf32>, vector<32x128xf32> -> vector<128x128xf32>
    %transpose3A_678 = tpu.transpose %concatenate3A_677, [1, 0] : vector<128x128xf32> -> vector<128x128xf32>
    %swap3A_679 = arith.constant 9600 : index
    %swap3A_680 = arith.constant 0 : index
    %swap3A_681 = vector.load %arg2[%swap3A_679, %swap3A_680] : memref<16384x128xf32, #tpu.memory_space<vmem>>, vector<128x128xf32>
    tpu.vector_store %arg2[%swap3A_679, %swap3A_680], %transpose3A_678 {strides = array<i32>} : memref<16384x128xf32, #tpu.memory_space<vmem>>, vector<128x128xf32>,
    %slice3A_682 = vector.extract_strided_slice %get3A_1 {offsets = [0, 38912], sizes = [32, 128], strides = [1, 1]} : vector<32x65536xf32> to vector<32x128xf32>
    %slice3A_683 = vector.extract_strided_slice %get3A_1 {offsets = [0, 39040], sizes = [32, 128], strides = [1, 1]} : vector<32x65536xf32> to vector<32x128xf32>
    %slice3A_684 = vector.extract_strided_slice %get3A_1 {offsets = [0, 39168], sizes = [32, 128], strides = [1, 1]} : vector<32x65536xf32> to vector<32x128xf32>
    %slice3A_685 = vector.extract_strided_slice %get3A_1 {offsets = [0, 39296], sizes = [32, 128], strides = [1, 1]} : vector<32x65536xf32> to vector<32x128xf32>
    %concatenate3A_686 = tpu.concatenate %slice3A_682, %slice3A_683, %slice3A_684, %slice3A_685 in 0 : vector<32x128xf32>, vector<32x128xf32>, vector<32x128xf32>, vector<32x128xf32> -> vector<128x128xf32>
    %transpose3A_687 = tpu.transpose %concatenate3A_686, [1, 0] : vector<128x128xf32> -> vector<128x128xf32>
    %swap3A_688 = arith.constant 9728 : index
    %swap3A_689 = arith.constant 0 : index
    %swap3A_690 = vector.load %arg2[%swap3A_688, %swap3A_689] : memref<16384x128xf32, #tpu.memory_space<vmem>>, vector<128x128xf32>
    tpu.vector_store %arg2[%swap3A_688, %swap3A_689], %transpose3A_687 {strides = array<i32>} : memref<16384x128xf32, #tpu.memory_space<vmem>>, vector<128x128xf32>,
    %slice3A_691 = vector.extract_strided_slice %get3A_1 {offsets = [0, 39424], sizes = [32, 128], strides = [1, 1]} : vector<32x65536xf32> to vector<32x128xf32>
    %slice3A_692 = vector.extract_strided_slice %get3A_1 {offsets = [0, 39552], sizes = [32, 128], strides = [1, 1]} : vector<32x65536xf32> to vector<32x128xf32>
    %slice3A_693 = vector.extract_strided_slice %get3A_1 {offsets = [0, 39680], sizes = [32, 128], strides = [1, 1]} : vector<32x65536xf32> to vector<32x128xf32>
    %slice3A_694 = vector.extract_strided_slice %get3A_1 {offsets = [0, 39808], sizes = [32, 128], strides = [1, 1]} : vector<32x65536xf32> to vector<32x128xf32>
    %concatenate3A_695 = tpu.concatenate %slice3A_691, %slice3A_692, %slice3A_693, %slice3A_694 in 0 : vector<32x128xf32>, vector<32x128xf32>, vector<32x128xf32>, vector<32x128xf32> -> vector<128x128xf32>
    %transpose3A_696 = tpu.transpose %concatenate3A_695, [1, 0] : vector<128x128xf32> -> vector<128x128xf32>
    %swap3A_697 = arith.constant 9856 : index
    %swap3A_698 = arith.constant 0 : index
    %swap3A_699 = vector.load %arg2[%swap3A_697, %swap3A_698] : memref<16384x128xf32, #tpu.memory_space<vmem>>, vector<128x128xf32>
    tpu.vector_store %arg2[%swap3A_697, %swap3A_698], %transpose3A_696 {strides = array<i32>} : memref<16384x128xf32, #tpu.memory_space<vmem>>, vector<128x128xf32>,
    %slice3A_700 = vector.extract_strided_slice %get3A_1 {offsets = [0, 39936], sizes = [32, 128], strides = [1, 1]} : vector<32x65536xf32> to vector<32x128xf32>
    %slice3A_701 = vector.extract_strided_slice %get3A_1 {offsets = [0, 40064], sizes = [32, 128], strides = [1, 1]} : vector<32x65536xf32> to vector<32x128xf32>
    %slice3A_702 = vector.extract_strided_slice %get3A_1 {offsets = [0, 40192], sizes = [32, 128], strides = [1, 1]} : vector<32x65536xf32> to vector<32x128xf32>
    %slice3A_703 = vector.extract_strided_slice %get3A_1 {offsets = [0, 40320], sizes = [32, 128], strides = [1, 1]} : vector<32x65536xf32> to vector<32x128xf32>
    %concatenate3A_704 = tpu.concatenate %slice3A_700, %slice3A_701, %slice3A_702, %slice3A_703 in 0 : vector<32x128xf32>, vector<32x128xf32>, vector<32x128xf32>, vector<32x128xf32> -> vector<128x128xf32>
    %transpose3A_705 = tpu.transpose %concatenate3A_704, [1, 0] : vector<128x128xf32> -> vector<128x128xf32>
    %swap3A_706 = arith.constant 9984 : index
    %swap3A_707 = arith.constant 0 : index
    %swap3A_708 = vector.load %arg2[%swap3A_706, %swap3A_707] : memref<16384x128xf32, #tpu.memory_space<vmem>>, vector<128x128xf32>
    tpu.vector_store %arg2[%swap3A_706, %swap3A_707], %transpose3A_705 {strides = array<i32>} : memref<16384x128xf32, #tpu.memory_space<vmem>>, vector<128x128xf32>,
    %slice3A_709 = vector.extract_strided_slice %get3A_1 {offsets = [0, 40448], sizes = [32, 128], strides = [1, 1]} : vector<32x65536xf32> to vector<32x128xf32>
    %slice3A_710 = vector.extract_strided_slice %get3A_1 {offsets = [0, 40576], sizes = [32, 128], strides = [1, 1]} : vector<32x65536xf32> to vector<32x128xf32>
    %slice3A_711 = vector.extract_strided_slice %get3A_1 {offsets = [0, 40704], sizes = [32, 128], strides = [1, 1]} : vector<32x65536xf32> to vector<32x128xf32>
    %slice3A_712 = vector.extract_strided_slice %get3A_1 {offsets = [0, 40832], sizes = [32, 128], strides = [1, 1]} : vector<32x65536xf32> to vector<32x128xf32>
    %concatenate3A_713 = tpu.concatenate %slice3A_709, %slice3A_710, %slice3A_711, %slice3A_712 in 0 : vector<32x128xf32>, vector<32x128xf32>, vector<32x128xf32>, vector<32x128xf32> -> vector<128x128xf32>
    %transpose3A_714 = tpu.transpose %concatenate3A_713, [1, 0] : vector<128x128xf32> -> vector<128x128xf32>
    %swap3A_715 = arith.constant 10112 : index
    %swap3A_716 = arith.constant 0 : index
    %swap3A_717 = vector.load %arg2[%swap3A_715, %swap3A_716] : memref<16384x128xf32, #tpu.memory_space<vmem>>, vector<128x128xf32>
    tpu.vector_store %arg2[%swap3A_715, %swap3A_716], %transpose3A_714 {strides = array<i32>} : memref<16384x128xf32, #tpu.memory_space<vmem>>, vector<128x128xf32>,
    %slice3A_718 = vector.extract_strided_slice %get3A_1 {offsets = [0, 40960], sizes = [32, 128], strides = [1, 1]} : vector<32x65536xf32> to vector<32x128xf32>
    %slice3A_719 = vector.extract_strided_slice %get3A_1 {offsets = [0, 41088], sizes = [32, 128], strides = [1, 1]} : vector<32x65536xf32> to vector<32x128xf32>
    %slice3A_720 = vector.extract_strided_slice %get3A_1 {offsets = [0, 41216], sizes = [32, 128], strides = [1, 1]} : vector<32x65536xf32> to vector<32x128xf32>
    %slice3A_721 = vector.extract_strided_slice %get3A_1 {offsets = [0, 41344], sizes = [32, 128], strides = [1, 1]} : vector<32x65536xf32> to vector<32x128xf32>
    %concatenate3A_722 = tpu.concatenate %slice3A_718, %slice3A_719, %slice3A_720, %slice3A_721 in 0 : vector<32x128xf32>, vector<32x128xf32>, vector<32x128xf32>, vector<32x128xf32> -> vector<128x128xf32>
    %transpose3A_723 = tpu.transpose %concatenate3A_722, [1, 0] : vector<128x128xf32> -> vector<128x128xf32>
    %swap3A_724 = arith.constant 10240 : index
    %swap3A_725 = arith.constant 0 : index
    %swap3A_726 = vector.load %arg2[%swap3A_724, %swap3A_725] : memref<16384x128xf32, #tpu.memory_space<vmem>>, vector<128x128xf32>
    tpu.vector_store %arg2[%swap3A_724, %swap3A_725], %transpose3A_723 {strides = array<i32>} : memref<16384x128xf32, #tpu.memory_space<vmem>>, vector<128x128xf32>,
    %slice3A_727 = vector.extract_strided_slice %get3A_1 {offsets = [0, 41472], sizes = [32, 128], strides = [1, 1]} : vector<32x65536xf32> to vector<32x128xf32>
    %slice3A_728 = vector.extract_strided_slice %get3A_1 {offsets = [0, 41600], sizes = [32, 128], strides = [1, 1]} : vector<32x65536xf32> to vector<32x128xf32>
    %slice3A_729 = vector.extract_strided_slice %get3A_1 {offsets = [0, 41728], sizes = [32, 128], strides = [1, 1]} : vector<32x65536xf32> to vector<32x128xf32>
    %slice3A_730 = vector.extract_strided_slice %get3A_1 {offsets = [0, 41856], sizes = [32, 128], strides = [1, 1]} : vector<32x65536xf32> to vector<32x128xf32>
    %concatenate3A_731 = tpu.concatenate %slice3A_727, %slice3A_728, %slice3A_729, %slice3A_730 in 0 : vector<32x128xf32>, vector<32x128xf32>, vector<32x128xf32>, vector<32x128xf32> -> vector<128x128xf32>
    %transpose3A_732 = tpu.transpose %concatenate3A_731, [1, 0] : vector<128x128xf32> -> vector<128x128xf32>
    %swap3A_733 = arith.constant 10368 : index
    %swap3A_734 = arith.constant 0 : index
    %swap3A_735 = vector.load %arg2[%swap3A_733, %swap3A_734] : memref<16384x128xf32, #tpu.memory_space<vmem>>, vector<128x128xf32>
    tpu.vector_store %arg2[%swap3A_733, %swap3A_734], %transpose3A_732 {strides = array<i32>} : memref<16384x128xf32, #tpu.memory_space<vmem>>, vector<128x128xf32>,
    %slice3A_736 = vector.extract_strided_slice %get3A_1 {offsets = [0, 41984], sizes = [32, 128], strides = [1, 1]} : vector<32x65536xf32> to vector<32x128xf32>
    %slice3A_737 = vector.extract_strided_slice %get3A_1 {offsets = [0, 42112], sizes = [32, 128], strides = [1, 1]} : vector<32x65536xf32> to vector<32x128xf32>
    %slice3A_738 = vector.extract_strided_slice %get3A_1 {offsets = [0, 42240], sizes = [32, 128], strides = [1, 1]} : vector<32x65536xf32> to vector<32x128xf32>
    %slice3A_739 = vector.extract_strided_slice %get3A_1 {offsets = [0, 42368], sizes = [32, 128], strides = [1, 1]} : vector<32x65536xf32> to vector<32x128xf32>
    %concatenate3A_740 = tpu.concatenate %slice3A_736, %slice3A_737, %slice3A_738, %slice3A_739 in 0 : vector<32x128xf32>, vector<32x128xf32>, vector<32x128xf32>, vector<32x128xf32> -> vector<128x128xf32>
    %transpose3A_741 = tpu.transpose %concatenate3A_740, [1, 0] : vector<128x128xf32> -> vector<128x128xf32>
    %swap3A_742 = arith.constant 10496 : index
    %swap3A_743 = arith.constant 0 : index
    %swap3A_744 = vector.load %arg2[%swap3A_742, %swap3A_743] : memref<16384x128xf32, #tpu.memory_space<vmem>>, vector<128x128xf32>
    tpu.vector_store %arg2[%swap3A_742, %swap3A_743], %transpose3A_741 {strides = array<i32>} : memref<16384x128xf32, #tpu.memory_space<vmem>>, vector<128x128xf32>,
    %slice3A_745 = vector.extract_strided_slice %get3A_1 {offsets = [0, 42496], sizes = [32, 128], strides = [1, 1]} : vector<32x65536xf32> to vector<32x128xf32>
    %slice3A_746 = vector.extract_strided_slice %get3A_1 {offsets = [0, 42624], sizes = [32, 128], strides = [1, 1]} : vector<32x65536xf32> to vector<32x128xf32>
    %slice3A_747 = vector.extract_strided_slice %get3A_1 {offsets = [0, 42752], sizes = [32, 128], strides = [1, 1]} : vector<32x65536xf32> to vector<32x128xf32>
    %slice3A_748 = vector.extract_strided_slice %get3A_1 {offsets = [0, 42880], sizes = [32, 128], strides = [1, 1]} : vector<32x65536xf32> to vector<32x128xf32>
    %concatenate3A_749 = tpu.concatenate %slice3A_745, %slice3A_746, %slice3A_747, %slice3A_748 in 0 : vector<32x128xf32>, vector<32x128xf32>, vector<32x128xf32>, vector<32x128xf32> -> vector<128x128xf32>
    %transpose3A_750 = tpu.transpose %concatenate3A_749, [1, 0] : vector<128x128xf32> -> vector<128x128xf32>
    %swap3A_751 = arith.constant 10624 : index
    %swap3A_752 = arith.constant 0 : index
    %swap3A_753 = vector.load %arg2[%swap3A_751, %swap3A_752] : memref<16384x128xf32, #tpu.memory_space<vmem>>, vector<128x128xf32>
    tpu.vector_store %arg2[%swap3A_751, %swap3A_752], %transpose3A_750 {strides = array<i32>} : memref<16384x128xf32, #tpu.memory_space<vmem>>, vector<128x128xf32>,
    %slice3A_754 = vector.extract_strided_slice %get3A_1 {offsets = [0, 43008], sizes = [32, 128], strides = [1, 1]} : vector<32x65536xf32> to vector<32x128xf32>
    %slice3A_755 = vector.extract_strided_slice %get3A_1 {offsets = [0, 43136], sizes = [32, 128], strides = [1, 1]} : vector<32x65536xf32> to vector<32x128xf32>
    %slice3A_756 = vector.extract_strided_slice %get3A_1 {offsets = [0, 43264], sizes = [32, 128], strides = [1, 1]} : vector<32x65536xf32> to vector<32x128xf32>
    %slice3A_757 = vector.extract_strided_slice %get3A_1 {offsets = [0, 43392], sizes = [32, 128], strides = [1, 1]} : vector<32x65536xf32> to vector<32x128xf32>
    %concatenate3A_758 = tpu.concatenate %slice3A_754, %slice3A_755, %slice3A_756, %slice3A_757 in 0 : vector<32x128xf32>, vector<32x128xf32>, vector<32x128xf32>, vector<32x128xf32> -> vector<128x128xf32>
    %transpose3A_759 = tpu.transpose %concatenate3A_758, [1, 0] : vector<128x128xf32> -> vector<128x128xf32>
    %swap3A_760 = arith.constant 10752 : index
    %swap3A_761 = arith.constant 0 : index
    %swap3A_762 = vector.load %arg2[%swap3A_760, %swap3A_761] : memref<16384x128xf32, #tpu.memory_space<vmem>>, vector<128x128xf32>
    tpu.vector_store %arg2[%swap3A_760, %swap3A_761], %transpose3A_759 {strides = array<i32>} : memref<16384x128xf32, #tpu.memory_space<vmem>>, vector<128x128xf32>,
    %slice3A_763 = vector.extract_strided_slice %get3A_1 {offsets = [0, 43520], sizes = [32, 128], strides = [1, 1]} : vector<32x65536xf32> to vector<32x128xf32>
    %slice3A_764 = vector.extract_strided_slice %get3A_1 {offsets = [0, 43648], sizes = [32, 128], strides = [1, 1]} : vector<32x65536xf32> to vector<32x128xf32>
    %slice3A_765 = vector.extract_strided_slice %get3A_1 {offsets = [0, 43776], sizes = [32, 128], strides = [1, 1]} : vector<32x65536xf32> to vector<32x128xf32>
    %slice3A_766 = vector.extract_strided_slice %get3A_1 {offsets = [0, 43904], sizes = [32, 128], strides = [1, 1]} : vector<32x65536xf32> to vector<32x128xf32>
    %concatenate3A_767 = tpu.concatenate %slice3A_763, %slice3A_764, %slice3A_765, %slice3A_766 in 0 : vector<32x128xf32>, vector<32x128xf32>, vector<32x128xf32>, vector<32x128xf32> -> vector<128x128xf32>
    %transpose3A_768 = tpu.transpose %concatenate3A_767, [1, 0] : vector<128x128xf32> -> vector<128x128xf32>
    %swap3A_769 = arith.constant 10880 : index
    %swap3A_770 = arith.constant 0 : index
    %swap3A_771 = vector.load %arg2[%swap3A_769, %swap3A_770] : memref<16384x128xf32, #tpu.memory_space<vmem>>, vector<128x128xf32>
    tpu.vector_store %arg2[%swap3A_769, %swap3A_770], %transpose3A_768 {strides = array<i32>} : memref<16384x128xf32, #tpu.memory_space<vmem>>, vector<128x128xf32>,
    %slice3A_772 = vector.extract_strided_slice %get3A_1 {offsets = [0, 44032], sizes = [32, 128], strides = [1, 1]} : vector<32x65536xf32> to vector<32x128xf32>
    %slice3A_773 = vector.extract_strided_slice %get3A_1 {offsets = [0, 44160], sizes = [32, 128], strides = [1, 1]} : vector<32x65536xf32> to vector<32x128xf32>
    %slice3A_774 = vector.extract_strided_slice %get3A_1 {offsets = [0, 44288], sizes = [32, 128], strides = [1, 1]} : vector<32x65536xf32> to vector<32x128xf32>
    %slice3A_775 = vector.extract_strided_slice %get3A_1 {offsets = [0, 44416], sizes = [32, 128], strides = [1, 1]} : vector<32x65536xf32> to vector<32x128xf32>
    %concatenate3A_776 = tpu.concatenate %slice3A_772, %slice3A_773, %slice3A_774, %slice3A_775 in 0 : vector<32x128xf32>, vector<32x128xf32>, vector<32x128xf32>, vector<32x128xf32> -> vector<128x128xf32>
    %transpose3A_777 = tpu.transpose %concatenate3A_776, [1, 0] : vector<128x128xf32> -> vector<128x128xf32>
    %swap3A_778 = arith.constant 11008 : index
    %swap3A_779 = arith.constant 0 : index
    %swap3A_780 = vector.load %arg2[%swap3A_778, %swap3A_779] : memref<16384x128xf32, #tpu.memory_space<vmem>>, vector<128x128xf32>
    tpu.vector_store %arg2[%swap3A_778, %swap3A_779], %transpose3A_777 {strides = array<i32>} : memref<16384x128xf32, #tpu.memory_space<vmem>>, vector<128x128xf32>,
    %slice3A_781 = vector.extract_strided_slice %get3A_1 {offsets = [0, 44544], sizes = [32, 128], strides = [1, 1]} : vector<32x65536xf32> to vector<32x128xf32>
    %slice3A_782 = vector.extract_strided_slice %get3A_1 {offsets = [0, 44672], sizes = [32, 128], strides = [1, 1]} : vector<32x65536xf32> to vector<32x128xf32>
    %slice3A_783 = vector.extract_strided_slice %get3A_1 {offsets = [0, 44800], sizes = [32, 128], strides = [1, 1]} : vector<32x65536xf32> to vector<32x128xf32>
    %slice3A_784 = vector.extract_strided_slice %get3A_1 {offsets = [0, 44928], sizes = [32, 128], strides = [1, 1]} : vector<32x65536xf32> to vector<32x128xf32>
    %concatenate3A_785 = tpu.concatenate %slice3A_781, %slice3A_782, %slice3A_783, %slice3A_784 in 0 : vector<32x128xf32>, vector<32x128xf32>, vector<32x128xf32>, vector<32x128xf32> -> vector<128x128xf32>
    %transpose3A_786 = tpu.transpose %concatenate3A_785, [1, 0] : vector<128x128xf32> -> vector<128x128xf32>
    %swap3A_787 = arith.constant 11136 : index
    %swap3A_788 = arith.constant 0 : index
    %swap3A_789 = vector.load %arg2[%swap3A_787, %swap3A_788] : memref<16384x128xf32, #tpu.memory_space<vmem>>, vector<128x128xf32>
    tpu.vector_store %arg2[%swap3A_787, %swap3A_788], %transpose3A_786 {strides = array<i32>} : memref<16384x128xf32, #tpu.memory_space<vmem>>, vector<128x128xf32>,
    %slice3A_790 = vector.extract_strided_slice %get3A_1 {offsets = [0, 45056], sizes = [32, 128], strides = [1, 1]} : vector<32x65536xf32> to vector<32x128xf32>
    %slice3A_791 = vector.extract_strided_slice %get3A_1 {offsets = [0, 45184], sizes = [32, 128], strides = [1, 1]} : vector<32x65536xf32> to vector<32x128xf32>
    %slice3A_792 = vector.extract_strided_slice %get3A_1 {offsets = [0, 45312], sizes = [32, 128], strides = [1, 1]} : vector<32x65536xf32> to vector<32x128xf32>
    %slice3A_793 = vector.extract_strided_slice %get3A_1 {offsets = [0, 45440], sizes = [32, 128], strides = [1, 1]} : vector<32x65536xf32> to vector<32x128xf32>
    %concatenate3A_794 = tpu.concatenate %slice3A_790, %slice3A_791, %slice3A_792, %slice3A_793 in 0 : vector<32x128xf32>, vector<32x128xf32>, vector<32x128xf32>, vector<32x128xf32> -> vector<128x128xf32>
    %transpose3A_795 = tpu.transpose %concatenate3A_794, [1, 0] : vector<128x128xf32> -> vector<128x128xf32>
    %swap3A_796 = arith.constant 11264 : index
    %swap3A_797 = arith.constant 0 : index
    %swap3A_798 = vector.load %arg2[%swap3A_796, %swap3A_797] : memref<16384x128xf32, #tpu.memory_space<vmem>>, vector<128x128xf32>
    tpu.vector_store %arg2[%swap3A_796, %swap3A_797], %transpose3A_795 {strides = array<i32>} : memref<16384x128xf32, #tpu.memory_space<vmem>>, vector<128x128xf32>,
    %slice3A_799 = vector.extract_strided_slice %get3A_1 {offsets = [0, 45568], sizes = [32, 128], strides = [1, 1]} : vector<32x65536xf32> to vector<32x128xf32>
    %slice3A_800 = vector.extract_strided_slice %get3A_1 {offsets = [0, 45696], sizes = [32, 128], strides = [1, 1]} : vector<32x65536xf32> to vector<32x128xf32>
    %slice3A_801 = vector.extract_strided_slice %get3A_1 {offsets = [0, 45824], sizes = [32, 128], strides = [1, 1]} : vector<32x65536xf32> to vector<32x128xf32>
    %slice3A_802 = vector.extract_strided_slice %get3A_1 {offsets = [0, 45952], sizes = [32, 128], strides = [1, 1]} : vector<32x65536xf32> to vector<32x128xf32>
    %concatenate3A_803 = tpu.concatenate %slice3A_799, %slice3A_800, %slice3A_801, %slice3A_802 in 0 : vector<32x128xf32>, vector<32x128xf32>, vector<32x128xf32>, vector<32x128xf32> -> vector<128x128xf32>
    %transpose3A_804 = tpu.transpose %concatenate3A_803, [1, 0] : vector<128x128xf32> -> vector<128x128xf32>
    %swap3A_805 = arith.constant 11392 : index
    %swap3A_806 = arith.constant 0 : index
    %swap3A_807 = vector.load %arg2[%swap3A_805, %swap3A_806] : memref<16384x128xf32, #tpu.memory_space<vmem>>, vector<128x128xf32>
    tpu.vector_store %arg2[%swap3A_805, %swap3A_806], %transpose3A_804 {strides = array<i32>} : memref<16384x128xf32, #tpu.memory_space<vmem>>, vector<128x128xf32>,
    %slice3A_808 = vector.extract_strided_slice %get3A_1 {offsets = [0, 46080], sizes = [32, 128], strides = [1, 1]} : vector<32x65536xf32> to vector<32x128xf32>
    %slice3A_809 = vector.extract_strided_slice %get3A_1 {offsets = [0, 46208], sizes = [32, 128], strides = [1, 1]} : vector<32x65536xf32> to vector<32x128xf32>
    %slice3A_810 = vector.extract_strided_slice %get3A_1 {offsets = [0, 46336], sizes = [32, 128], strides = [1, 1]} : vector<32x65536xf32> to vector<32x128xf32>
    %slice3A_811 = vector.extract_strided_slice %get3A_1 {offsets = [0, 46464], sizes = [32, 128], strides = [1, 1]} : vector<32x65536xf32> to vector<32x128xf32>
    %concatenate3A_812 = tpu.concatenate %slice3A_808, %slice3A_809, %slice3A_810, %slice3A_811 in 0 : vector<32x128xf32>, vector<32x128xf32>, vector<32x128xf32>, vector<32x128xf32> -> vector<128x128xf32>
    %transpose3A_813 = tpu.transpose %concatenate3A_812, [1, 0] : vector<128x128xf32> -> vector<128x128xf32>
    %swap3A_814 = arith.constant 11520 : index
    %swap3A_815 = arith.constant 0 : index
    %swap3A_816 = vector.load %arg2[%swap3A_814, %swap3A_815] : memref<16384x128xf32, #tpu.memory_space<vmem>>, vector<128x128xf32>
    tpu.vector_store %arg2[%swap3A_814, %swap3A_815], %transpose3A_813 {strides = array<i32>} : memref<16384x128xf32, #tpu.memory_space<vmem>>, vector<128x128xf32>,
    %slice3A_817 = vector.extract_strided_slice %get3A_1 {offsets = [0, 46592], sizes = [32, 128], strides = [1, 1]} : vector<32x65536xf32> to vector<32x128xf32>
    %slice3A_818 = vector.extract_strided_slice %get3A_1 {offsets = [0, 46720], sizes = [32, 128], strides = [1, 1]} : vector<32x65536xf32> to vector<32x128xf32>
    %slice3A_819 = vector.extract_strided_slice %get3A_1 {offsets = [0, 46848], sizes = [32, 128], strides = [1, 1]} : vector<32x65536xf32> to vector<32x128xf32>
    %slice3A_820 = vector.extract_strided_slice %get3A_1 {offsets = [0, 46976], sizes = [32, 128], strides = [1, 1]} : vector<32x65536xf32> to vector<32x128xf32>
    %concatenate3A_821 = tpu.concatenate %slice3A_817, %slice3A_818, %slice3A_819, %slice3A_820 in 0 : vector<32x128xf32>, vector<32x128xf32>, vector<32x128xf32>, vector<32x128xf32> -> vector<128x128xf32>
    %transpose3A_822 = tpu.transpose %concatenate3A_821, [1, 0] : vector<128x128xf32> -> vector<128x128xf32>
    %swap3A_823 = arith.constant 11648 : index
    %swap3A_824 = arith.constant 0 : index
    %swap3A_825 = vector.load %arg2[%swap3A_823, %swap3A_824] : memref<16384x128xf32, #tpu.memory_space<vmem>>, vector<128x128xf32>
    tpu.vector_store %arg2[%swap3A_823, %swap3A_824], %transpose3A_822 {strides = array<i32>} : memref<16384x128xf32, #tpu.memory_space<vmem>>, vector<128x128xf32>,
    %slice3A_826 = vector.extract_strided_slice %get3A_1 {offsets = [0, 47104], sizes = [32, 128], strides = [1, 1]} : vector<32x65536xf32> to vector<32x128xf32>
    %slice3A_827 = vector.extract_strided_slice %get3A_1 {offsets = [0, 47232], sizes = [32, 128], strides = [1, 1]} : vector<32x65536xf32> to vector<32x128xf32>
    %slice3A_828 = vector.extract_strided_slice %get3A_1 {offsets = [0, 47360], sizes = [32, 128], strides = [1, 1]} : vector<32x65536xf32> to vector<32x128xf32>
    %slice3A_829 = vector.extract_strided_slice %get3A_1 {offsets = [0, 47488], sizes = [32, 128], strides = [1, 1]} : vector<32x65536xf32> to vector<32x128xf32>
    %concatenate3A_830 = tpu.concatenate %slice3A_826, %slice3A_827, %slice3A_828, %slice3A_829 in 0 : vector<32x128xf32>, vector<32x128xf32>, vector<32x128xf32>, vector<32x128xf32> -> vector<128x128xf32>
    %transpose3A_831 = tpu.transpose %concatenate3A_830, [1, 0] : vector<128x128xf32> -> vector<128x128xf32>
    %swap3A_832 = arith.constant 11776 : index
    %swap3A_833 = arith.constant 0 : index
    %swap3A_834 = vector.load %arg2[%swap3A_832, %swap3A_833] : memref<16384x128xf32, #tpu.memory_space<vmem>>, vector<128x128xf32>
    tpu.vector_store %arg2[%swap3A_832, %swap3A_833], %transpose3A_831 {strides = array<i32>} : memref<16384x128xf32, #tpu.memory_space<vmem>>, vector<128x128xf32>,
    %slice3A_835 = vector.extract_strided_slice %get3A_1 {offsets = [0, 47616], sizes = [32, 128], strides = [1, 1]} : vector<32x65536xf32> to vector<32x128xf32>
    %slice3A_836 = vector.extract_strided_slice %get3A_1 {offsets = [0, 47744], sizes = [32, 128], strides = [1, 1]} : vector<32x65536xf32> to vector<32x128xf32>
    %slice3A_837 = vector.extract_strided_slice %get3A_1 {offsets = [0, 47872], sizes = [32, 128], strides = [1, 1]} : vector<32x65536xf32> to vector<32x128xf32>
    %slice3A_838 = vector.extract_strided_slice %get3A_1 {offsets = [0, 48000], sizes = [32, 128], strides = [1, 1]} : vector<32x65536xf32> to vector<32x128xf32>
    %concatenate3A_839 = tpu.concatenate %slice3A_835, %slice3A_836, %slice3A_837, %slice3A_838 in 0 : vector<32x128xf32>, vector<32x128xf32>, vector<32x128xf32>, vector<32x128xf32> -> vector<128x128xf32>
    %transpose3A_840 = tpu.transpose %concatenate3A_839, [1, 0] : vector<128x128xf32> -> vector<128x128xf32>
    %swap3A_841 = arith.constant 11904 : index
    %swap3A_842 = arith.constant 0 : index
    %swap3A_843 = vector.load %arg2[%swap3A_841, %swap3A_842] : memref<16384x128xf32, #tpu.memory_space<vmem>>, vector<128x128xf32>
    tpu.vector_store %arg2[%swap3A_841, %swap3A_842], %transpose3A_840 {strides = array<i32>} : memref<16384x128xf32, #tpu.memory_space<vmem>>, vector<128x128xf32>,
    %slice3A_844 = vector.extract_strided_slice %get3A_1 {offsets = [0, 48128], sizes = [32, 128], strides = [1, 1]} : vector<32x65536xf32> to vector<32x128xf32>
    %slice3A_845 = vector.extract_strided_slice %get3A_1 {offsets = [0, 48256], sizes = [32, 128], strides = [1, 1]} : vector<32x65536xf32> to vector<32x128xf32>
    %slice3A_846 = vector.extract_strided_slice %get3A_1 {offsets = [0, 48384], sizes = [32, 128], strides = [1, 1]} : vector<32x65536xf32> to vector<32x128xf32>
    %slice3A_847 = vector.extract_strided_slice %get3A_1 {offsets = [0, 48512], sizes = [32, 128], strides = [1, 1]} : vector<32x65536xf32> to vector<32x128xf32>
    %concatenate3A_848 = tpu.concatenate %slice3A_844, %slice3A_845, %slice3A_846, %slice3A_847 in 0 : vector<32x128xf32>, vector<32x128xf32>, vector<32x128xf32>, vector<32x128xf32> -> vector<128x128xf32>
    %transpose3A_849 = tpu.transpose %concatenate3A_848, [1, 0] : vector<128x128xf32> -> vector<128x128xf32>
    %swap3A_850 = arith.constant 12032 : index
    %swap3A_851 = arith.constant 0 : index
    %swap3A_852 = vector.load %arg2[%swap3A_850, %swap3A_851] : memref<16384x128xf32, #tpu.memory_space<vmem>>, vector<128x128xf32>
    tpu.vector_store %arg2[%swap3A_850, %swap3A_851], %transpose3A_849 {strides = array<i32>} : memref<16384x128xf32, #tpu.memory_space<vmem>>, vector<128x128xf32>,
    %slice3A_853 = vector.extract_strided_slice %get3A_1 {offsets = [0, 48640], sizes = [32, 128], strides = [1, 1]} : vector<32x65536xf32> to vector<32x128xf32>
    %slice3A_854 = vector.extract_strided_slice %get3A_1 {offsets = [0, 48768], sizes = [32, 128], strides = [1, 1]} : vector<32x65536xf32> to vector<32x128xf32>
    %slice3A_855 = vector.extract_strided_slice %get3A_1 {offsets = [0, 48896], sizes = [32, 128], strides = [1, 1]} : vector<32x65536xf32> to vector<32x128xf32>
    %slice3A_856 = vector.extract_strided_slice %get3A_1 {offsets = [0, 49024], sizes = [32, 128], strides = [1, 1]} : vector<32x65536xf32> to vector<32x128xf32>
    %concatenate3A_857 = tpu.concatenate %slice3A_853, %slice3A_854, %slice3A_855, %slice3A_856 in 0 : vector<32x128xf32>, vector<32x128xf32>, vector<32x128xf32>, vector<32x128xf32> -> vector<128x128xf32>
    %transpose3A_858 = tpu.transpose %concatenate3A_857, [1, 0] : vector<128x128xf32> -> vector<128x128xf32>
    %swap3A_859 = arith.constant 12160 : index
    %swap3A_860 = arith.constant 0 : index
    %swap3A_861 = vector.load %arg2[%swap3A_859, %swap3A_860] : memref<16384x128xf32, #tpu.memory_space<vmem>>, vector<128x128xf32>
    tpu.vector_store %arg2[%swap3A_859, %swap3A_860], %transpose3A_858 {strides = array<i32>} : memref<16384x128xf32, #tpu.memory_space<vmem>>, vector<128x128xf32>,
    %slice3A_862 = vector.extract_strided_slice %get3A_1 {offsets = [0, 49152], sizes = [32, 128], strides = [1, 1]} : vector<32x65536xf32> to vector<32x128xf32>
    %slice3A_863 = vector.extract_strided_slice %get3A_1 {offsets = [0, 49280], sizes = [32, 128], strides = [1, 1]} : vector<32x65536xf32> to vector<32x128xf32>
    %slice3A_864 = vector.extract_strided_slice %get3A_1 {offsets = [0, 49408], sizes = [32, 128], strides = [1, 1]} : vector<32x65536xf32> to vector<32x128xf32>
    %slice3A_865 = vector.extract_strided_slice %get3A_1 {offsets = [0, 49536], sizes = [32, 128], strides = [1, 1]} : vector<32x65536xf32> to vector<32x128xf32>
    %concatenate3A_866 = tpu.concatenate %slice3A_862, %slice3A_863, %slice3A_864, %slice3A_865 in 0 : vector<32x128xf32>, vector<32x128xf32>, vector<32x128xf32>, vector<32x128xf32> -> vector<128x128xf32>
    %transpose3A_867 = tpu.transpose %concatenate3A_866, [1, 0] : vector<128x128xf32> -> vector<128x128xf32>
    %swap3A_868 = arith.constant 12288 : index
    %swap3A_869 = arith.constant 0 : index
    %swap3A_870 = vector.load %arg2[%swap3A_868, %swap3A_869] : memref<16384x128xf32, #tpu.memory_space<vmem>>, vector<128x128xf32>
    tpu.vector_store %arg2[%swap3A_868, %swap3A_869], %transpose3A_867 {strides = array<i32>} : memref<16384x128xf32, #tpu.memory_space<vmem>>, vector<128x128xf32>,
    %slice3A_871 = vector.extract_strided_slice %get3A_1 {offsets = [0, 49664], sizes = [32, 128], strides = [1, 1]} : vector<32x65536xf32> to vector<32x128xf32>
    %slice3A_872 = vector.extract_strided_slice %get3A_1 {offsets = [0, 49792], sizes = [32, 128], strides = [1, 1]} : vector<32x65536xf32> to vector<32x128xf32>
    %slice3A_873 = vector.extract_strided_slice %get3A_1 {offsets = [0, 49920], sizes = [32, 128], strides = [1, 1]} : vector<32x65536xf32> to vector<32x128xf32>
    %slice3A_874 = vector.extract_strided_slice %get3A_1 {offsets = [0, 50048], sizes = [32, 128], strides = [1, 1]} : vector<32x65536xf32> to vector<32x128xf32>
    %concatenate3A_875 = tpu.concatenate %slice3A_871, %slice3A_872, %slice3A_873, %slice3A_874 in 0 : vector<32x128xf32>, vector<32x128xf32>, vector<32x128xf32>, vector<32x128xf32> -> vector<128x128xf32>
    %transpose3A_876 = tpu.transpose %concatenate3A_875, [1, 0] : vector<128x128xf32> -> vector<128x128xf32>
    %swap3A_877 = arith.constant 12416 : index
    %swap3A_878 = arith.constant 0 : index
    %swap3A_879 = vector.load %arg2[%swap3A_877, %swap3A_878] : memref<16384x128xf32, #tpu.memory_space<vmem>>, vector<128x128xf32>
    tpu.vector_store %arg2[%swap3A_877, %swap3A_878], %transpose3A_876 {strides = array<i32>} : memref<16384x128xf32, #tpu.memory_space<vmem>>, vector<128x128xf32>,
    %slice3A_880 = vector.extract_strided_slice %get3A_1 {offsets = [0, 50176], sizes = [32, 128], strides = [1, 1]} : vector<32x65536xf32> to vector<32x128xf32>
    %slice3A_881 = vector.extract_strided_slice %get3A_1 {offsets = [0, 50304], sizes = [32, 128], strides = [1, 1]} : vector<32x65536xf32> to vector<32x128xf32>
    %slice3A_882 = vector.extract_strided_slice %get3A_1 {offsets = [0, 50432], sizes = [32, 128], strides = [1, 1]} : vector<32x65536xf32> to vector<32x128xf32>
    %slice3A_883 = vector.extract_strided_slice %get3A_1 {offsets = [0, 50560], sizes = [32, 128], strides = [1, 1]} : vector<32x65536xf32> to vector<32x128xf32>
    %concatenate3A_884 = tpu.concatenate %slice3A_880, %slice3A_881, %slice3A_882, %slice3A_883 in 0 : vector<32x128xf32>, vector<32x128xf32>, vector<32x128xf32>, vector<32x128xf32> -> vector<128x128xf32>
    %transpose3A_885 = tpu.transpose %concatenate3A_884, [1, 0] : vector<128x128xf32> -> vector<128x128xf32>
    %swap3A_886 = arith.constant 12544 : index
    %swap3A_887 = arith.constant 0 : index
    %swap3A_888 = vector.load %arg2[%swap3A_886, %swap3A_887] : memref<16384x128xf32, #tpu.memory_space<vmem>>, vector<128x128xf32>
    tpu.vector_store %arg2[%swap3A_886, %swap3A_887], %transpose3A_885 {strides = array<i32>} : memref<16384x128xf32, #tpu.memory_space<vmem>>, vector<128x128xf32>,
    %slice3A_889 = vector.extract_strided_slice %get3A_1 {offsets = [0, 50688], sizes = [32, 128], strides = [1, 1]} : vector<32x65536xf32> to vector<32x128xf32>
    %slice3A_890 = vector.extract_strided_slice %get3A_1 {offsets = [0, 50816], sizes = [32, 128], strides = [1, 1]} : vector<32x65536xf32> to vector<32x128xf32>
    %slice3A_891 = vector.extract_strided_slice %get3A_1 {offsets = [0, 50944], sizes = [32, 128], strides = [1, 1]} : vector<32x65536xf32> to vector<32x128xf32>
    %slice3A_892 = vector.extract_strided_slice %get3A_1 {offsets = [0, 51072], sizes = [32, 128], strides = [1, 1]} : vector<32x65536xf32> to vector<32x128xf32>
    %concatenate3A_893 = tpu.concatenate %slice3A_889, %slice3A_890, %slice3A_891, %slice3A_892 in 0 : vector<32x128xf32>, vector<32x128xf32>, vector<32x128xf32>, vector<32x128xf32> -> vector<128x128xf32>
    %transpose3A_894 = tpu.transpose %concatenate3A_893, [1, 0] : vector<128x128xf32> -> vector<128x128xf32>
    %swap3A_895 = arith.constant 12672 : index
    %swap3A_896 = arith.constant 0 : index
    %swap3A_897 = vector.load %arg2[%swap3A_895, %swap3A_896] : memref<16384x128xf32, #tpu.memory_space<vmem>>, vector<128x128xf32>
    tpu.vector_store %arg2[%swap3A_895, %swap3A_896], %transpose3A_894 {strides = array<i32>} : memref<16384x128xf32, #tpu.memory_space<vmem>>, vector<128x128xf32>,
    %slice3A_898 = vector.extract_strided_slice %get3A_1 {offsets = [0, 51200], sizes = [32, 128], strides = [1, 1]} : vector<32x65536xf32> to vector<32x128xf32>
    %slice3A_899 = vector.extract_strided_slice %get3A_1 {offsets = [0, 51328], sizes = [32, 128], strides = [1, 1]} : vector<32x65536xf32> to vector<32x128xf32>
    %slice3A_900 = vector.extract_strided_slice %get3A_1 {offsets = [0, 51456], sizes = [32, 128], strides = [1, 1]} : vector<32x65536xf32> to vector<32x128xf32>
    %slice3A_901 = vector.extract_strided_slice %get3A_1 {offsets = [0, 51584], sizes = [32, 128], strides = [1, 1]} : vector<32x65536xf32> to vector<32x128xf32>
    %concatenate3A_902 = tpu.concatenate %slice3A_898, %slice3A_899, %slice3A_900, %slice3A_901 in 0 : vector<32x128xf32>, vector<32x128xf32>, vector<32x128xf32>, vector<32x128xf32> -> vector<128x128xf32>
    %transpose3A_903 = tpu.transpose %concatenate3A_902, [1, 0] : vector<128x128xf32> -> vector<128x128xf32>
    %swap3A_904 = arith.constant 12800 : index
    %swap3A_905 = arith.constant 0 : index
    %swap3A_906 = vector.load %arg2[%swap3A_904, %swap3A_905] : memref<16384x128xf32, #tpu.memory_space<vmem>>, vector<128x128xf32>
    tpu.vector_store %arg2[%swap3A_904, %swap3A_905], %transpose3A_903 {strides = array<i32>} : memref<16384x128xf32, #tpu.memory_space<vmem>>, vector<128x128xf32>,
    %slice3A_907 = vector.extract_strided_slice %get3A_1 {offsets = [0, 51712], sizes = [32, 128], strides = [1, 1]} : vector<32x65536xf32> to vector<32x128xf32>
    %slice3A_908 = vector.extract_strided_slice %get3A_1 {offsets = [0, 51840], sizes = [32, 128], strides = [1, 1]} : vector<32x65536xf32> to vector<32x128xf32>
    %slice3A_909 = vector.extract_strided_slice %get3A_1 {offsets = [0, 51968], sizes = [32, 128], strides = [1, 1]} : vector<32x65536xf32> to vector<32x128xf32>
    %slice3A_910 = vector.extract_strided_slice %get3A_1 {offsets = [0, 52096], sizes = [32, 128], strides = [1, 1]} : vector<32x65536xf32> to vector<32x128xf32>
    %concatenate3A_911 = tpu.concatenate %slice3A_907, %slice3A_908, %slice3A_909, %slice3A_910 in 0 : vector<32x128xf32>, vector<32x128xf32>, vector<32x128xf32>, vector<32x128xf32> -> vector<128x128xf32>
    %transpose3A_912 = tpu.transpose %concatenate3A_911, [1, 0] : vector<128x128xf32> -> vector<128x128xf32>
    %swap3A_913 = arith.constant 12928 : index
    %swap3A_914 = arith.constant 0 : index
    %swap3A_915 = vector.load %arg2[%swap3A_913, %swap3A_914] : memref<16384x128xf32, #tpu.memory_space<vmem>>, vector<128x128xf32>
    tpu.vector_store %arg2[%swap3A_913, %swap3A_914], %transpose3A_912 {strides = array<i32>} : memref<16384x128xf32, #tpu.memory_space<vmem>>, vector<128x128xf32>,
    %slice3A_916 = vector.extract_strided_slice %get3A_1 {offsets = [0, 52224], sizes = [32, 128], strides = [1, 1]} : vector<32x65536xf32> to vector<32x128xf32>
    %slice3A_917 = vector.extract_strided_slice %get3A_1 {offsets = [0, 52352], sizes = [32, 128], strides = [1, 1]} : vector<32x65536xf32> to vector<32x128xf32>
    %slice3A_918 = vector.extract_strided_slice %get3A_1 {offsets = [0, 52480], sizes = [32, 128], strides = [1, 1]} : vector<32x65536xf32> to vector<32x128xf32>
    %slice3A_919 = vector.extract_strided_slice %get3A_1 {offsets = [0, 52608], sizes = [32, 128], strides = [1, 1]} : vector<32x65536xf32> to vector<32x128xf32>
    %concatenate3A_920 = tpu.concatenate %slice3A_916, %slice3A_917, %slice3A_918, %slice3A_919 in 0 : vector<32x128xf32>, vector<32x128xf32>, vector<32x128xf32>, vector<32x128xf32> -> vector<128x128xf32>
    %transpose3A_921 = tpu.transpose %concatenate3A_920, [1, 0] : vector<128x128xf32> -> vector<128x128xf32>
    %swap3A_922 = arith.constant 13056 : index
    %swap3A_923 = arith.constant 0 : index
    %swap3A_924 = vector.load %arg2[%swap3A_922, %swap3A_923] : memref<16384x128xf32, #tpu.memory_space<vmem>>, vector<128x128xf32>
    tpu.vector_store %arg2[%swap3A_922, %swap3A_923], %transpose3A_921 {strides = array<i32>} : memref<16384x128xf32, #tpu.memory_space<vmem>>, vector<128x128xf32>,
    %slice3A_925 = vector.extract_strided_slice %get3A_1 {offsets = [0, 52736], sizes = [32, 128], strides = [1, 1]} : vector<32x65536xf32> to vector<32x128xf32>
    %slice3A_926 = vector.extract_strided_slice %get3A_1 {offsets = [0, 52864], sizes = [32, 128], strides = [1, 1]} : vector<32x65536xf32> to vector<32x128xf32>
    %slice3A_927 = vector.extract_strided_slice %get3A_1 {offsets = [0, 52992], sizes = [32, 128], strides = [1, 1]} : vector<32x65536xf32> to vector<32x128xf32>
    %slice3A_928 = vector.extract_strided_slice %get3A_1 {offsets = [0, 53120], sizes = [32, 128], strides = [1, 1]} : vector<32x65536xf32> to vector<32x128xf32>
    %concatenate3A_929 = tpu.concatenate %slice3A_925, %slice3A_926, %slice3A_927, %slice3A_928 in 0 : vector<32x128xf32>, vector<32x128xf32>, vector<32x128xf32>, vector<32x128xf32> -> vector<128x128xf32>
    %transpose3A_930 = tpu.transpose %concatenate3A_929, [1, 0] : vector<128x128xf32> -> vector<128x128xf32>
    %swap3A_931 = arith.constant 13184 : index
    %swap3A_932 = arith.constant 0 : index
    %swap3A_933 = vector.load %arg2[%swap3A_931, %swap3A_932] : memref<16384x128xf32, #tpu.memory_space<vmem>>, vector<128x128xf32>
    tpu.vector_store %arg2[%swap3A_931, %swap3A_932], %transpose3A_930 {strides = array<i32>} : memref<16384x128xf32, #tpu.memory_space<vmem>>, vector<128x128xf32>,
    %slice3A_934 = vector.extract_strided_slice %get3A_1 {offsets = [0, 53248], sizes = [32, 128], strides = [1, 1]} : vector<32x65536xf32> to vector<32x128xf32>
    %slice3A_935 = vector.extract_strided_slice %get3A_1 {offsets = [0, 53376], sizes = [32, 128], strides = [1, 1]} : vector<32x65536xf32> to vector<32x128xf32>
    %slice3A_936 = vector.extract_strided_slice %get3A_1 {offsets = [0, 53504], sizes = [32, 128], strides = [1, 1]} : vector<32x65536xf32> to vector<32x128xf32>
    %slice3A_937 = vector.extract_strided_slice %get3A_1 {offsets = [0, 53632], sizes = [32, 128], strides = [1, 1]} : vector<32x65536xf32> to vector<32x128xf32>
    %concatenate3A_938 = tpu.concatenate %slice3A_934, %slice3A_935, %slice3A_936, %slice3A_937 in 0 : vector<32x128xf32>, vector<32x128xf32>, vector<32x128xf32>, vector<32x128xf32> -> vector<128x128xf32>
    %transpose3A_939 = tpu.transpose %concatenate3A_938, [1, 0] : vector<128x128xf32> -> vector<128x128xf32>
    %swap3A_940 = arith.constant 13312 : index
    %swap3A_941 = arith.constant 0 : index
    %swap3A_942 = vector.load %arg2[%swap3A_940, %swap3A_941] : memref<16384x128xf32, #tpu.memory_space<vmem>>, vector<128x128xf32>
    tpu.vector_store %arg2[%swap3A_940, %swap3A_941], %transpose3A_939 {strides = array<i32>} : memref<16384x128xf32, #tpu.memory_space<vmem>>, vector<128x128xf32>,
    %slice3A_943 = vector.extract_strided_slice %get3A_1 {offsets = [0, 53760], sizes = [32, 128], strides = [1, 1]} : vector<32x65536xf32> to vector<32x128xf32>
    %slice3A_944 = vector.extract_strided_slice %get3A_1 {offsets = [0, 53888], sizes = [32, 128], strides = [1, 1]} : vector<32x65536xf32> to vector<32x128xf32>
    %slice3A_945 = vector.extract_strided_slice %get3A_1 {offsets = [0, 54016], sizes = [32, 128], strides = [1, 1]} : vector<32x65536xf32> to vector<32x128xf32>
    %slice3A_946 = vector.extract_strided_slice %get3A_1 {offsets = [0, 54144], sizes = [32, 128], strides = [1, 1]} : vector<32x65536xf32> to vector<32x128xf32>
    %concatenate3A_947 = tpu.concatenate %slice3A_943, %slice3A_944, %slice3A_945, %slice3A_946 in 0 : vector<32x128xf32>, vector<32x128xf32>, vector<32x128xf32>, vector<32x128xf32> -> vector<128x128xf32>
    %transpose3A_948 = tpu.transpose %concatenate3A_947, [1, 0] : vector<128x128xf32> -> vector<128x128xf32>
    %swap3A_949 = arith.constant 13440 : index
    %swap3A_950 = arith.constant 0 : index
    %swap3A_951 = vector.load %arg2[%swap3A_949, %swap3A_950] : memref<16384x128xf32, #tpu.memory_space<vmem>>, vector<128x128xf32>
    tpu.vector_store %arg2[%swap3A_949, %swap3A_950], %transpose3A_948 {strides = array<i32>} : memref<16384x128xf32, #tpu.memory_space<vmem>>, vector<128x128xf32>,
    %slice3A_952 = vector.extract_strided_slice %get3A_1 {offsets = [0, 54272], sizes = [32, 128], strides = [1, 1]} : vector<32x65536xf32> to vector<32x128xf32>
    %slice3A_953 = vector.extract_strided_slice %get3A_1 {offsets = [0, 54400], sizes = [32, 128], strides = [1, 1]} : vector<32x65536xf32> to vector<32x128xf32>
    %slice3A_954 = vector.extract_strided_slice %get3A_1 {offsets = [0, 54528], sizes = [32, 128], strides = [1, 1]} : vector<32x65536xf32> to vector<32x128xf32>
    %slice3A_955 = vector.extract_strided_slice %get3A_1 {offsets = [0, 54656], sizes = [32, 128], strides = [1, 1]} : vector<32x65536xf32> to vector<32x128xf32>
    %concatenate3A_956 = tpu.concatenate %slice3A_952, %slice3A_953, %slice3A_954, %slice3A_955 in 0 : vector<32x128xf32>, vector<32x128xf32>, vector<32x128xf32>, vector<32x128xf32> -> vector<128x128xf32>
    %transpose3A_957 = tpu.transpose %concatenate3A_956, [1, 0] : vector<128x128xf32> -> vector<128x128xf32>
    %swap3A_958 = arith.constant 13568 : index
    %swap3A_959 = arith.constant 0 : index
    %swap3A_960 = vector.load %arg2[%swap3A_958, %swap3A_959] : memref<16384x128xf32, #tpu.memory_space<vmem>>, vector<128x128xf32>
    tpu.vector_store %arg2[%swap3A_958, %swap3A_959], %transpose3A_957 {strides = array<i32>} : memref<16384x128xf32, #tpu.memory_space<vmem>>, vector<128x128xf32>,
    %slice3A_961 = vector.extract_strided_slice %get3A_1 {offsets = [0, 54784], sizes = [32, 128], strides = [1, 1]} : vector<32x65536xf32> to vector<32x128xf32>
    %slice3A_962 = vector.extract_strided_slice %get3A_1 {offsets = [0, 54912], sizes = [32, 128], strides = [1, 1]} : vector<32x65536xf32> to vector<32x128xf32>
    %slice3A_963 = vector.extract_strided_slice %get3A_1 {offsets = [0, 55040], sizes = [32, 128], strides = [1, 1]} : vector<32x65536xf32> to vector<32x128xf32>
    %slice3A_964 = vector.extract_strided_slice %get3A_1 {offsets = [0, 55168], sizes = [32, 128], strides = [1, 1]} : vector<32x65536xf32> to vector<32x128xf32>
    %concatenate3A_965 = tpu.concatenate %slice3A_961, %slice3A_962, %slice3A_963, %slice3A_964 in 0 : vector<32x128xf32>, vector<32x128xf32>, vector<32x128xf32>, vector<32x128xf32> -> vector<128x128xf32>
    %transpose3A_966 = tpu.transpose %concatenate3A_965, [1, 0] : vector<128x128xf32> -> vector<128x128xf32>
    %swap3A_967 = arith.constant 13696 : index
    %swap3A_968 = arith.constant 0 : index
    %swap3A_969 = vector.load %arg2[%swap3A_967, %swap3A_968] : memref<16384x128xf32, #tpu.memory_space<vmem>>, vector<128x128xf32>
    tpu.vector_store %arg2[%swap3A_967, %swap3A_968], %transpose3A_966 {strides = array<i32>} : memref<16384x128xf32, #tpu.memory_space<vmem>>, vector<128x128xf32>,
    %slice3A_970 = vector.extract_strided_slice %get3A_1 {offsets = [0, 55296], sizes = [32, 128], strides = [1, 1]} : vector<32x65536xf32> to vector<32x128xf32>
    %slice3A_971 = vector.extract_strided_slice %get3A_1 {offsets = [0, 55424], sizes = [32, 128], strides = [1, 1]} : vector<32x65536xf32> to vector<32x128xf32>
    %slice3A_972 = vector.extract_strided_slice %get3A_1 {offsets = [0, 55552], sizes = [32, 128], strides = [1, 1]} : vector<32x65536xf32> to vector<32x128xf32>
    %slice3A_973 = vector.extract_strided_slice %get3A_1 {offsets = [0, 55680], sizes = [32, 128], strides = [1, 1]} : vector<32x65536xf32> to vector<32x128xf32>
    %concatenate3A_974 = tpu.concatenate %slice3A_970, %slice3A_971, %slice3A_972, %slice3A_973 in 0 : vector<32x128xf32>, vector<32x128xf32>, vector<32x128xf32>, vector<32x128xf32> -> vector<128x128xf32>
    %transpose3A_975 = tpu.transpose %concatenate3A_974, [1, 0] : vector<128x128xf32> -> vector<128x128xf32>
    %swap3A_976 = arith.constant 13824 : index
    %swap3A_977 = arith.constant 0 : index
    %swap3A_978 = vector.load %arg2[%swap3A_976, %swap3A_977] : memref<16384x128xf32, #tpu.memory_space<vmem>>, vector<128x128xf32>
    tpu.vector_store %arg2[%swap3A_976, %swap3A_977], %transpose3A_975 {strides = array<i32>} : memref<16384x128xf32, #tpu.memory_space<vmem>>, vector<128x128xf32>,
    %slice3A_979 = vector.extract_strided_slice %get3A_1 {offsets = [0, 55808], sizes = [32, 128], strides = [1, 1]} : vector<32x65536xf32> to vector<32x128xf32>
    %slice3A_980 = vector.extract_strided_slice %get3A_1 {offsets = [0, 55936], sizes = [32, 128], strides = [1, 1]} : vector<32x65536xf32> to vector<32x128xf32>
    %slice3A_981 = vector.extract_strided_slice %get3A_1 {offsets = [0, 56064], sizes = [32, 128], strides = [1, 1]} : vector<32x65536xf32> to vector<32x128xf32>
    %slice3A_982 = vector.extract_strided_slice %get3A_1 {offsets = [0, 56192], sizes = [32, 128], strides = [1, 1]} : vector<32x65536xf32> to vector<32x128xf32>
    %concatenate3A_983 = tpu.concatenate %slice3A_979, %slice3A_980, %slice3A_981, %slice3A_982 in 0 : vector<32x128xf32>, vector<32x128xf32>, vector<32x128xf32>, vector<32x128xf32> -> vector<128x128xf32>
    %transpose3A_984 = tpu.transpose %concatenate3A_983, [1, 0] : vector<128x128xf32> -> vector<128x128xf32>
    %swap3A_985 = arith.constant 13952 : index
    %swap3A_986 = arith.constant 0 : index
    %swap3A_987 = vector.load %arg2[%swap3A_985, %swap3A_986] : memref<16384x128xf32, #tpu.memory_space<vmem>>, vector<128x128xf32>
    tpu.vector_store %arg2[%swap3A_985, %swap3A_986], %transpose3A_984 {strides = array<i32>} : memref<16384x128xf32, #tpu.memory_space<vmem>>, vector<128x128xf32>,
    %slice3A_988 = vector.extract_strided_slice %get3A_1 {offsets = [0, 56320], sizes = [32, 128], strides = [1, 1]} : vector<32x65536xf32> to vector<32x128xf32>
    %slice3A_989 = vector.extract_strided_slice %get3A_1 {offsets = [0, 56448], sizes = [32, 128], strides = [1, 1]} : vector<32x65536xf32> to vector<32x128xf32>
    %slice3A_990 = vector.extract_strided_slice %get3A_1 {offsets = [0, 56576], sizes = [32, 128], strides = [1, 1]} : vector<32x65536xf32> to vector<32x128xf32>
    %slice3A_991 = vector.extract_strided_slice %get3A_1 {offsets = [0, 56704], sizes = [32, 128], strides = [1, 1]} : vector<32x65536xf32> to vector<32x128xf32>
    %concatenate3A_992 = tpu.concatenate %slice3A_988, %slice3A_989, %slice3A_990, %slice3A_991 in 0 : vector<32x128xf32>, vector<32x128xf32>, vector<32x128xf32>, vector<32x128xf32> -> vector<128x128xf32>
    %transpose3A_993 = tpu.transpose %concatenate3A_992, [1, 0] : vector<128x128xf32> -> vector<128x128xf32>
    %swap3A_994 = arith.constant 14080 : index
    %swap3A_995 = arith.constant 0 : index
    %swap3A_996 = vector.load %arg2[%swap3A_994, %swap3A_995] : memref<16384x128xf32, #tpu.memory_space<vmem>>, vector<128x128xf32>
    tpu.vector_store %arg2[%swap3A_994, %swap3A_995], %transpose3A_993 {strides = array<i32>} : memref<16384x128xf32, #tpu.memory_space<vmem>>, vector<128x128xf32>,
    %slice3A_997 = vector.extract_strided_slice %get3A_1 {offsets = [0, 56832], sizes = [32, 128], strides = [1, 1]} : vector<32x65536xf32> to vector<32x128xf32>
    %slice3A_998 = vector.extract_strided_slice %get3A_1 {offsets = [0, 56960], sizes = [32, 128], strides = [1, 1]} : vector<32x65536xf32> to vector<32x128xf32>
    %slice3A_999 = vector.extract_strided_slice %get3A_1 {offsets = [0, 57088], sizes = [32, 128], strides = [1, 1]} : vector<32x65536xf32> to vector<32x128xf32>
    %slice3A_1000 = vector.extract_strided_slice %get3A_1 {offsets = [0, 57216], sizes = [32, 128], strides = [1, 1]} : vector<32x65536xf32> to vector<32x128xf32>
    %concatenate3A_1001 = tpu.concatenate %slice3A_997, %slice3A_998, %slice3A_999, %slice3A_1000 in 0 : vector<32x128xf32>, vector<32x128xf32>, vector<32x128xf32>, vector<32x128xf32> -> vector<128x128xf32>
    %transpose3A_1002 = tpu.transpose %concatenate3A_1001, [1, 0] : vector<128x128xf32> -> vector<128x128xf32>
    %swap3A_1003 = arith.constant 14208 : index
    %swap3A_1004 = arith.constant 0 : index
    %swap3A_1005 = vector.load %arg2[%swap3A_1003, %swap3A_1004] : memref<16384x128xf32, #tpu.memory_space<vmem>>, vector<128x128xf32>
    tpu.vector_store %arg2[%swap3A_1003, %swap3A_1004], %transpose3A_1002 {strides = array<i32>} : memref<16384x128xf32, #tpu.memory_space<vmem>>, vector<128x128xf32>,
    %slice3A_1006 = vector.extract_strided_slice %get3A_1 {offsets = [0, 57344], sizes = [32, 128], strides = [1, 1]} : vector<32x65536xf32> to vector<32x128xf32>
    %slice3A_1007 = vector.extract_strided_slice %get3A_1 {offsets = [0, 57472], sizes = [32, 128], strides = [1, 1]} : vector<32x65536xf32> to vector<32x128xf32>
    %slice3A_1008 = vector.extract_strided_slice %get3A_1 {offsets = [0, 57600], sizes = [32, 128], strides = [1, 1]} : vector<32x65536xf32> to vector<32x128xf32>
    %slice3A_1009 = vector.extract_strided_slice %get3A_1 {offsets = [0, 57728], sizes = [32, 128], strides = [1, 1]} : vector<32x65536xf32> to vector<32x128xf32>
    %concatenate3A_1010 = tpu.concatenate %slice3A_1006, %slice3A_1007, %slice3A_1008, %slice3A_1009 in 0 : vector<32x128xf32>, vector<32x128xf32>, vector<32x128xf32>, vector<32x128xf32> -> vector<128x128xf32>
    %transpose3A_1011 = tpu.transpose %concatenate3A_1010, [1, 0] : vector<128x128xf32> -> vector<128x128xf32>
    %swap3A_1012 = arith.constant 14336 : index
    %swap3A_1013 = arith.constant 0 : index
    %swap3A_1014 = vector.load %arg2[%swap3A_1012, %swap3A_1013] : memref<16384x128xf32, #tpu.memory_space<vmem>>, vector<128x128xf32>
    tpu.vector_store %arg2[%swap3A_1012, %swap3A_1013], %transpose3A_1011 {strides = array<i32>} : memref<16384x128xf32, #tpu.memory_space<vmem>>, vector<128x128xf32>,
    %slice3A_1015 = vector.extract_strided_slice %get3A_1 {offsets = [0, 57856], sizes = [32, 128], strides = [1, 1]} : vector<32x65536xf32> to vector<32x128xf32>
    %slice3A_1016 = vector.extract_strided_slice %get3A_1 {offsets = [0, 57984], sizes = [32, 128], strides = [1, 1]} : vector<32x65536xf32> to vector<32x128xf32>
    %slice3A_1017 = vector.extract_strided_slice %get3A_1 {offsets = [0, 58112], sizes = [32, 128], strides = [1, 1]} : vector<32x65536xf32> to vector<32x128xf32>
    %slice3A_1018 = vector.extract_strided_slice %get3A_1 {offsets = [0, 58240], sizes = [32, 128], strides = [1, 1]} : vector<32x65536xf32> to vector<32x128xf32>
    %concatenate3A_1019 = tpu.concatenate %slice3A_1015, %slice3A_1016, %slice3A_1017, %slice3A_1018 in 0 : vector<32x128xf32>, vector<32x128xf32>, vector<32x128xf32>, vector<32x128xf32> -> vector<128x128xf32>
    %transpose3A_1020 = tpu.transpose %concatenate3A_1019, [1, 0] : vector<128x128xf32> -> vector<128x128xf32>
    %swap3A_1021 = arith.constant 14464 : index
    %swap3A_1022 = arith.constant 0 : index
    %swap3A_1023 = vector.load %arg2[%swap3A_1021, %swap3A_1022] : memref<16384x128xf32, #tpu.memory_space<vmem>>, vector<128x128xf32>
    tpu.vector_store %arg2[%swap3A_1021, %swap3A_1022], %transpose3A_1020 {strides = array<i32>} : memref<16384x128xf32, #tpu.memory_space<vmem>>, vector<128x128xf32>,
    %slice3A_1024 = vector.extract_strided_slice %get3A_1 {offsets = [0, 58368], sizes = [32, 128], strides = [1, 1]} : vector<32x65536xf32> to vector<32x128xf32>
    %slice3A_1025 = vector.extract_strided_slice %get3A_1 {offsets = [0, 58496], sizes = [32, 128], strides = [1, 1]} : vector<32x65536xf32> to vector<32x128xf32>
    %slice3A_1026 = vector.extract_strided_slice %get3A_1 {offsets = [0, 58624], sizes = [32, 128], strides = [1, 1]} : vector<32x65536xf32> to vector<32x128xf32>
    %slice3A_1027 = vector.extract_strided_slice %get3A_1 {offsets = [0, 58752], sizes = [32, 128], strides = [1, 1]} : vector<32x65536xf32> to vector<32x128xf32>
    %concatenate3A_1028 = tpu.concatenate %slice3A_1024, %slice3A_1025, %slice3A_1026, %slice3A_1027 in 0 : vector<32x128xf32>, vector<32x128xf32>, vector<32x128xf32>, vector<32x128xf32> -> vector<128x128xf32>
    %transpose3A_1029 = tpu.transpose %concatenate3A_1028, [1, 0] : vector<128x128xf32> -> vector<128x128xf32>
    %swap3A_1030 = arith.constant 14592 : index
    %swap3A_1031 = arith.constant 0 : index
    %swap3A_1032 = vector.load %arg2[%swap3A_1030, %swap3A_1031] : memref<16384x128xf32, #tpu.memory_space<vmem>>, vector<128x128xf32>
    tpu.vector_store %arg2[%swap3A_1030, %swap3A_1031], %transpose3A_1029 {strides = array<i32>} : memref<16384x128xf32, #tpu.memory_space<vmem>>, vector<128x128xf32>,
    %slice3A_1033 = vector.extract_strided_slice %get3A_1 {offsets = [0, 58880], sizes = [32, 128], strides = [1, 1]} : vector<32x65536xf32> to vector<32x128xf32>
    %slice3A_1034 = vector.extract_strided_slice %get3A_1 {offsets = [0, 59008], sizes = [32, 128], strides = [1, 1]} : vector<32x65536xf32> to vector<32x128xf32>
    %slice3A_1035 = vector.extract_strided_slice %get3A_1 {offsets = [0, 59136], sizes = [32, 128], strides = [1, 1]} : vector<32x65536xf32> to vector<32x128xf32>
    %slice3A_1036 = vector.extract_strided_slice %get3A_1 {offsets = [0, 59264], sizes = [32, 128], strides = [1, 1]} : vector<32x65536xf32> to vector<32x128xf32>
    %concatenate3A_1037 = tpu.concatenate %slice3A_1033, %slice3A_1034, %slice3A_1035, %slice3A_1036 in 0 : vector<32x128xf32>, vector<32x128xf32>, vector<32x128xf32>, vector<32x128xf32> -> vector<128x128xf32>
    %transpose3A_1038 = tpu.transpose %concatenate3A_1037, [1, 0] : vector<128x128xf32> -> vector<128x128xf32>
    %swap3A_1039 = arith.constant 14720 : index
    %swap3A_1040 = arith.constant 0 : index
    %swap3A_1041 = vector.load %arg2[%swap3A_1039, %swap3A_1040] : memref<16384x128xf32, #tpu.memory_space<vmem>>, vector<128x128xf32>
    tpu.vector_store %arg2[%swap3A_1039, %swap3A_1040], %transpose3A_1038 {strides = array<i32>} : memref<16384x128xf32, #tpu.memory_space<vmem>>, vector<128x128xf32>,
    %slice3A_1042 = vector.extract_strided_slice %get3A_1 {offsets = [0, 59392], sizes = [32, 128], strides = [1, 1]} : vector<32x65536xf32> to vector<32x128xf32>
    %slice3A_1043 = vector.extract_strided_slice %get3A_1 {offsets = [0, 59520], sizes = [32, 128], strides = [1, 1]} : vector<32x65536xf32> to vector<32x128xf32>
    %slice3A_1044 = vector.extract_strided_slice %get3A_1 {offsets = [0, 59648], sizes = [32, 128], strides = [1, 1]} : vector<32x65536xf32> to vector<32x128xf32>
    %slice3A_1045 = vector.extract_strided_slice %get3A_1 {offsets = [0, 59776], sizes = [32, 128], strides = [1, 1]} : vector<32x65536xf32> to vector<32x128xf32>
    %concatenate3A_1046 = tpu.concatenate %slice3A_1042, %slice3A_1043, %slice3A_1044, %slice3A_1045 in 0 : vector<32x128xf32>, vector<32x128xf32>, vector<32x128xf32>, vector<32x128xf32> -> vector<128x128xf32>
    %transpose3A_1047 = tpu.transpose %concatenate3A_1046, [1, 0] : vector<128x128xf32> -> vector<128x128xf32>
    %swap3A_1048 = arith.constant 14848 : index
    %swap3A_1049 = arith.constant 0 : index
    %swap3A_1050 = vector.load %arg2[%swap3A_1048, %swap3A_1049] : memref<16384x128xf32, #tpu.memory_space<vmem>>, vector<128x128xf32>
    tpu.vector_store %arg2[%swap3A_1048, %swap3A_1049], %transpose3A_1047 {strides = array<i32>} : memref<16384x128xf32, #tpu.memory_space<vmem>>, vector<128x128xf32>,
    %slice3A_1051 = vector.extract_strided_slice %get3A_1 {offsets = [0, 59904], sizes = [32, 128], strides = [1, 1]} : vector<32x65536xf32> to vector<32x128xf32>
    %slice3A_1052 = vector.extract_strided_slice %get3A_1 {offsets = [0, 60032], sizes = [32, 128], strides = [1, 1]} : vector<32x65536xf32> to vector<32x128xf32>
    %slice3A_1053 = vector.extract_strided_slice %get3A_1 {offsets = [0, 60160], sizes = [32, 128], strides = [1, 1]} : vector<32x65536xf32> to vector<32x128xf32>
    %slice3A_1054 = vector.extract_strided_slice %get3A_1 {offsets = [0, 60288], sizes = [32, 128], strides = [1, 1]} : vector<32x65536xf32> to vector<32x128xf32>
    %concatenate3A_1055 = tpu.concatenate %slice3A_1051, %slice3A_1052, %slice3A_1053, %slice3A_1054 in 0 : vector<32x128xf32>, vector<32x128xf32>, vector<32x128xf32>, vector<32x128xf32> -> vector<128x128xf32>
    %transpose3A_1056 = tpu.transpose %concatenate3A_1055, [1, 0] : vector<128x128xf32> -> vector<128x128xf32>
    %swap3A_1057 = arith.constant 14976 : index
    %swap3A_1058 = arith.constant 0 : index
    %swap3A_1059 = vector.load %arg2[%swap3A_1057, %swap3A_1058] : memref<16384x128xf32, #tpu.memory_space<vmem>>, vector<128x128xf32>
    tpu.vector_store %arg2[%swap3A_1057, %swap3A_1058], %transpose3A_1056 {strides = array<i32>} : memref<16384x128xf32, #tpu.memory_space<vmem>>, vector<128x128xf32>,
    %slice3A_1060 = vector.extract_strided_slice %get3A_1 {offsets = [0, 60416], sizes = [32, 128], strides = [1, 1]} : vector<32x65536xf32> to vector<32x128xf32>
    %slice3A_1061 = vector.extract_strided_slice %get3A_1 {offsets = [0, 60544], sizes = [32, 128], strides = [1, 1]} : vector<32x65536xf32> to vector<32x128xf32>
    %slice3A_1062 = vector.extract_strided_slice %get3A_1 {offsets = [0, 60672], sizes = [32, 128], strides = [1, 1]} : vector<32x65536xf32> to vector<32x128xf32>
    %slice3A_1063 = vector.extract_strided_slice %get3A_1 {offsets = [0, 60800], sizes = [32, 128], strides = [1, 1]} : vector<32x65536xf32> to vector<32x128xf32>
    %concatenate3A_1064 = tpu.concatenate %slice3A_1060, %slice3A_1061, %slice3A_1062, %slice3A_1063 in 0 : vector<32x128xf32>, vector<32x128xf32>, vector<32x128xf32>, vector<32x128xf32> -> vector<128x128xf32>
    %transpose3A_1065 = tpu.transpose %concatenate3A_1064, [1, 0] : vector<128x128xf32> -> vector<128x128xf32>
    %swap3A_1066 = arith.constant 15104 : index
    %swap3A_1067 = arith.constant 0 : index
    %swap3A_1068 = vector.load %arg2[%swap3A_1066, %swap3A_1067] : memref<16384x128xf32, #tpu.memory_space<vmem>>, vector<128x128xf32>
    tpu.vector_store %arg2[%swap3A_1066, %swap3A_1067], %transpose3A_1065 {strides = array<i32>} : memref<16384x128xf32, #tpu.memory_space<vmem>>, vector<128x128xf32>,
    %slice3A_1069 = vector.extract_strided_slice %get3A_1 {offsets = [0, 60928], sizes = [32, 128], strides = [1, 1]} : vector<32x65536xf32> to vector<32x128xf32>
    %slice3A_1070 = vector.extract_strided_slice %get3A_1 {offsets = [0, 61056], sizes = [32, 128], strides = [1, 1]} : vector<32x65536xf32> to vector<32x128xf32>
    %slice3A_1071 = vector.extract_strided_slice %get3A_1 {offsets = [0, 61184], sizes = [32, 128], strides = [1, 1]} : vector<32x65536xf32> to vector<32x128xf32>
    %slice3A_1072 = vector.extract_strided_slice %get3A_1 {offsets = [0, 61312], sizes = [32, 128], strides = [1, 1]} : vector<32x65536xf32> to vector<32x128xf32>
    %concatenate3A_1073 = tpu.concatenate %slice3A_1069, %slice3A_1070, %slice3A_1071, %slice3A_1072 in 0 : vector<32x128xf32>, vector<32x128xf32>, vector<32x128xf32>, vector<32x128xf32> -> vector<128x128xf32>
    %transpose3A_1074 = tpu.transpose %concatenate3A_1073, [1, 0] : vector<128x128xf32> -> vector<128x128xf32>
    %swap3A_1075 = arith.constant 15232 : index
    %swap3A_1076 = arith.constant 0 : index
    %swap3A_1077 = vector.load %arg2[%swap3A_1075, %swap3A_1076] : memref<16384x128xf32, #tpu.memory_space<vmem>>, vector<128x128xf32>
    tpu.vector_store %arg2[%swap3A_1075, %swap3A_1076], %transpose3A_1074 {strides = array<i32>} : memref<16384x128xf32, #tpu.memory_space<vmem>>, vector<128x128xf32>,
    %slice3A_1078 = vector.extract_strided_slice %get3A_1 {offsets = [0, 61440], sizes = [32, 128], strides = [1, 1]} : vector<32x65536xf32> to vector<32x128xf32>
    %slice3A_1079 = vector.extract_strided_slice %get3A_1 {offsets = [0, 61568], sizes = [32, 128], strides = [1, 1]} : vector<32x65536xf32> to vector<32x128xf32>
    %slice3A_1080 = vector.extract_strided_slice %get3A_1 {offsets = [0, 61696], sizes = [32, 128], strides = [1, 1]} : vector<32x65536xf32> to vector<32x128xf32>
    %slice3A_1081 = vector.extract_strided_slice %get3A_1 {offsets = [0, 61824], sizes = [32, 128], strides = [1, 1]} : vector<32x65536xf32> to vector<32x128xf32>
    %concatenate3A_1082 = tpu.concatenate %slice3A_1078, %slice3A_1079, %slice3A_1080, %slice3A_1081 in 0 : vector<32x128xf32>, vector<32x128xf32>, vector<32x128xf32>, vector<32x128xf32> -> vector<128x128xf32>
    %transpose3A_1083 = tpu.transpose %concatenate3A_1082, [1, 0] : vector<128x128xf32> -> vector<128x128xf32>
    %swap3A_1084 = arith.constant 15360 : index
    %swap3A_1085 = arith.constant 0 : index
    %swap3A_1086 = vector.load %arg2[%swap3A_1084, %swap3A_1085] : memref<16384x128xf32, #tpu.memory_space<vmem>>, vector<128x128xf32>
    tpu.vector_store %arg2[%swap3A_1084, %swap3A_1085], %transpose3A_1083 {strides = array<i32>} : memref<16384x128xf32, #tpu.memory_space<vmem>>, vector<128x128xf32>,
    %slice3A_1087 = vector.extract_strided_slice %get3A_1 {offsets = [0, 61952], sizes = [32, 128], strides = [1, 1]} : vector<32x65536xf32> to vector<32x128xf32>
    %slice3A_1088 = vector.extract_strided_slice %get3A_1 {offsets = [0, 62080], sizes = [32, 128], strides = [1, 1]} : vector<32x65536xf32> to vector<32x128xf32>
    %slice3A_1089 = vector.extract_strided_slice %get3A_1 {offsets = [0, 62208], sizes = [32, 128], strides = [1, 1]} : vector<32x65536xf32> to vector<32x128xf32>
    %slice3A_1090 = vector.extract_strided_slice %get3A_1 {offsets = [0, 62336], sizes = [32, 128], strides = [1, 1]} : vector<32x65536xf32> to vector<32x128xf32>
    %concatenate3A_1091 = tpu.concatenate %slice3A_1087, %slice3A_1088, %slice3A_1089, %slice3A_1090 in 0 : vector<32x128xf32>, vector<32x128xf32>, vector<32x128xf32>, vector<32x128xf32> -> vector<128x128xf32>
    %transpose3A_1092 = tpu.transpose %concatenate3A_1091, [1, 0] : vector<128x128xf32> -> vector<128x128xf32>
    %swap3A_1093 = arith.constant 15488 : index
    %swap3A_1094 = arith.constant 0 : index
    %swap3A_1095 = vector.load %arg2[%swap3A_1093, %swap3A_1094] : memref<16384x128xf32, #tpu.memory_space<vmem>>, vector<128x128xf32>
    tpu.vector_store %arg2[%swap3A_1093, %swap3A_1094], %transpose3A_1092 {strides = array<i32>} : memref<16384x128xf32, #tpu.memory_space<vmem>>, vector<128x128xf32>,
    %slice3A_1096 = vector.extract_strided_slice %get3A_1 {offsets = [0, 62464], sizes = [32, 128], strides = [1, 1]} : vector<32x65536xf32> to vector<32x128xf32>
    %slice3A_1097 = vector.extract_strided_slice %get3A_1 {offsets = [0, 62592], sizes = [32, 128], strides = [1, 1]} : vector<32x65536xf32> to vector<32x128xf32>
    %slice3A_1098 = vector.extract_strided_slice %get3A_1 {offsets = [0, 62720], sizes = [32, 128], strides = [1, 1]} : vector<32x65536xf32> to vector<32x128xf32>
    %slice3A_1099 = vector.extract_strided_slice %get3A_1 {offsets = [0, 62848], sizes = [32, 128], strides = [1, 1]} : vector<32x65536xf32> to vector<32x128xf32>
    %concatenate3A_1100 = tpu.concatenate %slice3A_1096, %slice3A_1097, %slice3A_1098, %slice3A_1099 in 0 : vector<32x128xf32>, vector<32x128xf32>, vector<32x128xf32>, vector<32x128xf32> -> vector<128x128xf32>
    %transpose3A_1101 = tpu.transpose %concatenate3A_1100, [1, 0] : vector<128x128xf32> -> vector<128x128xf32>
    %swap3A_1102 = arith.constant 15616 : index
    %swap3A_1103 = arith.constant 0 : index
    %swap3A_1104 = vector.load %arg2[%swap3A_1102, %swap3A_1103] : memref<16384x128xf32, #tpu.memory_space<vmem>>, vector<128x128xf32>
    tpu.vector_store %arg2[%swap3A_1102, %swap3A_1103], %transpose3A_1101 {strides = array<i32>} : memref<16384x128xf32, #tpu.memory_space<vmem>>, vector<128x128xf32>,
    %slice3A_1105 = vector.extract_strided_slice %get3A_1 {offsets = [0, 62976], sizes = [32, 128], strides = [1, 1]} : vector<32x65536xf32> to vector<32x128xf32>
    %slice3A_1106 = vector.extract_strided_slice %get3A_1 {offsets = [0, 63104], sizes = [32, 128], strides = [1, 1]} : vector<32x65536xf32> to vector<32x128xf32>
    %slice3A_1107 = vector.extract_strided_slice %get3A_1 {offsets = [0, 63232], sizes = [32, 128], strides = [1, 1]} : vector<32x65536xf32> to vector<32x128xf32>
    %slice3A_1108 = vector.extract_strided_slice %get3A_1 {offsets = [0, 63360], sizes = [32, 128], strides = [1, 1]} : vector<32x65536xf32> to vector<32x128xf32>
    %concatenate3A_1109 = tpu.concatenate %slice3A_1105, %slice3A_1106, %slice3A_1107, %slice3A_1108 in 0 : vector<32x128xf32>, vector<32x128xf32>, vector<32x128xf32>, vector<32x128xf32> -> vector<128x128xf32>
    %transpose3A_1110 = tpu.transpose %concatenate3A_1109, [1, 0] : vector<128x128xf32> -> vector<128x128xf32>
    %swap3A_1111 = arith.constant 15744 : index
    %swap3A_1112 = arith.constant 0 : index
    %swap3A_1113 = vector.load %arg2[%swap3A_1111, %swap3A_1112] : memref<16384x128xf32, #tpu.memory_space<vmem>>, vector<128x128xf32>
    tpu.vector_store %arg2[%swap3A_1111, %swap3A_1112], %transpose3A_1110 {strides = array<i32>} : memref<16384x128xf32, #tpu.memory_space<vmem>>, vector<128x128xf32>,
    %slice3A_1114 = vector.extract_strided_slice %get3A_1 {offsets = [0, 63488], sizes = [32, 128], strides = [1, 1]} : vector<32x65536xf32> to vector<32x128xf32>
    %slice3A_1115 = vector.extract_strided_slice %get3A_1 {offsets = [0, 63616], sizes = [32, 128], strides = [1, 1]} : vector<32x65536xf32> to vector<32x128xf32>
    %slice3A_1116 = vector.extract_strided_slice %get3A_1 {offsets = [0, 63744], sizes = [32, 128], strides = [1, 1]} : vector<32x65536xf32> to vector<32x128xf32>
    %slice3A_1117 = vector.extract_strided_slice %get3A_1 {offsets = [0, 63872], sizes = [32, 128], strides = [1, 1]} : vector<32x65536xf32> to vector<32x128xf32>
    %concatenate3A_1118 = tpu.concatenate %slice3A_1114, %slice3A_1115, %slice3A_1116, %slice3A_1117 in 0 : vector<32x128xf32>, vector<32x128xf32>, vector<32x128xf32>, vector<32x128xf32> -> vector<128x128xf32>
    %transpose3A_1119 = tpu.transpose %concatenate3A_1118, [1, 0] : vector<128x128xf32> -> vector<128x128xf32>
    %swap3A_1120 = arith.constant 15872 : index
    %swap3A_1121 = arith.constant 0 : index
    %swap3A_1122 = vector.load %arg2[%swap3A_1120, %swap3A_1121] : memref<16384x128xf32, #tpu.memory_space<vmem>>, vector<128x128xf32>
    tpu.vector_store %arg2[%swap3A_1120, %swap3A_1121], %transpose3A_1119 {strides = array<i32>} : memref<16384x128xf32, #tpu.memory_space<vmem>>, vector<128x128xf32>,
    %slice3A_1123 = vector.extract_strided_slice %get3A_1 {offsets = [0, 64000], sizes = [32, 128], strides = [1, 1]} : vector<32x65536xf32> to vector<32x128xf32>
    %slice3A_1124 = vector.extract_strided_slice %get3A_1 {offsets = [0, 64128], sizes = [32, 128], strides = [1, 1]} : vector<32x65536xf32> to vector<32x128xf32>
    %slice3A_1125 = vector.extract_strided_slice %get3A_1 {offsets = [0, 64256], sizes = [32, 128], strides = [1, 1]} : vector<32x65536xf32> to vector<32x128xf32>
    %slice3A_1126 = vector.extract_strided_slice %get3A_1 {offsets = [0, 64384], sizes = [32, 128], strides = [1, 1]} : vector<32x65536xf32> to vector<32x128xf32>
    %concatenate3A_1127 = tpu.concatenate %slice3A_1123, %slice3A_1124, %slice3A_1125, %slice3A_1126 in 0 : vector<32x128xf32>, vector<32x128xf32>, vector<32x128xf32>, vector<32x128xf32> -> vector<128x128xf32>
    %transpose3A_1128 = tpu.transpose %concatenate3A_1127, [1, 0] : vector<128x128xf32> -> vector<128x128xf32>
    %swap3A_1129 = arith.constant 16000 : index
    %swap3A_1130 = arith.constant 0 : index
    %swap3A_1131 = vector.load %arg2[%swap3A_1129, %swap3A_1130] : memref<16384x128xf32, #tpu.memory_space<vmem>>, vector<128x128xf32>
    tpu.vector_store %arg2[%swap3A_1129, %swap3A_1130], %transpose3A_1128 {strides = array<i32>} : memref<16384x128xf32, #tpu.memory_space<vmem>>, vector<128x128xf32>,
    %slice3A_1132 = vector.extract_strided_slice %get3A_1 {offsets = [0, 64512], sizes = [32, 128], strides = [1, 1]} : vector<32x65536xf32> to vector<32x128xf32>
    %slice3A_1133 = vector.extract_strided_slice %get3A_1 {offsets = [0, 64640], sizes = [32, 128], strides = [1, 1]} : vector<32x65536xf32> to vector<32x128xf32>
    %slice3A_1134 = vector.extract_strided_slice %get3A_1 {offsets = [0, 64768], sizes = [32, 128], strides = [1, 1]} : vector<32x65536xf32> to vector<32x128xf32>
    %slice3A_1135 = vector.extract_strided_slice %get3A_1 {offsets = [0, 64896], sizes = [32, 128], strides = [1, 1]} : vector<32x65536xf32> to vector<32x128xf32>
    %concatenate3A_1136 = tpu.concatenate %slice3A_1132, %slice3A_1133, %slice3A_1134, %slice3A_1135 in 0 : vector<32x128xf32>, vector<32x128xf32>, vector<32x128xf32>, vector<32x128xf32> -> vector<128x128xf32>
    %transpose3A_1137 = tpu.transpose %concatenate3A_1136, [1, 0] : vector<128x128xf32> -> vector<128x128xf32>
    %swap3A_1138 = arith.constant 16128 : index
    %swap3A_1139 = arith.constant 0 : index
    %swap3A_1140 = vector.load %arg2[%swap3A_1138, %swap3A_1139] : memref<16384x128xf32, #tpu.memory_space<vmem>>, vector<128x128xf32>
    tpu.vector_store %arg2[%swap3A_1138, %swap3A_1139], %transpose3A_1137 {strides = array<i32>} : memref<16384x128xf32, #tpu.memory_space<vmem>>, vector<128x128xf32>,
    %slice3A_1141 = vector.extract_strided_slice %get3A_1 {offsets = [0, 65024], sizes = [32, 128], strides = [1, 1]} : vector<32x65536xf32> to vector<32x128xf32>
    %slice3A_1142 = vector.extract_strided_slice %get3A_1 {offsets = [0, 65152], sizes = [32, 128], strides = [1, 1]} : vector<32x65536xf32> to vector<32x128xf32>
    %slice3A_1143 = vector.extract_strided_slice %get3A_1 {offsets = [0, 65280], sizes = [32, 128], strides = [1, 1]} : vector<32x65536xf32> to vector<32x128xf32>
    %slice3A_1144 = vector.extract_strided_slice %get3A_1 {offsets = [0, 65408], sizes = [32, 128], strides = [1, 1]} : vector<32x65536xf32> to vector<32x128xf32>
    %concatenate3A_1145 = tpu.concatenate %slice3A_1141, %slice3A_1142, %slice3A_1143, %slice3A_1144 in 0 : vector<32x128xf32>, vector<32x128xf32>, vector<32x128xf32>, vector<32x128xf32> -> vector<128x128xf32>
    %transpose3A_1146 = tpu.transpose %concatenate3A_1145, [1, 0] : vector<128x128xf32> -> vector<128x128xf32>
    %swap3A_1147 = arith.constant 16256 : index
    %swap3A_1148 = arith.constant 0 : index
    %swap3A_1149 = vector.load %arg2[%swap3A_1147, %swap3A_1148] : memref<16384x128xf32, #tpu.memory_space<vmem>>, vector<128x128xf32>
    tpu.vector_store %arg2[%swap3A_1147, %swap3A_1148], %transpose3A_1146 {strides = array<i32>} : memref<16384x128xf32, #tpu.memory_space<vmem>>, vector<128x128xf32>,
    return
  }
  func.func @transform_0(%arg0: i32) -> (i32, i32) {
    %c0_i32 = arith.constant 0 : i32
    %c0_i32_0 = arith.constant 0 : i32
    return %c0_i32, %arg0 : i32, i32
  }
  func.func @transform_1(%arg0: i32) -> (i32, i32) {
    %c0_i32 = arith.constant 0 : i32
    %c0_i32_0 = arith.constant 0 : i32
    return %arg0, %c0_i32 : i32, i32
  }
}

</mosaic_0001>

<sc_bundles>
// kernel: kernel.4.cloned.1.call-start
scs
__scs_entry_jumppad:
0x0: {  	(pc) =	sbr.rel $0x88, $3  }
0x1: {  	(tag) =	ssettag $0x0;
	lr =	simm.s32 $0x1  }
0x2: {  	[smem:$0x3F9E] =	sst lr;
	_ =	strace $0xD0000000  }
0x3: {  	_ = 	snop  }
0x4: {  	_ = 	snop  }
0x5: {  	_ = 	snop  }
0x6: {  	_ = 	snop  }
0x7: {  	_ = 	snop  }
__scs_overlays_trampoline_lowered:
0x8: {  	[smem:$0x3FAD] =	sst s0  }
0x9: {  	[smem:$0x3FAE] =	sst s1  }
0xa: {  	[smem:$0x3FAF] =	sst s2  }
0xb: {  	[smem:$0x3FB0] =	sst s3  }
0xc: {  	[smem:$0x3FB1] =	sst s4  }
0xd: {  	[smem:$0x3FB2] =	sst s5  }
0xe: {  	[smem:$0x3FB3] =	sst s6  }
0xf: {  	[smem:$0x3FB4] =	sst s7  }
0x10: {  	[smem:$0x3FB5] =	sst s8  }
0x11: {  	[smem:$0x3FB6] =	sst s9;
	s0 =	simm.s32 @!p0 $0x0  }
0x12: {  	s1 =	sld [smem:$0x3F9C];
	s0 =	simm.s32 @p0 $0x1  }
0x13: {  	[smem:$0x3FB7] =	sst s0;
	s0 =	simm.s32 @!p1 $0x0  }
0x14: {  	s2 =	sld [smem:$0x3F9B];
	s0 =	simm.s32 @p1 $0x1  }
0x15: {  	[smem:$0x3FB8] =	sst s0;
	s0 =	simm.s32 @!p2 $0x0  }
0x16: {  	s3 =	sld [smem:$0x3FDB];
	s0 =	simm.s32 @p2 $0x1  }
0x17: {  	s4 =	simm.s32 $0x1BF5;
	[smem:$0x3FBA] =	sst s0  }
0x18: {  	s0 =	sld [smem:$0x3F9D];
	_ =	swait.ge [sflag:s4], $0x0  }
0x19: {  	s7 =	sld [smem:$0x3F9E]  }
0x1a: {  	s8 =	sadd.s32 $0xFFFFE003, lr  }
0x1b: {  	s9 =	sadd.s32 $0xFFFFFEF7, lr;
	s5 =	simm.s32 $0xFFFFFFFF;
	p2 =	slt.u32 s8, $0xFFFFF086  }
0x1c: {  	p1 =	slt.u32 s9, $0xF7A;
	s5 =	simm.s32 @!p2 $0x0  }
0x1d: {  	s5 =	simm.s32 @p1 $0x1;
	p0 =	seq.s32 s7, s2  }
0x1e: {  	s7 =	smul.u32 @!p0 $0xF7A, s2;
	p2 =	seq.s32 @!p0 s5, $0x0  }
0x1f: {  	s9 =	smul.u32 $0xF7A, s1;
	s8 =	simm.s32 @!p0 $0x1BF5;
	p2 =	por !p2, p0  }
0x20: {  	[sflag:s8] =	ssyncset.s32 @!p0 $0xFFFFF086;
	s6 =	sadd.s32 @!p0 s3, s7;
	s7 =	simm.s32 @!p0 $0x108  }
0x21: {  	s3 =	sadd.s32 s3, s9;
	s6 =	sadd.s32 @!p0 $0x88, s6;
	s7 =	simm.s32 @p2 $0x1082  }
0x22: {  	[simem:s7], [sflag:s8] =	dma.local @!p0 [hbm:s6], $0xF7A  }
0x23: {  	s9 =	sor.u32 $0xD0000000, s2;
	s6 =	simm.s32 $0x108;
	_ =	swait.ge @!p0 [sflag:s8], $0x0  }
0x24: {  	s3 =	sadd.s32 $0x88, s3;
	s6 =	simm.s32 @!p1 $0x1082;
	[sflag:s4] =	ssyncset.s32 $0xFFFFF086  }
0x25: {  	[simem:s6], [sflag:s4] =	dma.local [hbm:s3], $0xF7A  }
0x26: {  	[smem:$0x3F9E] =	sst s1;
	(tag) =	ssettag s2;
	_ =	strace s9  }
0x27: {  	s1 =	sld [smem:$0x3FAE]  }
0x28: {  	s2 =	sld [smem:$0x3FAF]  }
0x29: {  	s4 =	sld [smem:$0x3FB1]  }
0x2a: {  	p0 =	seq.s32 s5, $0x0;
	s5 =	sld [smem:$0x3FB2]  }
0x2b: {  	s6 =	sld [smem:$0x3FB3]  }
0x2c: {  	s7 =	sld [smem:$0x3FB4]  }
0x2d: {  	s3 =	simm.s32 $0x108;
	s8 =	sld [smem:$0x3FB5]  }
0x2e: {  	s3 =	simm.s32 @!p0 $0x1082;
	s9 =	sld [smem:$0x3FB6]  }
0x2f: {  	lr =	sadd.s32 s0, s3;
	s0 =	sld [smem:$0x3FAD]  }
0x30: {  	s3 =	sld [smem:$0x3FB0]  }
0x31: {  	[smem:$0x3FB9] =	sst s10  }
0x32: {  	s10 =	sld [smem:$0x3FB7];
	_ =	sdelay $0x3  }
0x33: {  	p0 =	seq.s32 s10, $0x1;
	s10 =	sld [smem:$0x3FB9];
	_ =	sdelay $0x3  }
0x34: {  	[smem:$0x3FB9] =	sst s10  }
0x35: {  	s10 =	sld [smem:$0x3FB8];
	_ =	sdelay $0x3  }
0x36: {  	p1 =	seq.s32 s10, $0x1;
	s10 =	sld [smem:$0x3FB9];
	_ =	sdelay $0x3  }
0x37: {  	[smem:$0x3FB9] =	sst s10  }
0x38: {  	s10 =	sld [smem:$0x3FBA]  }
0x39: {  	_ = 	snop;
	(pc) =	sbr.ind lr, $3  }
0x3a: {  	_ = 	snop  }
0x3b: {  	_ = 	snop  }
0x3c: {  	p2 =	seq.s32 s10, $0x1;
	s10 =	sld [smem:$0x3FB9]  }
0x3d: {  	_ =	shalt  }
0x3e: {  	_ =	shalt  }
0x3f: {  	_ =	shalt  }
0x40: {  	_ =	shalt  }
0x41: {  	_ =	shalt  }
0x42: {  	_ =	shalt  }
0x43: {  	_ =	shalt  }
0x44: {  	_ =	shalt  }
0x45: {  	_ =	shalt  }
0x46: {  	_ =	shalt  }
0x47: {  	_ =	shalt  }
0x48: {  	_ =	shalt  }
0x49: {  	_ =	shalt  }
0x4a: {  	_ =	shalt  }
0x4b: {  	_ =	shalt  }
0x4c: {  	_ =	shalt  }
0x4d: {  	_ =	shalt  }
0x4e: {  	_ =	shalt  }
0x4f: {  	_ =	shalt  }
0x50: {  	_ =	shalt  }
0x51: {  	_ =	shalt  }
0x52: {  	_ =	shalt  }
0x53: {  	_ =	shalt  }
0x54: {  	_ =	shalt  }
0x55: {  	_ =	shalt  }
0x56: {  	_ =	shalt  }
0x57: {  	_ =	shalt  }
0x58: {  	_ =	shalt  }
0x59: {  	_ =	shalt  }
0x5a: {  	_ =	shalt  }
0x5b: {  	_ =	shalt  }
0x5c: {  	_ =	shalt  }
0x5d: {  	_ =	shalt  }
0x5e: {  	_ =	shalt  }
0x5f: {  	_ =	shalt  }
0x60: {  	_ =	shalt  }
0x61: {  	_ =	shalt  }
0x62: {  	_ =	shalt  }
0x63: {  	_ =	shalt  }
0x64: {  	_ =	shalt  }
0x65: {  	_ =	shalt  }
0x66: {  	_ =	shalt  }
0x67: {  	_ =	shalt  }
0x68: {  	_ =	shalt  }
0x69: {  	_ =	shalt  }
0x6a: {  	_ =	shalt  }
0x6b: {  	_ =	shalt  }
0x6c: {  	_ =	shalt  }
0x6d: {  	_ =	shalt  }
0x6e: {  	_ =	shalt  }
0x6f: {  	_ =	shalt  }
0x70: {  	_ =	shalt  }
0x71: {  	_ =	shalt  }
0x72: {  	_ =	shalt  }
0x73: {  	_ =	shalt  }
0x74: {  	_ =	shalt  }
0x75: {  	_ =	shalt  }
0x76: {  	_ =	shalt  }
0x77: {  	_ =	shalt  }
0x78: {  	_ =	shalt  }
0x79: {  	_ =	shalt  }
0x7a: {  	_ =	shalt  }
0x7b: {  	_ =	shalt  }
0x7c: {  	_ =	shalt  }
0x7d: {  	_ =	shalt  }
0x7e: {  	_ =	shalt  }
0x7f: {  	_ =	shalt  }
0x80: {  	_ =	shalt  }
0x81: {  	_ =	shalt  }
0x82: {  	_ =	shalt  }
0x83: {  	_ =	shalt  }
0x84: {  	_ =	shalt  }
0x85: {  	_ =	shalt  }
0x86: {  	_ =	shalt  }
0x87: {  	_ =	shalt  }
.Lfunc_end0:
.L_simem_size_0:
called_computation_lowered:
.L_overlay_start_0:
0x88: {  	s2 =	sld [smem:$0x3FD9]  }
0x89: {  	s3 =	sld [smem:$0x3FFE];
	_ =	sdelay $0x1  }
0x8a: {  	s1 =	srdreg.scid  }
0x8b: {  	s0 =	sand.u32 $0x1, s1  }
0x8c: {  	s17 =	sshll.u32 s0, $0xA;
	s2 =	sadd.s32 s3, s2  }
0x8d: {  	s2 =	sadd.s32 s2, s17  }
0x8e: {  	[smem:$0x3FC5] =	sst s2  }
0x8f: {  	_ = 	snop  }
0x90: {  	s2 =	sld [smem:$0x3FD0];
	(tm) =	ssettm $0x1  }
0x91: {  	s18 =	sld [smem:$0x3FFB];
	_ =	sdelay $0x3  }
0x92: {  	_ =	strace s18  }
0x93: {  	s3 =	sld [smem:$0x3FFC];
	_ =	sdelay $0x3  }
0x94: {  	_ =	strace s3  }
0x95: {  	s3 =	sld [smem:$0x3FFD];
	_ =	sdelay $0x3  }
0x96: {  	_ =	strace s3  }
0x97: {  	_ =	strace $0x8FFFFFFF  }
0x98: {  	s19 =	sld [smem:$0x3FDB];
	_ =	sdelay $0x1  }
0x99: {  	s4 =	simm.s32 $_scs_section_size  }
0x9a: {  	s5 =	simm.s32 $_size__tile_overlayer_lowered;
	s6 =	simm.s32 $_tile_overlayer_lowered  }
0x9b: {  	s22 =	simm.s32 $0x1BFF;
	s21 =	sshll.u32 s6, $0x1;
	s3 =	sadd.s32 s4, s19  }
0x9c: {  	s7 =	simm.s32 $0x0;
	s20 =	sshll.u32 s5, $0x1;
	s5 =	sadd.s32 s21, s3  }
0x9d: {  	[timem:s7], [sflag:s22] =	dma.local [hbm:s5], s20  }
0x9e: {  	_ =	swait.ge [sflag:s22], s20  }
0x9f: {  	s4 =	ssub.s32 $0x0, s20;
	[sflag:s22] =	ssyncset.done $0x0  }
0xa0: {  	[sflag:s22] =	ssyncadd.s32 s4;
	_ =	sdelay $0x1  }
0xa1: {  	s23 =	simm.s32 $0x1B8B  }
0xa2: {  	_ =	swait.ge [sflag:s23], $0x1  }
0xa3: {  	[sflag:s23] =	ssyncset.done $0x0  }
0xa4: {  	s25 =	simm.s32 $0x1B8E;
	s24 =	sld [smem:$0x3FFE];
	[sflag:s23] =	ssyncadd.s32 $0xFFFFFFFF  }
0xa5: {  	s26 =	simm.s32 $execute0_lowered;
	[smem:$0x3FD2] =	sst s25  }
0xa6: {  	s5 =	sshll.u32 s26, $0x1;
	_ =	strace $0x80000046;
	[dreg:$0x1] =	wrdreg $0xFFFFFFFF  }
0xa7: {  	s28 =	simm.s32 $_size_execute0_lowered;
	s3 =	sadd.s32 s3, s5;
	[dreg:$0x0] =	wrdreg $0x0  }
0xa8: {  	s5 =	sshll.u32 s28, $0x1;
	[dreg:$0x2] =	wrdreg s3  }
0xa9: {  	[dreg:$0x3] =	wrdreg s5  }
0xaa: {  	[dreg:$0x4] =	wrdreg $0xC0  }
0xab: {  	_ =	task [dreg:s7], $0x5FFFF  }
0xac: {  	[dreg:$0x1] =	wrdreg $0xFFFFFFFF  }
0xad: {  	[dreg:$0x0] =	wrdreg $0x60  }
0xae: {  	[dreg:$0x2] =	wrdreg s24  }
0xaf: {  	[dreg:$0x3] =	wrdreg s2  }
0xb0: {  	[dreg:$0x4] =	wrdreg $0x9  }
0xb1: {  	_ =	task.clear_ibuf [dreg:s7], $0x5FFFF;
	_ =	strace $0x90000046  }
0xb2: {  	s29 =	simm.s32 $0x9;
	_ =	strace $0x80000048  }
0xb3: {  	_ =	swait.ge [sflag:s29], $0x1  }
0xb4: {  	[sflag:s29] =	ssyncadd.s32 $0xFFFFFFFF  }
0xb5: {  	_ =	strace $0x90000048  }
0xb6: {  	_ =	sfence  }
0xb7: {  	s30 =	sld [smem:$0x0];
	_ =	sdelay $0x2  }
0xb8: {  	s31 =	sshll.u32 s1, $0xD;
	s1 =	sshrl.u32 s1, $0x2  }
0xb9: {  	s3 =	sand.u32 $0x4000, s31;
	s1 =	sadd.s32 s1, s30  }
0xba: {  	s0 =	sor.u32 s3, s0;
	s1 =	sshll.u32 s1, $0x11  }
0xbb: {  	s0 =	sor.u32 s1, s0  }
0xbc: {  	s0 =	sadd.s32 $0x8F2B, s0  }
0xbd: {  	[sflag:s0] =	ssyncadd.remote.s32 $0x1  }
0xbe: {  	_ =	sfence.sel $0xFFFF  }
0xbf: {  	[dreg:$0x0] =	wrdreg $0xFFFFFFFF;
	(pc) =	sbr.abs _section_cstart, $3  }
0xc0: {  	[dreg:$0x1] =	wrdreg $0xFFFFFFFF  }
0xc1: {  	_ =	task.clear_ibuf [dreg:s7], $0x2FFFF;
	_ =	strace $0x9FFFFFFF  }
0xc2: {  	(tm) =	ssettm $0x7FFFFFFF  }
0xc3: {  	_ =	shalt  }
tec
execute0_lowered:
.L_overlay_start_1:
0x0: {  	(tag) =	ssettag $0x1  }
0x1: {  	s0 =	rddreg [dreg:$0x0]  }
0x2: {  	s1 =	rddreg [dreg:$0x1];
	s2 =	srdreg.scid  }
0x3: {  	s3 =	stileid.u32;
	s18 =	simm.s32 $0x0;
	s12 =	simm.s32 $0x40  }
0x4: {  	s9 =	simm.s32 $0x1;
	s11 =	simm.s32 $0x2;
	s7 =	simm.s32 $0x6  }
0x5: {  	s8 =	simm.s32 $0x8;
	s10 =	simm.s32 $0x9;
	s13 =	simm.s32 $0xA  }
0x6: {  	s15 =	simm.s32 $0xB;
	s17 =	simm.s32 $0xC;
	s19 =	simm.s32 $0xD  }
0x7: {  	s21 =	simm.s32 $0xE;
	s23 =	simm.s32 $0xF;
	s28 =	simm.s32 $0x11  }
0x8: {  	s30 =	simm.s32 $0x12;
	s16 =	simm.s32 $0x14;
	s2 =	sand.u32 $0x1, s2  }
0x9: {  	s14 =	simm.s32 $0x0;
	s3 =	sshll.u32 s3, $0x8;
	s4 =	sshll.u32 s2, $0x7  }
0xa: {  	[smem:$0x7FF] =	sst s18;
	s2 =	ssub.s32 $0x2, s2;
	s4 =	sor.u32 s4, s3  }
0xb: {  	_ =	strace $0x80000047;
	s5 =	sshrl.u32 s2, $0x1;
	s3 =	sshrl.u32 s4, $0x3  }
0xc: {  	s25 =	ssub.s32 s2, s5;
	s31 =	sshll.u32 s4, $0x3;
	s4 =	simm.s32 $0x3  }
0xd: {  	s5 =	simm.s32 $0x4;
	s6 =	sadd.s32 s3, s0;
	s1 =	sadd.s32 s1, s31  }
0xe: {  	s3 =	sadd.s32 $0x1FA00, s0;
	s0 =	smax.u32 s25, $0x1;
	[dreg:$0x5] =	wrdreg s1  }
0xf: {  	s2 =	simm.s32 $0x7;
	s26 =	sadd.s32 $0x6A00, s6;
	[dreg:$0x6] =	wrdreg s0  }
0x10: {  	s25 =	simm.s32 $0x10;
	s29 =	sadd.s32 $0x600, s6;
	[dreg:$0x3] =	wrdreg s26  }
0x11: {  	s6 =	simm.s32 $0x5;
	s0 =	simm.s32 $0x13;
	[dreg:$0x4] =	wrdreg s29  }
.LBB2_1:
0x12: {  	[dreg:$0x7] =	wrdreg s14  }
0x13: {  	s1 =	rddreg [dreg:$0x3]  }
0x14: {  	s20 =	simm.s32 $0x15;
	s24 =	simm.s32 $0x80;
	s31 =	simm.s32 $0x1000  }
0x15: {  	[tilespmem:s18], [sflag:$0x15] =	stream.strided.gather [hbm4b:s1+s24], $0x6400, s31, s24, $0x38;
	[tilespmem:$0x1DD00] =	vst v63  }
0x16: {  	_ =	swait.ge [sflag:s20], $0x6400  }
0x17: {  	[sflag:s20] =	ssyncset.done $0x0  }
0x18: {  	s29 =	simm.s32 $0x6400;
	s22 =	rddreg [dreg:$0x4];
	[sflag:s20] =	ssyncadd.s32 $0xFFFF9C00  }
0x19: {  	[tilespmem:s29], [sflag:$0x15] =	stream.strided.gather [hbm4b:s22+s24], $0x1900, s31, s24, $0x38;
	[tilespmem:$0x1DD00] =	vst v63  }
0x1a: {  	_ =	swait.ge [sflag:s20], $0x1900  }
0x1b: {  	[sflag:s20] =	ssyncset.done $0x0  }
0x1c: {  	[sflag:s20] =	ssyncadd.s32 $0xFFFFE700;
	s20 =	simm.s32 $0x7D00  }
0x1d: {  	[tilespmem:s20], [sflag:$0x1] =	stream.indirect.gather [hbm4b:s3+s12], $0x20, s18, s12, $0xb8;
	[tilespmem:$0x1DD00] =	vst v63  }
0x1e: {  	s26 =	simm.s32 $0x8500  }
0x1f: {  	[tilespmem:s26], [sflag:$0x1] =	stream.indirect.gather [hbm4b:s3+s12], $0x20, s12, s12, $0xb8;
	[tilespmem:$0x1DD00] =	vst v63  }
0x20: {  	s31 =	simm.s32 $0x8D00  }
0x21: {  	[tilespmem:s31], [sflag:$0x2] =	stream.indirect.gather [hbm4b:s3+s12], $0x20, s24, s12, $0xb8;
	[tilespmem:$0x1DD00] =	vst v63  }
0x22: {  	s14 =	simm.s32 $0xC0;
	s22 =	simm.s32 $0x9500  }
0x23: {  	[tilespmem:s22], [sflag:$0x2] =	stream.indirect.gather [hbm4b:s3+s12], $0x20, s14, s12, $0xb8;
	[tilespmem:$0x1DD00] =	vst v63  }
0x24: {  	s24 =	simm.s32 $0x100;
	s31 =	simm.s32 $0x9D00  }
0x25: {  	[tilespmem:s31], [sflag:$0x3] =	stream.indirect.gather [hbm4b:s3+s12], $0x20, s24, s12, $0xb8;
	[tilespmem:$0x1DD00] =	vst v63  }
0x26: {  	s24 =	simm.s32 $0x140;
	s31 =	simm.s32 $0xA500  }
0x27: {  	[tilespmem:s31], [sflag:$0x3] =	stream.indirect.gather [hbm4b:s3+s12], $0x20, s24, s12, $0xb8;
	[tilespmem:$0x1DD00] =	vst v63  }
0x28: {  	s24 =	simm.s32 $0x180;
	s31 =	simm.s32 $0xAD00  }
0x29: {  	[tilespmem:s31], [sflag:$0x4] =	stream.indirect.gather [hbm4b:s3+s12], $0x20, s24, s12, $0xb8;
	[tilespmem:$0x1DD00] =	vst v63  }
0x2a: {  	s14 =	simm.s32 $0x1C0;
	s24 =	simm.s32 $0xB500  }
0x2b: {  	[tilespmem:s24], [sflag:$0x4] =	stream.indirect.gather [hbm4b:s3+s12], $0x20, s14, s12, $0xb8;
	[tilespmem:$0x1DD00] =	vst v63  }
0x2c: {  	s14 =	simm.s32 $0x200;
	s24 =	simm.s32 $0xBD00  }
0x2d: {  	[tilespmem:s24], [sflag:$0x5] =	stream.indirect.gather [hbm4b:s3+s12], $0x20, s14, s12, $0xb8;
	[tilespmem:$0x1DD00] =	vst v63  }
0x2e: {  	s14 =	simm.s32 $0x240;
	s24 =	simm.s32 $0xC500  }
0x2f: {  	[tilespmem:s24], [sflag:$0x5] =	stream.indirect.gather [hbm4b:s3+s12], $0x20, s14, s12, $0xb8;
	[tilespmem:$0x1DD00] =	vst v63  }
0x30: {  	s14 =	simm.s32 $0x280;
	s24 =	simm.s32 $0xCD00  }
0x31: {  	[tilespmem:s24], [sflag:$0x6] =	stream.indirect.gather [hbm4b:s3+s12], $0x20, s14, s12, $0xb8;
	[tilespmem:$0x1DD00] =	vst v63  }
0x32: {  	s14 =	simm.s32 $0x2C0;
	s24 =	simm.s32 $0xD500  }
0x33: {  	[tilespmem:s24], [sflag:$0x6] =	stream.indirect.gather [hbm4b:s3+s12], $0x20, s14, s12, $0xb8;
	[tilespmem:$0x1DD00] =	vst v63  }
0x34: {  	s14 =	simm.s32 $0x300;
	s24 =	simm.s32 $0xDD00  }
0x35: {  	[tilespmem:s24], [sflag:$0x7] =	stream.indirect.gather [hbm4b:s3+s12], $0x20, s14, s12, $0xb8;
	[tilespmem:$0x1DD00] =	vst v63  }
0x36: {  	s14 =	simm.s32 $0x340;
	s24 =	simm.s32 $0xE500  }
0x37: {  	[tilespmem:s24], [sflag:$0x7] =	stream.indirect.gather [hbm4b:s3+s12], $0x20, s14, s12, $0xb8;
	[tilespmem:$0x1DD00] =	vst v63  }
0x38: {  	s14 =	simm.s32 $0x380;
	s24 =	simm.s32 $0xED00  }
0x39: {  	[tilespmem:s24], [sflag:$0x8] =	stream.indirect.gather [hbm4b:s3+s12], $0x20, s14, s12, $0xb8;
	[tilespmem:$0x1DD00] =	vst v63  }
0x3a: {  	s14 =	simm.s32 $0x3C0;
	s24 =	simm.s32 $0xF500  }
0x3b: {  	[tilespmem:s24], [sflag:$0x8] =	stream.indirect.gather [hbm4b:s3+s12], $0x20, s14, s12, $0xb8;
	[tilespmem:$0x1DD00] =	vst v63  }
0x3c: {  	s14 =	simm.s32 $0x400;
	s24 =	simm.s32 $0xFD00  }
0x3d: {  	[tilespmem:s24], [sflag:$0x9] =	stream.indirect.gather [hbm4b:s3+s12], $0x20, s14, s12, $0xb8;
	[tilespmem:$0x1DD00] =	vst v63  }
0x3e: {  	s14 =	simm.s32 $0x440;
	s24 =	simm.s32 $0x10500  }
0x3f: {  	[tilespmem:s24], [sflag:$0x9] =	stream.indirect.gather [hbm4b:s3+s12], $0x20, s14, s12, $0xb8;
	[tilespmem:$0x1DD00] =	vst v63  }
0x40: {  	s14 =	simm.s32 $0x480;
	s24 =	simm.s32 $0x10D00  }
0x41: {  	[tilespmem:s24], [sflag:$0xA] =	stream.indirect.gather [hbm4b:s3+s12], $0x20, s14, s12, $0xb8;
	[tilespmem:$0x1DD00] =	vst v63  }
0x42: {  	s14 =	simm.s32 $0x4C0;
	s24 =	simm.s32 $0x11500  }
0x43: {  	[tilespmem:s24], [sflag:$0xA] =	stream.indirect.gather [hbm4b:s3+s12], $0x20, s14, s12, $0xb8;
	[tilespmem:$0x1DD00] =	vst v63  }
0x44: {  	_ =	swait.ge [sflag:s9], $0x800  }
0x45: {  	[sflag:s9] =	ssyncset.done $0x0  }
0x46: {  	[sflag:s9] =	ssyncadd.s32 $0xFFFFF800  }
0x47: {  	_ =	swait.ge [sflag:s9], $0x800  }
0x48: {  	[sflag:s9] =	ssyncset.done $0x0  }
0x49: {  	s14 =	simm.s32 $0x500;
	[sflag:s9] =	ssyncadd.s32 $0xFFFFF800  }
0x4a: {  	[tilespmem:s20], [sflag:$0x1] =	stream.indirect.gather.add.f32 [hbm:s3], $0x20, s14, s12, $0xb8;
	[tilespmem:$0x1DD00] =	vst v63  }
0x4b: {  	s18 =	simm.s32 $0x8500;
	s14 =	simm.s32 $0x540  }
0x4c: {  	[tilespmem:s18], [sflag:$0x1] =	stream.indirect.gather.add.f32 [hbm:s3], $0x20, s14, s12, $0xb8;
	[tilespmem:$0x1DD00] =	vst v63  }
0x4d: {  	_ =	swait.ge [sflag:s11], $0x800  }
0x4e: {  	[sflag:s11] =	ssyncset.done $0x0  }
0x4f: {  	[sflag:s11] =	ssyncadd.s32 $0xFFFFF800  }
0x50: {  	_ =	swait.ge [sflag:s11], $0x800  }
0x51: {  	[sflag:s11] =	ssyncset.done $0x0  }
0x52: {  	s26 =	simm.s32 $0x8D00;
	s18 =	simm.s32 $0x580;
	[sflag:s11] =	ssyncadd.s32 $0xFFFFF800  }
0x53: {  	[tilespmem:s26], [sflag:$0x2] =	stream.indirect.gather.add.f32 [hbm:s3], $0x20, s18, s12, $0xb8;
	[tilespmem:$0x1DD00] =	vst v63  }
0x54: {  	s22 =	simm.s32 $0x9500;
	s20 =	simm.s32 $0x5C0  }
0x55: {  	[tilespmem:s22], [sflag:$0x2] =	stream.indirect.gather.add.f32 [hbm:s3], $0x20, s20, s12, $0xb8;
	[tilespmem:$0x1DD00] =	vst v63  }
0x56: {  	_ =	swait.ge [sflag:s4], $0x800  }
0x57: {  	[sflag:s4] =	ssyncset.done $0x0  }
0x58: {  	[sflag:s4] =	ssyncadd.s32 $0xFFFFF800  }
0x59: {  	_ =	swait.ge [sflag:s4], $0x800  }
0x5a: {  	[sflag:s4] =	ssyncset.done $0x0  }
0x5b: {  	s26 =	simm.s32 $0x9D00;
	s22 =	simm.s32 $0x600;
	[sflag:s4] =	ssyncadd.s32 $0xFFFFF800  }
0x5c: {  	[tilespmem:s26], [sflag:$0x3] =	stream.indirect.gather.add.f32 [hbm:s3], $0x20, s22, s12, $0xb8;
	[tilespmem:$0x1DD00] =	vst v63  }
0x5d: {  	s29 =	simm.s32 $0xA500;
	s14 =	simm.s32 $0x640  }
0x5e: {  	[tilespmem:s29], [sflag:$0x3] =	stream.indirect.gather.add.f32 [hbm:s3], $0x20, s14, s12, $0xb8;
	[tilespmem:$0x1DD00] =	vst v63  }
0x5f: {  	_ =	swait.ge [sflag:s5], $0x800  }
0x60: {  	[sflag:s5] =	ssyncset.done $0x0  }
0x61: {  	[sflag:s5] =	ssyncadd.s32 $0xFFFFF800  }
0x62: {  	_ =	swait.ge [sflag:s5], $0x800  }
0x63: {  	[sflag:s5] =	ssyncset.done $0x0  }
0x64: {  	s18 =	simm.s32 $0x680;
	[sflag:s5] =	ssyncadd.s32 $0xFFFFF800  }
0x65: {  	[tilespmem:s31], [sflag:$0x4] =	stream.indirect.gather.add.f32 [hbm:s3], $0x20, s18, s12, $0xb8;
	[tilespmem:$0x1DD00] =	vst v63  }
0x66: {  	s20 =	simm.s32 $0x6C0;
	s22 =	simm.s32 $0xB500  }
0x67: {  	[tilespmem:s22], [sflag:$0x4] =	stream.indirect.gather.add.f32 [hbm:s3], $0x20, s20, s12, $0xb8;
	[tilespmem:$0x1DD00] =	vst v63  }
0x68: {  	_ =	swait.ge [sflag:s6], $0x800  }
0x69: {  	[sflag:s6] =	ssyncset.done $0x0  }
0x6a: {  	[sflag:s6] =	ssyncadd.s32 $0xFFFFF800  }
0x6b: {  	_ =	swait.ge [sflag:s6], $0x800  }
0x6c: {  	[sflag:s6] =	ssyncset.done $0x0  }
0x6d: {  	s26 =	simm.s32 $0x700;
	s31 =	simm.s32 $0xBD00;
	[sflag:s6] =	ssyncadd.s32 $0xFFFFF800  }
0x6e: {  	[tilespmem:s31], [sflag:$0x5] =	stream.indirect.gather.add.f32 [hbm:s3], $0x20, s26, s12, $0xb8;
	[tilespmem:$0x1DD00] =	vst v63  }
0x6f: {  	s14 =	simm.s32 $0x740;
	s18 =	simm.s32 $0xC500  }
0x70: {  	[tilespmem:s18], [sflag:$0x5] =	stream.indirect.gather.add.f32 [hbm:s3], $0x20, s14, s12, $0xb8;
	[tilespmem:$0x1DD00] =	vst v63  }
0x71: {  	_ =	swait.ge [sflag:s7], $0x800  }
0x72: {  	[sflag:s7] =	ssyncset.done $0x0  }
0x73: {  	[sflag:s7] =	ssyncadd.s32 $0xFFFFF800  }
0x74: {  	_ =	swait.ge [sflag:s7], $0x800  }
0x75: {  	[sflag:s7] =	ssyncset.done $0x0  }
0x76: {  	s20 =	simm.s32 $0x780;
	s22 =	simm.s32 $0xCD00;
	[sflag:s7] =	ssyncadd.s32 $0xFFFFF800  }
0x77: {  	[tilespmem:s22], [sflag:$0x6] =	stream.indirect.gather.add.f32 [hbm:s3], $0x20, s20, s12, $0xb8;
	[tilespmem:$0x1DD00] =	vst v63  }
0x78: {  	s26 =	simm.s32 $0x7C0;
	s31 =	simm.s32 $0xD500  }
0x79: {  	[tilespmem:s31], [sflag:$0x6] =	stream.indirect.gather.add.f32 [hbm:s3], $0x20, s26, s12, $0xb8;
	[tilespmem:$0x1DD00] =	vst v63  }
0x7a: {  	_ =	swait.ge [sflag:s2], $0x800  }
0x7b: {  	[sflag:s2] =	ssyncset.done $0x0  }
0x7c: {  	[sflag:s2] =	ssyncadd.s32 $0xFFFFF800  }
0x7d: {  	_ =	swait.ge [sflag:s2], $0x800  }
0x7e: {  	[sflag:s2] =	ssyncset.done $0x0  }
0x7f: {  	s14 =	simm.s32 $0x800;
	s18 =	simm.s32 $0xDD00;
	[sflag:s2] =	ssyncadd.s32 $0xFFFFF800  }
0x80: {  	[tilespmem:s18], [sflag:$0x7] =	stream.indirect.gather.add.f32 [hbm:s3], $0x20, s14, s12, $0xb8;
	[tilespmem:$0x1DD00] =	vst v63  }
0x81: {  	s20 =	simm.s32 $0x840;
	s22 =	simm.s32 $0xE500  }
0x82: {  	[tilespmem:s22], [sflag:$0x7] =	stream.indirect.gather.add.f32 [hbm:s3], $0x20, s20, s12, $0xb8;
	[tilespmem:$0x1DD00] =	vst v63  }
0x83: {  	_ =	swait.ge [sflag:s8], $0x800  }
0x84: {  	[sflag:s8] =	ssyncset.done $0x0  }
0x85: {  	[sflag:s8] =	ssyncadd.s32 $0xFFFFF800  }
0x86: {  	_ =	swait.ge [sflag:s8], $0x800  }
0x87: {  	[sflag:s8] =	ssyncset.done $0x0  }
0x88: {  	s26 =	simm.s32 $0x880;
	s31 =	simm.s32 $0xED00;
	[sflag:s8] =	ssyncadd.s32 $0xFFFFF800  }
0x89: {  	[tilespmem:s31], [sflag:$0x8] =	stream.indirect.gather.add.f32 [hbm:s3], $0x20, s26, s12, $0xb8;
	[tilespmem:$0x1DD00] =	vst v63  }
0x8a: {  	s20 =	simm.s32 $0x8C0;
	s22 =	simm.s32 $0xF500  }
0x8b: {  	[tilespmem:s22], [sflag:$0x8] =	stream.indirect.gather.add.f32 [hbm:s3], $0x20, s20, s12, $0xb8;
	[tilespmem:$0x1DD00] =	vst v63  }
0x8c: {  	_ =	swait.ge [sflag:s10], $0x800  }
0x8d: {  	[sflag:s10] =	ssyncset.done $0x0  }
0x8e: {  	[sflag:s10] =	ssyncadd.s32 $0xFFFFF800  }
0x8f: {  	_ =	swait.ge [sflag:s10], $0x800  }
0x90: {  	[sflag:s10] =	ssyncset.done $0x0  }
0x91: {  	s26 =	simm.s32 $0x900;
	s31 =	simm.s32 $0xFD00;
	[sflag:s10] =	ssyncadd.s32 $0xFFFFF800  }
0x92: {  	[tilespmem:s31], [sflag:$0x9] =	stream.indirect.gather.add.f32 [hbm:s3], $0x20, s26, s12, $0xb8;
	[tilespmem:$0x1DD00] =	vst v63  }
0x93: {  	s20 =	simm.s32 $0x940;
	s31 =	simm.s32 $0x10500  }
0x94: {  	[tilespmem:s31], [sflag:$0x9] =	stream.indirect.gather.add.f32 [hbm:s3], $0x20, s20, s12, $0xb8;
	[tilespmem:$0x1DD00] =	vst v63  }
0x95: {  	_ =	swait.ge [sflag:s13], $0x800  }
0x96: {  	[sflag:s13] =	ssyncset.done $0x0  }
0x97: {  	[sflag:s13] =	ssyncadd.s32 $0xFFFFF800  }
0x98: {  	s1 =	simm.s32 $0x9C0;
	s29 =	simm.s32 $0xF500;
	_ =	swait.ge [sflag:s13], $0x800  }
0x99: {  	s14 =	simm.s32 $0xED00;
	s18 =	simm.s32 $0x10D00;
	[sflag:s13] =	ssyncset.done $0x0  }
0x9a: {  	s20 =	simm.s32 $0x980;
	s31 =	simm.s32 $0x10D00;
	[sflag:s13] =	ssyncadd.s32 $0xFFFFF800  }
0x9b: {  	[tilespmem:s31], [sflag:$0xA] =	stream.indirect.gather.add.f32 [hbm:s3], $0x20, s20, s12, $0xb8;
	[tilespmem:$0x1DD00] =	vst v63  }
0x9c: {  	s22 =	simm.s32 $0xFD00;
	s26 =	simm.s32 $0x10500;
	s20 =	simm.s32 $0x1400  }
.LBB2_2:
0x9d: {  	[tilespmem:s24], [sflag:$0xA] =	stream.indirect.gather.add.f32 [hbm:s3], $0x20, s1, s12, $0xb8;
	[tilespmem:$0x1DD00] =	vst v63  }
0x9e: {  	s1 =	smov.u32 s20  }
0x9f: {  	p0 =	sne.s32 s20, $0x16800;
	s20 =	sadd.s32 $0x1400, s20;
	_ =	swait.ge [sflag:s9], $0x800  }
0xa0: {  	[sflag:s9] =	ssyncset.done $0x0  }
0xa1: {  	[sflag:s9] =	ssyncadd.s32 $0xFFFFF800  }
0xa2: {  	_ =	swait.ge [sflag:s9], $0x800  }
0xa3: {  	s24 =	sshra.s32 s1, $0x2;
	[sflag:s9] =	ssyncset.done $0x0  }
0xa4: {  	s31 =	simm.s32 $0x7D00;
	s1 =	sadd.s32 $0x500, s24;
	[sflag:s9] =	ssyncadd.s32 $0xFFFFF800  }
0xa5: {  	[tilespmem:s31], [sflag:$0x1] =	stream.indirect.gather.add.f32 [hbm:s3], $0x20, s1, s12, $0xb8;
	[tilespmem:$0x1DD00] =	vst v63  }
0xa6: {  	s1 =	sadd.s32 $0x540, s24;
	s31 =	simm.s32 $0x8500  }
0xa7: {  	[tilespmem:s31], [sflag:$0x1] =	stream.indirect.gather.add.f32 [hbm:s3], $0x20, s1, s12, $0xb8;
	[tilespmem:$0x1DD00] =	vst v63  }
0xa8: {  	_ =	swait.ge [sflag:s11], $0x800  }
0xa9: {  	[sflag:s11] =	ssyncset.done $0x0  }
0xaa: {  	[sflag:s11] =	ssyncadd.s32 $0xFFFFF800  }
0xab: {  	_ =	swait.ge [sflag:s11], $0x800  }
0xac: {  	[sflag:s11] =	ssyncset.done $0x0  }
0xad: {  	s1 =	sadd.s32 $0x580, s24;
	s31 =	simm.s32 $0x8D00;
	[sflag:s11] =	ssyncadd.s32 $0xFFFFF800  }
0xae: {  	[tilespmem:s31], [sflag:$0x2] =	stream.indirect.gather.add.f32 [hbm:s3], $0x20, s1, s12, $0xb8;
	[tilespmem:$0x1DD00] =	vst v63  }
0xaf: {  	s1 =	sadd.s32 $0x5C0, s24;
	s31 =	simm.s32 $0x9500  }
0xb0: {  	[tilespmem:s31], [sflag:$0x2] =	stream.indirect.gather.add.f32 [hbm:s3], $0x20, s1, s12, $0xb8;
	[tilespmem:$0x1DD00] =	vst v63  }
0xb1: {  	_ =	swait.ge [sflag:s4], $0x800  }
0xb2: {  	[sflag:s4] =	ssyncset.done $0x0  }
0xb3: {  	[sflag:s4] =	ssyncadd.s32 $0xFFFFF800  }
0xb4: {  	_ =	swait.ge [sflag:s4], $0x800  }
0xb5: {  	[sflag:s4] =	ssyncset.done $0x0  }
0xb6: {  	s1 =	sadd.s32 $0x600, s24;
	s31 =	simm.s32 $0x9D00;
	[sflag:s4] =	ssyncadd.s32 $0xFFFFF800  }
0xb7: {  	[tilespmem:s31], [sflag:$0x3] =	stream.indirect.gather.add.f32 [hbm:s3], $0x20, s1, s12, $0xb8;
	[tilespmem:$0x1DD00] =	vst v63  }
0xb8: {  	s1 =	sadd.s32 $0x640, s24;
	s31 =	simm.s32 $0xA500  }
0xb9: {  	[tilespmem:s31], [sflag:$0x3] =	stream.indirect.gather.add.f32 [hbm:s3], $0x20, s1, s12, $0xb8;
	[tilespmem:$0x1DD00] =	vst v63  }
0xba: {  	_ =	swait.ge [sflag:s5], $0x800  }
0xbb: {  	[sflag:s5] =	ssyncset.done $0x0  }
0xbc: {  	[sflag:s5] =	ssyncadd.s32 $0xFFFFF800  }
0xbd: {  	_ =	swait.ge [sflag:s5], $0x800  }
0xbe: {  	[sflag:s5] =	ssyncset.done $0x0  }
0xbf: {  	s1 =	sadd.s32 $0x680, s24;
	s31 =	simm.s32 $0xAD00;
	[sflag:s5] =	ssyncadd.s32 $0xFFFFF800  }
0xc0: {  	[tilespmem:s31], [sflag:$0x4] =	stream.indirect.gather.add.f32 [hbm:s3], $0x20, s1, s12, $0xb8;
	[tilespmem:$0x1DD00] =	vst v63  }
0xc1: {  	s1 =	sadd.s32 $0x6C0, s24;
	s31 =	simm.s32 $0xB500  }
0xc2: {  	[tilespmem:s31], [sflag:$0x4] =	stream.indirect.gather.add.f32 [hbm:s3], $0x20, s1, s12, $0xb8;
	[tilespmem:$0x1DD00] =	vst v63  }
0xc3: {  	_ =	swait.ge [sflag:s6], $0x800  }
0xc4: {  	[sflag:s6] =	ssyncset.done $0x0  }
0xc5: {  	[sflag:s6] =	ssyncadd.s32 $0xFFFFF800  }
0xc6: {  	_ =	swait.ge [sflag:s6], $0x800  }
0xc7: {  	[sflag:s6] =	ssyncset.done $0x0  }
0xc8: {  	s1 =	sadd.s32 $0x700, s24;
	s31 =	simm.s32 $0xBD00;
	[sflag:s6] =	ssyncadd.s32 $0xFFFFF800  }
0xc9: {  	[tilespmem:s31], [sflag:$0x5] =	stream.indirect.gather.add.f32 [hbm:s3], $0x20, s1, s12, $0xb8;
	[tilespmem:$0x1DD00] =	vst v63  }
0xca: {  	s1 =	sadd.s32 $0x740, s24;
	s31 =	simm.s32 $0xC500  }
0xcb: {  	[tilespmem:s31], [sflag:$0x5] =	stream.indirect.gather.add.f32 [hbm:s3], $0x20, s1, s12, $0xb8;
	[tilespmem:$0x1DD00] =	vst v63  }
0xcc: {  	_ =	swait.ge [sflag:s7], $0x800  }
0xcd: {  	[sflag:s7] =	ssyncset.done $0x0  }
0xce: {  	[sflag:s7] =	ssyncadd.s32 $0xFFFFF800  }
0xcf: {  	_ =	swait.ge [sflag:s7], $0x800  }
0xd0: {  	[sflag:s7] =	ssyncset.done $0x0  }
0xd1: {  	s1 =	sadd.s32 $0x780, s24;
	s31 =	simm.s32 $0xCD00;
	[sflag:s7] =	ssyncadd.s32 $0xFFFFF800  }
0xd2: {  	[tilespmem:s31], [sflag:$0x6] =	stream.indirect.gather.add.f32 [hbm:s3], $0x20, s1, s12, $0xb8;
	[tilespmem:$0x1DD00] =	vst v63  }
0xd3: {  	s1 =	sadd.s32 $0x7C0, s24;
	s31 =	simm.s32 $0xD500  }
0xd4: {  	[tilespmem:s31], [sflag:$0x6] =	stream.indirect.gather.add.f32 [hbm:s3], $0x20, s1, s12, $0xb8;
	[tilespmem:$0x1DD00] =	vst v63  }
0xd5: {  	_ =	swait.ge [sflag:s2], $0x800  }
0xd6: {  	[sflag:s2] =	ssyncset.done $0x0  }
0xd7: {  	[sflag:s2] =	ssyncadd.s32 $0xFFFFF800  }
0xd8: {  	_ =	swait.ge [sflag:s2], $0x800  }
0xd9: {  	[sflag:s2] =	ssyncset.done $0x0  }
0xda: {  	s1 =	sadd.s32 $0x800, s24;
	s31 =	simm.s32 $0xDD00;
	[sflag:s2] =	ssyncadd.s32 $0xFFFFF800  }
0xdb: {  	[tilespmem:s31], [sflag:$0x7] =	stream.indirect.gather.add.f32 [hbm:s3], $0x20, s1, s12, $0xb8;
	[tilespmem:$0x1DD00] =	vst v63  }
0xdc: {  	s1 =	sadd.s32 $0x840, s24;
	s31 =	simm.s32 $0xE500  }
0xdd: {  	[tilespmem:s31], [sflag:$0x7] =	stream.indirect.gather.add.f32 [hbm:s3], $0x20, s1, s12, $0xb8;
	[tilespmem:$0x1DD00] =	vst v63  }
0xde: {  	_ =	swait.ge [sflag:s8], $0x800  }
0xdf: {  	[sflag:s8] =	ssyncset.done $0x0  }
0xe0: {  	[sflag:s8] =	ssyncadd.s32 $0xFFFFF800  }
0xe1: {  	_ =	swait.ge [sflag:s8], $0x800  }
0xe2: {  	[sflag:s8] =	ssyncset.done $0x0  }
0xe3: {  	s1 =	sadd.s32 $0x880, s24;
	[sflag:s8] =	ssyncadd.s32 $0xFFFFF800  }
0xe4: {  	[tilespmem:s14], [sflag:$0x8] =	stream.indirect.gather.add.f32 [hbm:s3], $0x20, s1, s12, $0xb8;
	[tilespmem:$0x1DD00] =	vst v63  }
0xe5: {  	s1 =	sadd.s32 $0x8C0, s24  }
0xe6: {  	[tilespmem:s29], [sflag:$0x8] =	stream.indirect.gather.add.f32 [hbm:s3], $0x20, s1, s12, $0xb8;
	[tilespmem:$0x1DD00] =	vst v63  }
0xe7: {  	_ =	swait.ge [sflag:s10], $0x800  }
0xe8: {  	[sflag:s10] =	ssyncset.done $0x0  }
0xe9: {  	[sflag:s10] =	ssyncadd.s32 $0xFFFFF800  }
0xea: {  	_ =	swait.ge [sflag:s10], $0x800  }
0xeb: {  	[sflag:s10] =	ssyncset.done $0x0  }
0xec: {  	s1 =	sadd.s32 $0x900, s24;
	[sflag:s10] =	ssyncadd.s32 $0xFFFFF800  }
0xed: {  	[tilespmem:s22], [sflag:$0x9] =	stream.indirect.gather.add.f32 [hbm:s3], $0x20, s1, s12, $0xb8;
	[tilespmem:$0x1DD00] =	vst v63  }
0xee: {  	s1 =	sadd.s32 $0x940, s24  }
0xef: {  	[tilespmem:s26], [sflag:$0x9] =	stream.indirect.gather.add.f32 [hbm:s3], $0x20, s1, s12, $0xb8;
	[tilespmem:$0x1DD00] =	vst v63  }
0xf0: {  	_ =	swait.ge [sflag:s13], $0x800  }
0xf1: {  	[sflag:s13] =	ssyncset.done $0x0  }
0xf2: {  	[sflag:s13] =	ssyncadd.s32 $0xFFFFF800  }
.Ltmp0:
0xf3: {  	_ =	swait.ge [sflag:s13], $0x800;
	(pc) =	sbr.rel @p0 .LBB2_2-.Ltmp0, $4  }
0xf4: {  	[sflag:s13] =	ssyncset.done $0x0  }
0xf5: {  	s1 =	sadd.s32 $0x980, s24;
	[sflag:s13] =	ssyncadd.s32 $0xFFFFF800  }
0xf6: {  	[tilespmem:s18], [sflag:$0xA] =	stream.indirect.gather.add.f32 [hbm:s3], $0x20, s1, s12, $0xb8;
	[tilespmem:$0x1DD00] =	vst v63  }
0xf7: {  	s1 =	sadd.s32 $0x9C0, s24;
	s24 =	simm.s32 $0x11500  }
0xf8: {  	[tilespmem:s24], [sflag:$0xA] =	stream.indirect.gather.add.f32 [hbm:s3], $0x20, s1, s12, $0xb8;
	[tilespmem:$0x1DD00] =	vst v63  }
0xf9: {  	s18 =	simm.s32 $0x6400;
	s20 =	simm.s32 $0x11D00  }
0xfa: {  	[tilespmem:s20], [sflag:$0xB] =	stream.indirect.gather [hbm4b:s3+s12], $0x20, s18, s12, $0xb8;
	[tilespmem:$0x1DD00] =	vst v63  }
0xfb: {  	s22 =	simm.s32 $0x6440;
	s14 =	simm.s32 $0x12500  }
0xfc: {  	[tilespmem:s14], [sflag:$0xB] =	stream.indirect.gather [hbm4b:s3+s12], $0x20, s22, s12, $0xb8;
	[tilespmem:$0x1DD00] =	vst v63  }
0xfd: {  	s24 =	simm.s32 $0x6480;
	s26 =	simm.s32 $0x12D00  }
0xfe: {  	[tilespmem:s26], [sflag:$0xC] =	stream.indirect.gather [hbm4b:s3+s12], $0x20, s24, s12, $0xb8;
	[tilespmem:$0x1DD00] =	vst v63  }
0xff: {  	s14 =	simm.s32 $0x64C0;
	s22 =	simm.s32 $0x13500  }
0x100: {  	[tilespmem:s22], [sflag:$0xC] =	stream.indirect.gather [hbm4b:s3+s12], $0x20, s14, s12, $0xb8;
	[tilespmem:$0x1DD00] =	vst v63  }
0x101: {  	s24 =	simm.s32 $0x6500;
	s26 =	simm.s32 $0x13D00  }
0x102: {  	[tilespmem:s26], [sflag:$0xD] =	stream.indirect.gather [hbm4b:s3+s12], $0x20, s24, s12, $0xb8;
	[tilespmem:$0x1DD00] =	vst v63  }
0x103: {  	s14 =	simm.s32 $0x6540;
	s22 =	simm.s32 $0x14500  }
0x104: {  	[tilespmem:s22], [sflag:$0xD] =	stream.indirect.gather [hbm4b:s3+s12], $0x20, s14, s12, $0xb8;
	[tilespmem:$0x1DD00] =	vst v63  }
0x105: {  	s24 =	simm.s32 $0x6580;
	s26 =	simm.s32 $0x14D00  }
0x106: {  	[tilespmem:s26], [sflag:$0xE] =	stream.indirect.gather [hbm4b:s3+s12], $0x20, s24, s12, $0xb8;
	[tilespmem:$0x1DD00] =	vst v63  }
0x107: {  	s14 =	simm.s32 $0x65C0;
	s22 =	simm.s32 $0x15500  }
0x108: {  	[tilespmem:s22], [sflag:$0xE] =	stream.indirect.gather [hbm4b:s3+s12], $0x20, s14, s12, $0xb8;
	[tilespmem:$0x1DD00] =	vst v63  }
0x109: {  	s24 =	simm.s32 $0x6600;
	s26 =	simm.s32 $0x15D00  }
0x10a: {  	[tilespmem:s26], [sflag:$0xF] =	stream.indirect.gather [hbm4b:s3+s12], $0x20, s24, s12, $0xb8;
	[tilespmem:$0x1DD00] =	vst v63  }
0x10b: {  	s24 =	simm.s32 $0x6640;
	s26 =	simm.s32 $0x16500  }
0x10c: {  	[tilespmem:s26], [sflag:$0xF] =	stream.indirect.gather [hbm4b:s3+s12], $0x20, s24, s12, $0xb8;
	[tilespmem:$0x1DD00] =	vst v63  }
0x10d: {  	s24 =	simm.s32 $0x6680;
	s26 =	simm.s32 $0x16D00  }
0x10e: {  	[tilespmem:s26], [sflag:$0x10] =	stream.indirect.gather [hbm4b:s3+s12], $0x20, s24, s12, $0xb8;
	[tilespmem:$0x1DD00] =	vst v63  }
0x10f: {  	s24 =	simm.s32 $0x66C0;
	s26 =	simm.s32 $0x17500  }
0x110: {  	[tilespmem:s26], [sflag:$0x10] =	stream.indirect.gather [hbm4b:s3+s12], $0x20, s24, s12, $0xb8;
	[tilespmem:$0x1DD00] =	vst v63  }
0x111: {  	s24 =	simm.s32 $0x6700;
	s26 =	simm.s32 $0x17D00  }
0x112: {  	[tilespmem:s26], [sflag:$0x11] =	stream.indirect.gather [hbm4b:s3+s12], $0x20, s24, s12, $0xb8;
	[tilespmem:$0x1DD00] =	vst v63  }
0x113: {  	s31 =	simm.s32 $0x18500;
	s14 =	simm.s32 $0x6740  }
0x114: {  	[tilespmem:s31], [sflag:$0x11] =	stream.indirect.gather [hbm4b:s3+s12], $0x20, s14, s12, $0xb8;
	[tilespmem:$0x1DD00] =	vst v63  }
0x115: {  	s24 =	simm.s32 $0x6780;
	s26 =	simm.s32 $0x18D00  }
0x116: {  	[tilespmem:s26], [sflag:$0x12] =	stream.indirect.gather [hbm4b:s3+s12], $0x20, s24, s12, $0xb8;
	[tilespmem:$0x1DD00] =	vst v63  }
0x117: {  	s24 =	simm.s32 $0x67C0;
	s26 =	simm.s32 $0x19500  }
0x118: {  	[tilespmem:s26], [sflag:$0x12] =	stream.indirect.gather [hbm4b:s3+s12], $0x20, s24, s12, $0xb8;
	[tilespmem:$0x1DD00] =	vst v63  }
0x119: {  	s14 =	simm.s32 $0x6800;
	s26 =	simm.s32 $0x19D00  }
0x11a: {  	[tilespmem:s26], [sflag:$0x13] =	stream.indirect.gather [hbm4b:s3+s12], $0x20, s14, s12, $0xb8;
	[tilespmem:$0x1DD00] =	vst v63  }
0x11b: {  	s29 =	simm.s32 $0x1A500;
	s24 =	simm.s32 $0x6840  }
0x11c: {  	[tilespmem:s29], [sflag:$0x13] =	stream.indirect.gather [hbm4b:s3+s12], $0x20, s24, s12, $0xb8;
	[tilespmem:$0x1DD00] =	vst v63  }
0x11d: {  	s14 =	simm.s32 $0x6880;
	s24 =	simm.s32 $0x1AD00  }
0x11e: {  	[tilespmem:s24], [sflag:$0x14] =	stream.indirect.gather [hbm4b:s3+s12], $0x20, s14, s12, $0xb8;
	[tilespmem:$0x1DD00] =	vst v63  }
0x11f: {  	s14 =	simm.s32 $0x68C0;
	s24 =	simm.s32 $0x1B500  }
0x120: {  	[tilespmem:s24], [sflag:$0x14] =	stream.indirect.gather [hbm4b:s3+s12], $0x20, s14, s12, $0xb8;
	[tilespmem:$0x1DD00] =	vst v63  }
0x121: {  	_ =	swait.ge [sflag:s9], $0x800  }
0x122: {  	[sflag:s9] =	ssyncset.done $0x0  }
0x123: {  	[sflag:s9] =	ssyncadd.s32 $0xFFFFF800  }
0x124: {  	_ =	swait.ge [sflag:s9], $0x800  }
0x125: {  	[sflag:s9] =	ssyncset.done $0x0  }
0x126: {  	[sflag:s9] =	ssyncadd.s32 $0xFFFFF800  }
0x127: {  	_ =	swait.ge [sflag:s11], $0x800  }
0x128: {  	[sflag:s11] =	ssyncset.done $0x0  }
0x129: {  	[sflag:s11] =	ssyncadd.s32 $0xFFFFF800  }
0x12a: {  	_ =	swait.ge [sflag:s11], $0x800  }
0x12b: {  	[sflag:s11] =	ssyncset.done $0x0  }
0x12c: {  	[sflag:s11] =	ssyncadd.s32 $0xFFFFF800  }
0x12d: {  	_ =	swait.ge [sflag:s4], $0x800  }
0x12e: {  	[sflag:s4] =	ssyncset.done $0x0  }
0x12f: {  	[sflag:s4] =	ssyncadd.s32 $0xFFFFF800  }
0x130: {  	_ =	swait.ge [sflag:s4], $0x800  }
0x131: {  	[sflag:s4] =	ssyncset.done $0x0  }
0x132: {  	[sflag:s4] =	ssyncadd.s32 $0xFFFFF800  }
0x133: {  	_ =	swait.ge [sflag:s5], $0x800  }
0x134: {  	[sflag:s5] =	ssyncset.done $0x0  }
0x135: {  	[sflag:s5] =	ssyncadd.s32 $0xFFFFF800  }
0x136: {  	_ =	swait.ge [sflag:s5], $0x800  }
0x137: {  	[sflag:s5] =	ssyncset.done $0x0  }
0x138: {  	[sflag:s5] =	ssyncadd.s32 $0xFFFFF800  }
0x139: {  	_ =	swait.ge [sflag:s6], $0x800  }
0x13a: {  	[sflag:s6] =	ssyncset.done $0x0  }
0x13b: {  	[sflag:s6] =	ssyncadd.s32 $0xFFFFF800  }
0x13c: {  	_ =	swait.ge [sflag:s6], $0x800  }
0x13d: {  	[sflag:s6] =	ssyncset.done $0x0  }
0x13e: {  	[sflag:s6] =	ssyncadd.s32 $0xFFFFF800  }
0x13f: {  	_ =	swait.ge [sflag:s7], $0x800  }
0x140: {  	[sflag:s7] =	ssyncset.done $0x0  }
0x141: {  	[sflag:s7] =	ssyncadd.s32 $0xFFFFF800  }
0x142: {  	_ =	swait.ge [sflag:s7], $0x800  }
0x143: {  	[sflag:s7] =	ssyncset.done $0x0  }
0x144: {  	[sflag:s7] =	ssyncadd.s32 $0xFFFFF800  }
0x145: {  	_ =	swait.ge [sflag:s2], $0x800  }
0x146: {  	[sflag:s2] =	ssyncset.done $0x0  }
0x147: {  	[sflag:s2] =	ssyncadd.s32 $0xFFFFF800  }
0x148: {  	_ =	swait.ge [sflag:s2], $0x800  }
0x149: {  	[sflag:s2] =	ssyncset.done $0x0  }
0x14a: {  	[sflag:s2] =	ssyncadd.s32 $0xFFFFF800  }
0x14b: {  	_ =	swait.ge [sflag:s8], $0x800  }
0x14c: {  	[sflag:s8] =	ssyncset.done $0x0  }
0x14d: {  	[sflag:s8] =	ssyncadd.s32 $0xFFFFF800  }
0x14e: {  	_ =	swait.ge [sflag:s8], $0x800  }
0x14f: {  	[sflag:s8] =	ssyncset.done $0x0  }
0x150: {  	[sflag:s8] =	ssyncadd.s32 $0xFFFFF800  }
0x151: {  	_ =	swait.ge [sflag:s10], $0x800  }
0x152: {  	[sflag:s10] =	ssyncset.done $0x0  }
0x153: {  	[sflag:s10] =	ssyncadd.s32 $0xFFFFF800  }
0x154: {  	_ =	swait.ge [sflag:s10], $0x800  }
0x155: {  	[sflag:s10] =	ssyncset.done $0x0  }
0x156: {  	[sflag:s10] =	ssyncadd.s32 $0xFFFFF800  }
0x157: {  	_ =	swait.ge [sflag:s13], $0x800  }
0x158: {  	[sflag:s13] =	ssyncset.done $0x0  }
0x159: {  	[sflag:s13] =	ssyncadd.s32 $0xFFFFF800  }
0x15a: {  	_ =	swait.ge [sflag:s13], $0x800  }
0x15b: {  	[sflag:s13] =	ssyncset.done $0x0  }
0x15c: {  	[sflag:s13] =	ssyncadd.s32 $0xFFFFF800  }
0x15d: {  	_ =	swait.ge [sflag:s15], $0x800  }
0x15e: {  	[sflag:s15] =	ssyncset.done $0x0  }
0x15f: {  	[sflag:s15] =	ssyncadd.s32 $0xFFFFF800  }
0x160: {  	_ =	swait.ge [sflag:s15], $0x800  }
0x161: {  	[sflag:s15] =	ssyncset.done $0x0  }
0x162: {  	s14 =	simm.s32 $0x6900;
	[sflag:s15] =	ssyncadd.s32 $0xFFFFF800  }
0x163: {  	[tilespmem:s20], [sflag:$0xB] =	stream.indirect.gather.add.f32 [hbm:s3], $0x20, s14, s12, $0xb8;
	[tilespmem:$0x1DD00] =	vst v63  }
0x164: {  	s18 =	simm.s32 $0x12500;
	s14 =	simm.s32 $0x6940  }
0x165: {  	[tilespmem:s18], [sflag:$0xB] =	stream.indirect.gather.add.f32 [hbm:s3], $0x20, s14, s12, $0xb8;
	[tilespmem:$0x1DD00] =	vst v63  }
0x166: {  	_ =	swait.ge [sflag:s17], $0x800  }
0x167: {  	[sflag:s17] =	ssyncset.done $0x0  }
0x168: {  	[sflag:s17] =	ssyncadd.s32 $0xFFFFF800  }
0x169: {  	_ =	swait.ge [sflag:s17], $0x800  }
0x16a: {  	[sflag:s17] =	ssyncset.done $0x0  }
0x16b: {  	s20 =	simm.s32 $0x12D00;
	s18 =	simm.s32 $0x6980;
	[sflag:s17] =	ssyncadd.s32 $0xFFFFF800  }
0x16c: {  	[tilespmem:s20], [sflag:$0xC] =	stream.indirect.gather.add.f32 [hbm:s3], $0x20, s18, s12, $0xb8;
	[tilespmem:$0x1DD00] =	vst v63  }
0x16d: {  	s18 =	simm.s32 $0x69C0;
	s20 =	simm.s32 $0x13500  }
0x16e: {  	[tilespmem:s20], [sflag:$0xC] =	stream.indirect.gather.add.f32 [hbm:s3], $0x20, s18, s12, $0xb8;
	[tilespmem:$0x1DD00] =	vst v63  }
0x16f: {  	_ =	swait.ge [sflag:s19], $0x800  }
0x170: {  	[sflag:s19] =	ssyncset.done $0x0  }
0x171: {  	[sflag:s19] =	ssyncadd.s32 $0xFFFFF800  }
0x172: {  	_ =	swait.ge [sflag:s19], $0x800  }
0x173: {  	[sflag:s19] =	ssyncset.done $0x0  }
0x174: {  	s18 =	simm.s32 $0x6A00;
	s20 =	simm.s32 $0x13D00;
	[sflag:s19] =	ssyncadd.s32 $0xFFFFF800  }
0x175: {  	[tilespmem:s20], [sflag:$0xD] =	stream.indirect.gather.add.f32 [hbm:s3], $0x20, s18, s12, $0xb8;
	[tilespmem:$0x1DD00] =	vst v63  }
0x176: {  	s18 =	simm.s32 $0x6A40;
	s20 =	simm.s32 $0x14500  }
0x177: {  	[tilespmem:s20], [sflag:$0xD] =	stream.indirect.gather.add.f32 [hbm:s3], $0x20, s18, s12, $0xb8;
	[tilespmem:$0x1DD00] =	vst v63  }
0x178: {  	_ =	swait.ge [sflag:s21], $0x800  }
0x179: {  	[sflag:s21] =	ssyncset.done $0x0  }
0x17a: {  	[sflag:s21] =	ssyncadd.s32 $0xFFFFF800  }
0x17b: {  	_ =	swait.ge [sflag:s21], $0x800  }
0x17c: {  	[sflag:s21] =	ssyncset.done $0x0  }
0x17d: {  	s14 =	simm.s32 $0x6A80;
	s18 =	simm.s32 $0x14D00;
	[sflag:s21] =	ssyncadd.s32 $0xFFFFF800  }
0x17e: {  	[tilespmem:s18], [sflag:$0xE] =	stream.indirect.gather.add.f32 [hbm:s3], $0x20, s14, s12, $0xb8;
	[tilespmem:$0x1DD00] =	vst v63  }
0x17f: {  	s20 =	simm.s32 $0x6AC0  }
0x180: {  	[tilespmem:s22], [sflag:$0xE] =	stream.indirect.gather.add.f32 [hbm:s3], $0x20, s20, s12, $0xb8;
	[tilespmem:$0x1DD00] =	vst v63  }
0x181: {  	_ =	swait.ge [sflag:s23], $0x800  }
0x182: {  	[sflag:s23] =	ssyncset.done $0x0  }
0x183: {  	[sflag:s23] =	ssyncadd.s32 $0xFFFFF800  }
0x184: {  	_ =	swait.ge [sflag:s23], $0x800  }
0x185: {  	[sflag:s23] =	ssyncset.done $0x0  }
0x186: {  	s14 =	simm.s32 $0x6B00;
	s18 =	simm.s32 $0x15D00;
	[sflag:s23] =	ssyncadd.s32 $0xFFFFF800  }
0x187: {  	[tilespmem:s18], [sflag:$0xF] =	stream.indirect.gather.add.f32 [hbm:s3], $0x20, s14, s12, $0xb8;
	[tilespmem:$0x1DD00] =	vst v63  }
0x188: {  	s20 =	simm.s32 $0x6B40;
	s22 =	simm.s32 $0x16500  }
0x189: {  	[tilespmem:s22], [sflag:$0xF] =	stream.indirect.gather.add.f32 [hbm:s3], $0x20, s20, s12, $0xb8;
	[tilespmem:$0x1DD00] =	vst v63  }
0x18a: {  	_ =	swait.ge [sflag:s25], $0x800  }
0x18b: {  	[sflag:s25] =	ssyncset.done $0x0  }
0x18c: {  	[sflag:s25] =	ssyncadd.s32 $0xFFFFF800  }
0x18d: {  	_ =	swait.ge [sflag:s25], $0x800  }
0x18e: {  	[sflag:s25] =	ssyncset.done $0x0  }
0x18f: {  	s14 =	simm.s32 $0x6B80;
	s18 =	simm.s32 $0x16D00;
	[sflag:s25] =	ssyncadd.s32 $0xFFFFF800  }
0x190: {  	[tilespmem:s18], [sflag:$0x10] =	stream.indirect.gather.add.f32 [hbm:s3], $0x20, s14, s12, $0xb8;
	[tilespmem:$0x1DD00] =	vst v63  }
0x191: {  	s20 =	simm.s32 $0x6BC0;
	s22 =	simm.s32 $0x17500  }
0x192: {  	[tilespmem:s22], [sflag:$0x10] =	stream.indirect.gather.add.f32 [hbm:s3], $0x20, s20, s12, $0xb8;
	[tilespmem:$0x1DD00] =	vst v63  }
0x193: {  	_ =	swait.ge [sflag:s28], $0x800  }
0x194: {  	[sflag:s28] =	ssyncset.done $0x0  }
0x195: {  	[sflag:s28] =	ssyncadd.s32 $0xFFFFF800  }
0x196: {  	_ =	swait.ge [sflag:s28], $0x800  }
0x197: {  	[sflag:s28] =	ssyncset.done $0x0  }
0x198: {  	s18 =	simm.s32 $0x6C00;
	s20 =	simm.s32 $0x17D00;
	[sflag:s28] =	ssyncadd.s32 $0xFFFFF800  }
0x199: {  	[tilespmem:s20], [sflag:$0x11] =	stream.indirect.gather.add.f32 [hbm:s3], $0x20, s18, s12, $0xb8;
	[tilespmem:$0x1DD00] =	vst v63  }
0x19a: {  	s22 =	simm.s32 $0x6C40  }
0x19b: {  	[tilespmem:s31], [sflag:$0x11] =	stream.indirect.gather.add.f32 [hbm:s3], $0x20, s22, s12, $0xb8;
	[tilespmem:$0x1DD00] =	vst v63  }
0x19c: {  	_ =	swait.ge [sflag:s30], $0x800  }
0x19d: {  	[sflag:s30] =	ssyncset.done $0x0  }
0x19e: {  	[sflag:s30] =	ssyncadd.s32 $0xFFFFF800  }
0x19f: {  	_ =	swait.ge [sflag:s30], $0x800  }
0x1a0: {  	[sflag:s30] =	ssyncset.done $0x0  }
0x1a1: {  	s14 =	simm.s32 $0x6C80;
	s18 =	simm.s32 $0x18D00;
	[sflag:s30] =	ssyncadd.s32 $0xFFFFF800  }
0x1a2: {  	[tilespmem:s18], [sflag:$0x12] =	stream.indirect.gather.add.f32 [hbm:s3], $0x20, s14, s12, $0xb8;
	[tilespmem:$0x1DD00] =	vst v63  }
0x1a3: {  	s20 =	simm.s32 $0x6CC0;
	s22 =	simm.s32 $0x19500  }
0x1a4: {  	[tilespmem:s22], [sflag:$0x12] =	stream.indirect.gather.add.f32 [hbm:s3], $0x20, s20, s12, $0xb8;
	[tilespmem:$0x1DD00] =	vst v63  }
0x1a5: {  	_ =	swait.ge [sflag:s0], $0x800  }
0x1a6: {  	[sflag:s0] =	ssyncset.done $0x0  }
0x1a7: {  	[sflag:s0] =	ssyncadd.s32 $0xFFFFF800  }
0x1a8: {  	_ =	swait.ge [sflag:s0], $0x800  }
0x1a9: {  	[sflag:s0] =	ssyncset.done $0x0  }
0x1aa: {  	s20 =	simm.s32 $0x6D00;
	[sflag:s0] =	ssyncadd.s32 $0xFFFFF800  }
0x1ab: {  	[tilespmem:s26], [sflag:$0x13] =	stream.indirect.gather.add.f32 [hbm:s3], $0x20, s20, s12, $0xb8;
	[tilespmem:$0x1DD00] =	vst v63  }
0x1ac: {  	s22 =	simm.s32 $0x6D40  }
0x1ad: {  	[tilespmem:s29], [sflag:$0x13] =	stream.indirect.gather.add.f32 [hbm:s3], $0x20, s22, s12, $0xb8;
	[tilespmem:$0x1DD00] =	vst v63  }
0x1ae: {  	_ =	swait.ge [sflag:s16], $0x800  }
0x1af: {  	[sflag:s16] =	ssyncset.done $0x0  }
0x1b0: {  	[sflag:s16] =	ssyncadd.s32 $0xFFFFF800  }
0x1b1: {  	s1 =	simm.s32 $0x6DC0;
	s31 =	simm.s32 $0x18D00;
	_ =	swait.ge [sflag:s16], $0x800  }
0x1b2: {  	s14 =	simm.s32 $0x19500;
	s18 =	simm.s32 $0x19D00;
	[sflag:s16] =	ssyncset.done $0x0  }
0x1b3: {  	s20 =	simm.s32 $0x6D80;
	s22 =	simm.s32 $0x1AD00;
	[sflag:s16] =	ssyncadd.s32 $0xFFFFF800  }
0x1b4: {  	[tilespmem:s22], [sflag:$0x14] =	stream.indirect.gather.add.f32 [hbm:s3], $0x20, s20, s12, $0xb8;
	[tilespmem:$0x1DD00] =	vst v63  }
0x1b5: {  	s26 =	simm.s32 $0x1A500;
	s29 =	simm.s32 $0x1AD00;
	s20 =	simm.s32 $0x1400  }
.LBB2_4:
0x1b6: {  	[tilespmem:s24], [sflag:$0x14] =	stream.indirect.gather.add.f32 [hbm:s3], $0x20, s1, s12, $0xb8;
	[tilespmem:$0x1DD00] =	vst v63  }
0x1b7: {  	s1 =	smov.u32 s20  }
0x1b8: {  	p0 =	sne.s32 s20, $0x3C00;
	s20 =	sadd.s32 $0x1400, s20;
	_ =	swait.ge [sflag:s15], $0x800  }
0x1b9: {  	[sflag:s15] =	ssyncset.done $0x0  }
0x1ba: {  	[sflag:s15] =	ssyncadd.s32 $0xFFFFF800  }
0x1bb: {  	_ =	swait.ge [sflag:s15], $0x800  }
0x1bc: {  	s24 =	sshra.s32 s1, $0x2;
	[sflag:s15] =	ssyncset.done $0x0  }
0x1bd: {  	s22 =	simm.s32 $0x11D00;
	s1 =	sadd.s32 $0x6900, s24;
	[sflag:s15] =	ssyncadd.s32 $0xFFFFF800  }
0x1be: {  	[tilespmem:s22], [sflag:$0xB] =	stream.indirect.gather.add.f32 [hbm:s3], $0x20, s1, s12, $0xb8;
	[tilespmem:$0x1DD00] =	vst v63  }
0x1bf: {  	s1 =	sadd.s32 $0x6940, s24;
	s22 =	simm.s32 $0x12500  }
0x1c0: {  	[tilespmem:s22], [sflag:$0xB] =	stream.indirect.gather.add.f32 [hbm:s3], $0x20, s1, s12, $0xb8;
	[tilespmem:$0x1DD00] =	vst v63  }
0x1c1: {  	_ =	swait.ge [sflag:s17], $0x800  }
0x1c2: {  	[sflag:s17] =	ssyncset.done $0x0  }
0x1c3: {  	[sflag:s17] =	ssyncadd.s32 $0xFFFFF800  }
0x1c4: {  	_ =	swait.ge [sflag:s17], $0x800  }
0x1c5: {  	[sflag:s17] =	ssyncset.done $0x0  }
0x1c6: {  	s1 =	sadd.s32 $0x6980, s24;
	s22 =	simm.s32 $0x12D00;
	[sflag:s17] =	ssyncadd.s32 $0xFFFFF800  }
0x1c7: {  	[tilespmem:s22], [sflag:$0xC] =	stream.indirect.gather.add.f32 [hbm:s3], $0x20, s1, s12, $0xb8;
	[tilespmem:$0x1DD00] =	vst v63  }
0x1c8: {  	s1 =	sadd.s32 $0x69C0, s24;
	s22 =	simm.s32 $0x13500  }
0x1c9: {  	[tilespmem:s22], [sflag:$0xC] =	stream.indirect.gather.add.f32 [hbm:s3], $0x20, s1, s12, $0xb8;
	[tilespmem:$0x1DD00] =	vst v63  }
0x1ca: {  	_ =	swait.ge [sflag:s19], $0x800  }
0x1cb: {  	[sflag:s19] =	ssyncset.done $0x0  }
0x1cc: {  	[sflag:s19] =	ssyncadd.s32 $0xFFFFF800  }
0x1cd: {  	_ =	swait.ge [sflag:s19], $0x800  }
0x1ce: {  	[sflag:s19] =	ssyncset.done $0x0  }
0x1cf: {  	s1 =	sadd.s32 $0x6A00, s24;
	s22 =	simm.s32 $0x13D00;
	[sflag:s19] =	ssyncadd.s32 $0xFFFFF800  }
0x1d0: {  	[tilespmem:s22], [sflag:$0xD] =	stream.indirect.gather.add.f32 [hbm:s3], $0x20, s1, s12, $0xb8;
	[tilespmem:$0x1DD00] =	vst v63  }
0x1d1: {  	s1 =	sadd.s32 $0x6A40, s24;
	s22 =	simm.s32 $0x14500  }
0x1d2: {  	[tilespmem:s22], [sflag:$0xD] =	stream.indirect.gather.add.f32 [hbm:s3], $0x20, s1, s12, $0xb8;
	[tilespmem:$0x1DD00] =	vst v63  }
0x1d3: {  	_ =	swait.ge [sflag:s21], $0x800  }
0x1d4: {  	[sflag:s21] =	ssyncset.done $0x0  }
0x1d5: {  	[sflag:s21] =	ssyncadd.s32 $0xFFFFF800  }
0x1d6: {  	_ =	swait.ge [sflag:s21], $0x800  }
0x1d7: {  	[sflag:s21] =	ssyncset.done $0x0  }
0x1d8: {  	s1 =	sadd.s32 $0x6A80, s24;
	s22 =	simm.s32 $0x14D00;
	[sflag:s21] =	ssyncadd.s32 $0xFFFFF800  }
0x1d9: {  	[tilespmem:s22], [sflag:$0xE] =	stream.indirect.gather.add.f32 [hbm:s3], $0x20, s1, s12, $0xb8;
	[tilespmem:$0x1DD00] =	vst v63  }
0x1da: {  	s1 =	sadd.s32 $0x6AC0, s24;
	s22 =	simm.s32 $0x15500  }
0x1db: {  	[tilespmem:s22], [sflag:$0xE] =	stream.indirect.gather.add.f32 [hbm:s3], $0x20, s1, s12, $0xb8;
	[tilespmem:$0x1DD00] =	vst v63  }
0x1dc: {  	_ =	swait.ge [sflag:s23], $0x800  }
0x1dd: {  	[sflag:s23] =	ssyncset.done $0x0  }
0x1de: {  	[sflag:s23] =	ssyncadd.s32 $0xFFFFF800  }
0x1df: {  	_ =	swait.ge [sflag:s23], $0x800  }
0x1e0: {  	[sflag:s23] =	ssyncset.done $0x0  }
0x1e1: {  	s1 =	sadd.s32 $0x6B00, s24;
	s22 =	simm.s32 $0x15D00;
	[sflag:s23] =	ssyncadd.s32 $0xFFFFF800  }
0x1e2: {  	[tilespmem:s22], [sflag:$0xF] =	stream.indirect.gather.add.f32 [hbm:s3], $0x20, s1, s12, $0xb8;
	[tilespmem:$0x1DD00] =	vst v63  }
0x1e3: {  	s1 =	sadd.s32 $0x6B40, s24;
	s22 =	simm.s32 $0x16500  }
0x1e4: {  	[tilespmem:s22], [sflag:$0xF] =	stream.indirect.gather.add.f32 [hbm:s3], $0x20, s1, s12, $0xb8;
	[tilespmem:$0x1DD00] =	vst v63  }
0x1e5: {  	_ =	swait.ge [sflag:s25], $0x800  }
0x1e6: {  	[sflag:s25] =	ssyncset.done $0x0  }
0x1e7: {  	[sflag:s25] =	ssyncadd.s32 $0xFFFFF800  }
0x1e8: {  	_ =	swait.ge [sflag:s25], $0x800  }
0x1e9: {  	[sflag:s25] =	ssyncset.done $0x0  }
0x1ea: {  	s1 =	sadd.s32 $0x6B80, s24;
	s22 =	simm.s32 $0x16D00;
	[sflag:s25] =	ssyncadd.s32 $0xFFFFF800  }
0x1eb: {  	[tilespmem:s22], [sflag:$0x10] =	stream.indirect.gather.add.f32 [hbm:s3], $0x20, s1, s12, $0xb8;
	[tilespmem:$0x1DD00] =	vst v63  }
0x1ec: {  	s1 =	sadd.s32 $0x6BC0, s24;
	s22 =	simm.s32 $0x17500  }
0x1ed: {  	[tilespmem:s22], [sflag:$0x10] =	stream.indirect.gather.add.f32 [hbm:s3], $0x20, s1, s12, $0xb8;
	[tilespmem:$0x1DD00] =	vst v63  }
0x1ee: {  	_ =	swait.ge [sflag:s28], $0x800  }
0x1ef: {  	[sflag:s28] =	ssyncset.done $0x0  }
0x1f0: {  	[sflag:s28] =	ssyncadd.s32 $0xFFFFF800  }
0x1f1: {  	_ =	swait.ge [sflag:s28], $0x800  }
0x1f2: {  	[sflag:s28] =	ssyncset.done $0x0  }
0x1f3: {  	s1 =	sadd.s32 $0x6C00, s24;
	s22 =	simm.s32 $0x17D00;
	[sflag:s28] =	ssyncadd.s32 $0xFFFFF800  }
0x1f4: {  	[tilespmem:s22], [sflag:$0x11] =	stream.indirect.gather.add.f32 [hbm:s3], $0x20, s1, s12, $0xb8;
	[tilespmem:$0x1DD00] =	vst v63  }
0x1f5: {  	s1 =	sadd.s32 $0x6C40, s24;
	s22 =	simm.s32 $0x18500  }
0x1f6: {  	[tilespmem:s22], [sflag:$0x11] =	stream.indirect.gather.add.f32 [hbm:s3], $0x20, s1, s12, $0xb8;
	[tilespmem:$0x1DD00] =	vst v63  }
0x1f7: {  	_ =	swait.ge [sflag:s30], $0x800  }
0x1f8: {  	[sflag:s30] =	ssyncset.done $0x0  }
0x1f9: {  	[sflag:s30] =	ssyncadd.s32 $0xFFFFF800  }
0x1fa: {  	_ =	swait.ge [sflag:s30], $0x800  }
0x1fb: {  	[sflag:s30] =	ssyncset.done $0x0  }
0x1fc: {  	s1 =	sadd.s32 $0x6C80, s24;
	[sflag:s30] =	ssyncadd.s32 $0xFFFFF800  }
0x1fd: {  	[tilespmem:s31], [sflag:$0x12] =	stream.indirect.gather.add.f32 [hbm:s3], $0x20, s1, s12, $0xb8;
	[tilespmem:$0x1DD00] =	vst v63  }
0x1fe: {  	s1 =	sadd.s32 $0x6CC0, s24  }
0x1ff: {  	[tilespmem:s14], [sflag:$0x12] =	stream.indirect.gather.add.f32 [hbm:s3], $0x20, s1, s12, $0xb8;
	[tilespmem:$0x1DD00] =	vst v63  }
0x200: {  	_ =	swait.ge [sflag:s0], $0x800  }
0x201: {  	[sflag:s0] =	ssyncset.done $0x0  }
0x202: {  	[sflag:s0] =	ssyncadd.s32 $0xFFFFF800  }
0x203: {  	_ =	swait.ge [sflag:s0], $0x800  }
0x204: {  	[sflag:s0] =	ssyncset.done $0x0  }
0x205: {  	s1 =	sadd.s32 $0x6D00, s24;
	[sflag:s0] =	ssyncadd.s32 $0xFFFFF800  }
0x206: {  	[tilespmem:s18], [sflag:$0x13] =	stream.indirect.gather.add.f32 [hbm:s3], $0x20, s1, s12, $0xb8;
	[tilespmem:$0x1DD00] =	vst v63  }
0x207: {  	s1 =	sadd.s32 $0x6D40, s24  }
0x208: {  	[tilespmem:s26], [sflag:$0x13] =	stream.indirect.gather.add.f32 [hbm:s3], $0x20, s1, s12, $0xb8;
	[tilespmem:$0x1DD00] =	vst v63  }
0x209: {  	_ =	swait.ge [sflag:s16], $0x800  }
0x20a: {  	[sflag:s16] =	ssyncset.done $0x0  }
0x20b: {  	[sflag:s16] =	ssyncadd.s32 $0xFFFFF800  }
.Ltmp1:
0x20c: {  	_ =	swait.ge [sflag:s16], $0x800;
	(pc) =	sbr.rel @p0 .LBB2_4-.Ltmp1, $4  }
0x20d: {  	[sflag:s16] =	ssyncset.done $0x0  }
0x20e: {  	s1 =	sadd.s32 $0x6D80, s24;
	[sflag:s16] =	ssyncadd.s32 $0xFFFFF800  }
0x20f: {  	[tilespmem:s29], [sflag:$0x14] =	stream.indirect.gather.add.f32 [hbm:s3], $0x20, s1, s12, $0xb8;
	[tilespmem:$0x1DD00] =	vst v63  }
0x210: {  	s1 =	sadd.s32 $0x6DC0, s24;
	s24 =	simm.s32 $0x1B500  }
0x211: {  	[tilespmem:s24], [sflag:$0x14] =	stream.indirect.gather.add.f32 [hbm:s3], $0x20, s1, s12, $0xb8;
	[tilespmem:$0x1DD00] =	vst v63  }
0x212: {  	s31 =	simm.s32 $0x0  }
0x213: {  	v0 =	vld [tilespmem:s31+$0x7D00]  }
0x214: {  	v1 =	vld [tilespmem:s31+$0x8D00];
	_ =	sdelay $0x1  }
0x215: {  	v2 =	vld [tilespmem:s31+$0x9D00];
	_ =	sdelay $0x1  }
0x216: {  	v3 =	vld [tilespmem:s31+$0xAD00]  }
0x217: {  	v0 =	vadd.f32 v1, v0  }
0x218: {  	v1 =	vld [tilespmem:s31+$0xBD00]  }
0x219: {  	v0 =	vadd.f32 v2, v0  }
0x21a: {  	v2 =	vld [tilespmem:s31+$0xCD00]  }
0x21b: {  	v0 =	vadd.f32 v3, v0  }
0x21c: {  	v3 =	vld [tilespmem:s31+$0xDD00]  }
0x21d: {  	v0 =	vadd.f32 v1, v0  }
0x21e: {  	v1 =	vld [tilespmem:s31+$0xED00]  }
0x21f: {  	v0 =	vadd.f32 v2, v0  }
0x220: {  	v2 =	vld [tilespmem:s31+$0xFD00]  }
0x221: {  	v0 =	vadd.f32 v3, v0  }
0x222: {  	v3 =	vld [tilespmem:s31+$0x10D00]  }
0x223: {  	v0 =	vadd.f32 v1, v0;
	_ =	sdelay $0x1  }
0x224: {  	v0 =	vadd.f32 v2, v0;
	_ =	sdelay $0x1  }
0x225: {  	v0 =	vadd.f32 v3, v0;
	_ =	sdelay $0x1  }
0x226: {  	v0 =	vmul.f32 $4.999999890e-03, v0  }
0x227: {  	s20 =	simm.s32 $0x1BD10  }
0x228: {  	[tilespmem:s20+$0xFFFFFFF0] =	vst v0  }
0x229: {  	v0 =	vld [tilespmem:s31+$0x7D10]  }
0x22a: {  	v1 =	vld [tilespmem:s31+$0x8D10];
	_ =	sdelay $0x1  }
0x22b: {  	v2 =	vld [tilespmem:s31+$0x9D10];
	_ =	sdelay $0x1  }
0x22c: {  	v3 =	vld [tilespmem:s31+$0xAD10]  }
0x22d: {  	v0 =	vadd.f32 v1, v0  }
0x22e: {  	v1 =	vld [tilespmem:s31+$0xBD10]  }
0x22f: {  	v0 =	vadd.f32 v2, v0  }
0x230: {  	v2 =	vld [tilespmem:s31+$0xCD10]  }
0x231: {  	v0 =	vadd.f32 v3, v0  }
0x232: {  	v3 =	vld [tilespmem:s31+$0xDD10]  }
0x233: {  	v0 =	vadd.f32 v1, v0  }
0x234: {  	v1 =	vld [tilespmem:s31+$0xED10]  }
0x235: {  	v0 =	vadd.f32 v2, v0  }
0x236: {  	v2 =	vld [tilespmem:s31+$0xFD10]  }
0x237: {  	v0 =	vadd.f32 v3, v0  }
0x238: {  	v3 =	vld [tilespmem:s31+$0x10D10]  }
0x239: {  	v0 =	vadd.f32 v1, v0;
	_ =	sdelay $0x1  }
0x23a: {  	v0 =	vadd.f32 v2, v0;
	_ =	sdelay $0x1  }
0x23b: {  	s24 =	simm.s32 $0x80;
	s29 =	simm.s32 $0x1BD10;
	v0 =	vadd.f32 v3, v0  }
.LBB2_6:
0x23c: {  	p0 =	sne.s32 s24, $0x3F80  }
0x23d: {  	s20 =	sadd.s32 $0x40, s20;
	s1 =	smov.u32 s24;
	s24 =	sadd.s32 $0x80, s24  }
0x23e: {  	v0 =	vmul.f32 $4.999999890e-03, v0  }
0x23f: {  	s1 =	sshra.s32 s1, $0x2  }
0x240: {  	[tilespmem:s29+$0x0] =	vst v0;
	s29 =	smov.u32 s20  }
0x241: {  	v0 =	vld [tilespmem:s1+$0x7D00]  }
0x242: {  	v1 =	vld [tilespmem:s1+$0x8D00];
	_ =	sdelay $0x1  }
0x243: {  	v2 =	vld [tilespmem:s1+$0x9D00];
	_ =	sdelay $0x1  }
0x244: {  	v3 =	vld [tilespmem:s1+$0xAD00]  }
0x245: {  	v0 =	vadd.f32 v1, v0  }
0x246: {  	v1 =	vld [tilespmem:s1+$0xBD00]  }
0x247: {  	v0 =	vadd.f32 v2, v0  }
0x248: {  	v2 =	vld [tilespmem:s1+$0xCD00]  }
0x249: {  	v0 =	vadd.f32 v3, v0  }
0x24a: {  	v3 =	vld [tilespmem:s1+$0xDD00]  }
0x24b: {  	v0 =	vadd.f32 v1, v0  }
0x24c: {  	v1 =	vld [tilespmem:s1+$0xED00]  }
0x24d: {  	v0 =	vadd.f32 v2, v0  }
0x24e: {  	v2 =	vld [tilespmem:s1+$0xFD00]  }
0x24f: {  	v0 =	vadd.f32 v3, v0  }
0x250: {  	v3 =	vld [tilespmem:s1+$0x10D00]  }
0x251: {  	v0 =	vadd.f32 v1, v0;
	_ =	sdelay $0x1  }
0x252: {  	v0 =	vadd.f32 v2, v0;
	_ =	sdelay $0x1  }
0x253: {  	v0 =	vadd.f32 v3, v0;
	_ =	sdelay $0x1  }
0x254: {  	v0 =	vmul.f32 $4.999999890e-03, v0;
	_ =	sdelay $0x1  }
0x255: {  	[tilespmem:s20+$0xFFFFFFF0] =	vst v0  }
0x256: {  	v0 =	vld [tilespmem:s1+$0x7D10]  }
0x257: {  	v1 =	vld [tilespmem:s1+$0x8D10];
	_ =	sdelay $0x1  }
0x258: {  	v2 =	vld [tilespmem:s1+$0x9D10]  }
0x259: {  	v3 =	vld [tilespmem:s1+$0xAD10];
	_ =	sdelay $0x1  }
0x25a: {  	v0 =	vadd.f32 v1, v0;
	v1 =	vld [tilespmem:s1+$0xBD10];
	_ =	sdelay $0x1  }
0x25b: {  	v0 =	vadd.f32 v2, v0;
	v2 =	vld [tilespmem:s1+$0xCD10];
	_ =	sdelay $0x1  }
0x25c: {  	v0 =	vadd.f32 v3, v0;
	v3 =	vld [tilespmem:s1+$0xDD10];
	_ =	sdelay $0x1  }
0x25d: {  	v0 =	vadd.f32 v1, v0;
	v1 =	vld [tilespmem:s1+$0xED10];
	_ =	sdelay $0x1  }
0x25e: {  	v0 =	vadd.f32 v2, v0;
	v2 =	vld [tilespmem:s1+$0xFD10];
	_ =	sdelay $0x1  }
0x25f: {  	v0 =	vadd.f32 v3, v0;
	v3 =	vld [tilespmem:s1+$0x10D10];
	_ =	sdelay $0x1  }
.Ltmp2:
0x260: {  	v0 =	vadd.f32 v1, v0;
	(pc) =	sbr.rel @p0 .LBB2_6-.Ltmp2, $3  }
0x261: {  	_ = 	snop  }
0x262: {  	v0 =	vadd.f32 v2, v0;
	_ =	sdelay $0x1  }
0x263: {  	v0 =	vadd.f32 v3, v0  }
0x264: {  	_ = 	snop  }
0x265: {  	v0 =	vmul.f32 $4.999999890e-03, v0;
	_ =	sdelay $0x1  }
0x266: {  	[tilespmem:s29+$0x0] =	vst v0  }
0x267: {  	_ =	swait.ge [sflag:s15], $0x800  }
0x268: {  	[sflag:s15] =	ssyncset.done $0x0  }
0x269: {  	[sflag:s15] =	ssyncadd.s32 $0xFFFFF800  }
0x26a: {  	_ =	swait.ge [sflag:s15], $0x800  }
0x26b: {  	[sflag:s15] =	ssyncset.done $0x0  }
0x26c: {  	[sflag:s15] =	ssyncadd.s32 $0xFFFFF800  }
0x26d: {  	_ =	swait.ge [sflag:s17], $0x800  }
0x26e: {  	[sflag:s17] =	ssyncset.done $0x0  }
0x26f: {  	[sflag:s17] =	ssyncadd.s32 $0xFFFFF800  }
0x270: {  	_ =	swait.ge [sflag:s17], $0x800  }
0x271: {  	[sflag:s17] =	ssyncset.done $0x0  }
0x272: {  	[sflag:s17] =	ssyncadd.s32 $0xFFFFF800  }
0x273: {  	_ =	swait.ge [sflag:s19], $0x800  }
0x274: {  	[sflag:s19] =	ssyncset.done $0x0  }
0x275: {  	[sflag:s19] =	ssyncadd.s32 $0xFFFFF800  }
0x276: {  	_ =	swait.ge [sflag:s19], $0x800  }
0x277: {  	[sflag:s19] =	ssyncset.done $0x0  }
0x278: {  	[sflag:s19] =	ssyncadd.s32 $0xFFFFF800  }
0x279: {  	_ =	swait.ge [sflag:s21], $0x800  }
0x27a: {  	[sflag:s21] =	ssyncset.done $0x0  }
0x27b: {  	[sflag:s21] =	ssyncadd.s32 $0xFFFFF800  }
0x27c: {  	_ =	swait.ge [sflag:s21], $0x800  }
0x27d: {  	[sflag:s21] =	ssyncset.done $0x0  }
0x27e: {  	[sflag:s21] =	ssyncadd.s32 $0xFFFFF800  }
0x27f: {  	_ =	swait.ge [sflag:s23], $0x800  }
0x280: {  	[sflag:s23] =	ssyncset.done $0x0  }
0x281: {  	[sflag:s23] =	ssyncadd.s32 $0xFFFFF800  }
0x282: {  	_ =	swait.ge [sflag:s23], $0x800  }
0x283: {  	[sflag:s23] =	ssyncset.done $0x0  }
0x284: {  	[sflag:s23] =	ssyncadd.s32 $0xFFFFF800  }
0x285: {  	_ =	swait.ge [sflag:s25], $0x800  }
0x286: {  	[sflag:s25] =	ssyncset.done $0x0  }
0x287: {  	[sflag:s25] =	ssyncadd.s32 $0xFFFFF800  }
0x288: {  	_ =	swait.ge [sflag:s25], $0x800  }
0x289: {  	[sflag:s25] =	ssyncset.done $0x0  }
0x28a: {  	[sflag:s25] =	ssyncadd.s32 $0xFFFFF800  }
0x28b: {  	_ =	swait.ge [sflag:s28], $0x800  }
0x28c: {  	[sflag:s28] =	ssyncset.done $0x0  }
0x28d: {  	[sflag:s28] =	ssyncadd.s32 $0xFFFFF800  }
0x28e: {  	_ =	swait.ge [sflag:s28], $0x800  }
0x28f: {  	[sflag:s28] =	ssyncset.done $0x0  }
0x290: {  	[sflag:s28] =	ssyncadd.s32 $0xFFFFF800  }
0x291: {  	_ =	swait.ge [sflag:s30], $0x800  }
0x292: {  	[sflag:s30] =	ssyncset.done $0x0  }
0x293: {  	[sflag:s30] =	ssyncadd.s32 $0xFFFFF800  }
0x294: {  	_ =	swait.ge [sflag:s30], $0x800  }
0x295: {  	[sflag:s30] =	ssyncset.done $0x0  }
0x296: {  	[sflag:s30] =	ssyncadd.s32 $0xFFFFF800  }
0x297: {  	_ =	swait.ge [sflag:s0], $0x800  }
0x298: {  	[sflag:s0] =	ssyncset.done $0x0  }
0x299: {  	[sflag:s0] =	ssyncadd.s32 $0xFFFFF800  }
0x29a: {  	_ =	swait.ge [sflag:s0], $0x800  }
0x29b: {  	[sflag:s0] =	ssyncset.done $0x0  }
0x29c: {  	[sflag:s0] =	ssyncadd.s32 $0xFFFFF800  }
0x29d: {  	_ =	swait.ge [sflag:s16], $0x800  }
0x29e: {  	[sflag:s16] =	ssyncset.done $0x0  }
0x29f: {  	[sflag:s16] =	ssyncadd.s32 $0xFFFFF800  }
0x2a0: {  	_ =	swait.ge [sflag:s16], $0x800  }
0x2a1: {  	[sflag:s16] =	ssyncset.done $0x0  }
0x2a2: {  	s1 =	simm.s32 $0x0;
	[sflag:s16] =	ssyncadd.s32 $0xFFFFF800  }
0x2a3: {  	v0 =	vld [tilespmem:s1+$0x11D00]  }
0x2a4: {  	v1 =	vld [tilespmem:s1+$0x12D00];
	_ =	sdelay $0x1  }
0x2a5: {  	v2 =	vld [tilespmem:s1+$0x13D00];
	_ =	sdelay $0x1  }
0x2a6: {  	v3 =	vld [tilespmem:s1+$0x14D00]  }
0x2a7: {  	v0 =	vadd.f32 v1, v0  }
0x2a8: {  	v1 =	vld [tilespmem:s1+$0x15D00]  }
0x2a9: {  	v0 =	vadd.f32 v2, v0  }
0x2aa: {  	v2 =	vld [tilespmem:s1+$0x16D00]  }
0x2ab: {  	v0 =	vadd.f32 v3, v0  }
0x2ac: {  	v3 =	vld [tilespmem:s1+$0x17D00]  }
0x2ad: {  	v0 =	vadd.f32 v1, v0  }
0x2ae: {  	v1 =	vld [tilespmem:s1+$0x18D00]  }
0x2af: {  	v0 =	vadd.f32 v2, v0  }
0x2b0: {  	v2 =	vld [tilespmem:s1+$0x19D00]  }
0x2b1: {  	v0 =	vadd.f32 v3, v0  }
0x2b2: {  	v3 =	vld [tilespmem:s1+$0x1AD00]  }
0x2b3: {  	v0 =	vadd.f32 v1, v0;
	_ =	sdelay $0x1  }
0x2b4: {  	v0 =	vadd.f32 v2, v0;
	_ =	sdelay $0x1  }
0x2b5: {  	v0 =	vadd.f32 v3, v0;
	_ =	sdelay $0x1  }
0x2b6: {  	v0 =	vmul.f32 $1.999999960e-02, v0  }
0x2b7: {  	s20 =	simm.s32 $0x1BD30  }
0x2b8: {  	[tilespmem:s20+$0xFFFFFFF0] =	vst v0  }
0x2b9: {  	v0 =	vld [tilespmem:s1+$0x11D10]  }
0x2ba: {  	v1 =	vld [tilespmem:s1+$0x12D10];
	_ =	sdelay $0x1  }
0x2bb: {  	v2 =	vld [tilespmem:s1+$0x13D10];
	_ =	sdelay $0x1  }
0x2bc: {  	v3 =	vld [tilespmem:s1+$0x14D10]  }
0x2bd: {  	v0 =	vadd.f32 v1, v0  }
0x2be: {  	v1 =	vld [tilespmem:s1+$0x15D10]  }
0x2bf: {  	v0 =	vadd.f32 v2, v0  }
0x2c0: {  	v2 =	vld [tilespmem:s1+$0x16D10]  }
0x2c1: {  	v0 =	vadd.f32 v3, v0  }
0x2c2: {  	v3 =	vld [tilespmem:s1+$0x17D10]  }
0x2c3: {  	v0 =	vadd.f32 v1, v0  }
0x2c4: {  	v1 =	vld [tilespmem:s1+$0x18D10]  }
0x2c5: {  	v0 =	vadd.f32 v2, v0  }
0x2c6: {  	v2 =	vld [tilespmem:s1+$0x19D10]  }
0x2c7: {  	v0 =	vadd.f32 v3, v0  }
0x2c8: {  	v3 =	vld [tilespmem:s1+$0x1AD10]  }
0x2c9: {  	v0 =	vadd.f32 v1, v0;
	_ =	sdelay $0x1  }
0x2ca: {  	v0 =	vadd.f32 v2, v0;
	_ =	sdelay $0x1  }
0x2cb: {  	s24 =	simm.s32 $0x80;
	s29 =	simm.s32 $0x1BD30;
	v0 =	vadd.f32 v3, v0  }
.LBB2_8:
0x2cc: {  	p0 =	sne.s32 s24, $0x3F80  }
0x2cd: {  	s20 =	sadd.s32 $0x40, s20;
	s1 =	smov.u32 s24;
	s24 =	sadd.s32 $0x80, s24  }
0x2ce: {  	v0 =	vmul.f32 $1.999999960e-02, v0  }
0x2cf: {  	s1 =	sshra.s32 s1, $0x2  }
0x2d0: {  	[tilespmem:s29+$0x0] =	vst v0;
	s29 =	smov.u32 s20  }
0x2d1: {  	v0 =	vld [tilespmem:s1+$0x11D00]  }
0x2d2: {  	v1 =	vld [tilespmem:s1+$0x12D00];
	_ =	sdelay $0x1  }
0x2d3: {  	v2 =	vld [tilespmem:s1+$0x13D00];
	_ =	sdelay $0x1  }
0x2d4: {  	v3 =	vld [tilespmem:s1+$0x14D00]  }
0x2d5: {  	v0 =	vadd.f32 v1, v0  }
0x2d6: {  	v1 =	vld [tilespmem:s1+$0x15D00]  }
0x2d7: {  	v0 =	vadd.f32 v2, v0  }
0x2d8: {  	v2 =	vld [tilespmem:s1+$0x16D00]  }
0x2d9: {  	v0 =	vadd.f32 v3, v0  }
0x2da: {  	v3 =	vld [tilespmem:s1+$0x17D00]  }
0x2db: {  	v0 =	vadd.f32 v1, v0  }
0x2dc: {  	v1 =	vld [tilespmem:s1+$0x18D00]  }
0x2dd: {  	v0 =	vadd.f32 v2, v0  }
0x2de: {  	v2 =	vld [tilespmem:s1+$0x19D00]  }
0x2df: {  	v0 =	vadd.f32 v3, v0  }
0x2e0: {  	v3 =	vld [tilespmem:s1+$0x1AD00]  }
0x2e1: {  	v0 =	vadd.f32 v1, v0;
	_ =	sdelay $0x1  }
0x2e2: {  	v0 =	vadd.f32 v2, v0;
	_ =	sdelay $0x1  }
0x2e3: {  	v0 =	vadd.f32 v3, v0;
	_ =	sdelay $0x1  }
0x2e4: {  	v0 =	vmul.f32 $1.999999960e-02, v0;
	_ =	sdelay $0x1  }
0x2e5: {  	[tilespmem:s20+$0xFFFFFFF0] =	vst v0  }
0x2e6: {  	v0 =	vld [tilespmem:s1+$0x11D10]  }
0x2e7: {  	v1 =	vld [tilespmem:s1+$0x12D10];
	_ =	sdelay $0x1  }
0x2e8: {  	v2 =	vld [tilespmem:s1+$0x13D10]  }
0x2e9: {  	v3 =	vld [tilespmem:s1+$0x14D10];
	_ =	sdelay $0x1  }
0x2ea: {  	v0 =	vadd.f32 v1, v0;
	v1 =	vld [tilespmem:s1+$0x15D10];
	_ =	sdelay $0x1  }
0x2eb: {  	v0 =	vadd.f32 v2, v0;
	v2 =	vld [tilespmem:s1+$0x16D10];
	_ =	sdelay $0x1  }
0x2ec: {  	v0 =	vadd.f32 v3, v0;
	v3 =	vld [tilespmem:s1+$0x17D10];
	_ =	sdelay $0x1  }
0x2ed: {  	v0 =	vadd.f32 v1, v0;
	v1 =	vld [tilespmem:s1+$0x18D10];
	_ =	sdelay $0x1  }
0x2ee: {  	v0 =	vadd.f32 v2, v0;
	v2 =	vld [tilespmem:s1+$0x19D10];
	_ =	sdelay $0x1  }
0x2ef: {  	v0 =	vadd.f32 v3, v0;
	v3 =	vld [tilespmem:s1+$0x1AD10];
	_ =	sdelay $0x1  }
.Ltmp3:
0x2f0: {  	v0 =	vadd.f32 v1, v0;
	(pc) =	sbr.rel @p0 .LBB2_8-.Ltmp3, $3  }
0x2f1: {  	_ = 	snop  }
0x2f2: {  	v0 =	vadd.f32 v2, v0;
	_ =	sdelay $0x1  }
0x2f3: {  	v0 =	vadd.f32 v3, v0  }
0x2f4: {  	_ = 	snop  }
0x2f5: {  	v0 =	vmul.f32 $1.999999960e-02, v0  }
0x2f6: {  	s18 =	simm.s32 $0x0  }
0x2f7: {  	s1 =	rddreg [dreg:$0x5];
	s14 =	simm.s32 $0x1BD00;
	s20 =	simm.s32 $0x15;
	[tilespmem:s29+$0x0] =	vst v0  }
0x2f8: {  	[hbm4b:s1+s18] =	stream.linear.scatter [tilespmem:s14], [sflag:$0x15], $0x2000, $0x38;
	[tilespmem:$0x1DD00] =	vst v63  }
0x2f9: {  	_ =	swait.ge [sflag:s20], $0x2000  }
0x2fa: {  	s29 =	rddreg [dreg:$0x7]  }
0x2fb: {  	s31 =	rddreg [dreg:$0x6];
	s14 =	sadd.s32 $0x1, s29  }
0x2fc: {  	p0 =	sne.s32 s14, s31  }
.Ltmp4:
0x2fd: {  	_ = 	snop;
	(pc) =	sbr.rel @p0 .LBB2_1-.Ltmp4, $3  }
0x2fe: {  	_ =	sdelay $0x1  }
0x2ff: {  	[sflag:s20] =	ssyncset.done $0x0  }
0x300: {  	[sflag:s20] =	ssyncadd.s32 $0xFFFFE000  }
0x301: {  	_ =	sfence.sel $0x180000  }
0x302: {  	[bflag:$0x0] =	sbarrier.arrive $0xFFFF  }
0x303: {  	_ =	strace $0x90000047  }
0x304: {  	s0 =	stileid.u32;
	[bflag:$0x2] =	sbarrier.arrive $0xFFFF  }
0x305: {  	p0 =	sne.s32 s0, $0x0;
	s0 =	rddreg [dreg:$0x2]  }
0x306: {  	s0 =	sadd.s32 @!p0 $0x100000, s0  }
0x307: {  	[sflag:s0] =	ssyncadd.tile.s32 @!p0 $0x1;
	_ =	shalt  }
.Lfunc_end2:
_tile_overlayer_lowered:
.L_overlay_start_2:
0x308: {  	(tag) =	ssettag $0x2  }
0x309: {  	s0 =	rddreg [dreg:$0x0];
	s2 =	stileid.u32  }
0x30a: {  	s1 =	rddreg [dreg:$0x1];
	p0 =	sne.s32 s2, $0x0  }
0x30b: {  	s3 =	rddreg [dreg:$0x2];
	[bflag:$0x3] =	sbarrier.arrive $0xFFFF;
	s2 =	simm.s32 @!p0 $0x1C15  }
0x30c: {  	[timem:s3], [sflag:s2] =	dma.local @!p0 [hbm:s0], s1  }
0x30d: {  	s0 =	simm.s32 @!p0 $0x15  }
0x30e: {  	_ =	swait.ge @!p0 [sflag:s0], s1  }
0x30f: {  	s1 =	ssub.s32 @!p0 $0x0, s1;
	[sflag:s0] =	ssyncset.done @!p0 $0x0  }
0x310: {  	[sflag:s0] =	ssyncadd.s32 @!p0 s1  }
0x311: {  	[bflag:$0x3] =	sbarrier.arrive $0xFFFF  }
0x312: {  	_ =	shalt  }

</sc_bundles>
